<compile_context>
chip_gen: v7x
topology: tpu7x:2x2x1
jax: 0.10.2.dev20260603
libtpu: 0.0.44.dev20260713+nightly
codegen_flags: <defaults>
</compile_context>

<pallas_src>
import functools

import jax
import jax.numpy as jnp
from jax import lax
from jax.experimental import pallas as pl
from jax.experimental.pallas import tpu as pltpu
from jax.experimental.pallas import tpu_sc as plsc

N = 10000
E = 160000
D = 256
H = 128
NG = 256
NL = 3
FEAT = 78

BR = 512
NP = 10240
EP = 163840
EB = 128
NB = EP // (16 * EB)
NBD = EP // (32 * EB)
ROWS_T = NP // 16
NBUF = 2

_MESH = plsc.VectorSubcoreMesh(core_axis_name="c", subcore_axis_name="s")


def _segsum_body(v0, v1, src2, dst2, zer, o0, o1, srcs, dsts, r0, r1,
                 acc, s0, s1):
    rows = (r0, r1)
    sem = (s0, s1)
    c = lax.axis_index("c")
    s = lax.axis_index("s")
    base = s * ROWS_T
    pltpu.sync_copy(zer, acc.at[pl.ds(base, ROWS_T)])
    plsc.subcore_barrier()

    def run(vh, oh):
        for hlf in range(2):
            pltpu.sync_copy(
                src2.at[pl.ds(s * NB + hlf * (NB // 2), NB // 2)], srcs)
            pltpu.sync_copy(
                dst2.at[pl.ds(s * NB + hlf * (NB // 2), NB // 2)], dsts)

            def body(j, carry):
                pltpu.async_copy(vh.at[srcs.at[j]], rows[0], sem[0]).wait()
                pltpu.sync_copy(rows[0], acc.at[dsts.at[j]], add=True)
                return carry

            lax.fori_loop(0, NB // 2, body, 0)
        plsc.subcore_barrier()
        pltpu.sync_copy(acc.at[pl.ds(base, ROWS_T)], oh.at[pl.ds(base, ROWS_T)])

    @pl.when(c == 0)
    def _():
        run(v0, o0)

    @pl.when(c == 1)
    def _():
        run(v1, o1)


_segsum_call = pl.kernel(
    _segsum_body,
    out_type=(jax.ShapeDtypeStruct((NP, H), jnp.float32),) * 2,
    mesh=_MESH,
    scratch_types=[
        pltpu.VMEM((NB // 2, EB), jnp.int32),
        pltpu.VMEM((NB // 2, EB), jnp.int32),
        pltpu.VMEM((EB, H), jnp.float32),
        pltpu.VMEM((EB, H), jnp.float32),
        pltpu.VMEM_SHARED((NP, H), jnp.float32),
        pltpu.SemaphoreType.DMA,
        pltpu.SemaphoreType.DMA,
    ],
)


def _deg_body(dst2, ones_hbm, zer, dga, dgb, dsts, rows, acc):
    c = lax.axis_index("c")
    s = lax.axis_index("s")
    base = s * ROWS_T
    pltpu.sync_copy(zer, acc.at[pl.ds(base, ROWS_T)])
    pltpu.sync_copy(ones_hbm, rows)
    plsc.subcore_barrier()

    def run(oh, off):
        pltpu.sync_copy(dst2.at[pl.ds(s * NB + off, NB // 2)], dsts)

        def body(j, carry):
            pltpu.sync_copy(rows, acc.at[dsts.at[j]], add=True)
            return carry

        lax.fori_loop(0, NB // 2, body, 0)
        plsc.subcore_barrier()
        pltpu.sync_copy(acc.at[pl.ds(base, ROWS_T)], oh.at[pl.ds(base, ROWS_T)])

    @pl.when(c == 0)
    def _():
        run(dga, 0)

    @pl.when(c == 1)
    def _():
        run(dgb, NB // 2)


_deg_call = pl.kernel(
    _deg_body,
    out_type=(jax.ShapeDtypeStruct((NP, H), jnp.float32),) * 2,
    mesh=_MESH,
    scratch_types=[
        pltpu.VMEM((NB // 2, EB), jnp.int32),
        pltpu.VMEM((EB, H), jnp.float32),
        pltpu.VMEM_SHARED((NP, H), jnp.float32),
    ],
)


def _mm(a, b):
    return jnp.dot(a, b)


def _row_spec(width):
    return pl.BlockSpec((BR, width), lambda i: (i, 0))


def _full_spec(r, cdim):
    return pl.BlockSpec((r, cdim), lambda i: (0, 0))


def _dinv(dga_ref, dgb_ref):
    return lax.rsqrt(dga_ref[...][:, :1] + dgb_ref[...][:, :1] + 1.0)


def _embed_body(x_ref, emb_ref, w_ref, b_ref, o0_ref, o1_ref):
    x = x_ref[...]
    x44 = x[:, :44]
    mx = jnp.max(x44, axis=1, keepdims=True)
    iota = lax.broadcasted_iota(jnp.int32, x44.shape, 1)
    idx = jnp.min(jnp.where(x44 >= mx, iota, 44), axis=1, keepdims=True)
    onehot = (iota == idx).astype(jnp.float32)
    emb_sel = jnp.dot(onehot, emb_ref[...], precision=lax.Precision.HIGHEST)
    hcat = jnp.concatenate([emb_sel, x[:, 44:FEAT]], axis=1)
    h = jnp.maximum(_mm(hcat, w_ref[...]) + b_ref[...], 0.0)
    o0_ref[...] = h[:, :H]
    o1_ref[...] = h[:, H:]


def _embed(x_pad, emb, lin_W, lin_b):
    return pl.pallas_call(
        _embed_body,
        grid=(NP // BR,),
        in_specs=[_row_spec(128), _full_spec(44, 128), _full_spec(162, D),
                  _full_spec(1, D)],
        out_specs=(_row_spec(H), _row_spec(H)),
        out_shape=(jax.ShapeDtypeStruct((NP, H), jnp.float32),) * 2,
    )(x_pad, emb, lin_W, lin_b.reshape(1, D))


def _mm_scale_body(h0_ref, h1_ref, w_ref, dga_ref, dgb_ref, o0_ref, o1_ref):
    h = jnp.concatenate([h0_ref[...], h1_ref[...]], axis=1)
    y = _mm(h, w_ref[...]) * _dinv(dga_ref, dgb_ref)
    o0_ref[...] = y[:, :H]
    o1_ref[...] = y[:, H:]


def _mm_scale(h0, h1, W, dga, dgb):
    return pl.pallas_call(
        _mm_scale_body,
        grid=(NP // BR,),
        in_specs=[_row_spec(H), _row_spec(H), _full_spec(D, D),
                  _row_spec(H), _row_spec(H)],
        out_specs=(_row_spec(H), _row_spec(H)),
        out_shape=(jax.ShapeDtypeStruct((NP, H), jnp.float32),) * 2,
    )(h0, h1, W, dga, dgb)


def _gcn_post_body(a0_ref, a1_ref, y0_ref, y1_ref, dga_ref, dgb_ref, b_ref,
                   o0_ref, o1_ref):
    agg = jnp.concatenate([a0_ref[...], a1_ref[...]], axis=1)
    y = jnp.concatenate([y0_ref[...], y1_ref[...]], axis=1)
    h = jnp.maximum((agg + y) * _dinv(dga_ref, dgb_ref) + b_ref[...], 0.0)
    o0_ref[...] = h[:, :H]
    o1_ref[...] = h[:, H:]


def _gcn_post(a0, a1, y0, y1, dga, dgb, b):
    return pl.pallas_call(
        _gcn_post_body,
        grid=(NP // BR,),
        in_specs=[_row_spec(H)] * 6 + [_full_spec(1, D)],
        out_specs=(_row_spec(H), _row_spec(H)),
        out_shape=(jax.ShapeDtypeStruct((NP, H), jnp.float32),) * 2,
    )(a0, a1, y0, y1, dga, dgb, b.reshape(1, D))


def _layer_body(h0_ref, h1_ref, a0_ref, a1_ref, w1_ref, b1_ref, w2_ref, b2_ref,
                bng_ref, bnb_ref, wih_ref, bih_ref, whh_ref, bhh_ref,
                lng_ref, lnb_ref, m0_ref, m1_ref, e0_ref, e1_ref,
                ho0_ref, ho1_ref, mo0_ref, mo1_ref, eo0_ref, eo1_ref):
    h = jnp.concatenate([h0_ref[...], h1_ref[...]], axis=1)
    agg = jnp.concatenate([a0_ref[...], a1_ref[...]], axis=1)
    z = h + agg
    z = jnp.maximum(_mm(z, w1_ref[...]) + b1_ref[...], 0.0)
    z = _mm(z, w2_ref[...]) + b2_ref[...]
    z = jnp.maximum(z, 0.0) * bng_ref[...] + bnb_ref[...]
    gi = _mm(z, wih_ref[...]) + bih_ref[...]
    gh = _mm(h, whh_ref[...]) + bhh_ref[...]
    r = jax.nn.sigmoid(gi[:, :D] + gh[:, :D])
    zg = jax.nn.sigmoid(gi[:, D:2 * D] + gh[:, D:2 * D])
    n = jnp.tanh(gi[:, 2 * D:] + r * gh[:, 2 * D:])
    hq = (1.0 - zg) * n + zg * h
    mu = jnp.mean(hq, axis=1, keepdims=True)
    var = jnp.mean((hq - mu) ** 2, axis=1, keepdims=True)
    hn = (hq - mu) / jnp.sqrt(var + 1e-5) * lng_ref[...] + lnb_ref[...]
    m = jnp.concatenate([m0_ref[...], m1_ref[...]], axis=1) * hn
    e = jnp.concatenate([e0_ref[...], e1_ref[...]], axis=1) + hn
    ho0_ref[...] = hn[:, :H]
    ho1_ref[...] = hn[:, H:]
    mo0_ref[...] = m[:, :H]
    mo1_ref[...] = m[:, H:]
    eo0_ref[...] = e[:, :H]
    eo1_ref[...] = e[:, H:]


def _layer(h0, h1, a0, a1, m0, m1, e0, e1, p, i):
    row = _row_spec(H)
    return pl.pallas_call(
        _layer_body,
        grid=(NP // BR,),
        in_specs=[row, row, row, row, _full_spec(D, D), _full_spec(1, D),
                  _full_spec(D, D), _full_spec(1, D),
                  _full_spec(1, D), _full_spec(1, D),
                  _full_spec(D, 3 * D), _full_spec(1, 3 * D),
                  _full_spec(D, 3 * D), _full_spec(1, 3 * D),
                  _full_spec(1, D), _full_spec(1, D), row, row, row, row],
        out_specs=(row,) * 6,
        out_shape=(jax.ShapeDtypeStruct((NP, H), jnp.float32),) * 6,
    )(h0, h1, a0, a1, p[f'gin{i}_W1'], p[f'gin{i}_b1'].reshape(1, D),
      p[f'gin{i}_W2'], p[f'gin{i}_b2'].reshape(1, D),
      p[f'bn{i}_g'].reshape(1, D), p[f'bn{i}_b'].reshape(1, D),
      p[f'gru{i}_Wih'], p[f'gru{i}_bih'].reshape(1, 3 * D),
      p[f'gru{i}_Whh'], p[f'gru{i}_bhh'].reshape(1, 3 * D),
      p['ln_g'].reshape(1, D), p['ln_b'].reshape(1, D), m0, m1, e0, e1)


def kernel(x, edge_index, batch, params):
    p = params
    src, dst = edge_index[0], edge_index[1]
    pad = EP - E
    src2 = jnp.concatenate([src, jnp.zeros((pad,), jnp.int32)]).reshape(-1, EB)
    dst2 = jnp.concatenate([dst, jnp.full((pad,), NP - 1, jnp.int32)]
                           ).reshape(-1, EB)
    zer = jnp.zeros((ROWS_T, H), jnp.float32)
    ones_eb = jnp.ones((EB, H), jnp.float32)

    segsum = lambda v0, v1: _segsum_call(v0, v1, src2, dst2, zer)

    x_pad = jnp.zeros((NP, 128), jnp.float32).at[:N, :FEAT].set(x)
    h0, h1 = _embed(x_pad, p['emb'], p['lin_W'], p['lin_b'])

    dga, dgb = _deg_call(dst2, ones_eb, zer)

    for wname, bname in (('gcn1_W', 'gcn1_b'), ('gcn2_W', 'gcn2_b')):
        y0, y1 = _mm_scale(h0, h1, p[wname], dga, dgb)
        a0, a1 = segsum(y0, y1)
        h0, h1 = _gcn_post(a0, a1, y0, y1, dga, dgb, p[bname])

    m0 = jnp.ones((NP, H), jnp.float32)
    m1 = jnp.ones((NP, H), jnp.float32)
    e0 = jnp.zeros((NP, H), jnp.float32)
    e1 = jnp.zeros((NP, H), jnp.float32)
    hs = []
    for i in range(NL):
        a0, a1 = segsum(h0, h1)
        h0, h1, m0, m1, e0, e1 = _layer(h0, h1, a0, a1, m0, m1, e0, e1, p, i)
        hs.append((h0, h1))

    parts = hs + [(m0, m1), (e0, e1)]
    node = jnp.concatenate([q for pr in parts for q in pr], axis=1)
    pooled = jax.ops.segment_max(node[:N], batch, num_segments=NG,
                                 indices_are_sorted=True)
    return jnp.where(jnp.isfinite(pooled), pooled, 0.0)

# --- scband reference (transcript-rebuilt; emitter-appended) ---
"""Pipeline reference for scband-mt-drpnet-45251775431201 (READ-ONLY COPY).

The authoritative reference and input builder live on the scoring server;
editing this copy changes nothing except your own understanding.
"""

import jax, jax.numpy as jnp
import numpy as np

N = 10000
E = 160000
D = 256
AEMB = 128
NG = 256
NL = 3
FEAT = 78


def _gcn(x, W, b, src, dst):
    xw = x @ W
    si = jnp.concatenate([src, jnp.arange(N, dtype=src.dtype)])
    di = jnp.concatenate([dst, jnp.arange(N, dtype=dst.dtype)])
    deg = jax.ops.segment_sum(jnp.ones((si.shape[0],), jnp.float32), di, num_segments=N)
    dinv = jax.lax.rsqrt(jnp.maximum(deg, 1.0))
    norm = dinv[si] * dinv[di]
    out = jax.ops.segment_sum(xw[si] * norm[:, None], di, num_segments=N)
    return out + b


def _gru(x, h, Wih, bih, Whh, bhh):
    gi = x @ Wih + bih
    gh = h @ Whh + bhh
    ir, iz, inn = jnp.split(gi, 3, axis=1)
    hr, hz, hn = jnp.split(gh, 3, axis=1)
    r = jax.nn.sigmoid(ir + hr)
    z = jax.nn.sigmoid(iz + hz)
    n = jnp.tanh(inn + r * hn)
    return (1.0 - z) * n + z * h


def _ln(x, g, b):
    mu = jnp.mean(x, axis=-1, keepdims=True)
    var = jnp.var(x, axis=-1, keepdims=True)
    return (x - mu) / jnp.sqrt(var + 1e-5) * g + b


def _forward(x, edge_index, batch, p):
    src, dst = edge_index[0], edge_index[1]
    # SharedMolecularFeatureExtractor (dropout = eval/identity, BN folded to affine)
    atom_idx = jnp.argmax(x[:, :44], axis=1)
    emb = jnp.take(p['emb'], atom_idx, axis=0)
    h = jnp.concatenate([emb, x[:, 44:]], axis=1)
    h = jax.nn.relu(h @ p['lin_W'] + p['lin_b'])
    h = jax.nn.relu(_gcn(h, p['gcn1_W'], p['gcn1_b'], src, dst))
    h = jax.nn.relu(_gcn(h, p['gcn2_W'], p['gcn2_b'], src, dst))
    # HierarchicalGraphNet: GIN + GRUCell + LayerNorm, JK='cat'
    hs = []
    m = 1.0
    e = 0.0
    for i in range(NL):
        agg = jax.ops.segment_sum(h[src], dst, num_segments=N)
        z = h + agg  # GIN with eps=0
        z = jax.nn.relu(z @ p[f'gin{i}_W1'] + p[f'gin{i}_b1'])
        z = z @ p[f'gin{i}_W2'] + p[f'gin{i}_b2']
        z = jax.nn.relu(z)
        z = z * p[f'bn{i}_g'] + p[f'bn{i}_b']  # BatchNorm eval (running mean 0 / var 1)
        h = _gru(z, h, p[f'gru{i}_Wih'], p[f'gru{i}_bih'], p[f'gru{i}_Whh'], p[f'gru{i}_bhh'])
        h = _ln(h, p['ln_g'], p['ln_b'])
        m = m * h
        e = e + h
        hs.append(h)
    node = jnp.concatenate(hs + [m, e], axis=1)  # [N, 5*D]
    pooled = jax.ops.segment_max(node, batch, num_segments=NG)
    pooled = jnp.where(jnp.isfinite(pooled), pooled, 0.0)
    return pooled


def setup_inputs(seed: int = 0) -> dict:
    key = jax.random.key(seed)
    ks = jax.random.split(key, 64)
    x = jax.random.uniform(ks[0], (N, FEAT), dtype=jnp.float32)
    edge_index = jax.random.randint(ks[1], (2, E), 0, N, dtype=jnp.int32)
    batch = jnp.sort(jax.random.randint(ks[2], (N,), 0, NG, dtype=jnp.int32))
    s = 0.05
    p = {}
    p['emb'] = jax.random.normal(ks[3], (44, AEMB), jnp.float32) * s
    p['lin_W'] = jax.random.normal(ks[4], (AEMB + 34, D), jnp.float32) * s
    p['lin_b'] = jnp.zeros((D,), jnp.float32)
    p['gcn1_W'] = jax.random.normal(ks[5], (D, D), jnp.float32) * s
    p['gcn1_b'] = jnp.zeros((D,), jnp.float32)
    p['gcn2_W'] = jax.random.normal(ks[6], (D, D), jnp.float32) * s
    p['gcn2_b'] = jnp.zeros((D,), jnp.float32)
    k = 7
    for i in range(NL):
        p[f'gin{i}_W1'] = jax.random.normal(ks[k], (D, D), jnp.float32) * s; k += 1
        p[f'gin{i}_b1'] = jnp.zeros((D,), jnp.float32)
        p[f'gin{i}_W2'] = jax.random.normal(ks[k], (D, D), jnp.float32) * s; k += 1
        p[f'gin{i}_b2'] = jnp.zeros((D,), jnp.float32)
        p[f'bn{i}_g'] = jnp.ones((D,), jnp.float32)
        p[f'bn{i}_b'] = jnp.zeros((D,), jnp.float32)
        p[f'gru{i}_Wih'] = jax.random.normal(ks[k], (D, 3 * D), jnp.float32) * s; k += 1
        p[f'gru{i}_bih'] = jnp.zeros((3 * D,), jnp.float32)
        p[f'gru{i}_Whh'] = jax.random.normal(ks[k], (D, 3 * D), jnp.float32) * s; k += 1
        p[f'gru{i}_bhh'] = jnp.zeros((3 * D,), jnp.float32)
    p['ln_g'] = jnp.ones((D,), jnp.float32)
    p['ln_b'] = jnp.zeros((D,), jnp.float32)
    return {'x': x, 'edge_index': edge_index, 'batch': batch, 'params': p}


def reference(x, edge_index, batch, params):
    return _forward(x, edge_index, batch, params)

if __name__ == "__main__":
    import jax
    _d = setup_inputs()
    print(jax.jit(kernel)(*tuple(_d.values())))

</pallas_src>

<mosaic_0001>
#map = affine_map<(d0, d1) -> (0, 0)>
module attributes {stable_mosaic.version = 14 : i64} {
  func.func @_segsum_body(%arg0: i32, %arg1: i32, %arg2: memref<10240x128xf32, #tpu.memory_space<hbm>>, %arg3: memref<10240x128xf32, #tpu.memory_space<hbm>>, %arg4: memref<1280x128xi32, #tpu.memory_space<hbm>>, %arg5: memref<1280x128xi32, #tpu.memory_space<hbm>>, %arg6: memref<640x128xf32, #tpu.memory_space<hbm>>, %arg7: memref<10240x128xf32, #tpu.memory_space<hbm>>, %arg8: memref<10240x128xf32, #tpu.memory_space<hbm>>, %arg9: memref<40x128xi32, #tpu.memory_space<vmem>>, %arg10: memref<40x128xi32, #tpu.memory_space<vmem>>, %arg11: memref<128x128xf32, #tpu.memory_space<vmem>>, %arg12: memref<128x128xf32, #tpu.memory_space<vmem>>, %arg13: memref<10240x128xf32, #tpu.memory_space<vmem_shared>>, %arg14: memref<!tpu.dma_semaphore, #tpu.memory_space<semaphore_mem>>, %arg15: memref<!tpu.dma_semaphore, #tpu.memory_space<semaphore_mem>>) attributes {dimension_semantics = [#tpu.dimension_semantics<core_parallel>, #tpu.dimension_semantics<subcore_parallel>], iteration_bounds = array<i64: 2, 16>, scalar_prefetch = 0 : i64, scratch_operands = 7 : i64, tpu.core_type = #tpu.core_type<sc_vector_subcore>, window_params = [{transform_indices = #map}, {transform_indices = #map}, {transform_indices = #map}, {transform_indices = #map}, {transform_indices = #map}, {transform_indices = #map}, {transform_indices = #map}]} {
    %mul3A = arith.constant 640 : i32
    %mul3A_0 = arith.muli %arg1, %mul3A : i32
    "tpu.region"() ({
      %run_scoped3A = tpu.sem_alloc : memref<!tpu.dma_semaphore, #tpu.memory_space<semaphore_mem>>
      %dma_start3A = arith.constant 0 : i32
      %dma_start3A_8 = tpu.memref_slice %arg13[%mul3A_0, %dma_start3A] : memref<10240x128xf32, #tpu.memory_space<vmem_shared>> -> memref<640x128xf32, #tpu.memory_space<vmem_shared>>
      tpu.enqueue_dma source(%arg6 : memref<640x128xf32, #tpu.memory_space<hbm>>) target(%dma_start3A_8 : memref<640x128xf32, #tpu.memory_space<vmem_shared>>) target_semaphore(%run_scoped3A : memref<!tpu.dma_semaphore, #tpu.memory_space<semaphore_mem>>)
      %dma_wait3A = arith.constant 0 : i32
      %dma_wait3A_9 = tpu.memref_slice %arg13[%mul3A_0, %dma_wait3A] : memref<10240x128xf32, #tpu.memory_space<vmem_shared>> -> memref<640x128xf32, #tpu.memory_space<vmem_shared>>
      tpu.wait_dma2 semaphore(%run_scoped3A : memref<!tpu.dma_semaphore, #tpu.memory_space<semaphore_mem>>) src(%arg6 : memref<640x128xf32, #tpu.memory_space<hbm>>) dst(%dma_wait3A_9 : memref<640x128xf32, #tpu.memory_space<vmem_shared>>)
      tpu.yield
    }) : () -> ()
    %barrier3A = arith.constant 0 : index
    tpu.barrier barrier_id(%barrier3A)
    %eq3A = arith.constant 0 : i32
    %eq3A_1 = arith.cmpi eq, %arg0, %eq3A : i32
    %convert_element_type3A = arith.extui %eq3A_1 : i1 to i32
    %cond3A = arith.constant 0 : i32
    %cond3A_2 = arith.cmpi ne, %convert_element_type3A, %cond3A : i32
    scf.if %cond3A_2 {
      %mul3A_8 = arith.constant 80 : i32
      %mul3A_9 = arith.muli %arg1, %mul3A_8 : i32
      %add3A = arith.constant 0 : i32
      %add3A_10 = arith.addi %mul3A_9, %add3A : i32
      "tpu.region"() ({
        %run_scoped3A = tpu.sem_alloc : memref<!tpu.dma_semaphore, #tpu.memory_space<semaphore_mem>>
        %dma_start3A = arith.constant 0 : i32
        %dma_start3A_35 = tpu.memref_slice %arg4[%add3A_10, %dma_start3A] : memref<1280x128xi32, #tpu.memory_space<hbm>> -> memref<40x128xi32, #tpu.memory_space<hbm>>
        %dma_start3A_36 = arith.constant 0 : i32
        %dma_start3A_37 = tpu.memref_slice %arg4[%add3A_10, %dma_start3A_36] : memref<1280x128xi32, #tpu.memory_space<hbm>> -> memref<40x128xi32, #tpu.memory_space<hbm>>
        tpu.enqueue_dma source(%dma_start3A_37 : memref<40x128xi32, #tpu.memory_space<hbm>>) target(%arg9 : memref<40x128xi32, #tpu.memory_space<vmem>>) target_semaphore(%run_scoped3A : memref<!tpu.dma_semaphore, #tpu.memory_space<semaphore_mem>>)
        %dma_wait3A = arith.constant 0 : i32
        %dma_wait3A_38 = tpu.memref_slice %arg4[%add3A_10, %dma_wait3A] : memref<1280x128xi32, #tpu.memory_space<hbm>> -> memref<40x128xi32, #tpu.memory_space<hbm>>
        %dma_wait3A_39 = arith.constant 0 : i32
        %dma_wait3A_40 = tpu.memref_slice %arg4[%add3A_10, %dma_wait3A_39] : memref<1280x128xi32, #tpu.memory_space<hbm>> -> memref<40x128xi32, #tpu.memory_space<hbm>>
        tpu.wait_dma2 semaphore(%run_scoped3A : memref<!tpu.dma_semaphore, #tpu.memory_space<semaphore_mem>>) src(%dma_wait3A_40 : memref<40x128xi32, #tpu.memory_space<hbm>>) dst(%arg9 : memref<40x128xi32, #tpu.memory_space<vmem>>)
        tpu.yield
      }) : () -> ()
      %mul3A_11 = arith.constant 80 : i32
      %mul3A_12 = arith.muli %arg1, %mul3A_11 : i32
      %add3A_13 = arith.constant 0 : i32
      %add3A_14 = arith.addi %mul3A_12, %add3A_13 : i32
      "tpu.region"() ({
        %run_scoped3A = tpu.sem_alloc : memref<!tpu.dma_semaphore, #tpu.memory_space<semaphore_mem>>
        %dma_start3A = arith.constant 0 : i32
        %dma_start3A_35 = tpu.memref_slice %arg5[%add3A_14, %dma_start3A] : memref<1280x128xi32, #tpu.memory_space<hbm>> -> memref<40x128xi32, #tpu.memory_space<hbm>>
        %dma_start3A_36 = arith.constant 0 : i32
        %dma_start3A_37 = tpu.memref_slice %arg5[%add3A_14, %dma_start3A_36] : memref<1280x128xi32, #tpu.memory_space<hbm>> -> memref<40x128xi32, #tpu.memory_space<hbm>>
        tpu.enqueue_dma source(%dma_start3A_37 : memref<40x128xi32, #tpu.memory_space<hbm>>) target(%arg10 : memref<40x128xi32, #tpu.memory_space<vmem>>) target_semaphore(%run_scoped3A : memref<!tpu.dma_semaphore, #tpu.memory_space<semaphore_mem>>)
        %dma_wait3A = arith.constant 0 : i32
        %dma_wait3A_38 = tpu.memref_slice %arg5[%add3A_14, %dma_wait3A] : memref<1280x128xi32, #tpu.memory_space<hbm>> -> memref<40x128xi32, #tpu.memory_space<hbm>>
        %dma_wait3A_39 = arith.constant 0 : i32
        %dma_wait3A_40 = tpu.memref_slice %arg5[%add3A_14, %dma_wait3A_39] : memref<1280x128xi32, #tpu.memory_space<hbm>> -> memref<40x128xi32, #tpu.memory_space<hbm>>
        tpu.wait_dma2 semaphore(%run_scoped3A : memref<!tpu.dma_semaphore, #tpu.memory_space<semaphore_mem>>) src(%dma_wait3A_40 : memref<40x128xi32, #tpu.memory_space<hbm>>) dst(%arg10 : memref<40x128xi32, #tpu.memory_space<vmem>>)
        tpu.yield
      }) : () -> ()
      %scan3A = arith.constant 0 : i32
      %scan3A_15 = arith.constant 0 : i32
      %scan3A_16 = arith.constant 40 : i32
      %scan3A_17 = arith.addi %scan3A_15, %scan3A_16 : i32
      %scan3A_18 = arith.constant 1 : i32
      scf.for %scan3A_35 = %scan3A_15 to %scan3A_17 step %scan3A_18  : i32 {
        %dma_start3A = arith.constant 0 : i32
        %dma_start3A_36 = tpu.memref_slice %arg9[%scan3A_35, %dma_start3A] : memref<40x128xi32, #tpu.memory_space<vmem>> -> memref<1x128xi32, #tpu.memory_space<vmem>>
        %dma_start3A_37 = tpu.memref_squeeze %dma_start3A_36 : memref<1x128xi32, #tpu.memory_space<vmem>> -> memref<128xi32, #tpu.memory_space<vmem>>
        %dma_start3A_38 = arith.constant 0 : i32
        %dma_start3A_39 = arith.constant 0 : i32
        %dma_start3A_40 = tpu.memref_slice %arg2[%dma_start3A_38, %dma_start3A_39] : memref<10240x128xf32, #tpu.memory_space<hbm>> -> memref<10240x128xf32, #tpu.memory_space<hbm>>
        tpu.enqueue_indirect_dma source(%dma_start3A_40 : memref<10240x128xf32, #tpu.memory_space<hbm>>) target(%arg11 : memref<128x128xf32, #tpu.memory_space<vmem>>) offsets(%dma_start3A_37 : memref<128xi32, #tpu.memory_space<vmem>>) semaphore(%arg14 : memref<!tpu.dma_semaphore, #tpu.memory_space<semaphore_mem>>)
        %dma_wait3A = arith.constant 0 : i32
        %dma_wait3A_41 = tpu.memref_slice %arg9[%scan3A_35, %dma_wait3A] : memref<40x128xi32, #tpu.memory_space<vmem>> -> memref<1x128xi32, #tpu.memory_space<vmem>>
        %dma_wait3A_42 = tpu.memref_squeeze %dma_wait3A_41 : memref<1x128xi32, #tpu.memory_space<vmem>> -> memref<128xi32, #tpu.memory_space<vmem>>
        %dma_wait3A_43 = arith.constant 0 : i32
        %dma_wait3A_44 = arith.constant 0 : i32
        %dma_wait3A_45 = tpu.memref_slice %arg2[%dma_wait3A_43, %dma_wait3A_44] : memref<10240x128xf32, #tpu.memory_space<hbm>> -> memref<10240x128xf32, #tpu.memory_space<hbm>>
        tpu.wait_indirect_dma semaphore(%arg14 : memref<!tpu.dma_semaphore, #tpu.memory_space<semaphore_mem>>) src(%dma_wait3A_45 : memref<10240x128xf32, #tpu.memory_space<hbm>>) dst(%arg11 : memref<128x128xf32, #tpu.memory_space<vmem>>)
        "tpu.region"() ({
          %run_scoped3A = tpu.sem_alloc : memref<!tpu.dma_semaphore, #tpu.memory_space<semaphore_mem>>
          %dma_start3A_46 = arith.constant 0 : i32
          %dma_start3A_47 = tpu.memref_slice %arg10[%scan3A_35, %dma_start3A_46] : memref<40x128xi32, #tpu.memory_space<vmem>> -> memref<1x128xi32, #tpu.memory_space<vmem>>
          %dma_start3A_48 = tpu.memref_squeeze %dma_start3A_47 : memref<1x128xi32, #tpu.memory_space<vmem>> -> memref<128xi32, #tpu.memory_space<vmem>>
          %dma_start3A_49 = arith.constant 0 : i32
          %dma_start3A_50 = arith.constant 0 : i32
          %dma_start3A_51 = tpu.memref_slice %arg13[%dma_start3A_49, %dma_start3A_50] : memref<10240x128xf32, #tpu.memory_space<vmem_shared>> -> memref<10240x128xf32, #tpu.memory_space<vmem_shared>>
          tpu.enqueue_indirect_dma source(%arg11 : memref<128x128xf32, #tpu.memory_space<vmem>>) target(%dma_start3A_51 : memref<10240x128xf32, #tpu.memory_space<vmem_shared>>) offsets(%dma_start3A_48 : memref<128xi32, #tpu.memory_space<vmem>>) semaphore(%run_scoped3A : memref<!tpu.dma_semaphore, #tpu.memory_space<semaphore_mem>>) {add = true}
          %dma_wait3A_52 = arith.constant 0 : i32
          %dma_wait3A_53 = tpu.memref_slice %arg10[%scan3A_35, %dma_wait3A_52] : memref<40x128xi32, #tpu.memory_space<vmem>> -> memref<1x128xi32, #tpu.memory_space<vmem>>
          %dma_wait3A_54 = tpu.memref_squeeze %dma_wait3A_53 : memref<1x128xi32, #tpu.memory_space<vmem>> -> memref<128xi32, #tpu.memory_space<vmem>>
          %dma_wait3A_55 = arith.constant 0 : i32
          %dma_wait3A_56 = arith.constant 0 : i32
          %dma_wait3A_57 = tpu.memref_slice %arg13[%dma_wait3A_55, %dma_wait3A_56] : memref<10240x128xf32, #tpu.memory_space<vmem_shared>> -> memref<10240x128xf32, #tpu.memory_space<vmem_shared>>
          tpu.wait_indirect_dma semaphore(%run_scoped3A : memref<!tpu.dma_semaphore, #tpu.memory_space<semaphore_mem>>) src(%arg11 : memref<128x128xf32, #tpu.memory_space<vmem>>) dst(%dma_wait3A_57 : memref<10240x128xf32, #tpu.memory_space<vmem_shared>>)
          tpu.yield
        }) : () -> ()
      }
      %scan3A_19 = arith.constant 40 : i32
      %mul3A_20 = arith.constant 80 : i32
      %mul3A_21 = arith.muli %arg1, %mul3A_20 : i32
      %add3A_22 = arith.constant 40 : i32
      %add3A_23 = arith.addi %mul3A_21, %add3A_22 : i32
      "tpu.region"() ({
        %run_scoped3A = tpu.sem_alloc : memref<!tpu.dma_semaphore, #tpu.memory_space<semaphore_mem>>
        %dma_start3A = arith.constant 0 : i32
        %dma_start3A_35 = tpu.memref_slice %arg4[%add3A_23, %dma_start3A] : memref<1280x128xi32, #tpu.memory_space<hbm>> -> memref<40x128xi32, #tpu.memory_space<hbm>>
        %dma_start3A_36 = arith.constant 0 : i32
        %dma_start3A_37 = tpu.memref_slice %arg4[%add3A_23, %dma_start3A_36] : memref<1280x128xi32, #tpu.memory_space<hbm>> -> memref<40x128xi32, #tpu.memory_space<hbm>>
        tpu.enqueue_dma source(%dma_start3A_37 : memref<40x128xi32, #tpu.memory_space<hbm>>) target(%arg9 : memref<40x128xi32, #tpu.memory_space<vmem>>) target_semaphore(%run_scoped3A : memref<!tpu.dma_semaphore, #tpu.memory_space<semaphore_mem>>)
        %dma_wait3A = arith.constant 0 : i32
        %dma_wait3A_38 = tpu.memref_slice %arg4[%add3A_23, %dma_wait3A] : memref<1280x128xi32, #tpu.memory_space<hbm>> -> memref<40x128xi32, #tpu.memory_space<hbm>>
        %dma_wait3A_39 = arith.constant 0 : i32
        %dma_wait3A_40 = tpu.memref_slice %arg4[%add3A_23, %dma_wait3A_39] : memref<1280x128xi32, #tpu.memory_space<hbm>> -> memref<40x128xi32, #tpu.memory_space<hbm>>
        tpu.wait_dma2 semaphore(%run_scoped3A : memref<!tpu.dma_semaphore, #tpu.memory_space<semaphore_mem>>) src(%dma_wait3A_40 : memref<40x128xi32, #tpu.memory_space<hbm>>) dst(%arg9 : memref<40x128xi32, #tpu.memory_space<vmem>>)
        tpu.yield
      }) : () -> ()
      %mul3A_24 = arith.constant 80 : i32
      %mul3A_25 = arith.muli %arg1, %mul3A_24 : i32
      %add3A_26 = arith.constant 40 : i32
      %add3A_27 = arith.addi %mul3A_25, %add3A_26 : i32
      "tpu.region"() ({
        %run_scoped3A = tpu.sem_alloc : memref<!tpu.dma_semaphore, #tpu.memory_space<semaphore_mem>>
        %dma_start3A = arith.constant 0 : i32
        %dma_start3A_35 = tpu.memref_slice %arg5[%add3A_27, %dma_start3A] : memref<1280x128xi32, #tpu.memory_space<hbm>> -> memref<40x128xi32, #tpu.memory_space<hbm>>
        %dma_start3A_36 = arith.constant 0 : i32
        %dma_start3A_37 = tpu.memref_slice %arg5[%add3A_27, %dma_start3A_36] : memref<1280x128xi32, #tpu.memory_space<hbm>> -> memref<40x128xi32, #tpu.memory_space<hbm>>
        tpu.enqueue_dma source(%dma_start3A_37 : memref<40x128xi32, #tpu.memory_space<hbm>>) target(%arg10 : memref<40x128xi32, #tpu.memory_space<vmem>>) target_semaphore(%run_scoped3A : memref<!tpu.dma_semaphore, #tpu.memory_space<semaphore_mem>>)
        %dma_wait3A = arith.constant 0 : i32
        %dma_wait3A_38 = tpu.memref_slice %arg5[%add3A_27, %dma_wait3A] : memref<1280x128xi32, #tpu.memory_space<hbm>> -> memref<40x128xi32, #tpu.memory_space<hbm>>
        %dma_wait3A_39 = arith.constant 0 : i32
        %dma_wait3A_40 = tpu.memref_slice %arg5[%add3A_27, %dma_wait3A_39] : memref<1280x128xi32, #tpu.memory_space<hbm>> -> memref<40x128xi32, #tpu.memory_space<hbm>>
        tpu.wait_dma2 semaphore(%run_scoped3A : memref<!tpu.dma_semaphore, #tpu.memory_space<semaphore_mem>>) src(%dma_wait3A_40 : memref<40x128xi32, #tpu.memory_space<hbm>>) dst(%arg10 : memref<40x128xi32, #tpu.memory_space<vmem>>)
        tpu.yield
      }) : () -> ()
      %scan3A_28 = arith.constant 0 : i32
      %scan3A_29 = arith.constant 0 : i32
      %scan3A_30 = arith.constant 40 : i32
      %scan3A_31 = arith.addi %scan3A_29, %scan3A_30 : i32
      %scan3A_32 = arith.constant 1 : i32
      scf.for %scan3A_35 = %scan3A_29 to %scan3A_31 step %scan3A_32  : i32 {
        %dma_start3A = arith.constant 0 : i32
        %dma_start3A_36 = tpu.memref_slice %arg9[%scan3A_35, %dma_start3A] : memref<40x128xi32, #tpu.memory_space<vmem>> -> memref<1x128xi32, #tpu.memory_space<vmem>>
        %dma_start3A_37 = tpu.memref_squeeze %dma_start3A_36 : memref<1x128xi32, #tpu.memory_space<vmem>> -> memref<128xi32, #tpu.memory_space<vmem>>
        %dma_start3A_38 = arith.constant 0 : i32
        %dma_start3A_39 = arith.constant 0 : i32
        %dma_start3A_40 = tpu.memref_slice %arg2[%dma_start3A_38, %dma_start3A_39] : memref<10240x128xf32, #tpu.memory_space<hbm>> -> memref<10240x128xf32, #tpu.memory_space<hbm>>
        tpu.enqueue_indirect_dma source(%dma_start3A_40 : memref<10240x128xf32, #tpu.memory_space<hbm>>) target(%arg11 : memref<128x128xf32, #tpu.memory_space<vmem>>) offsets(%dma_start3A_37 : memref<128xi32, #tpu.memory_space<vmem>>) semaphore(%arg14 : memref<!tpu.dma_semaphore, #tpu.memory_space<semaphore_mem>>)
        %dma_wait3A = arith.constant 0 : i32
        %dma_wait3A_41 = tpu.memref_slice %arg9[%scan3A_35, %dma_wait3A] : memref<40x128xi32, #tpu.memory_space<vmem>> -> memref<1x128xi32, #tpu.memory_space<vmem>>
        %dma_wait3A_42 = tpu.memref_squeeze %dma_wait3A_41 : memref<1x128xi32, #tpu.memory_space<vmem>> -> memref<128xi32, #tpu.memory_space<vmem>>
        %dma_wait3A_43 = arith.constant 0 : i32
        %dma_wait3A_44 = arith.constant 0 : i32
        %dma_wait3A_45 = tpu.memref_slice %arg2[%dma_wait3A_43, %dma_wait3A_44] : memref<10240x128xf32, #tpu.memory_space<hbm>> -> memref<10240x128xf32, #tpu.memory_space<hbm>>
        tpu.wait_indirect_dma semaphore(%arg14 : memref<!tpu.dma_semaphore, #tpu.memory_space<semaphore_mem>>) src(%dma_wait3A_45 : memref<10240x128xf32, #tpu.memory_space<hbm>>) dst(%arg11 : memref<128x128xf32, #tpu.memory_space<vmem>>)
        "tpu.region"() ({
          %run_scoped3A = tpu.sem_alloc : memref<!tpu.dma_semaphore, #tpu.memory_space<semaphore_mem>>
          %dma_start3A_46 = arith.constant 0 : i32
          %dma_start3A_47 = tpu.memref_slice %arg10[%scan3A_35, %dma_start3A_46] : memref<40x128xi32, #tpu.memory_space<vmem>> -> memref<1x128xi32, #tpu.memory_space<vmem>>
          %dma_start3A_48 = tpu.memref_squeeze %dma_start3A_47 : memref<1x128xi32, #tpu.memory_space<vmem>> -> memref<128xi32, #tpu.memory_space<vmem>>
          %dma_start3A_49 = arith.constant 0 : i32
          %dma_start3A_50 = arith.constant 0 : i32
          %dma_start3A_51 = tpu.memref_slice %arg13[%dma_start3A_49, %dma_start3A_50] : memref<10240x128xf32, #tpu.memory_space<vmem_shared>> -> memref<10240x128xf32, #tpu.memory_space<vmem_shared>>
          tpu.enqueue_indirect_dma source(%arg11 : memref<128x128xf32, #tpu.memory_space<vmem>>) target(%dma_start3A_51 : memref<10240x128xf32, #tpu.memory_space<vmem_shared>>) offsets(%dma_start3A_48 : memref<128xi32, #tpu.memory_space<vmem>>) semaphore(%run_scoped3A : memref<!tpu.dma_semaphore, #tpu.memory_space<semaphore_mem>>) {add = true}
          %dma_wait3A_52 = arith.constant 0 : i32
          %dma_wait3A_53 = tpu.memref_slice %arg10[%scan3A_35, %dma_wait3A_52] : memref<40x128xi32, #tpu.memory_space<vmem>> -> memref<1x128xi32, #tpu.memory_space<vmem>>
          %dma_wait3A_54 = tpu.memref_squeeze %dma_wait3A_53 : memref<1x128xi32, #tpu.memory_space<vmem>> -> memref<128xi32, #tpu.memory_space<vmem>>
          %dma_wait3A_55 = arith.constant 0 : i32
          %dma_wait3A_56 = arith.constant 0 : i32
          %dma_wait3A_57 = tpu.memref_slice %arg13[%dma_wait3A_55, %dma_wait3A_56] : memref<10240x128xf32, #tpu.memory_space<vmem_shared>> -> memref<10240x128xf32, #tpu.memory_space<vmem_shared>>
          tpu.wait_indirect_dma semaphore(%run_scoped3A : memref<!tpu.dma_semaphore, #tpu.memory_space<semaphore_mem>>) src(%arg11 : memref<128x128xf32, #tpu.memory_space<vmem>>) dst(%dma_wait3A_57 : memref<10240x128xf32, #tpu.memory_space<vmem_shared>>)
          tpu.yield
        }) : () -> ()
      }
      %scan3A_33 = arith.constant 40 : i32
      %barrier3A_34 = arith.constant 0 : index
      tpu.barrier barrier_id(%barrier3A_34)
      "tpu.region"() ({
        %run_scoped3A = tpu.sem_alloc : memref<!tpu.dma_semaphore, #tpu.memory_space<semaphore_mem>>
        %dma_start3A = arith.constant 0 : i32
        %dma_start3A_35 = tpu.memref_slice %arg7[%mul3A_0, %dma_start3A] : memref<10240x128xf32, #tpu.memory_space<hbm>> -> memref<640x128xf32, #tpu.memory_space<hbm>>
        %dma_start3A_36 = arith.constant 0 : i32
        %dma_start3A_37 = tpu.memref_slice %arg13[%mul3A_0, %dma_start3A_36] : memref<10240x128xf32, #tpu.memory_space<vmem_shared>> -> memref<640x128xf32, #tpu.memory_space<vmem_shared>>
        tpu.enqueue_dma source(%dma_start3A_37 : memref<640x128xf32, #tpu.memory_space<vmem_shared>>) target(%dma_start3A_35 : memref<640x128xf32, #tpu.memory_space<hbm>>) target_semaphore(%run_scoped3A : memref<!tpu.dma_semaphore, #tpu.memory_space<semaphore_mem>>)
        %dma_wait3A = arith.constant 0 : i32
        %dma_wait3A_38 = tpu.memref_slice %arg7[%mul3A_0, %dma_wait3A] : memref<10240x128xf32, #tpu.memory_space<hbm>> -> memref<640x128xf32, #tpu.memory_space<hbm>>
        %dma_wait3A_39 = arith.constant 0 : i32
        %dma_wait3A_40 = tpu.memref_slice %arg13[%mul3A_0, %dma_wait3A_39] : memref<10240x128xf32, #tpu.memory_space<vmem_shared>> -> memref<640x128xf32, #tpu.memory_space<vmem_shared>>
        tpu.wait_dma2 semaphore(%run_scoped3A : memref<!tpu.dma_semaphore, #tpu.memory_space<semaphore_mem>>) src(%dma_wait3A_40 : memref<640x128xf32, #tpu.memory_space<vmem_shared>>) dst(%dma_wait3A_38 : memref<640x128xf32, #tpu.memory_space<hbm>>)
        tpu.yield
      }) : () -> ()
    } else {
    }
    %eq3A_3 = arith.constant 1 : i32
    %eq3A_4 = arith.cmpi eq, %arg0, %eq3A_3 : i32
    %convert_element_type3A_5 = arith.extui %eq3A_4 : i1 to i32
    %cond3A_6 = arith.constant 0 : i32
    %cond3A_7 = arith.cmpi ne, %convert_element_type3A_5, %cond3A_6 : i32
    scf.if %cond3A_7 {
      %mul3A_8 = arith.constant 80 : i32
      %mul3A_9 = arith.muli %arg1, %mul3A_8 : i32
      %add3A = arith.constant 0 : i32
      %add3A_10 = arith.addi %mul3A_9, %add3A : i32
      "tpu.region"() ({
        %run_scoped3A = tpu.sem_alloc : memref<!tpu.dma_semaphore, #tpu.memory_space<semaphore_mem>>
        %dma_start3A = arith.constant 0 : i32
        %dma_start3A_35 = tpu.memref_slice %arg4[%add3A_10, %dma_start3A] : memref<1280x128xi32, #tpu.memory_space<hbm>> -> memref<40x128xi32, #tpu.memory_space<hbm>>
        %dma_start3A_36 = arith.constant 0 : i32
        %dma_start3A_37 = tpu.memref_slice %arg4[%add3A_10, %dma_start3A_36] : memref<1280x128xi32, #tpu.memory_space<hbm>> -> memref<40x128xi32, #tpu.memory_space<hbm>>
        tpu.enqueue_dma source(%dma_start3A_37 : memref<40x128xi32, #tpu.memory_space<hbm>>) target(%arg9 : memref<40x128xi32, #tpu.memory_space<vmem>>) target_semaphore(%run_scoped3A : memref<!tpu.dma_semaphore, #tpu.memory_space<semaphore_mem>>)
        %dma_wait3A = arith.constant 0 : i32
        %dma_wait3A_38 = tpu.memref_slice %arg4[%add3A_10, %dma_wait3A] : memref<1280x128xi32, #tpu.memory_space<hbm>> -> memref<40x128xi32, #tpu.memory_space<hbm>>
        %dma_wait3A_39 = arith.constant 0 : i32
        %dma_wait3A_40 = tpu.memref_slice %arg4[%add3A_10, %dma_wait3A_39] : memref<1280x128xi32, #tpu.memory_space<hbm>> -> memref<40x128xi32, #tpu.memory_space<hbm>>
        tpu.wait_dma2 semaphore(%run_scoped3A : memref<!tpu.dma_semaphore, #tpu.memory_space<semaphore_mem>>) src(%dma_wait3A_40 : memref<40x128xi32, #tpu.memory_space<hbm>>) dst(%arg9 : memref<40x128xi32, #tpu.memory_space<vmem>>)
        tpu.yield
      }) : () -> ()
      %mul3A_11 = arith.constant 80 : i32
      %mul3A_12 = arith.muli %arg1, %mul3A_11 : i32
      %add3A_13 = arith.constant 0 : i32
      %add3A_14 = arith.addi %mul3A_12, %add3A_13 : i32
      "tpu.region"() ({
        %run_scoped3A = tpu.sem_alloc : memref<!tpu.dma_semaphore, #tpu.memory_space<semaphore_mem>>
        %dma_start3A = arith.constant 0 : i32
        %dma_start3A_35 = tpu.memref_slice %arg5[%add3A_14, %dma_start3A] : memref<1280x128xi32, #tpu.memory_space<hbm>> -> memref<40x128xi32, #tpu.memory_space<hbm>>
        %dma_start3A_36 = arith.constant 0 : i32
        %dma_start3A_37 = tpu.memref_slice %arg5[%add3A_14, %dma_start3A_36] : memref<1280x128xi32, #tpu.memory_space<hbm>> -> memref<40x128xi32, #tpu.memory_space<hbm>>
        tpu.enqueue_dma source(%dma_start3A_37 : memref<40x128xi32, #tpu.memory_space<hbm>>) target(%arg10 : memref<40x128xi32, #tpu.memory_space<vmem>>) target_semaphore(%run_scoped3A : memref<!tpu.dma_semaphore, #tpu.memory_space<semaphore_mem>>)
        %dma_wait3A = arith.constant 0 : i32
        %dma_wait3A_38 = tpu.memref_slice %arg5[%add3A_14, %dma_wait3A] : memref<1280x128xi32, #tpu.memory_space<hbm>> -> memref<40x128xi32, #tpu.memory_space<hbm>>
        %dma_wait3A_39 = arith.constant 0 : i32
        %dma_wait3A_40 = tpu.memref_slice %arg5[%add3A_14, %dma_wait3A_39] : memref<1280x128xi32, #tpu.memory_space<hbm>> -> memref<40x128xi32, #tpu.memory_space<hbm>>
        tpu.wait_dma2 semaphore(%run_scoped3A : memref<!tpu.dma_semaphore, #tpu.memory_space<semaphore_mem>>) src(%dma_wait3A_40 : memref<40x128xi32, #tpu.memory_space<hbm>>) dst(%arg10 : memref<40x128xi32, #tpu.memory_space<vmem>>)
        tpu.yield
      }) : () -> ()
      %scan3A = arith.constant 0 : i32
      %scan3A_15 = arith.constant 0 : i32
      %scan3A_16 = arith.constant 40 : i32
      %scan3A_17 = arith.addi %scan3A_15, %scan3A_16 : i32
      %scan3A_18 = arith.constant 1 : i32
      scf.for %scan3A_35 = %scan3A_15 to %scan3A_17 step %scan3A_18  : i32 {
        %dma_start3A = arith.constant 0 : i32
        %dma_start3A_36 = tpu.memref_slice %arg9[%scan3A_35, %dma_start3A] : memref<40x128xi32, #tpu.memory_space<vmem>> -> memref<1x128xi32, #tpu.memory_space<vmem>>
        %dma_start3A_37 = tpu.memref_squeeze %dma_start3A_36 : memref<1x128xi32, #tpu.memory_space<vmem>> -> memref<128xi32, #tpu.memory_space<vmem>>
        %dma_start3A_38 = arith.constant 0 : i32
        %dma_start3A_39 = arith.constant 0 : i32
        %dma_start3A_40 = tpu.memref_slice %arg3[%dma_start3A_38, %dma_start3A_39] : memref<10240x128xf32, #tpu.memory_space<hbm>> -> memref<10240x128xf32, #tpu.memory_space<hbm>>
        tpu.enqueue_indirect_dma source(%dma_start3A_40 : memref<10240x128xf32, #tpu.memory_space<hbm>>) target(%arg11 : memref<128x128xf32, #tpu.memory_space<vmem>>) offsets(%dma_start3A_37 : memref<128xi32, #tpu.memory_space<vmem>>) semaphore(%arg14 : memref<!tpu.dma_semaphore, #tpu.memory_space<semaphore_mem>>)
        %dma_wait3A = arith.constant 0 : i32
        %dma_wait3A_41 = tpu.memref_slice %arg9[%scan3A_35, %dma_wait3A] : memref<40x128xi32, #tpu.memory_space<vmem>> -> memref<1x128xi32, #tpu.memory_space<vmem>>
        %dma_wait3A_42 = tpu.memref_squeeze %dma_wait3A_41 : memref<1x128xi32, #tpu.memory_space<vmem>> -> memref<128xi32, #tpu.memory_space<vmem>>
        %dma_wait3A_43 = arith.constant 0 : i32
        %dma_wait3A_44 = arith.constant 0 : i32
        %dma_wait3A_45 = tpu.memref_slice %arg3[%dma_wait3A_43, %dma_wait3A_44] : memref<10240x128xf32, #tpu.memory_space<hbm>> -> memref<10240x128xf32, #tpu.memory_space<hbm>>
        tpu.wait_indirect_dma semaphore(%arg14 : memref<!tpu.dma_semaphore, #tpu.memory_space<semaphore_mem>>) src(%dma_wait3A_45 : memref<10240x128xf32, #tpu.memory_space<hbm>>) dst(%arg11 : memref<128x128xf32, #tpu.memory_space<vmem>>)
        "tpu.region"() ({
          %run_scoped3A = tpu.sem_alloc : memref<!tpu.dma_semaphore, #tpu.memory_space<semaphore_mem>>
          %dma_start3A_46 = arith.constant 0 : i32
          %dma_start3A_47 = tpu.memref_slice %arg10[%scan3A_35, %dma_start3A_46] : memref<40x128xi32, #tpu.memory_space<vmem>> -> memref<1x128xi32, #tpu.memory_space<vmem>>
          %dma_start3A_48 = tpu.memref_squeeze %dma_start3A_47 : memref<1x128xi32, #tpu.memory_space<vmem>> -> memref<128xi32, #tpu.memory_space<vmem>>
          %dma_start3A_49 = arith.constant 0 : i32
          %dma_start3A_50 = arith.constant 0 : i32
          %dma_start3A_51 = tpu.memref_slice %arg13[%dma_start3A_49, %dma_start3A_50] : memref<10240x128xf32, #tpu.memory_space<vmem_shared>> -> memref<10240x128xf32, #tpu.memory_space<vmem_shared>>
          tpu.enqueue_indirect_dma source(%arg11 : memref<128x128xf32, #tpu.memory_space<vmem>>) target(%dma_start3A_51 : memref<10240x128xf32, #tpu.memory_space<vmem_shared>>) offsets(%dma_start3A_48 : memref<128xi32, #tpu.memory_space<vmem>>) semaphore(%run_scoped3A : memref<!tpu.dma_semaphore, #tpu.memory_space<semaphore_mem>>) {add = true}
          %dma_wait3A_52 = arith.constant 0 : i32
          %dma_wait3A_53 = tpu.memref_slice %arg10[%scan3A_35, %dma_wait3A_52] : memref<40x128xi32, #tpu.memory_space<vmem>> -> memref<1x128xi32, #tpu.memory_space<vmem>>
          %dma_wait3A_54 = tpu.memref_squeeze %dma_wait3A_53 : memref<1x128xi32, #tpu.memory_space<vmem>> -> memref<128xi32, #tpu.memory_space<vmem>>
          %dma_wait3A_55 = arith.constant 0 : i32
          %dma_wait3A_56 = arith.constant 0 : i32
          %dma_wait3A_57 = tpu.memref_slice %arg13[%dma_wait3A_55, %dma_wait3A_56] : memref<10240x128xf32, #tpu.memory_space<vmem_shared>> -> memref<10240x128xf32, #tpu.memory_space<vmem_shared>>
          tpu.wait_indirect_dma semaphore(%run_scoped3A : memref<!tpu.dma_semaphore, #tpu.memory_space<semaphore_mem>>) src(%arg11 : memref<128x128xf32, #tpu.memory_space<vmem>>) dst(%dma_wait3A_57 : memref<10240x128xf32, #tpu.memory_space<vmem_shared>>)
          tpu.yield
        }) : () -> ()
      }
      %scan3A_19 = arith.constant 40 : i32
      %mul3A_20 = arith.constant 80 : i32
      %mul3A_21 = arith.muli %arg1, %mul3A_20 : i32
      %add3A_22 = arith.constant 40 : i32
      %add3A_23 = arith.addi %mul3A_21, %add3A_22 : i32
      "tpu.region"() ({
        %run_scoped3A = tpu.sem_alloc : memref<!tpu.dma_semaphore, #tpu.memory_space<semaphore_mem>>
        %dma_start3A = arith.constant 0 : i32
        %dma_start3A_35 = tpu.memref_slice %arg4[%add3A_23, %dma_start3A] : memref<1280x128xi32, #tpu.memory_space<hbm>> -> memref<40x128xi32, #tpu.memory_space<hbm>>
        %dma_start3A_36 = arith.constant 0 : i32
        %dma_start3A_37 = tpu.memref_slice %arg4[%add3A_23, %dma_start3A_36] : memref<1280x128xi32, #tpu.memory_space<hbm>> -> memref<40x128xi32, #tpu.memory_space<hbm>>
        tpu.enqueue_dma source(%dma_start3A_37 : memref<40x128xi32, #tpu.memory_space<hbm>>) target(%arg9 : memref<40x128xi32, #tpu.memory_space<vmem>>) target_semaphore(%run_scoped3A : memref<!tpu.dma_semaphore, #tpu.memory_space<semaphore_mem>>)
        %dma_wait3A = arith.constant 0 : i32
        %dma_wait3A_38 = tpu.memref_slice %arg4[%add3A_23, %dma_wait3A] : memref<1280x128xi32, #tpu.memory_space<hbm>> -> memref<40x128xi32, #tpu.memory_space<hbm>>
        %dma_wait3A_39 = arith.constant 0 : i32
        %dma_wait3A_40 = tpu.memref_slice %arg4[%add3A_23, %dma_wait3A_39] : memref<1280x128xi32, #tpu.memory_space<hbm>> -> memref<40x128xi32, #tpu.memory_space<hbm>>
        tpu.wait_dma2 semaphore(%run_scoped3A : memref<!tpu.dma_semaphore, #tpu.memory_space<semaphore_mem>>) src(%dma_wait3A_40 : memref<40x128xi32, #tpu.memory_space<hbm>>) dst(%arg9 : memref<40x128xi32, #tpu.memory_space<vmem>>)
        tpu.yield
      }) : () -> ()
      %mul3A_24 = arith.constant 80 : i32
      %mul3A_25 = arith.muli %arg1, %mul3A_24 : i32
      %add3A_26 = arith.constant 40 : i32
      %add3A_27 = arith.addi %mul3A_25, %add3A_26 : i32
      "tpu.region"() ({
        %run_scoped3A = tpu.sem_alloc : memref<!tpu.dma_semaphore, #tpu.memory_space<semaphore_mem>>
        %dma_start3A = arith.constant 0 : i32
        %dma_start3A_35 = tpu.memref_slice %arg5[%add3A_27, %dma_start3A] : memref<1280x128xi32, #tpu.memory_space<hbm>> -> memref<40x128xi32, #tpu.memory_space<hbm>>
        %dma_start3A_36 = arith.constant 0 : i32
        %dma_start3A_37 = tpu.memref_slice %arg5[%add3A_27, %dma_start3A_36] : memref<1280x128xi32, #tpu.memory_space<hbm>> -> memref<40x128xi32, #tpu.memory_space<hbm>>
        tpu.enqueue_dma source(%dma_start3A_37 : memref<40x128xi32, #tpu.memory_space<hbm>>) target(%arg10 : memref<40x128xi32, #tpu.memory_space<vmem>>) target_semaphore(%run_scoped3A : memref<!tpu.dma_semaphore, #tpu.memory_space<semaphore_mem>>)
        %dma_wait3A = arith.constant 0 : i32
        %dma_wait3A_38 = tpu.memref_slice %arg5[%add3A_27, %dma_wait3A] : memref<1280x128xi32, #tpu.memory_space<hbm>> -> memref<40x128xi32, #tpu.memory_space<hbm>>
        %dma_wait3A_39 = arith.constant 0 : i32
        %dma_wait3A_40 = tpu.memref_slice %arg5[%add3A_27, %dma_wait3A_39] : memref<1280x128xi32, #tpu.memory_space<hbm>> -> memref<40x128xi32, #tpu.memory_space<hbm>>
        tpu.wait_dma2 semaphore(%run_scoped3A : memref<!tpu.dma_semaphore, #tpu.memory_space<semaphore_mem>>) src(%dma_wait3A_40 : memref<40x128xi32, #tpu.memory_space<hbm>>) dst(%arg10 : memref<40x128xi32, #tpu.memory_space<vmem>>)
        tpu.yield
      }) : () -> ()
      %scan3A_28 = arith.constant 0 : i32
      %scan3A_29 = arith.constant 0 : i32
      %scan3A_30 = arith.constant 40 : i32
      %scan3A_31 = arith.addi %scan3A_29, %scan3A_30 : i32
      %scan3A_32 = arith.constant 1 : i32
      scf.for %scan3A_35 = %scan3A_29 to %scan3A_31 step %scan3A_32  : i32 {
        %dma_start3A = arith.constant 0 : i32
        %dma_start3A_36 = tpu.memref_slice %arg9[%scan3A_35, %dma_start3A] : memref<40x128xi32, #tpu.memory_space<vmem>> -> memref<1x128xi32, #tpu.memory_space<vmem>>
        %dma_start3A_37 = tpu.memref_squeeze %dma_start3A_36 : memref<1x128xi32, #tpu.memory_space<vmem>> -> memref<128xi32, #tpu.memory_space<vmem>>
        %dma_start3A_38 = arith.constant 0 : i32
        %dma_start3A_39 = arith.constant 0 : i32
        %dma_start3A_40 = tpu.memref_slice %arg3[%dma_start3A_38, %dma_start3A_39] : memref<10240x128xf32, #tpu.memory_space<hbm>> -> memref<10240x128xf32, #tpu.memory_space<hbm>>
        tpu.enqueue_indirect_dma source(%dma_start3A_40 : memref<10240x128xf32, #tpu.memory_space<hbm>>) target(%arg11 : memref<128x128xf32, #tpu.memory_space<vmem>>) offsets(%dma_start3A_37 : memref<128xi32, #tpu.memory_space<vmem>>) semaphore(%arg14 : memref<!tpu.dma_semaphore, #tpu.memory_space<semaphore_mem>>)
        %dma_wait3A = arith.constant 0 : i32
        %dma_wait3A_41 = tpu.memref_slice %arg9[%scan3A_35, %dma_wait3A] : memref<40x128xi32, #tpu.memory_space<vmem>> -> memref<1x128xi32, #tpu.memory_space<vmem>>
        %dma_wait3A_42 = tpu.memref_squeeze %dma_wait3A_41 : memref<1x128xi32, #tpu.memory_space<vmem>> -> memref<128xi32, #tpu.memory_space<vmem>>
        %dma_wait3A_43 = arith.constant 0 : i32
        %dma_wait3A_44 = arith.constant 0 : i32
        %dma_wait3A_45 = tpu.memref_slice %arg3[%dma_wait3A_43, %dma_wait3A_44] : memref<10240x128xf32, #tpu.memory_space<hbm>> -> memref<10240x128xf32, #tpu.memory_space<hbm>>
        tpu.wait_indirect_dma semaphore(%arg14 : memref<!tpu.dma_semaphore, #tpu.memory_space<semaphore_mem>>) src(%dma_wait3A_45 : memref<10240x128xf32, #tpu.memory_space<hbm>>) dst(%arg11 : memref<128x128xf32, #tpu.memory_space<vmem>>)
        "tpu.region"() ({
          %run_scoped3A = tpu.sem_alloc : memref<!tpu.dma_semaphore, #tpu.memory_space<semaphore_mem>>
          %dma_start3A_46 = arith.constant 0 : i32
          %dma_start3A_47 = tpu.memref_slice %arg10[%scan3A_35, %dma_start3A_46] : memref<40x128xi32, #tpu.memory_space<vmem>> -> memref<1x128xi32, #tpu.memory_space<vmem>>
          %dma_start3A_48 = tpu.memref_squeeze %dma_start3A_47 : memref<1x128xi32, #tpu.memory_space<vmem>> -> memref<128xi32, #tpu.memory_space<vmem>>
          %dma_start3A_49 = arith.constant 0 : i32
          %dma_start3A_50 = arith.constant 0 : i32
          %dma_start3A_51 = tpu.memref_slice %arg13[%dma_start3A_49, %dma_start3A_50] : memref<10240x128xf32, #tpu.memory_space<vmem_shared>> -> memref<10240x128xf32, #tpu.memory_space<vmem_shared>>
          tpu.enqueue_indirect_dma source(%arg11 : memref<128x128xf32, #tpu.memory_space<vmem>>) target(%dma_start3A_51 : memref<10240x128xf32, #tpu.memory_space<vmem_shared>>) offsets(%dma_start3A_48 : memref<128xi32, #tpu.memory_space<vmem>>) semaphore(%run_scoped3A : memref<!tpu.dma_semaphore, #tpu.memory_space<semaphore_mem>>) {add = true}
          %dma_wait3A_52 = arith.constant 0 : i32
          %dma_wait3A_53 = tpu.memref_slice %arg10[%scan3A_35, %dma_wait3A_52] : memref<40x128xi32, #tpu.memory_space<vmem>> -> memref<1x128xi32, #tpu.memory_space<vmem>>
          %dma_wait3A_54 = tpu.memref_squeeze %dma_wait3A_53 : memref<1x128xi32, #tpu.memory_space<vmem>> -> memref<128xi32, #tpu.memory_space<vmem>>
          %dma_wait3A_55 = arith.constant 0 : i32
          %dma_wait3A_56 = arith.constant 0 : i32
          %dma_wait3A_57 = tpu.memref_slice %arg13[%dma_wait3A_55, %dma_wait3A_56] : memref<10240x128xf32, #tpu.memory_space<vmem_shared>> -> memref<10240x128xf32, #tpu.memory_space<vmem_shared>>
          tpu.wait_indirect_dma semaphore(%run_scoped3A : memref<!tpu.dma_semaphore, #tpu.memory_space<semaphore_mem>>) src(%arg11 : memref<128x128xf32, #tpu.memory_space<vmem>>) dst(%dma_wait3A_57 : memref<10240x128xf32, #tpu.memory_space<vmem_shared>>)
          tpu.yield
        }) : () -> ()
      }
      %scan3A_33 = arith.constant 40 : i32
      %barrier3A_34 = arith.constant 0 : index
      tpu.barrier barrier_id(%barrier3A_34)
      "tpu.region"() ({
        %run_scoped3A = tpu.sem_alloc : memref<!tpu.dma_semaphore, #tpu.memory_space<semaphore_mem>>
        %dma_start3A = arith.constant 0 : i32
        %dma_start3A_35 = tpu.memref_slice %arg8[%mul3A_0, %dma_start3A] : memref<10240x128xf32, #tpu.memory_space<hbm>> -> memref<640x128xf32, #tpu.memory_space<hbm>>
        %dma_start3A_36 = arith.constant 0 : i32
        %dma_start3A_37 = tpu.memref_slice %arg13[%mul3A_0, %dma_start3A_36] : memref<10240x128xf32, #tpu.memory_space<vmem_shared>> -> memref<640x128xf32, #tpu.memory_space<vmem_shared>>
        tpu.enqueue_dma source(%dma_start3A_37 : memref<640x128xf32, #tpu.memory_space<vmem_shared>>) target(%dma_start3A_35 : memref<640x128xf32, #tpu.memory_space<hbm>>) target_semaphore(%run_scoped3A : memref<!tpu.dma_semaphore, #tpu.memory_space<semaphore_mem>>)
        %dma_wait3A = arith.constant 0 : i32
        %dma_wait3A_38 = tpu.memref_slice %arg8[%mul3A_0, %dma_wait3A] : memref<10240x128xf32, #tpu.memory_space<hbm>> -> memref<640x128xf32, #tpu.memory_space<hbm>>
        %dma_wait3A_39 = arith.constant 0 : i32
        %dma_wait3A_40 = tpu.memref_slice %arg13[%mul3A_0, %dma_wait3A_39] : memref<10240x128xf32, #tpu.memory_space<vmem_shared>> -> memref<640x128xf32, #tpu.memory_space<vmem_shared>>
        tpu.wait_dma2 semaphore(%run_scoped3A : memref<!tpu.dma_semaphore, #tpu.memory_space<semaphore_mem>>) src(%dma_wait3A_40 : memref<640x128xf32, #tpu.memory_space<vmem_shared>>) dst(%dma_wait3A_38 : memref<640x128xf32, #tpu.memory_space<hbm>>)
        tpu.yield
      }) : () -> ()
    } else {
    }
    return
  }
}

#map = affine_map<(d0, d1) -> (0, 0)>
module attributes {stable_mosaic.version = 14 : i64} {
  func.func @_deg_body(%arg0: i32, %arg1: i32, %arg2: memref<1280x128xi32, #tpu.memory_space<hbm>>, %arg3: memref<128x128xf32, #tpu.memory_space<hbm>>, %arg4: memref<640x128xf32, #tpu.memory_space<hbm>>, %arg5: memref<10240x128xf32, #tpu.memory_space<hbm>>, %arg6: memref<10240x128xf32, #tpu.memory_space<hbm>>, %arg7: memref<40x128xi32, #tpu.memory_space<vmem>>, %arg8: memref<128x128xf32, #tpu.memory_space<vmem>>, %arg9: memref<10240x128xf32, #tpu.memory_space<vmem_shared>>) attributes {dimension_semantics = [#tpu.dimension_semantics<core_parallel>, #tpu.dimension_semantics<subcore_parallel>], iteration_bounds = array<i64: 2, 16>, scalar_prefetch = 0 : i64, scratch_operands = 3 : i64, tpu.core_type = #tpu.core_type<sc_vector_subcore>, window_params = [{transform_indices = #map}, {transform_indices = #map}, {transform_indices = #map}, {transform_indices = #map}, {transform_indices = #map}]} {
    %mul3A = arith.constant 640 : i32
    %mul3A_0 = arith.muli %arg1, %mul3A : i32
    "tpu.region"() ({
      %run_scoped3A = tpu.sem_alloc : memref<!tpu.dma_semaphore, #tpu.memory_space<semaphore_mem>>
      %dma_start3A = arith.constant 0 : i32
      %dma_start3A_8 = tpu.memref_slice %arg9[%mul3A_0, %dma_start3A] : memref<10240x128xf32, #tpu.memory_space<vmem_shared>> -> memref<640x128xf32, #tpu.memory_space<vmem_shared>>
      tpu.enqueue_dma source(%arg4 : memref<640x128xf32, #tpu.memory_space<hbm>>) target(%dma_start3A_8 : memref<640x128xf32, #tpu.memory_space<vmem_shared>>) target_semaphore(%run_scoped3A : memref<!tpu.dma_semaphore, #tpu.memory_space<semaphore_mem>>)
      %dma_wait3A = arith.constant 0 : i32
      %dma_wait3A_9 = tpu.memref_slice %arg9[%mul3A_0, %dma_wait3A] : memref<10240x128xf32, #tpu.memory_space<vmem_shared>> -> memref<640x128xf32, #tpu.memory_space<vmem_shared>>
      tpu.wait_dma2 semaphore(%run_scoped3A : memref<!tpu.dma_semaphore, #tpu.memory_space<semaphore_mem>>) src(%arg4 : memref<640x128xf32, #tpu.memory_space<hbm>>) dst(%dma_wait3A_9 : memref<640x128xf32, #tpu.memory_space<vmem_shared>>)
      tpu.yield
    }) : () -> ()
    "tpu.region"() ({
      %run_scoped3A = tpu.sem_alloc : memref<!tpu.dma_semaphore, #tpu.memory_space<semaphore_mem>>
      tpu.enqueue_dma source(%arg3 : memref<128x128xf32, #tpu.memory_space<hbm>>) target(%arg8 : memref<128x128xf32, #tpu.memory_space<vmem>>) target_semaphore(%run_scoped3A : memref<!tpu.dma_semaphore, #tpu.memory_space<semaphore_mem>>)
      tpu.wait_dma2 semaphore(%run_scoped3A : memref<!tpu.dma_semaphore, #tpu.memory_space<semaphore_mem>>) src(%arg3 : memref<128x128xf32, #tpu.memory_space<hbm>>) dst(%arg8 : memref<128x128xf32, #tpu.memory_space<vmem>>)
      tpu.yield
    }) : () -> ()
    %barrier3A = arith.constant 0 : index
    tpu.barrier barrier_id(%barrier3A)
    %eq3A = arith.constant 0 : i32
    %eq3A_1 = arith.cmpi eq, %arg0, %eq3A : i32
    %convert_element_type3A = arith.extui %eq3A_1 : i1 to i32
    %cond3A = arith.constant 0 : i32
    %cond3A_2 = arith.cmpi ne, %convert_element_type3A, %cond3A : i32
    scf.if %cond3A_2 {
      %mul3A_8 = arith.constant 80 : i32
      %mul3A_9 = arith.muli %arg1, %mul3A_8 : i32
      %add3A = arith.constant 0 : i32
      %add3A_10 = arith.addi %mul3A_9, %add3A : i32
      "tpu.region"() ({
        %run_scoped3A = tpu.sem_alloc : memref<!tpu.dma_semaphore, #tpu.memory_space<semaphore_mem>>
        %dma_start3A = arith.constant 0 : i32
        %dma_start3A_17 = tpu.memref_slice %arg2[%add3A_10, %dma_start3A] : memref<1280x128xi32, #tpu.memory_space<hbm>> -> memref<40x128xi32, #tpu.memory_space<hbm>>
        %dma_start3A_18 = arith.constant 0 : i32
        %dma_start3A_19 = tpu.memref_slice %arg2[%add3A_10, %dma_start3A_18] : memref<1280x128xi32, #tpu.memory_space<hbm>> -> memref<40x128xi32, #tpu.memory_space<hbm>>
        tpu.enqueue_dma source(%dma_start3A_19 : memref<40x128xi32, #tpu.memory_space<hbm>>) target(%arg7 : memref<40x128xi32, #tpu.memory_space<vmem>>) target_semaphore(%run_scoped3A : memref<!tpu.dma_semaphore, #tpu.memory_space<semaphore_mem>>)
        %dma_wait3A = arith.constant 0 : i32
        %dma_wait3A_20 = tpu.memref_slice %arg2[%add3A_10, %dma_wait3A] : memref<1280x128xi32, #tpu.memory_space<hbm>> -> memref<40x128xi32, #tpu.memory_space<hbm>>
        %dma_wait3A_21 = arith.constant 0 : i32
        %dma_wait3A_22 = tpu.memref_slice %arg2[%add3A_10, %dma_wait3A_21] : memref<1280x128xi32, #tpu.memory_space<hbm>> -> memref<40x128xi32, #tpu.memory_space<hbm>>
        tpu.wait_dma2 semaphore(%run_scoped3A : memref<!tpu.dma_semaphore, #tpu.memory_space<semaphore_mem>>) src(%dma_wait3A_22 : memref<40x128xi32, #tpu.memory_space<hbm>>) dst(%arg7 : memref<40x128xi32, #tpu.memory_space<vmem>>)
        tpu.yield
      }) : () -> ()
      %scan3A = arith.constant 0 : i32
      %scan3A_11 = arith.constant 0 : i32
      %scan3A_12 = arith.constant 40 : i32
      %scan3A_13 = arith.addi %scan3A_11, %scan3A_12 : i32
      %scan3A_14 = arith.constant 1 : i32
      scf.for %scan3A_17 = %scan3A_11 to %scan3A_13 step %scan3A_14  : i32 {
        "tpu.region"() ({
          %run_scoped3A = tpu.sem_alloc : memref<!tpu.dma_semaphore, #tpu.memory_space<semaphore_mem>>
          %dma_start3A = arith.constant 0 : i32
          %dma_start3A_18 = tpu.memref_slice %arg7[%scan3A_17, %dma_start3A] : memref<40x128xi32, #tpu.memory_space<vmem>> -> memref<1x128xi32, #tpu.memory_space<vmem>>
          %dma_start3A_19 = tpu.memref_squeeze %dma_start3A_18 : memref<1x128xi32, #tpu.memory_space<vmem>> -> memref<128xi32, #tpu.memory_space<vmem>>
          %dma_start3A_20 = arith.constant 0 : i32
          %dma_start3A_21 = arith.constant 0 : i32
          %dma_start3A_22 = tpu.memref_slice %arg9[%dma_start3A_20, %dma_start3A_21] : memref<10240x128xf32, #tpu.memory_space<vmem_shared>> -> memref<10240x128xf32, #tpu.memory_space<vmem_shared>>
          tpu.enqueue_indirect_dma source(%arg8 : memref<128x128xf32, #tpu.memory_space<vmem>>) target(%dma_start3A_22 : memref<10240x128xf32, #tpu.memory_space<vmem_shared>>) offsets(%dma_start3A_19 : memref<128xi32, #tpu.memory_space<vmem>>) semaphore(%run_scoped3A : memref<!tpu.dma_semaphore, #tpu.memory_space<semaphore_mem>>) {add = true}
          %dma_wait3A = arith.constant 0 : i32
          %dma_wait3A_23 = tpu.memref_slice %arg7[%scan3A_17, %dma_wait3A] : memref<40x128xi32, #tpu.memory_space<vmem>> -> memref<1x128xi32, #tpu.memory_space<vmem>>
          %dma_wait3A_24 = tpu.memref_squeeze %dma_wait3A_23 : memref<1x128xi32, #tpu.memory_space<vmem>> -> memref<128xi32, #tpu.memory_space<vmem>>
          %dma_wait3A_25 = arith.constant 0 : i32
          %dma_wait3A_26 = arith.constant 0 : i32
          %dma_wait3A_27 = tpu.memref_slice %arg9[%dma_wait3A_25, %dma_wait3A_26] : memref<10240x128xf32, #tpu.memory_space<vmem_shared>> -> memref<10240x128xf32, #tpu.memory_space<vmem_shared>>
          tpu.wait_indirect_dma semaphore(%run_scoped3A : memref<!tpu.dma_semaphore, #tpu.memory_space<semaphore_mem>>) src(%arg8 : memref<128x128xf32, #tpu.memory_space<vmem>>) dst(%dma_wait3A_27 : memref<10240x128xf32, #tpu.memory_space<vmem_shared>>)
          tpu.yield
        }) : () -> ()
      }
      %scan3A_15 = arith.constant 40 : i32
      %barrier3A_16 = arith.constant 0 : index
      tpu.barrier barrier_id(%barrier3A_16)
      "tpu.region"() ({
        %run_scoped3A = tpu.sem_alloc : memref<!tpu.dma_semaphore, #tpu.memory_space<semaphore_mem>>
        %dma_start3A = arith.constant 0 : i32
        %dma_start3A_17 = tpu.memref_slice %arg5[%mul3A_0, %dma_start3A] : memref<10240x128xf32, #tpu.memory_space<hbm>> -> memref<640x128xf32, #tpu.memory_space<hbm>>
        %dma_start3A_18 = arith.constant 0 : i32
        %dma_start3A_19 = tpu.memref_slice %arg9[%mul3A_0, %dma_start3A_18] : memref<10240x128xf32, #tpu.memory_space<vmem_shared>> -> memref<640x128xf32, #tpu.memory_space<vmem_shared>>
        tpu.enqueue_dma source(%dma_start3A_19 : memref<640x128xf32, #tpu.memory_space<vmem_shared>>) target(%dma_start3A_17 : memref<640x128xf32, #tpu.memory_space<hbm>>) target_semaphore(%run_scoped3A : memref<!tpu.dma_semaphore, #tpu.memory_space<semaphore_mem>>)
        %dma_wait3A = arith.constant 0 : i32
        %dma_wait3A_20 = tpu.memref_slice %arg5[%mul3A_0, %dma_wait3A] : memref<10240x128xf32, #tpu.memory_space<hbm>> -> memref<640x128xf32, #tpu.memory_space<hbm>>
        %dma_wait3A_21 = arith.constant 0 : i32
        %dma_wait3A_22 = tpu.memref_slice %arg9[%mul3A_0, %dma_wait3A_21] : memref<10240x128xf32, #tpu.memory_space<vmem_shared>> -> memref<640x128xf32, #tpu.memory_space<vmem_shared>>
        tpu.wait_dma2 semaphore(%run_scoped3A : memref<!tpu.dma_semaphore, #tpu.memory_space<semaphore_mem>>) src(%dma_wait3A_22 : memref<640x128xf32, #tpu.memory_space<vmem_shared>>) dst(%dma_wait3A_20 : memref<640x128xf32, #tpu.memory_space<hbm>>)
        tpu.yield
      }) : () -> ()
    } else {
    }
    %eq3A_3 = arith.constant 1 : i32
    %eq3A_4 = arith.cmpi eq, %arg0, %eq3A_3 : i32
    %convert_element_type3A_5 = arith.extui %eq3A_4 : i1 to i32
    %cond3A_6 = arith.constant 0 : i32
    %cond3A_7 = arith.cmpi ne, %convert_element_type3A_5, %cond3A_6 : i32
    scf.if %cond3A_7 {
      %mul3A_8 = arith.constant 80 : i32
      %mul3A_9 = arith.muli %arg1, %mul3A_8 : i32
      %add3A = arith.constant 40 : i32
      %add3A_10 = arith.addi %mul3A_9, %add3A : i32
      "tpu.region"() ({
        %run_scoped3A = tpu.sem_alloc : memref<!tpu.dma_semaphore, #tpu.memory_space<semaphore_mem>>
        %dma_start3A = arith.constant 0 : i32
        %dma_start3A_17 = tpu.memref_slice %arg2[%add3A_10, %dma_start3A] : memref<1280x128xi32, #tpu.memory_space<hbm>> -> memref<40x128xi32, #tpu.memory_space<hbm>>
        %dma_start3A_18 = arith.constant 0 : i32
        %dma_start3A_19 = tpu.memref_slice %arg2[%add3A_10, %dma_start3A_18] : memref<1280x128xi32, #tpu.memory_space<hbm>> -> memref<40x128xi32, #tpu.memory_space<hbm>>
        tpu.enqueue_dma source(%dma_start3A_19 : memref<40x128xi32, #tpu.memory_space<hbm>>) target(%arg7 : memref<40x128xi32, #tpu.memory_space<vmem>>) target_semaphore(%run_scoped3A : memref<!tpu.dma_semaphore, #tpu.memory_space<semaphore_mem>>)
        %dma_wait3A = arith.constant 0 : i32
        %dma_wait3A_20 = tpu.memref_slice %arg2[%add3A_10, %dma_wait3A] : memref<1280x128xi32, #tpu.memory_space<hbm>> -> memref<40x128xi32, #tpu.memory_space<hbm>>
        %dma_wait3A_21 = arith.constant 0 : i32
        %dma_wait3A_22 = tpu.memref_slice %arg2[%add3A_10, %dma_wait3A_21] : memref<1280x128xi32, #tpu.memory_space<hbm>> -> memref<40x128xi32, #tpu.memory_space<hbm>>
        tpu.wait_dma2 semaphore(%run_scoped3A : memref<!tpu.dma_semaphore, #tpu.memory_space<semaphore_mem>>) src(%dma_wait3A_22 : memref<40x128xi32, #tpu.memory_space<hbm>>) dst(%arg7 : memref<40x128xi32, #tpu.memory_space<vmem>>)
        tpu.yield
      }) : () -> ()
      %scan3A = arith.constant 0 : i32
      %scan3A_11 = arith.constant 0 : i32
      %scan3A_12 = arith.constant 40 : i32
      %scan3A_13 = arith.addi %scan3A_11, %scan3A_12 : i32
      %scan3A_14 = arith.constant 1 : i32
      scf.for %scan3A_17 = %scan3A_11 to %scan3A_13 step %scan3A_14  : i32 {
        "tpu.region"() ({
          %run_scoped3A = tpu.sem_alloc : memref<!tpu.dma_semaphore, #tpu.memory_space<semaphore_mem>>
          %dma_start3A = arith.constant 0 : i32
          %dma_start3A_18 = tpu.memref_slice %arg7[%scan3A_17, %dma_start3A] : memref<40x128xi32, #tpu.memory_space<vmem>> -> memref<1x128xi32, #tpu.memory_space<vmem>>
          %dma_start3A_19 = tpu.memref_squeeze %dma_start3A_18 : memref<1x128xi32, #tpu.memory_space<vmem>> -> memref<128xi32, #tpu.memory_space<vmem>>
          %dma_start3A_20 = arith.constant 0 : i32
          %dma_start3A_21 = arith.constant 0 : i32
          %dma_start3A_22 = tpu.memref_slice %arg9[%dma_start3A_20, %dma_start3A_21] : memref<10240x128xf32, #tpu.memory_space<vmem_shared>> -> memref<10240x128xf32, #tpu.memory_space<vmem_shared>>
          tpu.enqueue_indirect_dma source(%arg8 : memref<128x128xf32, #tpu.memory_space<vmem>>) target(%dma_start3A_22 : memref<10240x128xf32, #tpu.memory_space<vmem_shared>>) offsets(%dma_start3A_19 : memref<128xi32, #tpu.memory_space<vmem>>) semaphore(%run_scoped3A : memref<!tpu.dma_semaphore, #tpu.memory_space<semaphore_mem>>) {add = true}
          %dma_wait3A = arith.constant 0 : i32
          %dma_wait3A_23 = tpu.memref_slice %arg7[%scan3A_17, %dma_wait3A] : memref<40x128xi32, #tpu.memory_space<vmem>> -> memref<1x128xi32, #tpu.memory_space<vmem>>
          %dma_wait3A_24 = tpu.memref_squeeze %dma_wait3A_23 : memref<1x128xi32, #tpu.memory_space<vmem>> -> memref<128xi32, #tpu.memory_space<vmem>>
          %dma_wait3A_25 = arith.constant 0 : i32
          %dma_wait3A_26 = arith.constant 0 : i32
          %dma_wait3A_27 = tpu.memref_slice %arg9[%dma_wait3A_25, %dma_wait3A_26] : memref<10240x128xf32, #tpu.memory_space<vmem_shared>> -> memref<10240x128xf32, #tpu.memory_space<vmem_shared>>
          tpu.wait_indirect_dma semaphore(%run_scoped3A : memref<!tpu.dma_semaphore, #tpu.memory_space<semaphore_mem>>) src(%arg8 : memref<128x128xf32, #tpu.memory_space<vmem>>) dst(%dma_wait3A_27 : memref<10240x128xf32, #tpu.memory_space<vmem_shared>>)
          tpu.yield
        }) : () -> ()
      }
      %scan3A_15 = arith.constant 40 : i32
      %barrier3A_16 = arith.constant 0 : index
      tpu.barrier barrier_id(%barrier3A_16)
      "tpu.region"() ({
        %run_scoped3A = tpu.sem_alloc : memref<!tpu.dma_semaphore, #tpu.memory_space<semaphore_mem>>
        %dma_start3A = arith.constant 0 : i32
        %dma_start3A_17 = tpu.memref_slice %arg6[%mul3A_0, %dma_start3A] : memref<10240x128xf32, #tpu.memory_space<hbm>> -> memref<640x128xf32, #tpu.memory_space<hbm>>
        %dma_start3A_18 = arith.constant 0 : i32
        %dma_start3A_19 = tpu.memref_slice %arg9[%mul3A_0, %dma_start3A_18] : memref<10240x128xf32, #tpu.memory_space<vmem_shared>> -> memref<640x128xf32, #tpu.memory_space<vmem_shared>>
        tpu.enqueue_dma source(%dma_start3A_19 : memref<640x128xf32, #tpu.memory_space<vmem_shared>>) target(%dma_start3A_17 : memref<640x128xf32, #tpu.memory_space<hbm>>) target_semaphore(%run_scoped3A : memref<!tpu.dma_semaphore, #tpu.memory_space<semaphore_mem>>)
        %dma_wait3A = arith.constant 0 : i32
        %dma_wait3A_20 = tpu.memref_slice %arg6[%mul3A_0, %dma_wait3A] : memref<10240x128xf32, #tpu.memory_space<hbm>> -> memref<640x128xf32, #tpu.memory_space<hbm>>
        %dma_wait3A_21 = arith.constant 0 : i32
        %dma_wait3A_22 = tpu.memref_slice %arg9[%mul3A_0, %dma_wait3A_21] : memref<10240x128xf32, #tpu.memory_space<vmem_shared>> -> memref<640x128xf32, #tpu.memory_space<vmem_shared>>
        tpu.wait_dma2 semaphore(%run_scoped3A : memref<!tpu.dma_semaphore, #tpu.memory_space<semaphore_mem>>) src(%dma_wait3A_22 : memref<640x128xf32, #tpu.memory_space<vmem_shared>>) dst(%dma_wait3A_20 : memref<640x128xf32, #tpu.memory_space<hbm>>)
        tpu.yield
      }) : () -> ()
    } else {
    }
    return
  }
}

#map = affine_map<(d0, d1) -> (0, 0)>
module attributes {stable_mosaic.version = 14 : i64} {
  func.func @_segsum_body(%arg0: i32, %arg1: i32, %arg2: memref<10240x128xf32, #tpu.memory_space<hbm>>, %arg3: memref<10240x128xf32, #tpu.memory_space<hbm>>, %arg4: memref<1280x128xi32, #tpu.memory_space<hbm>>, %arg5: memref<1280x128xi32, #tpu.memory_space<hbm>>, %arg6: memref<640x128xf32, #tpu.memory_space<hbm>>, %arg7: memref<10240x128xf32, #tpu.memory_space<hbm>>, %arg8: memref<10240x128xf32, #tpu.memory_space<hbm>>, %arg9: memref<40x128xi32, #tpu.memory_space<vmem>>, %arg10: memref<40x128xi32, #tpu.memory_space<vmem>>, %arg11: memref<128x128xf32, #tpu.memory_space<vmem>>, %arg12: memref<128x128xf32, #tpu.memory_space<vmem>>, %arg13: memref<10240x128xf32, #tpu.memory_space<vmem_shared>>, %arg14: memref<!tpu.dma_semaphore, #tpu.memory_space<semaphore_mem>>, %arg15: memref<!tpu.dma_semaphore, #tpu.memory_space<semaphore_mem>>) attributes {dimension_semantics = [#tpu.dimension_semantics<core_parallel>, #tpu.dimension_semantics<subcore_parallel>], iteration_bounds = array<i64: 2, 16>, scalar_prefetch = 0 : i64, scratch_operands = 7 : i64, tpu.core_type = #tpu.core_type<sc_vector_subcore>, window_params = [{transform_indices = #map}, {transform_indices = #map}, {transform_indices = #map}, {transform_indices = #map}, {transform_indices = #map}, {transform_indices = #map}, {transform_indices = #map}]} {
    %mul3A = arith.constant 640 : i32
    %mul3A_0 = arith.muli %arg1, %mul3A : i32
    "tpu.region"() ({
      %run_scoped3A = tpu.sem_alloc : memref<!tpu.dma_semaphore, #tpu.memory_space<semaphore_mem>>
      %dma_start3A = arith.constant 0 : i32
      %dma_start3A_8 = tpu.memref_slice %arg13[%mul3A_0, %dma_start3A] : memref<10240x128xf32, #tpu.memory_space<vmem_shared>> -> memref<640x128xf32, #tpu.memory_space<vmem_shared>>
      tpu.enqueue_dma source(%arg6 : memref<640x128xf32, #tpu.memory_space<hbm>>) target(%dma_start3A_8 : memref<640x128xf32, #tpu.memory_space<vmem_shared>>) target_semaphore(%run_scoped3A : memref<!tpu.dma_semaphore, #tpu.memory_space<semaphore_mem>>)
      %dma_wait3A = arith.constant 0 : i32
      %dma_wait3A_9 = tpu.memref_slice %arg13[%mul3A_0, %dma_wait3A] : memref<10240x128xf32, #tpu.memory_space<vmem_shared>> -> memref<640x128xf32, #tpu.memory_space<vmem_shared>>
      tpu.wait_dma2 semaphore(%run_scoped3A : memref<!tpu.dma_semaphore, #tpu.memory_space<semaphore_mem>>) src(%arg6 : memref<640x128xf32, #tpu.memory_space<hbm>>) dst(%dma_wait3A_9 : memref<640x128xf32, #tpu.memory_space<vmem_shared>>)
      tpu.yield
    }) : () -> ()
    %barrier3A = arith.constant 0 : index
    tpu.barrier barrier_id(%barrier3A)
    %eq3A = arith.constant 0 : i32
    %eq3A_1 = arith.cmpi eq, %arg0, %eq3A : i32
    %convert_element_type3A = arith.extui %eq3A_1 : i1 to i32
    %cond3A = arith.constant 0 : i32
    %cond3A_2 = arith.cmpi ne, %convert_element_type3A, %cond3A : i32
    scf.if %cond3A_2 {
      %mul3A_8 = arith.constant 80 : i32
      %mul3A_9 = arith.muli %arg1, %mul3A_8 : i32
      %add3A = arith.constant 0 : i32
      %add3A_10 = arith.addi %mul3A_9, %add3A : i32
      "tpu.region"() ({
        %run_scoped3A = tpu.sem_alloc : memref<!tpu.dma_semaphore, #tpu.memory_space<semaphore_mem>>
        %dma_start3A = arith.constant 0 : i32
        %dma_start3A_35 = tpu.memref_slice %arg4[%add3A_10, %dma_start3A] : memref<1280x128xi32, #tpu.memory_space<hbm>> -> memref<40x128xi32, #tpu.memory_space<hbm>>
        %dma_start3A_36 = arith.constant 0 : i32
        %dma_start3A_37 = tpu.memref_slice %arg4[%add3A_10, %dma_start3A_36] : memref<1280x128xi32, #tpu.memory_space<hbm>> -> memref<40x128xi32, #tpu.memory_space<hbm>>
        tpu.enqueue_dma source(%dma_start3A_37 : memref<40x128xi32, #tpu.memory_space<hbm>>) target(%arg9 : memref<40x128xi32, #tpu.memory_space<vmem>>) target_semaphore(%run_scoped3A : memref<!tpu.dma_semaphore, #tpu.memory_space<semaphore_mem>>)
        %dma_wait3A = arith.constant 0 : i32
        %dma_wait3A_38 = tpu.memref_slice %arg4[%add3A_10, %dma_wait3A] : memref<1280x128xi32, #tpu.memory_space<hbm>> -> memref<40x128xi32, #tpu.memory_space<hbm>>
        %dma_wait3A_39 = arith.constant 0 : i32
        %dma_wait3A_40 = tpu.memref_slice %arg4[%add3A_10, %dma_wait3A_39] : memref<1280x128xi32, #tpu.memory_space<hbm>> -> memref<40x128xi32, #tpu.memory_space<hbm>>
        tpu.wait_dma2 semaphore(%run_scoped3A : memref<!tpu.dma_semaphore, #tpu.memory_space<semaphore_mem>>) src(%dma_wait3A_40 : memref<40x128xi32, #tpu.memory_space<hbm>>) dst(%arg9 : memref<40x128xi32, #tpu.memory_space<vmem>>)
        tpu.yield
      }) : () -> ()
      %mul3A_11 = arith.constant 80 : i32
      %mul3A_12 = arith.muli %arg1, %mul3A_11 : i32
      %add3A_13 = arith.constant 0 : i32
      %add3A_14 = arith.addi %mul3A_12, %add3A_13 : i32
      "tpu.region"() ({
        %run_scoped3A = tpu.sem_alloc : memref<!tpu.dma_semaphore, #tpu.memory_space<semaphore_mem>>
        %dma_start3A = arith.constant 0 : i32
        %dma_start3A_35 = tpu.memref_slice %arg5[%add3A_14, %dma_start3A] : memref<1280x128xi32, #tpu.memory_space<hbm>> -> memref<40x128xi32, #tpu.memory_space<hbm>>
        %dma_start3A_36 = arith.constant 0 : i32
        %dma_start3A_37 = tpu.memref_slice %arg5[%add3A_14, %dma_start3A_36] : memref<1280x128xi32, #tpu.memory_space<hbm>> -> memref<40x128xi32, #tpu.memory_space<hbm>>
        tpu.enqueue_dma source(%dma_start3A_37 : memref<40x128xi32, #tpu.memory_space<hbm>>) target(%arg10 : memref<40x128xi32, #tpu.memory_space<vmem>>) target_semaphore(%run_scoped3A : memref<!tpu.dma_semaphore, #tpu.memory_space<semaphore_mem>>)
        %dma_wait3A = arith.constant 0 : i32
        %dma_wait3A_38 = tpu.memref_slice %arg5[%add3A_14, %dma_wait3A] : memref<1280x128xi32, #tpu.memory_space<hbm>> -> memref<40x128xi32, #tpu.memory_space<hbm>>
        %dma_wait3A_39 = arith.constant 0 : i32
        %dma_wait3A_40 = tpu.memref_slice %arg5[%add3A_14, %dma_wait3A_39] : memref<1280x128xi32, #tpu.memory_space<hbm>> -> memref<40x128xi32, #tpu.memory_space<hbm>>
        tpu.wait_dma2 semaphore(%run_scoped3A : memref<!tpu.dma_semaphore, #tpu.memory_space<semaphore_mem>>) src(%dma_wait3A_40 : memref<40x128xi32, #tpu.memory_space<hbm>>) dst(%arg10 : memref<40x128xi32, #tpu.memory_space<vmem>>)
        tpu.yield
      }) : () -> ()
      %scan3A = arith.constant 0 : i32
      %scan3A_15 = arith.constant 0 : i32
      %scan3A_16 = arith.constant 40 : i32
      %scan3A_17 = arith.addi %scan3A_15, %scan3A_16 : i32
      %scan3A_18 = arith.constant 1 : i32
      scf.for %scan3A_35 = %scan3A_15 to %scan3A_17 step %scan3A_18  : i32 {
        %dma_start3A = arith.constant 0 : i32
        %dma_start3A_36 = tpu.memref_slice %arg9[%scan3A_35, %dma_start3A] : memref<40x128xi32, #tpu.memory_space<vmem>> -> memref<1x128xi32, #tpu.memory_space<vmem>>
        %dma_start3A_37 = tpu.memref_squeeze %dma_start3A_36 : memref<1x128xi32, #tpu.memory_space<vmem>> -> memref<128xi32, #tpu.memory_space<vmem>>
        %dma_start3A_38 = arith.constant 0 : i32
        %dma_start3A_39 = arith.constant 0 : i32
        %dma_start3A_40 = tpu.memref_slice %arg2[%dma_start3A_38, %dma_start3A_39] : memref<10240x128xf32, #tpu.memory_space<hbm>> -> memref<10240x128xf32, #tpu.memory_space<hbm>>
        tpu.enqueue_indirect_dma source(%dma_start3A_40 : memref<10240x128xf32, #tpu.memory_space<hbm>>) target(%arg11 : memref<128x128xf32, #tpu.memory_space<vmem>>) offsets(%dma_start3A_37 : memref<128xi32, #tpu.memory_space<vmem>>) semaphore(%arg14 : memref<!tpu.dma_semaphore, #tpu.memory_space<semaphore_mem>>)
        %dma_wait3A = arith.constant 0 : i32
        %dma_wait3A_41 = tpu.memref_slice %arg9[%scan3A_35, %dma_wait3A] : memref<40x128xi32, #tpu.memory_space<vmem>> -> memref<1x128xi32, #tpu.memory_space<vmem>>
        %dma_wait3A_42 = tpu.memref_squeeze %dma_wait3A_41 : memref<1x128xi32, #tpu.memory_space<vmem>> -> memref<128xi32, #tpu.memory_space<vmem>>
        %dma_wait3A_43 = arith.constant 0 : i32
        %dma_wait3A_44 = arith.constant 0 : i32
        %dma_wait3A_45 = tpu.memref_slice %arg2[%dma_wait3A_43, %dma_wait3A_44] : memref<10240x128xf32, #tpu.memory_space<hbm>> -> memref<10240x128xf32, #tpu.memory_space<hbm>>
        tpu.wait_indirect_dma semaphore(%arg14 : memref<!tpu.dma_semaphore, #tpu.memory_space<semaphore_mem>>) src(%dma_wait3A_45 : memref<10240x128xf32, #tpu.memory_space<hbm>>) dst(%arg11 : memref<128x128xf32, #tpu.memory_space<vmem>>)
        "tpu.region"() ({
          %run_scoped3A = tpu.sem_alloc : memref<!tpu.dma_semaphore, #tpu.memory_space<semaphore_mem>>
          %dma_start3A_46 = arith.constant 0 : i32
          %dma_start3A_47 = tpu.memref_slice %arg10[%scan3A_35, %dma_start3A_46] : memref<40x128xi32, #tpu.memory_space<vmem>> -> memref<1x128xi32, #tpu.memory_space<vmem>>
          %dma_start3A_48 = tpu.memref_squeeze %dma_start3A_47 : memref<1x128xi32, #tpu.memory_space<vmem>> -> memref<128xi32, #tpu.memory_space<vmem>>
          %dma_start3A_49 = arith.constant 0 : i32
          %dma_start3A_50 = arith.constant 0 : i32
          %dma_start3A_51 = tpu.memref_slice %arg13[%dma_start3A_49, %dma_start3A_50] : memref<10240x128xf32, #tpu.memory_space<vmem_shared>> -> memref<10240x128xf32, #tpu.memory_space<vmem_shared>>
          tpu.enqueue_indirect_dma source(%arg11 : memref<128x128xf32, #tpu.memory_space<vmem>>) target(%dma_start3A_51 : memref<10240x128xf32, #tpu.memory_space<vmem_shared>>) offsets(%dma_start3A_48 : memref<128xi32, #tpu.memory_space<vmem>>) semaphore(%run_scoped3A : memref<!tpu.dma_semaphore, #tpu.memory_space<semaphore_mem>>) {add = true}
          %dma_wait3A_52 = arith.constant 0 : i32
          %dma_wait3A_53 = tpu.memref_slice %arg10[%scan3A_35, %dma_wait3A_52] : memref<40x128xi32, #tpu.memory_space<vmem>> -> memref<1x128xi32, #tpu.memory_space<vmem>>
          %dma_wait3A_54 = tpu.memref_squeeze %dma_wait3A_53 : memref<1x128xi32, #tpu.memory_space<vmem>> -> memref<128xi32, #tpu.memory_space<vmem>>
          %dma_wait3A_55 = arith.constant 0 : i32
          %dma_wait3A_56 = arith.constant 0 : i32
          %dma_wait3A_57 = tpu.memref_slice %arg13[%dma_wait3A_55, %dma_wait3A_56] : memref<10240x128xf32, #tpu.memory_space<vmem_shared>> -> memref<10240x128xf32, #tpu.memory_space<vmem_shared>>
          tpu.wait_indirect_dma semaphore(%run_scoped3A : memref<!tpu.dma_semaphore, #tpu.memory_space<semaphore_mem>>) src(%arg11 : memref<128x128xf32, #tpu.memory_space<vmem>>) dst(%dma_wait3A_57 : memref<10240x128xf32, #tpu.memory_space<vmem_shared>>)
          tpu.yield
        }) : () -> ()
      }
      %scan3A_19 = arith.constant 40 : i32
      %mul3A_20 = arith.constant 80 : i32
      %mul3A_21 = arith.muli %arg1, %mul3A_20 : i32
      %add3A_22 = arith.constant 40 : i32
      %add3A_23 = arith.addi %mul3A_21, %add3A_22 : i32
      "tpu.region"() ({
        %run_scoped3A = tpu.sem_alloc : memref<!tpu.dma_semaphore, #tpu.memory_space<semaphore_mem>>
        %dma_start3A = arith.constant 0 : i32
        %dma_start3A_35 = tpu.memref_slice %arg4[%add3A_23, %dma_start3A] : memref<1280x128xi32, #tpu.memory_space<hbm>> -> memref<40x128xi32, #tpu.memory_space<hbm>>
        %dma_start3A_36 = arith.constant 0 : i32
        %dma_start3A_37 = tpu.memref_slice %arg4[%add3A_23, %dma_start3A_36] : memref<1280x128xi32, #tpu.memory_space<hbm>> -> memref<40x128xi32, #tpu.memory_space<hbm>>
        tpu.enqueue_dma source(%dma_start3A_37 : memref<40x128xi32, #tpu.memory_space<hbm>>) target(%arg9 : memref<40x128xi32, #tpu.memory_space<vmem>>) target_semaphore(%run_scoped3A : memref<!tpu.dma_semaphore, #tpu.memory_space<semaphore_mem>>)
        %dma_wait3A = arith.constant 0 : i32
        %dma_wait3A_38 = tpu.memref_slice %arg4[%add3A_23, %dma_wait3A] : memref<1280x128xi32, #tpu.memory_space<hbm>> -> memref<40x128xi32, #tpu.memory_space<hbm>>
        %dma_wait3A_39 = arith.constant 0 : i32
        %dma_wait3A_40 = tpu.memref_slice %arg4[%add3A_23, %dma_wait3A_39] : memref<1280x128xi32, #tpu.memory_space<hbm>> -> memref<40x128xi32, #tpu.memory_space<hbm>>
        tpu.wait_dma2 semaphore(%run_scoped3A : memref<!tpu.dma_semaphore, #tpu.memory_space<semaphore_mem>>) src(%dma_wait3A_40 : memref<40x128xi32, #tpu.memory_space<hbm>>) dst(%arg9 : memref<40x128xi32, #tpu.memory_space<vmem>>)
        tpu.yield
      }) : () -> ()
      %mul3A_24 = arith.constant 80 : i32
      %mul3A_25 = arith.muli %arg1, %mul3A_24 : i32
      %add3A_26 = arith.constant 40 : i32
      %add3A_27 = arith.addi %mul3A_25, %add3A_26 : i32
      "tpu.region"() ({
        %run_scoped3A = tpu.sem_alloc : memref<!tpu.dma_semaphore, #tpu.memory_space<semaphore_mem>>
        %dma_start3A = arith.constant 0 : i32
        %dma_start3A_35 = tpu.memref_slice %arg5[%add3A_27, %dma_start3A] : memref<1280x128xi32, #tpu.memory_space<hbm>> -> memref<40x128xi32, #tpu.memory_space<hbm>>
        %dma_start3A_36 = arith.constant 0 : i32
        %dma_start3A_37 = tpu.memref_slice %arg5[%add3A_27, %dma_start3A_36] : memref<1280x128xi32, #tpu.memory_space<hbm>> -> memref<40x128xi32, #tpu.memory_space<hbm>>
        tpu.enqueue_dma source(%dma_start3A_37 : memref<40x128xi32, #tpu.memory_space<hbm>>) target(%arg10 : memref<40x128xi32, #tpu.memory_space<vmem>>) target_semaphore(%run_scoped3A : memref<!tpu.dma_semaphore, #tpu.memory_space<semaphore_mem>>)
        %dma_wait3A = arith.constant 0 : i32
        %dma_wait3A_38 = tpu.memref_slice %arg5[%add3A_27, %dma_wait3A] : memref<1280x128xi32, #tpu.memory_space<hbm>> -> memref<40x128xi32, #tpu.memory_space<hbm>>
        %dma_wait3A_39 = arith.constant 0 : i32
        %dma_wait3A_40 = tpu.memref_slice %arg5[%add3A_27, %dma_wait3A_39] : memref<1280x128xi32, #tpu.memory_space<hbm>> -> memref<40x128xi32, #tpu.memory_space<hbm>>
        tpu.wait_dma2 semaphore(%run_scoped3A : memref<!tpu.dma_semaphore, #tpu.memory_space<semaphore_mem>>) src(%dma_wait3A_40 : memref<40x128xi32, #tpu.memory_space<hbm>>) dst(%arg10 : memref<40x128xi32, #tpu.memory_space<vmem>>)
        tpu.yield
      }) : () -> ()
      %scan3A_28 = arith.constant 0 : i32
      %scan3A_29 = arith.constant 0 : i32
      %scan3A_30 = arith.constant 40 : i32
      %scan3A_31 = arith.addi %scan3A_29, %scan3A_30 : i32
      %scan3A_32 = arith.constant 1 : i32
      scf.for %scan3A_35 = %scan3A_29 to %scan3A_31 step %scan3A_32  : i32 {
        %dma_start3A = arith.constant 0 : i32
        %dma_start3A_36 = tpu.memref_slice %arg9[%scan3A_35, %dma_start3A] : memref<40x128xi32, #tpu.memory_space<vmem>> -> memref<1x128xi32, #tpu.memory_space<vmem>>
        %dma_start3A_37 = tpu.memref_squeeze %dma_start3A_36 : memref<1x128xi32, #tpu.memory_space<vmem>> -> memref<128xi32, #tpu.memory_space<vmem>>
        %dma_start3A_38 = arith.constant 0 : i32
        %dma_start3A_39 = arith.constant 0 : i32
        %dma_start3A_40 = tpu.memref_slice %arg2[%dma_start3A_38, %dma_start3A_39] : memref<10240x128xf32, #tpu.memory_space<hbm>> -> memref<10240x128xf32, #tpu.memory_space<hbm>>
        tpu.enqueue_indirect_dma source(%dma_start3A_40 : memref<10240x128xf32, #tpu.memory_space<hbm>>) target(%arg11 : memref<128x128xf32, #tpu.memory_space<vmem>>) offsets(%dma_start3A_37 : memref<128xi32, #tpu.memory_space<vmem>>) semaphore(%arg14 : memref<!tpu.dma_semaphore, #tpu.memory_space<semaphore_mem>>)
        %dma_wait3A = arith.constant 0 : i32
        %dma_wait3A_41 = tpu.memref_slice %arg9[%scan3A_35, %dma_wait3A] : memref<40x128xi32, #tpu.memory_space<vmem>> -> memref<1x128xi32, #tpu.memory_space<vmem>>
        %dma_wait3A_42 = tpu.memref_squeeze %dma_wait3A_41 : memref<1x128xi32, #tpu.memory_space<vmem>> -> memref<128xi32, #tpu.memory_space<vmem>>
        %dma_wait3A_43 = arith.constant 0 : i32
        %dma_wait3A_44 = arith.constant 0 : i32
        %dma_wait3A_45 = tpu.memref_slice %arg2[%dma_wait3A_43, %dma_wait3A_44] : memref<10240x128xf32, #tpu.memory_space<hbm>> -> memref<10240x128xf32, #tpu.memory_space<hbm>>
        tpu.wait_indirect_dma semaphore(%arg14 : memref<!tpu.dma_semaphore, #tpu.memory_space<semaphore_mem>>) src(%dma_wait3A_45 : memref<10240x128xf32, #tpu.memory_space<hbm>>) dst(%arg11 : memref<128x128xf32, #tpu.memory_space<vmem>>)
        "tpu.region"() ({
          %run_scoped3A = tpu.sem_alloc : memref<!tpu.dma_semaphore, #tpu.memory_space<semaphore_mem>>
          %dma_start3A_46 = arith.constant 0 : i32
          %dma_start3A_47 = tpu.memref_slice %arg10[%scan3A_35, %dma_start3A_46] : memref<40x128xi32, #tpu.memory_space<vmem>> -> memref<1x128xi32, #tpu.memory_space<vmem>>
          %dma_start3A_48 = tpu.memref_squeeze %dma_start3A_47 : memref<1x128xi32, #tpu.memory_space<vmem>> -> memref<128xi32, #tpu.memory_space<vmem>>
          %dma_start3A_49 = arith.constant 0 : i32
          %dma_start3A_50 = arith.constant 0 : i32
          %dma_start3A_51 = tpu.memref_slice %arg13[%dma_start3A_49, %dma_start3A_50] : memref<10240x128xf32, #tpu.memory_space<vmem_shared>> -> memref<10240x128xf32, #tpu.memory_space<vmem_shared>>
          tpu.enqueue_indirect_dma source(%arg11 : memref<128x128xf32, #tpu.memory_space<vmem>>) target(%dma_start3A_51 : memref<10240x128xf32, #tpu.memory_space<vmem_shared>>) offsets(%dma_start3A_48 : memref<128xi32, #tpu.memory_space<vmem>>) semaphore(%run_scoped3A : memref<!tpu.dma_semaphore, #tpu.memory_space<semaphore_mem>>) {add = true}
          %dma_wait3A_52 = arith.constant 0 : i32
          %dma_wait3A_53 = tpu.memref_slice %arg10[%scan3A_35, %dma_wait3A_52] : memref<40x128xi32, #tpu.memory_space<vmem>> -> memref<1x128xi32, #tpu.memory_space<vmem>>
          %dma_wait3A_54 = tpu.memref_squeeze %dma_wait3A_53 : memref<1x128xi32, #tpu.memory_space<vmem>> -> memref<128xi32, #tpu.memory_space<vmem>>
          %dma_wait3A_55 = arith.constant 0 : i32
          %dma_wait3A_56 = arith.constant 0 : i32
          %dma_wait3A_57 = tpu.memref_slice %arg13[%dma_wait3A_55, %dma_wait3A_56] : memref<10240x128xf32, #tpu.memory_space<vmem_shared>> -> memref<10240x128xf32, #tpu.memory_space<vmem_shared>>
          tpu.wait_indirect_dma semaphore(%run_scoped3A : memref<!tpu.dma_semaphore, #tpu.memory_space<semaphore_mem>>) src(%arg11 : memref<128x128xf32, #tpu.memory_space<vmem>>) dst(%dma_wait3A_57 : memref<10240x128xf32, #tpu.memory_space<vmem_shared>>)
          tpu.yield
        }) : () -> ()
      }
      %scan3A_33 = arith.constant 40 : i32
      %barrier3A_34 = arith.constant 0 : index
      tpu.barrier barrier_id(%barrier3A_34)
      "tpu.region"() ({
        %run_scoped3A = tpu.sem_alloc : memref<!tpu.dma_semaphore, #tpu.memory_space<semaphore_mem>>
        %dma_start3A = arith.constant 0 : i32
        %dma_start3A_35 = tpu.memref_slice %arg7[%mul3A_0, %dma_start3A] : memref<10240x128xf32, #tpu.memory_space<hbm>> -> memref<640x128xf32, #tpu.memory_space<hbm>>
        %dma_start3A_36 = arith.constant 0 : i32
        %dma_start3A_37 = tpu.memref_slice %arg13[%mul3A_0, %dma_start3A_36] : memref<10240x128xf32, #tpu.memory_space<vmem_shared>> -> memref<640x128xf32, #tpu.memory_space<vmem_shared>>
        tpu.enqueue_dma source(%dma_start3A_37 : memref<640x128xf32, #tpu.memory_space<vmem_shared>>) target(%dma_start3A_35 : memref<640x128xf32, #tpu.memory_space<hbm>>) target_semaphore(%run_scoped3A : memref<!tpu.dma_semaphore, #tpu.memory_space<semaphore_mem>>)
        %dma_wait3A = arith.constant 0 : i32
        %dma_wait3A_38 = tpu.memref_slice %arg7[%mul3A_0, %dma_wait3A] : memref<10240x128xf32, #tpu.memory_space<hbm>> -> memref<640x128xf32, #tpu.memory_space<hbm>>
        %dma_wait3A_39 = arith.constant 0 : i32
        %dma_wait3A_40 = tpu.memref_slice %arg13[%mul3A_0, %dma_wait3A_39] : memref<10240x128xf32, #tpu.memory_space<vmem_shared>> -> memref<640x128xf32, #tpu.memory_space<vmem_shared>>
        tpu.wait_dma2 semaphore(%run_scoped3A : memref<!tpu.dma_semaphore, #tpu.memory_space<semaphore_mem>>) src(%dma_wait3A_40 : memref<640x128xf32, #tpu.memory_space<vmem_shared>>) dst(%dma_wait3A_38 : memref<640x128xf32, #tpu.memory_space<hbm>>)
        tpu.yield
      }) : () -> ()
    } else {
    }
    %eq3A_3 = arith.constant 1 : i32
    %eq3A_4 = arith.cmpi eq, %arg0, %eq3A_3 : i32
    %convert_element_type3A_5 = arith.extui %eq3A_4 : i1 to i32
    %cond3A_6 = arith.constant 0 : i32
    %cond3A_7 = arith.cmpi ne, %convert_element_type3A_5, %cond3A_6 : i32
    scf.if %cond3A_7 {
      %mul3A_8 = arith.constant 80 : i32
      %mul3A_9 = arith.muli %arg1, %mul3A_8 : i32
      %add3A = arith.constant 0 : i32
      %add3A_10 = arith.addi %mul3A_9, %add3A : i32
      "tpu.region"() ({
        %run_scoped3A = tpu.sem_alloc : memref<!tpu.dma_semaphore, #tpu.memory_space<semaphore_mem>>
        %dma_start3A = arith.constant 0 : i32
        %dma_start3A_35 = tpu.memref_slice %arg4[%add3A_10, %dma_start3A] : memref<1280x128xi32, #tpu.memory_space<hbm>> -> memref<40x128xi32, #tpu.memory_space<hbm>>
        %dma_start3A_36 = arith.constant 0 : i32
        %dma_start3A_37 = tpu.memref_slice %arg4[%add3A_10, %dma_start3A_36] : memref<1280x128xi32, #tpu.memory_space<hbm>> -> memref<40x128xi32, #tpu.memory_space<hbm>>
        tpu.enqueue_dma source(%dma_start3A_37 : memref<40x128xi32, #tpu.memory_space<hbm>>) target(%arg9 : memref<40x128xi32, #tpu.memory_space<vmem>>) target_semaphore(%run_scoped3A : memref<!tpu.dma_semaphore, #tpu.memory_space<semaphore_mem>>)
        %dma_wait3A = arith.constant 0 : i32
        %dma_wait3A_38 = tpu.memref_slice %arg4[%add3A_10, %dma_wait3A] : memref<1280x128xi32, #tpu.memory_space<hbm>> -> memref<40x128xi32, #tpu.memory_space<hbm>>
        %dma_wait3A_39 = arith.constant 0 : i32
        %dma_wait3A_40 = tpu.memref_slice %arg4[%add3A_10, %dma_wait3A_39] : memref<1280x128xi32, #tpu.memory_space<hbm>> -> memref<40x128xi32, #tpu.memory_space<hbm>>
        tpu.wait_dma2 semaphore(%run_scoped3A : memref<!tpu.dma_semaphore, #tpu.memory_space<semaphore_mem>>) src(%dma_wait3A_40 : memref<40x128xi32, #tpu.memory_space<hbm>>) dst(%arg9 : memref<40x128xi32, #tpu.memory_space<vmem>>)
        tpu.yield
      }) : () -> ()
      %mul3A_11 = arith.constant 80 : i32
      %mul3A_12 = arith.muli %arg1, %mul3A_11 : i32
      %add3A_13 = arith.constant 0 : i32
      %add3A_14 = arith.addi %mul3A_12, %add3A_13 : i32
      "tpu.region"() ({
        %run_scoped3A = tpu.sem_alloc : memref<!tpu.dma_semaphore, #tpu.memory_space<semaphore_mem>>
        %dma_start3A = arith.constant 0 : i32
        %dma_start3A_35 = tpu.memref_slice %arg5[%add3A_14, %dma_start3A] : memref<1280x128xi32, #tpu.memory_space<hbm>> -> memref<40x128xi32, #tpu.memory_space<hbm>>
        %dma_start3A_36 = arith.constant 0 : i32
        %dma_start3A_37 = tpu.memref_slice %arg5[%add3A_14, %dma_start3A_36] : memref<1280x128xi32, #tpu.memory_space<hbm>> -> memref<40x128xi32, #tpu.memory_space<hbm>>
        tpu.enqueue_dma source(%dma_start3A_37 : memref<40x128xi32, #tpu.memory_space<hbm>>) target(%arg10 : memref<40x128xi32, #tpu.memory_space<vmem>>) target_semaphore(%run_scoped3A : memref<!tpu.dma_semaphore, #tpu.memory_space<semaphore_mem>>)
        %dma_wait3A = arith.constant 0 : i32
        %dma_wait3A_38 = tpu.memref_slice %arg5[%add3A_14, %dma_wait3A] : memref<1280x128xi32, #tpu.memory_space<hbm>> -> memref<40x128xi32, #tpu.memory_space<hbm>>
        %dma_wait3A_39 = arith.constant 0 : i32
        %dma_wait3A_40 = tpu.memref_slice %arg5[%add3A_14, %dma_wait3A_39] : memref<1280x128xi32, #tpu.memory_space<hbm>> -> memref<40x128xi32, #tpu.memory_space<hbm>>
        tpu.wait_dma2 semaphore(%run_scoped3A : memref<!tpu.dma_semaphore, #tpu.memory_space<semaphore_mem>>) src(%dma_wait3A_40 : memref<40x128xi32, #tpu.memory_space<hbm>>) dst(%arg10 : memref<40x128xi32, #tpu.memory_space<vmem>>)
        tpu.yield
      }) : () -> ()
      %scan3A = arith.constant 0 : i32
      %scan3A_15 = arith.constant 0 : i32
      %scan3A_16 = arith.constant 40 : i32
      %scan3A_17 = arith.addi %scan3A_15, %scan3A_16 : i32
      %scan3A_18 = arith.constant 1 : i32
      scf.for %scan3A_35 = %scan3A_15 to %scan3A_17 step %scan3A_18  : i32 {
        %dma_start3A = arith.constant 0 : i32
        %dma_start3A_36 = tpu.memref_slice %arg9[%scan3A_35, %dma_start3A] : memref<40x128xi32, #tpu.memory_space<vmem>> -> memref<1x128xi32, #tpu.memory_space<vmem>>
        %dma_start3A_37 = tpu.memref_squeeze %dma_start3A_36 : memref<1x128xi32, #tpu.memory_space<vmem>> -> memref<128xi32, #tpu.memory_space<vmem>>
        %dma_start3A_38 = arith.constant 0 : i32
        %dma_start3A_39 = arith.constant 0 : i32
        %dma_start3A_40 = tpu.memref_slice %arg3[%dma_start3A_38, %dma_start3A_39] : memref<10240x128xf32, #tpu.memory_space<hbm>> -> memref<10240x128xf32, #tpu.memory_space<hbm>>
        tpu.enqueue_indirect_dma source(%dma_start3A_40 : memref<10240x128xf32, #tpu.memory_space<hbm>>) target(%arg11 : memref<128x128xf32, #tpu.memory_space<vmem>>) offsets(%dma_start3A_37 : memref<128xi32, #tpu.memory_space<vmem>>) semaphore(%arg14 : memref<!tpu.dma_semaphore, #tpu.memory_space<semaphore_mem>>)
        %dma_wait3A = arith.constant 0 : i32
        %dma_wait3A_41 = tpu.memref_slice %arg9[%scan3A_35, %dma_wait3A] : memref<40x128xi32, #tpu.memory_space<vmem>> -> memref<1x128xi32, #tpu.memory_space<vmem>>
        %dma_wait3A_42 = tpu.memref_squeeze %dma_wait3A_41 : memref<1x128xi32, #tpu.memory_space<vmem>> -> memref<128xi32, #tpu.memory_space<vmem>>
        %dma_wait3A_43 = arith.constant 0 : i32
        %dma_wait3A_44 = arith.constant 0 : i32
        %dma_wait3A_45 = tpu.memref_slice %arg3[%dma_wait3A_43, %dma_wait3A_44] : memref<10240x128xf32, #tpu.memory_space<hbm>> -> memref<10240x128xf32, #tpu.memory_space<hbm>>
        tpu.wait_indirect_dma semaphore(%arg14 : memref<!tpu.dma_semaphore, #tpu.memory_space<semaphore_mem>>) src(%dma_wait3A_45 : memref<10240x128xf32, #tpu.memory_space<hbm>>) dst(%arg11 : memref<128x128xf32, #tpu.memory_space<vmem>>)
        "tpu.region"() ({
          %run_scoped3A = tpu.sem_alloc : memref<!tpu.dma_semaphore, #tpu.memory_space<semaphore_mem>>
          %dma_start3A_46 = arith.constant 0 : i32
          %dma_start3A_47 = tpu.memref_slice %arg10[%scan3A_35, %dma_start3A_46] : memref<40x128xi32, #tpu.memory_space<vmem>> -> memref<1x128xi32, #tpu.memory_space<vmem>>
          %dma_start3A_48 = tpu.memref_squeeze %dma_start3A_47 : memref<1x128xi32, #tpu.memory_space<vmem>> -> memref<128xi32, #tpu.memory_space<vmem>>
          %dma_start3A_49 = arith.constant 0 : i32
          %dma_start3A_50 = arith.constant 0 : i32
          %dma_start3A_51 = tpu.memref_slice %arg13[%dma_start3A_49, %dma_start3A_50] : memref<10240x128xf32, #tpu.memory_space<vmem_shared>> -> memref<10240x128xf32, #tpu.memory_space<vmem_shared>>
          tpu.enqueue_indirect_dma source(%arg11 : memref<128x128xf32, #tpu.memory_space<vmem>>) target(%dma_start3A_51 : memref<10240x128xf32, #tpu.memory_space<vmem_shared>>) offsets(%dma_start3A_48 : memref<128xi32, #tpu.memory_space<vmem>>) semaphore(%run_scoped3A : memref<!tpu.dma_semaphore, #tpu.memory_space<semaphore_mem>>) {add = true}
          %dma_wait3A_52 = arith.constant 0 : i32
          %dma_wait3A_53 = tpu.memref_slice %arg10[%scan3A_35, %dma_wait3A_52] : memref<40x128xi32, #tpu.memory_space<vmem>> -> memref<1x128xi32, #tpu.memory_space<vmem>>
          %dma_wait3A_54 = tpu.memref_squeeze %dma_wait3A_53 : memref<1x128xi32, #tpu.memory_space<vmem>> -> memref<128xi32, #tpu.memory_space<vmem>>
          %dma_wait3A_55 = arith.constant 0 : i32
          %dma_wait3A_56 = arith.constant 0 : i32
          %dma_wait3A_57 = tpu.memref_slice %arg13[%dma_wait3A_55, %dma_wait3A_56] : memref<10240x128xf32, #tpu.memory_space<vmem_shared>> -> memref<10240x128xf32, #tpu.memory_space<vmem_shared>>
          tpu.wait_indirect_dma semaphore(%run_scoped3A : memref<!tpu.dma_semaphore, #tpu.memory_space<semaphore_mem>>) src(%arg11 : memref<128x128xf32, #tpu.memory_space<vmem>>) dst(%dma_wait3A_57 : memref<10240x128xf32, #tpu.memory_space<vmem_shared>>)
          tpu.yield
        }) : () -> ()
      }
      %scan3A_19 = arith.constant 40 : i32
      %mul3A_20 = arith.constant 80 : i32
      %mul3A_21 = arith.muli %arg1, %mul3A_20 : i32
      %add3A_22 = arith.constant 40 : i32
      %add3A_23 = arith.addi %mul3A_21, %add3A_22 : i32
      "tpu.region"() ({
        %run_scoped3A = tpu.sem_alloc : memref<!tpu.dma_semaphore, #tpu.memory_space<semaphore_mem>>
        %dma_start3A = arith.constant 0 : i32
        %dma_start3A_35 = tpu.memref_slice %arg4[%add3A_23, %dma_start3A] : memref<1280x128xi32, #tpu.memory_space<hbm>> -> memref<40x128xi32, #tpu.memory_space<hbm>>
        %dma_start3A_36 = arith.constant 0 : i32
        %dma_start3A_37 = tpu.memref_slice %arg4[%add3A_23, %dma_start3A_36] : memref<1280x128xi32, #tpu.memory_space<hbm>> -> memref<40x128xi32, #tpu.memory_space<hbm>>
        tpu.enqueue_dma source(%dma_start3A_37 : memref<40x128xi32, #tpu.memory_space<hbm>>) target(%arg9 : memref<40x128xi32, #tpu.memory_space<vmem>>) target_semaphore(%run_scoped3A : memref<!tpu.dma_semaphore, #tpu.memory_space<semaphore_mem>>)
        %dma_wait3A = arith.constant 0 : i32
        %dma_wait3A_38 = tpu.memref_slice %arg4[%add3A_23, %dma_wait3A] : memref<1280x128xi32, #tpu.memory_space<hbm>> -> memref<40x128xi32, #tpu.memory_space<hbm>>
        %dma_wait3A_39 = arith.constant 0 : i32
        %dma_wait3A_40 = tpu.memref_slice %arg4[%add3A_23, %dma_wait3A_39] : memref<1280x128xi32, #tpu.memory_space<hbm>> -> memref<40x128xi32, #tpu.memory_space<hbm>>
        tpu.wait_dma2 semaphore(%run_scoped3A : memref<!tpu.dma_semaphore, #tpu.memory_space<semaphore_mem>>) src(%dma_wait3A_40 : memref<40x128xi32, #tpu.memory_space<hbm>>) dst(%arg9 : memref<40x128xi32, #tpu.memory_space<vmem>>)
        tpu.yield
      }) : () -> ()
      %mul3A_24 = arith.constant 80 : i32
      %mul3A_25 = arith.muli %arg1, %mul3A_24 : i32
      %add3A_26 = arith.constant 40 : i32
      %add3A_27 = arith.addi %mul3A_25, %add3A_26 : i32
      "tpu.region"() ({
        %run_scoped3A = tpu.sem_alloc : memref<!tpu.dma_semaphore, #tpu.memory_space<semaphore_mem>>
        %dma_start3A = arith.constant 0 : i32
        %dma_start3A_35 = tpu.memref_slice %arg5[%add3A_27, %dma_start3A] : memref<1280x128xi32, #tpu.memory_space<hbm>> -> memref<40x128xi32, #tpu.memory_space<hbm>>
        %dma_start3A_36 = arith.constant 0 : i32
        %dma_start3A_37 = tpu.memref_slice %arg5[%add3A_27, %dma_start3A_36] : memref<1280x128xi32, #tpu.memory_space<hbm>> -> memref<40x128xi32, #tpu.memory_space<hbm>>
        tpu.enqueue_dma source(%dma_start3A_37 : memref<40x128xi32, #tpu.memory_space<hbm>>) target(%arg10 : memref<40x128xi32, #tpu.memory_space<vmem>>) target_semaphore(%run_scoped3A : memref<!tpu.dma_semaphore, #tpu.memory_space<semaphore_mem>>)
        %dma_wait3A = arith.constant 0 : i32
        %dma_wait3A_38 = tpu.memref_slice %arg5[%add3A_27, %dma_wait3A] : memref<1280x128xi32, #tpu.memory_space<hbm>> -> memref<40x128xi32, #tpu.memory_space<hbm>>
        %dma_wait3A_39 = arith.constant 0 : i32
        %dma_wait3A_40 = tpu.memref_slice %arg5[%add3A_27, %dma_wait3A_39] : memref<1280x128xi32, #tpu.memory_space<hbm>> -> memref<40x128xi32, #tpu.memory_space<hbm>>
        tpu.wait_dma2 semaphore(%run_scoped3A : memref<!tpu.dma_semaphore, #tpu.memory_space<semaphore_mem>>) src(%dma_wait3A_40 : memref<40x128xi32, #tpu.memory_space<hbm>>) dst(%arg10 : memref<40x128xi32, #tpu.memory_space<vmem>>)
        tpu.yield
      }) : () -> ()
      %scan3A_28 = arith.constant 0 : i32
      %scan3A_29 = arith.constant 0 : i32
      %scan3A_30 = arith.constant 40 : i32
      %scan3A_31 = arith.addi %scan3A_29, %scan3A_30 : i32
      %scan3A_32 = arith.constant 1 : i32
      scf.for %scan3A_35 = %scan3A_29 to %scan3A_31 step %scan3A_32  : i32 {
        %dma_start3A = arith.constant 0 : i32
        %dma_start3A_36 = tpu.memref_slice %arg9[%scan3A_35, %dma_start3A] : memref<40x128xi32, #tpu.memory_space<vmem>> -> memref<1x128xi32, #tpu.memory_space<vmem>>
        %dma_start3A_37 = tpu.memref_squeeze %dma_start3A_36 : memref<1x128xi32, #tpu.memory_space<vmem>> -> memref<128xi32, #tpu.memory_space<vmem>>
        %dma_start3A_38 = arith.constant 0 : i32
        %dma_start3A_39 = arith.constant 0 : i32
        %dma_start3A_40 = tpu.memref_slice %arg3[%dma_start3A_38, %dma_start3A_39] : memref<10240x128xf32, #tpu.memory_space<hbm>> -> memref<10240x128xf32, #tpu.memory_space<hbm>>
        tpu.enqueue_indirect_dma source(%dma_start3A_40 : memref<10240x128xf32, #tpu.memory_space<hbm>>) target(%arg11 : memref<128x128xf32, #tpu.memory_space<vmem>>) offsets(%dma_start3A_37 : memref<128xi32, #tpu.memory_space<vmem>>) semaphore(%arg14 : memref<!tpu.dma_semaphore, #tpu.memory_space<semaphore_mem>>)
        %dma_wait3A = arith.constant 0 : i32
        %dma_wait3A_41 = tpu.memref_slice %arg9[%scan3A_35, %dma_wait3A] : memref<40x128xi32, #tpu.memory_space<vmem>> -> memref<1x128xi32, #tpu.memory_space<vmem>>
        %dma_wait3A_42 = tpu.memref_squeeze %dma_wait3A_41 : memref<1x128xi32, #tpu.memory_space<vmem>> -> memref<128xi32, #tpu.memory_space<vmem>>
        %dma_wait3A_43 = arith.constant 0 : i32
        %dma_wait3A_44 = arith.constant 0 : i32
        %dma_wait3A_45 = tpu.memref_slice %arg3[%dma_wait3A_43, %dma_wait3A_44] : memref<10240x128xf32, #tpu.memory_space<hbm>> -> memref<10240x128xf32, #tpu.memory_space<hbm>>
        tpu.wait_indirect_dma semaphore(%arg14 : memref<!tpu.dma_semaphore, #tpu.memory_space<semaphore_mem>>) src(%dma_wait3A_45 : memref<10240x128xf32, #tpu.memory_space<hbm>>) dst(%arg11 : memref<128x128xf32, #tpu.memory_space<vmem>>)
        "tpu.region"() ({
          %run_scoped3A = tpu.sem_alloc : memref<!tpu.dma_semaphore, #tpu.memory_space<semaphore_mem>>
          %dma_start3A_46 = arith.constant 0 : i32
          %dma_start3A_47 = tpu.memref_slice %arg10[%scan3A_35, %dma_start3A_46] : memref<40x128xi32, #tpu.memory_space<vmem>> -> memref<1x128xi32, #tpu.memory_space<vmem>>
          %dma_start3A_48 = tpu.memref_squeeze %dma_start3A_47 : memref<1x128xi32, #tpu.memory_space<vmem>> -> memref<128xi32, #tpu.memory_space<vmem>>
          %dma_start3A_49 = arith.constant 0 : i32
          %dma_start3A_50 = arith.constant 0 : i32
          %dma_start3A_51 = tpu.memref_slice %arg13[%dma_start3A_49, %dma_start3A_50] : memref<10240x128xf32, #tpu.memory_space<vmem_shared>> -> memref<10240x128xf32, #tpu.memory_space<vmem_shared>>
          tpu.enqueue_indirect_dma source(%arg11 : memref<128x128xf32, #tpu.memory_space<vmem>>) target(%dma_start3A_51 : memref<10240x128xf32, #tpu.memory_space<vmem_shared>>) offsets(%dma_start3A_48 : memref<128xi32, #tpu.memory_space<vmem>>) semaphore(%run_scoped3A : memref<!tpu.dma_semaphore, #tpu.memory_space<semaphore_mem>>) {add = true}
          %dma_wait3A_52 = arith.constant 0 : i32
          %dma_wait3A_53 = tpu.memref_slice %arg10[%scan3A_35, %dma_wait3A_52] : memref<40x128xi32, #tpu.memory_space<vmem>> -> memref<1x128xi32, #tpu.memory_space<vmem>>
          %dma_wait3A_54 = tpu.memref_squeeze %dma_wait3A_53 : memref<1x128xi32, #tpu.memory_space<vmem>> -> memref<128xi32, #tpu.memory_space<vmem>>
          %dma_wait3A_55 = arith.constant 0 : i32
          %dma_wait3A_56 = arith.constant 0 : i32
          %dma_wait3A_57 = tpu.memref_slice %arg13[%dma_wait3A_55, %dma_wait3A_56] : memref<10240x128xf32, #tpu.memory_space<vmem_shared>> -> memref<10240x128xf32, #tpu.memory_space<vmem_shared>>
          tpu.wait_indirect_dma semaphore(%run_scoped3A : memref<!tpu.dma_semaphore, #tpu.memory_space<semaphore_mem>>) src(%arg11 : memref<128x128xf32, #tpu.memory_space<vmem>>) dst(%dma_wait3A_57 : memref<10240x128xf32, #tpu.memory_space<vmem_shared>>)
          tpu.yield
        }) : () -> ()
      }
      %scan3A_33 = arith.constant 40 : i32
      %barrier3A_34 = arith.constant 0 : index
      tpu.barrier barrier_id(%barrier3A_34)
      "tpu.region"() ({
        %run_scoped3A = tpu.sem_alloc : memref<!tpu.dma_semaphore, #tpu.memory_space<semaphore_mem>>
        %dma_start3A = arith.constant 0 : i32
        %dma_start3A_35 = tpu.memref_slice %arg8[%mul3A_0, %dma_start3A] : memref<10240x128xf32, #tpu.memory_space<hbm>> -> memref<640x128xf32, #tpu.memory_space<hbm>>
        %dma_start3A_36 = arith.constant 0 : i32
        %dma_start3A_37 = tpu.memref_slice %arg13[%mul3A_0, %dma_start3A_36] : memref<10240x128xf32, #tpu.memory_space<vmem_shared>> -> memref<640x128xf32, #tpu.memory_space<vmem_shared>>
        tpu.enqueue_dma source(%dma_start3A_37 : memref<640x128xf32, #tpu.memory_space<vmem_shared>>) target(%dma_start3A_35 : memref<640x128xf32, #tpu.memory_space<hbm>>) target_semaphore(%run_scoped3A : memref<!tpu.dma_semaphore, #tpu.memory_space<semaphore_mem>>)
        %dma_wait3A = arith.constant 0 : i32
        %dma_wait3A_38 = tpu.memref_slice %arg8[%mul3A_0, %dma_wait3A] : memref<10240x128xf32, #tpu.memory_space<hbm>> -> memref<640x128xf32, #tpu.memory_space<hbm>>
        %dma_wait3A_39 = arith.constant 0 : i32
        %dma_wait3A_40 = tpu.memref_slice %arg13[%mul3A_0, %dma_wait3A_39] : memref<10240x128xf32, #tpu.memory_space<vmem_shared>> -> memref<640x128xf32, #tpu.memory_space<vmem_shared>>
        tpu.wait_dma2 semaphore(%run_scoped3A : memref<!tpu.dma_semaphore, #tpu.memory_space<semaphore_mem>>) src(%dma_wait3A_40 : memref<640x128xf32, #tpu.memory_space<vmem_shared>>) dst(%dma_wait3A_38 : memref<640x128xf32, #tpu.memory_space<hbm>>)
        tpu.yield
      }) : () -> ()
    } else {
    }
    return
  }
}

#map = affine_map<(d0, d1) -> (0, 0)>
module attributes {stable_mosaic.version = 14 : i64} {
  func.func @_segsum_body(%arg0: i32, %arg1: i32, %arg2: memref<10240x128xf32, #tpu.memory_space<hbm>>, %arg3: memref<10240x128xf32, #tpu.memory_space<hbm>>, %arg4: memref<1280x128xi32, #tpu.memory_space<hbm>>, %arg5: memref<1280x128xi32, #tpu.memory_space<hbm>>, %arg6: memref<640x128xf32, #tpu.memory_space<hbm>>, %arg7: memref<10240x128xf32, #tpu.memory_space<hbm>>, %arg8: memref<10240x128xf32, #tpu.memory_space<hbm>>, %arg9: memref<40x128xi32, #tpu.memory_space<vmem>>, %arg10: memref<40x128xi32, #tpu.memory_space<vmem>>, %arg11: memref<128x128xf32, #tpu.memory_space<vmem>>, %arg12: memref<128x128xf32, #tpu.memory_space<vmem>>, %arg13: memref<10240x128xf32, #tpu.memory_space<vmem_shared>>, %arg14: memref<!tpu.dma_semaphore, #tpu.memory_space<semaphore_mem>>, %arg15: memref<!tpu.dma_semaphore, #tpu.memory_space<semaphore_mem>>) attributes {dimension_semantics = [#tpu.dimension_semantics<core_parallel>, #tpu.dimension_semantics<subcore_parallel>], iteration_bounds = array<i64: 2, 16>, scalar_prefetch = 0 : i64, scratch_operands = 7 : i64, tpu.core_type = #tpu.core_type<sc_vector_subcore>, window_params = [{transform_indices = #map}, {transform_indices = #map}, {transform_indices = #map}, {transform_indices = #map}, {transform_indices = #map}, {transform_indices = #map}, {transform_indices = #map}]} {
    %mul3A = arith.constant 640 : i32
    %mul3A_0 = arith.muli %arg1, %mul3A : i32
    "tpu.region"() ({
      %run_scoped3A = tpu.sem_alloc : memref<!tpu.dma_semaphore, #tpu.memory_space<semaphore_mem>>
      %dma_start3A = arith.constant 0 : i32
      %dma_start3A_8 = tpu.memref_slice %arg13[%mul3A_0, %dma_start3A] : memref<10240x128xf32, #tpu.memory_space<vmem_shared>> -> memref<640x128xf32, #tpu.memory_space<vmem_shared>>
      tpu.enqueue_dma source(%arg6 : memref<640x128xf32, #tpu.memory_space<hbm>>) target(%dma_start3A_8 : memref<640x128xf32, #tpu.memory_space<vmem_shared>>) target_semaphore(%run_scoped3A : memref<!tpu.dma_semaphore, #tpu.memory_space<semaphore_mem>>)
      %dma_wait3A = arith.constant 0 : i32
      %dma_wait3A_9 = tpu.memref_slice %arg13[%mul3A_0, %dma_wait3A] : memref<10240x128xf32, #tpu.memory_space<vmem_shared>> -> memref<640x128xf32, #tpu.memory_space<vmem_shared>>
      tpu.wait_dma2 semaphore(%run_scoped3A : memref<!tpu.dma_semaphore, #tpu.memory_space<semaphore_mem>>) src(%arg6 : memref<640x128xf32, #tpu.memory_space<hbm>>) dst(%dma_wait3A_9 : memref<640x128xf32, #tpu.memory_space<vmem_shared>>)
      tpu.yield
    }) : () -> ()
    %barrier3A = arith.constant 0 : index
    tpu.barrier barrier_id(%barrier3A)
    %eq3A = arith.constant 0 : i32
    %eq3A_1 = arith.cmpi eq, %arg0, %eq3A : i32
    %convert_element_type3A = arith.extui %eq3A_1 : i1 to i32
    %cond3A = arith.constant 0 : i32
    %cond3A_2 = arith.cmpi ne, %convert_element_type3A, %cond3A : i32
    scf.if %cond3A_2 {
      %mul3A_8 = arith.constant 80 : i32
      %mul3A_9 = arith.muli %arg1, %mul3A_8 : i32
      %add3A = arith.constant 0 : i32
      %add3A_10 = arith.addi %mul3A_9, %add3A : i32
      "tpu.region"() ({
        %run_scoped3A = tpu.sem_alloc : memref<!tpu.dma_semaphore, #tpu.memory_space<semaphore_mem>>
        %dma_start3A = arith.constant 0 : i32
        %dma_start3A_35 = tpu.memref_slice %arg4[%add3A_10, %dma_start3A] : memref<1280x128xi32, #tpu.memory_space<hbm>> -> memref<40x128xi32, #tpu.memory_space<hbm>>
        %dma_start3A_36 = arith.constant 0 : i32
        %dma_start3A_37 = tpu.memref_slice %arg4[%add3A_10, %dma_start3A_36] : memref<1280x128xi32, #tpu.memory_space<hbm>> -> memref<40x128xi32, #tpu.memory_space<hbm>>
        tpu.enqueue_dma source(%dma_start3A_37 : memref<40x128xi32, #tpu.memory_space<hbm>>) target(%arg9 : memref<40x128xi32, #tpu.memory_space<vmem>>) target_semaphore(%run_scoped3A : memref<!tpu.dma_semaphore, #tpu.memory_space<semaphore_mem>>)
        %dma_wait3A = arith.constant 0 : i32
        %dma_wait3A_38 = tpu.memref_slice %arg4[%add3A_10, %dma_wait3A] : memref<1280x128xi32, #tpu.memory_space<hbm>> -> memref<40x128xi32, #tpu.memory_space<hbm>>
        %dma_wait3A_39 = arith.constant 0 : i32
        %dma_wait3A_40 = tpu.memref_slice %arg4[%add3A_10, %dma_wait3A_39] : memref<1280x128xi32, #tpu.memory_space<hbm>> -> memref<40x128xi32, #tpu.memory_space<hbm>>
        tpu.wait_dma2 semaphore(%run_scoped3A : memref<!tpu.dma_semaphore, #tpu.memory_space<semaphore_mem>>) src(%dma_wait3A_40 : memref<40x128xi32, #tpu.memory_space<hbm>>) dst(%arg9 : memref<40x128xi32, #tpu.memory_space<vmem>>)
        tpu.yield
      }) : () -> ()
      %mul3A_11 = arith.constant 80 : i32
      %mul3A_12 = arith.muli %arg1, %mul3A_11 : i32
      %add3A_13 = arith.constant 0 : i32
      %add3A_14 = arith.addi %mul3A_12, %add3A_13 : i32
      "tpu.region"() ({
        %run_scoped3A = tpu.sem_alloc : memref<!tpu.dma_semaphore, #tpu.memory_space<semaphore_mem>>
        %dma_start3A = arith.constant 0 : i32
        %dma_start3A_35 = tpu.memref_slice %arg5[%add3A_14, %dma_start3A] : memref<1280x128xi32, #tpu.memory_space<hbm>> -> memref<40x128xi32, #tpu.memory_space<hbm>>
        %dma_start3A_36 = arith.constant 0 : i32
        %dma_start3A_37 = tpu.memref_slice %arg5[%add3A_14, %dma_start3A_36] : memref<1280x128xi32, #tpu.memory_space<hbm>> -> memref<40x128xi32, #tpu.memory_space<hbm>>
        tpu.enqueue_dma source(%dma_start3A_37 : memref<40x128xi32, #tpu.memory_space<hbm>>) target(%arg10 : memref<40x128xi32, #tpu.memory_space<vmem>>) target_semaphore(%run_scoped3A : memref<!tpu.dma_semaphore, #tpu.memory_space<semaphore_mem>>)
        %dma_wait3A = arith.constant 0 : i32
        %dma_wait3A_38 = tpu.memref_slice %arg5[%add3A_14, %dma_wait3A] : memref<1280x128xi32, #tpu.memory_space<hbm>> -> memref<40x128xi32, #tpu.memory_space<hbm>>
        %dma_wait3A_39 = arith.constant 0 : i32
        %dma_wait3A_40 = tpu.memref_slice %arg5[%add3A_14, %dma_wait3A_39] : memref<1280x128xi32, #tpu.memory_space<hbm>> -> memref<40x128xi32, #tpu.memory_space<hbm>>
        tpu.wait_dma2 semaphore(%run_scoped3A : memref<!tpu.dma_semaphore, #tpu.memory_space<semaphore_mem>>) src(%dma_wait3A_40 : memref<40x128xi32, #tpu.memory_space<hbm>>) dst(%arg10 : memref<40x128xi32, #tpu.memory_space<vmem>>)
        tpu.yield
      }) : () -> ()
      %scan3A = arith.constant 0 : i32
      %scan3A_15 = arith.constant 0 : i32
      %scan3A_16 = arith.constant 40 : i32
      %scan3A_17 = arith.addi %scan3A_15, %scan3A_16 : i32
      %scan3A_18 = arith.constant 1 : i32
      scf.for %scan3A_35 = %scan3A_15 to %scan3A_17 step %scan3A_18  : i32 {
        %dma_start3A = arith.constant 0 : i32
        %dma_start3A_36 = tpu.memref_slice %arg9[%scan3A_35, %dma_start3A] : memref<40x128xi32, #tpu.memory_space<vmem>> -> memref<1x128xi32, #tpu.memory_space<vmem>>
        %dma_start3A_37 = tpu.memref_squeeze %dma_start3A_36 : memref<1x128xi32, #tpu.memory_space<vmem>> -> memref<128xi32, #tpu.memory_space<vmem>>
        %dma_start3A_38 = arith.constant 0 : i32
        %dma_start3A_39 = arith.constant 0 : i32
        %dma_start3A_40 = tpu.memref_slice %arg2[%dma_start3A_38, %dma_start3A_39] : memref<10240x128xf32, #tpu.memory_space<hbm>> -> memref<10240x128xf32, #tpu.memory_space<hbm>>
        tpu.enqueue_indirect_dma source(%dma_start3A_40 : memref<10240x128xf32, #tpu.memory_space<hbm>>) target(%arg11 : memref<128x128xf32, #tpu.memory_space<vmem>>) offsets(%dma_start3A_37 : memref<128xi32, #tpu.memory_space<vmem>>) semaphore(%arg14 : memref<!tpu.dma_semaphore, #tpu.memory_space<semaphore_mem>>)
        %dma_wait3A = arith.constant 0 : i32
        %dma_wait3A_41 = tpu.memref_slice %arg9[%scan3A_35, %dma_wait3A] : memref<40x128xi32, #tpu.memory_space<vmem>> -> memref<1x128xi32, #tpu.memory_space<vmem>>
        %dma_wait3A_42 = tpu.memref_squeeze %dma_wait3A_41 : memref<1x128xi32, #tpu.memory_space<vmem>> -> memref<128xi32, #tpu.memory_space<vmem>>
        %dma_wait3A_43 = arith.constant 0 : i32
        %dma_wait3A_44 = arith.constant 0 : i32
        %dma_wait3A_45 = tpu.memref_slice %arg2[%dma_wait3A_43, %dma_wait3A_44] : memref<10240x128xf32, #tpu.memory_space<hbm>> -> memref<10240x128xf32, #tpu.memory_space<hbm>>
        tpu.wait_indirect_dma semaphore(%arg14 : memref<!tpu.dma_semaphore, #tpu.memory_space<semaphore_mem>>) src(%dma_wait3A_45 : memref<10240x128xf32, #tpu.memory_space<hbm>>) dst(%arg11 : memref<128x128xf32, #tpu.memory_space<vmem>>)
        "tpu.region"() ({
          %run_scoped3A = tpu.sem_alloc : memref<!tpu.dma_semaphore, #tpu.memory_space<semaphore_mem>>
          %dma_start3A_46 = arith.constant 0 : i32
          %dma_start3A_47 = tpu.memref_slice %arg10[%scan3A_35, %dma_start3A_46] : memref<40x128xi32, #tpu.memory_space<vmem>> -> memref<1x128xi32, #tpu.memory_space<vmem>>
          %dma_start3A_48 = tpu.memref_squeeze %dma_start3A_47 : memref<1x128xi32, #tpu.memory_space<vmem>> -> memref<128xi32, #tpu.memory_space<vmem>>
          %dma_start3A_49 = arith.constant 0 : i32
          %dma_start3A_50 = arith.constant 0 : i32
          %dma_start3A_51 = tpu.memref_slice %arg13[%dma_start3A_49, %dma_start3A_50] : memref<10240x128xf32, #tpu.memory_space<vmem_shared>> -> memref<10240x128xf32, #tpu.memory_space<vmem_shared>>
          tpu.enqueue_indirect_dma source(%arg11 : memref<128x128xf32, #tpu.memory_space<vmem>>) target(%dma_start3A_51 : memref<10240x128xf32, #tpu.memory_space<vmem_shared>>) offsets(%dma_start3A_48 : memref<128xi32, #tpu.memory_space<vmem>>) semaphore(%run_scoped3A : memref<!tpu.dma_semaphore, #tpu.memory_space<semaphore_mem>>) {add = true}
          %dma_wait3A_52 = arith.constant 0 : i32
          %dma_wait3A_53 = tpu.memref_slice %arg10[%scan3A_35, %dma_wait3A_52] : memref<40x128xi32, #tpu.memory_space<vmem>> -> memref<1x128xi32, #tpu.memory_space<vmem>>
          %dma_wait3A_54 = tpu.memref_squeeze %dma_wait3A_53 : memref<1x128xi32, #tpu.memory_space<vmem>> -> memref<128xi32, #tpu.memory_space<vmem>>
          %dma_wait3A_55 = arith.constant 0 : i32
          %dma_wait3A_56 = arith.constant 0 : i32
          %dma_wait3A_57 = tpu.memref_slice %arg13[%dma_wait3A_55, %dma_wait3A_56] : memref<10240x128xf32, #tpu.memory_space<vmem_shared>> -> memref<10240x128xf32, #tpu.memory_space<vmem_shared>>
          tpu.wait_indirect_dma semaphore(%run_scoped3A : memref<!tpu.dma_semaphore, #tpu.memory_space<semaphore_mem>>) src(%arg11 : memref<128x128xf32, #tpu.memory_space<vmem>>) dst(%dma_wait3A_57 : memref<10240x128xf32, #tpu.memory_space<vmem_shared>>)
          tpu.yield
        }) : () -> ()
      }
      %scan3A_19 = arith.constant 40 : i32
      %mul3A_20 = arith.constant 80 : i32
      %mul3A_21 = arith.muli %arg1, %mul3A_20 : i32
      %add3A_22 = arith.constant 40 : i32
      %add3A_23 = arith.addi %mul3A_21, %add3A_22 : i32
      "tpu.region"() ({
        %run_scoped3A = tpu.sem_alloc : memref<!tpu.dma_semaphore, #tpu.memory_space<semaphore_mem>>
        %dma_start3A = arith.constant 0 : i32
        %dma_start3A_35 = tpu.memref_slice %arg4[%add3A_23, %dma_start3A] : memref<1280x128xi32, #tpu.memory_space<hbm>> -> memref<40x128xi32, #tpu.memory_space<hbm>>
        %dma_start3A_36 = arith.constant 0 : i32
        %dma_start3A_37 = tpu.memref_slice %arg4[%add3A_23, %dma_start3A_36] : memref<1280x128xi32, #tpu.memory_space<hbm>> -> memref<40x128xi32, #tpu.memory_space<hbm>>
        tpu.enqueue_dma source(%dma_start3A_37 : memref<40x128xi32, #tpu.memory_space<hbm>>) target(%arg9 : memref<40x128xi32, #tpu.memory_space<vmem>>) target_semaphore(%run_scoped3A : memref<!tpu.dma_semaphore, #tpu.memory_space<semaphore_mem>>)
        %dma_wait3A = arith.constant 0 : i32
        %dma_wait3A_38 = tpu.memref_slice %arg4[%add3A_23, %dma_wait3A] : memref<1280x128xi32, #tpu.memory_space<hbm>> -> memref<40x128xi32, #tpu.memory_space<hbm>>
        %dma_wait3A_39 = arith.constant 0 : i32
        %dma_wait3A_40 = tpu.memref_slice %arg4[%add3A_23, %dma_wait3A_39] : memref<1280x128xi32, #tpu.memory_space<hbm>> -> memref<40x128xi32, #tpu.memory_space<hbm>>
        tpu.wait_dma2 semaphore(%run_scoped3A : memref<!tpu.dma_semaphore, #tpu.memory_space<semaphore_mem>>) src(%dma_wait3A_40 : memref<40x128xi32, #tpu.memory_space<hbm>>) dst(%arg9 : memref<40x128xi32, #tpu.memory_space<vmem>>)
        tpu.yield
      }) : () -> ()
      %mul3A_24 = arith.constant 80 : i32
      %mul3A_25 = arith.muli %arg1, %mul3A_24 : i32
      %add3A_26 = arith.constant 40 : i32
      %add3A_27 = arith.addi %mul3A_25, %add3A_26 : i32
      "tpu.region"() ({
        %run_scoped3A = tpu.sem_alloc : memref<!tpu.dma_semaphore, #tpu.memory_space<semaphore_mem>>
        %dma_start3A = arith.constant 0 : i32
        %dma_start3A_35 = tpu.memref_slice %arg5[%add3A_27, %dma_start3A] : memref<1280x128xi32, #tpu.memory_space<hbm>> -> memref<40x128xi32, #tpu.memory_space<hbm>>
        %dma_start3A_36 = arith.constant 0 : i32
        %dma_start3A_37 = tpu.memref_slice %arg5[%add3A_27, %dma_start3A_36] : memref<1280x128xi32, #tpu.memory_space<hbm>> -> memref<40x128xi32, #tpu.memory_space<hbm>>
        tpu.enqueue_dma source(%dma_start3A_37 : memref<40x128xi32, #tpu.memory_space<hbm>>) target(%arg10 : memref<40x128xi32, #tpu.memory_space<vmem>>) target_semaphore(%run_scoped3A : memref<!tpu.dma_semaphore, #tpu.memory_space<semaphore_mem>>)
        %dma_wait3A = arith.constant 0 : i32
        %dma_wait3A_38 = tpu.memref_slice %arg5[%add3A_27, %dma_wait3A] : memref<1280x128xi32, #tpu.memory_space<hbm>> -> memref<40x128xi32, #tpu.memory_space<hbm>>
        %dma_wait3A_39 = arith.constant 0 : i32
        %dma_wait3A_40 = tpu.memref_slice %arg5[%add3A_27, %dma_wait3A_39] : memref<1280x128xi32, #tpu.memory_space<hbm>> -> memref<40x128xi32, #tpu.memory_space<hbm>>
        tpu.wait_dma2 semaphore(%run_scoped3A : memref<!tpu.dma_semaphore, #tpu.memory_space<semaphore_mem>>) src(%dma_wait3A_40 : memref<40x128xi32, #tpu.memory_space<hbm>>) dst(%arg10 : memref<40x128xi32, #tpu.memory_space<vmem>>)
        tpu.yield
      }) : () -> ()
      %scan3A_28 = arith.constant 0 : i32
      %scan3A_29 = arith.constant 0 : i32
      %scan3A_30 = arith.constant 40 : i32
      %scan3A_31 = arith.addi %scan3A_29, %scan3A_30 : i32
      %scan3A_32 = arith.constant 1 : i32
      scf.for %scan3A_35 = %scan3A_29 to %scan3A_31 step %scan3A_32  : i32 {
        %dma_start3A = arith.constant 0 : i32
        %dma_start3A_36 = tpu.memref_slice %arg9[%scan3A_35, %dma_start3A] : memref<40x128xi32, #tpu.memory_space<vmem>> -> memref<1x128xi32, #tpu.memory_space<vmem>>
        %dma_start3A_37 = tpu.memref_squeeze %dma_start3A_36 : memref<1x128xi32, #tpu.memory_space<vmem>> -> memref<128xi32, #tpu.memory_space<vmem>>
        %dma_start3A_38 = arith.constant 0 : i32
        %dma_start3A_39 = arith.constant 0 : i32
        %dma_start3A_40 = tpu.memref_slice %arg2[%dma_start3A_38, %dma_start3A_39] : memref<10240x128xf32, #tpu.memory_space<hbm>> -> memref<10240x128xf32, #tpu.memory_space<hbm>>
        tpu.enqueue_indirect_dma source(%dma_start3A_40 : memref<10240x128xf32, #tpu.memory_space<hbm>>) target(%arg11 : memref<128x128xf32, #tpu.memory_space<vmem>>) offsets(%dma_start3A_37 : memref<128xi32, #tpu.memory_space<vmem>>) semaphore(%arg14 : memref<!tpu.dma_semaphore, #tpu.memory_space<semaphore_mem>>)
        %dma_wait3A = arith.constant 0 : i32
        %dma_wait3A_41 = tpu.memref_slice %arg9[%scan3A_35, %dma_wait3A] : memref<40x128xi32, #tpu.memory_space<vmem>> -> memref<1x128xi32, #tpu.memory_space<vmem>>
        %dma_wait3A_42 = tpu.memref_squeeze %dma_wait3A_41 : memref<1x128xi32, #tpu.memory_space<vmem>> -> memref<128xi32, #tpu.memory_space<vmem>>
        %dma_wait3A_43 = arith.constant 0 : i32
        %dma_wait3A_44 = arith.constant 0 : i32
        %dma_wait3A_45 = tpu.memref_slice %arg2[%dma_wait3A_43, %dma_wait3A_44] : memref<10240x128xf32, #tpu.memory_space<hbm>> -> memref<10240x128xf32, #tpu.memory_space<hbm>>
        tpu.wait_indirect_dma semaphore(%arg14 : memref<!tpu.dma_semaphore, #tpu.memory_space<semaphore_mem>>) src(%dma_wait3A_45 : memref<10240x128xf32, #tpu.memory_space<hbm>>) dst(%arg11 : memref<128x128xf32, #tpu.memory_space<vmem>>)
        "tpu.region"() ({
          %run_scoped3A = tpu.sem_alloc : memref<!tpu.dma_semaphore, #tpu.memory_space<semaphore_mem>>
          %dma_start3A_46 = arith.constant 0 : i32
          %dma_start3A_47 = tpu.memref_slice %arg10[%scan3A_35, %dma_start3A_46] : memref<40x128xi32, #tpu.memory_space<vmem>> -> memref<1x128xi32, #tpu.memory_space<vmem>>
          %dma_start3A_48 = tpu.memref_squeeze %dma_start3A_47 : memref<1x128xi32, #tpu.memory_space<vmem>> -> memref<128xi32, #tpu.memory_space<vmem>>
          %dma_start3A_49 = arith.constant 0 : i32
          %dma_start3A_50 = arith.constant 0 : i32
          %dma_start3A_51 = tpu.memref_slice %arg13[%dma_start3A_49, %dma_start3A_50] : memref<10240x128xf32, #tpu.memory_space<vmem_shared>> -> memref<10240x128xf32, #tpu.memory_space<vmem_shared>>
          tpu.enqueue_indirect_dma source(%arg11 : memref<128x128xf32, #tpu.memory_space<vmem>>) target(%dma_start3A_51 : memref<10240x128xf32, #tpu.memory_space<vmem_shared>>) offsets(%dma_start3A_48 : memref<128xi32, #tpu.memory_space<vmem>>) semaphore(%run_scoped3A : memref<!tpu.dma_semaphore, #tpu.memory_space<semaphore_mem>>) {add = true}
          %dma_wait3A_52 = arith.constant 0 : i32
          %dma_wait3A_53 = tpu.memref_slice %arg10[%scan3A_35, %dma_wait3A_52] : memref<40x128xi32, #tpu.memory_space<vmem>> -> memref<1x128xi32, #tpu.memory_space<vmem>>
          %dma_wait3A_54 = tpu.memref_squeeze %dma_wait3A_53 : memref<1x128xi32, #tpu.memory_space<vmem>> -> memref<128xi32, #tpu.memory_space<vmem>>
          %dma_wait3A_55 = arith.constant 0 : i32
          %dma_wait3A_56 = arith.constant 0 : i32
          %dma_wait3A_57 = tpu.memref_slice %arg13[%dma_wait3A_55, %dma_wait3A_56] : memref<10240x128xf32, #tpu.memory_space<vmem_shared>> -> memref<10240x128xf32, #tpu.memory_space<vmem_shared>>
          tpu.wait_indirect_dma semaphore(%run_scoped3A : memref<!tpu.dma_semaphore, #tpu.memory_space<semaphore_mem>>) src(%arg11 : memref<128x128xf32, #tpu.memory_space<vmem>>) dst(%dma_wait3A_57 : memref<10240x128xf32, #tpu.memory_space<vmem_shared>>)
          tpu.yield
        }) : () -> ()
      }
      %scan3A_33 = arith.constant 40 : i32
      %barrier3A_34 = arith.constant 0 : index
      tpu.barrier barrier_id(%barrier3A_34)
      "tpu.region"() ({
        %run_scoped3A = tpu.sem_alloc : memref<!tpu.dma_semaphore, #tpu.memory_space<semaphore_mem>>
        %dma_start3A = arith.constant 0 : i32
        %dma_start3A_35 = tpu.memref_slice %arg7[%mul3A_0, %dma_start3A] : memref<10240x128xf32, #tpu.memory_space<hbm>> -> memref<640x128xf32, #tpu.memory_space<hbm>>
        %dma_start3A_36 = arith.constant 0 : i32
        %dma_start3A_37 = tpu.memref_slice %arg13[%mul3A_0, %dma_start3A_36] : memref<10240x128xf32, #tpu.memory_space<vmem_shared>> -> memref<640x128xf32, #tpu.memory_space<vmem_shared>>
        tpu.enqueue_dma source(%dma_start3A_37 : memref<640x128xf32, #tpu.memory_space<vmem_shared>>) target(%dma_start3A_35 : memref<640x128xf32, #tpu.memory_space<hbm>>) target_semaphore(%run_scoped3A : memref<!tpu.dma_semaphore, #tpu.memory_space<semaphore_mem>>)
        %dma_wait3A = arith.constant 0 : i32
        %dma_wait3A_38 = tpu.memref_slice %arg7[%mul3A_0, %dma_wait3A] : memref<10240x128xf32, #tpu.memory_space<hbm>> -> memref<640x128xf32, #tpu.memory_space<hbm>>
        %dma_wait3A_39 = arith.constant 0 : i32
        %dma_wait3A_40 = tpu.memref_slice %arg13[%mul3A_0, %dma_wait3A_39] : memref<10240x128xf32, #tpu.memory_space<vmem_shared>> -> memref<640x128xf32, #tpu.memory_space<vmem_shared>>
        tpu.wait_dma2 semaphore(%run_scoped3A : memref<!tpu.dma_semaphore, #tpu.memory_space<semaphore_mem>>) src(%dma_wait3A_40 : memref<640x128xf32, #tpu.memory_space<vmem_shared>>) dst(%dma_wait3A_38 : memref<640x128xf32, #tpu.memory_space<hbm>>)
        tpu.yield
      }) : () -> ()
    } else {
    }
    %eq3A_3 = arith.constant 1 : i32
    %eq3A_4 = arith.cmpi eq, %arg0, %eq3A_3 : i32
    %convert_element_type3A_5 = arith.extui %eq3A_4 : i1 to i32
    %cond3A_6 = arith.constant 0 : i32
    %cond3A_7 = arith.cmpi ne, %convert_element_type3A_5, %cond3A_6 : i32
    scf.if %cond3A_7 {
      %mul3A_8 = arith.constant 80 : i32
      %mul3A_9 = arith.muli %arg1, %mul3A_8 : i32
      %add3A = arith.constant 0 : i32
      %add3A_10 = arith.addi %mul3A_9, %add3A : i32
      "tpu.region"() ({
        %run_scoped3A = tpu.sem_alloc : memref<!tpu.dma_semaphore, #tpu.memory_space<semaphore_mem>>
        %dma_start3A = arith.constant 0 : i32
        %dma_start3A_35 = tpu.memref_slice %arg4[%add3A_10, %dma_start3A] : memref<1280x128xi32, #tpu.memory_space<hbm>> -> memref<40x128xi32, #tpu.memory_space<hbm>>
        %dma_start3A_36 = arith.constant 0 : i32
        %dma_start3A_37 = tpu.memref_slice %arg4[%add3A_10, %dma_start3A_36] : memref<1280x128xi32, #tpu.memory_space<hbm>> -> memref<40x128xi32, #tpu.memory_space<hbm>>
        tpu.enqueue_dma source(%dma_start3A_37 : memref<40x128xi32, #tpu.memory_space<hbm>>) target(%arg9 : memref<40x128xi32, #tpu.memory_space<vmem>>) target_semaphore(%run_scoped3A : memref<!tpu.dma_semaphore, #tpu.memory_space<semaphore_mem>>)
        %dma_wait3A = arith.constant 0 : i32
        %dma_wait3A_38 = tpu.memref_slice %arg4[%add3A_10, %dma_wait3A] : memref<1280x128xi32, #tpu.memory_space<hbm>> -> memref<40x128xi32, #tpu.memory_space<hbm>>
        %dma_wait3A_39 = arith.constant 0 : i32
        %dma_wait3A_40 = tpu.memref_slice %arg4[%add3A_10, %dma_wait3A_39] : memref<1280x128xi32, #tpu.memory_space<hbm>> -> memref<40x128xi32, #tpu.memory_space<hbm>>
        tpu.wait_dma2 semaphore(%run_scoped3A : memref<!tpu.dma_semaphore, #tpu.memory_space<semaphore_mem>>) src(%dma_wait3A_40 : memref<40x128xi32, #tpu.memory_space<hbm>>) dst(%arg9 : memref<40x128xi32, #tpu.memory_space<vmem>>)
        tpu.yield
      }) : () -> ()
      %mul3A_11 = arith.constant 80 : i32
      %mul3A_12 = arith.muli %arg1, %mul3A_11 : i32
      %add3A_13 = arith.constant 0 : i32
      %add3A_14 = arith.addi %mul3A_12, %add3A_13 : i32
      "tpu.region"() ({
        %run_scoped3A = tpu.sem_alloc : memref<!tpu.dma_semaphore, #tpu.memory_space<semaphore_mem>>
        %dma_start3A = arith.constant 0 : i32
        %dma_start3A_35 = tpu.memref_slice %arg5[%add3A_14, %dma_start3A] : memref<1280x128xi32, #tpu.memory_space<hbm>> -> memref<40x128xi32, #tpu.memory_space<hbm>>
        %dma_start3A_36 = arith.constant 0 : i32
        %dma_start3A_37 = tpu.memref_slice %arg5[%add3A_14, %dma_start3A_36] : memref<1280x128xi32, #tpu.memory_space<hbm>> -> memref<40x128xi32, #tpu.memory_space<hbm>>
        tpu.enqueue_dma source(%dma_start3A_37 : memref<40x128xi32, #tpu.memory_space<hbm>>) target(%arg10 : memref<40x128xi32, #tpu.memory_space<vmem>>) target_semaphore(%run_scoped3A : memref<!tpu.dma_semaphore, #tpu.memory_space<semaphore_mem>>)
        %dma_wait3A = arith.constant 0 : i32
        %dma_wait3A_38 = tpu.memref_slice %arg5[%add3A_14, %dma_wait3A] : memref<1280x128xi32, #tpu.memory_space<hbm>> -> memref<40x128xi32, #tpu.memory_space<hbm>>
        %dma_wait3A_39 = arith.constant 0 : i32
        %dma_wait3A_40 = tpu.memref_slice %arg5[%add3A_14, %dma_wait3A_39] : memref<1280x128xi32, #tpu.memory_space<hbm>> -> memref<40x128xi32, #tpu.memory_space<hbm>>
        tpu.wait_dma2 semaphore(%run_scoped3A : memref<!tpu.dma_semaphore, #tpu.memory_space<semaphore_mem>>) src(%dma_wait3A_40 : memref<40x128xi32, #tpu.memory_space<hbm>>) dst(%arg10 : memref<40x128xi32, #tpu.memory_space<vmem>>)
        tpu.yield
      }) : () -> ()
      %scan3A = arith.constant 0 : i32
      %scan3A_15 = arith.constant 0 : i32
      %scan3A_16 = arith.constant 40 : i32
      %scan3A_17 = arith.addi %scan3A_15, %scan3A_16 : i32
      %scan3A_18 = arith.constant 1 : i32
      scf.for %scan3A_35 = %scan3A_15 to %scan3A_17 step %scan3A_18  : i32 {
        %dma_start3A = arith.constant 0 : i32
        %dma_start3A_36 = tpu.memref_slice %arg9[%scan3A_35, %dma_start3A] : memref<40x128xi32, #tpu.memory_space<vmem>> -> memref<1x128xi32, #tpu.memory_space<vmem>>
        %dma_start3A_37 = tpu.memref_squeeze %dma_start3A_36 : memref<1x128xi32, #tpu.memory_space<vmem>> -> memref<128xi32, #tpu.memory_space<vmem>>
        %dma_start3A_38 = arith.constant 0 : i32
        %dma_start3A_39 = arith.constant 0 : i32
        %dma_start3A_40 = tpu.memref_slice %arg3[%dma_start3A_38, %dma_start3A_39] : memref<10240x128xf32, #tpu.memory_space<hbm>> -> memref<10240x128xf32, #tpu.memory_space<hbm>>
        tpu.enqueue_indirect_dma source(%dma_start3A_40 : memref<10240x128xf32, #tpu.memory_space<hbm>>) target(%arg11 : memref<128x128xf32, #tpu.memory_space<vmem>>) offsets(%dma_start3A_37 : memref<128xi32, #tpu.memory_space<vmem>>) semaphore(%arg14 : memref<!tpu.dma_semaphore, #tpu.memory_space<semaphore_mem>>)
        %dma_wait3A = arith.constant 0 : i32
        %dma_wait3A_41 = tpu.memref_slice %arg9[%scan3A_35, %dma_wait3A] : memref<40x128xi32, #tpu.memory_space<vmem>> -> memref<1x128xi32, #tpu.memory_space<vmem>>
        %dma_wait3A_42 = tpu.memref_squeeze %dma_wait3A_41 : memref<1x128xi32, #tpu.memory_space<vmem>> -> memref<128xi32, #tpu.memory_space<vmem>>
        %dma_wait3A_43 = arith.constant 0 : i32
        %dma_wait3A_44 = arith.constant 0 : i32
        %dma_wait3A_45 = tpu.memref_slice %arg3[%dma_wait3A_43, %dma_wait3A_44] : memref<10240x128xf32, #tpu.memory_space<hbm>> -> memref<10240x128xf32, #tpu.memory_space<hbm>>
        tpu.wait_indirect_dma semaphore(%arg14 : memref<!tpu.dma_semaphore, #tpu.memory_space<semaphore_mem>>) src(%dma_wait3A_45 : memref<10240x128xf32, #tpu.memory_space<hbm>>) dst(%arg11 : memref<128x128xf32, #tpu.memory_space<vmem>>)
        "tpu.region"() ({
          %run_scoped3A = tpu.sem_alloc : memref<!tpu.dma_semaphore, #tpu.memory_space<semaphore_mem>>
          %dma_start3A_46 = arith.constant 0 : i32
          %dma_start3A_47 = tpu.memref_slice %arg10[%scan3A_35, %dma_start3A_46] : memref<40x128xi32, #tpu.memory_space<vmem>> -> memref<1x128xi32, #tpu.memory_space<vmem>>
          %dma_start3A_48 = tpu.memref_squeeze %dma_start3A_47 : memref<1x128xi32, #tpu.memory_space<vmem>> -> memref<128xi32, #tpu.memory_space<vmem>>
          %dma_start3A_49 = arith.constant 0 : i32
          %dma_start3A_50 = arith.constant 0 : i32
          %dma_start3A_51 = tpu.memref_slice %arg13[%dma_start3A_49, %dma_start3A_50] : memref<10240x128xf32, #tpu.memory_space<vmem_shared>> -> memref<10240x128xf32, #tpu.memory_space<vmem_shared>>
          tpu.enqueue_indirect_dma source(%arg11 : memref<128x128xf32, #tpu.memory_space<vmem>>) target(%dma_start3A_51 : memref<10240x128xf32, #tpu.memory_space<vmem_shared>>) offsets(%dma_start3A_48 : memref<128xi32, #tpu.memory_space<vmem>>) semaphore(%run_scoped3A : memref<!tpu.dma_semaphore, #tpu.memory_space<semaphore_mem>>) {add = true}
          %dma_wait3A_52 = arith.constant 0 : i32
          %dma_wait3A_53 = tpu.memref_slice %arg10[%scan3A_35, %dma_wait3A_52] : memref<40x128xi32, #tpu.memory_space<vmem>> -> memref<1x128xi32, #tpu.memory_space<vmem>>
          %dma_wait3A_54 = tpu.memref_squeeze %dma_wait3A_53 : memref<1x128xi32, #tpu.memory_space<vmem>> -> memref<128xi32, #tpu.memory_space<vmem>>
          %dma_wait3A_55 = arith.constant 0 : i32
          %dma_wait3A_56 = arith.constant 0 : i32
          %dma_wait3A_57 = tpu.memref_slice %arg13[%dma_wait3A_55, %dma_wait3A_56] : memref<10240x128xf32, #tpu.memory_space<vmem_shared>> -> memref<10240x128xf32, #tpu.memory_space<vmem_shared>>
          tpu.wait_indirect_dma semaphore(%run_scoped3A : memref<!tpu.dma_semaphore, #tpu.memory_space<semaphore_mem>>) src(%arg11 : memref<128x128xf32, #tpu.memory_space<vmem>>) dst(%dma_wait3A_57 : memref<10240x128xf32, #tpu.memory_space<vmem_shared>>)
          tpu.yield
        }) : () -> ()
      }
      %scan3A_19 = arith.constant 40 : i32
      %mul3A_20 = arith.constant 80 : i32
      %mul3A_21 = arith.muli %arg1, %mul3A_20 : i32
      %add3A_22 = arith.constant 40 : i32
      %add3A_23 = arith.addi %mul3A_21, %add3A_22 : i32
      "tpu.region"() ({
        %run_scoped3A = tpu.sem_alloc : memref<!tpu.dma_semaphore, #tpu.memory_space<semaphore_mem>>
        %dma_start3A = arith.constant 0 : i32
        %dma_start3A_35 = tpu.memref_slice %arg4[%add3A_23, %dma_start3A] : memref<1280x128xi32, #tpu.memory_space<hbm>> -> memref<40x128xi32, #tpu.memory_space<hbm>>
        %dma_start3A_36 = arith.constant 0 : i32
        %dma_start3A_37 = tpu.memref_slice %arg4[%add3A_23, %dma_start3A_36] : memref<1280x128xi32, #tpu.memory_space<hbm>> -> memref<40x128xi32, #tpu.memory_space<hbm>>
        tpu.enqueue_dma source(%dma_start3A_37 : memref<40x128xi32, #tpu.memory_space<hbm>>) target(%arg9 : memref<40x128xi32, #tpu.memory_space<vmem>>) target_semaphore(%run_scoped3A : memref<!tpu.dma_semaphore, #tpu.memory_space<semaphore_mem>>)
        %dma_wait3A = arith.constant 0 : i32
        %dma_wait3A_38 = tpu.memref_slice %arg4[%add3A_23, %dma_wait3A] : memref<1280x128xi32, #tpu.memory_space<hbm>> -> memref<40x128xi32, #tpu.memory_space<hbm>>
        %dma_wait3A_39 = arith.constant 0 : i32
        %dma_wait3A_40 = tpu.memref_slice %arg4[%add3A_23, %dma_wait3A_39] : memref<1280x128xi32, #tpu.memory_space<hbm>> -> memref<40x128xi32, #tpu.memory_space<hbm>>
        tpu.wait_dma2 semaphore(%run_scoped3A : memref<!tpu.dma_semaphore, #tpu.memory_space<semaphore_mem>>) src(%dma_wait3A_40 : memref<40x128xi32, #tpu.memory_space<hbm>>) dst(%arg9 : memref<40x128xi32, #tpu.memory_space<vmem>>)
        tpu.yield
      }) : () -> ()
      %mul3A_24 = arith.constant 80 : i32
      %mul3A_25 = arith.muli %arg1, %mul3A_24 : i32
      %add3A_26 = arith.constant 40 : i32
      %add3A_27 = arith.addi %mul3A_25, %add3A_26 : i32
      "tpu.region"() ({
        %run_scoped3A = tpu.sem_alloc : memref<!tpu.dma_semaphore, #tpu.memory_space<semaphore_mem>>
        %dma_start3A = arith.constant 0 : i32
        %dma_start3A_35 = tpu.memref_slice %arg5[%add3A_27, %dma_start3A] : memref<1280x128xi32, #tpu.memory_space<hbm>> -> memref<40x128xi32, #tpu.memory_space<hbm>>
        %dma_start3A_36 = arith.constant 0 : i32
        %dma_start3A_37 = tpu.memref_slice %arg5[%add3A_27, %dma_start3A_36] : memref<1280x128xi32, #tpu.memory_space<hbm>> -> memref<40x128xi32, #tpu.memory_space<hbm>>
        tpu.enqueue_dma source(%dma_start3A_37 : memref<40x128xi32, #tpu.memory_space<hbm>>) target(%arg10 : memref<40x128xi32, #tpu.memory_space<vmem>>) target_semaphore(%run_scoped3A : memref<!tpu.dma_semaphore, #tpu.memory_space<semaphore_mem>>)
        %dma_wait3A = arith.constant 0 : i32
        %dma_wait3A_38 = tpu.memref_slice %arg5[%add3A_27, %dma_wait3A] : memref<1280x128xi32, #tpu.memory_space<hbm>> -> memref<40x128xi32, #tpu.memory_space<hbm>>
        %dma_wait3A_39 = arith.constant 0 : i32
        %dma_wait3A_40 = tpu.memref_slice %arg5[%add3A_27, %dma_wait3A_39] : memref<1280x128xi32, #tpu.memory_space<hbm>> -> memref<40x128xi32, #tpu.memory_space<hbm>>
        tpu.wait_dma2 semaphore(%run_scoped3A : memref<!tpu.dma_semaphore, #tpu.memory_space<semaphore_mem>>) src(%dma_wait3A_40 : memref<40x128xi32, #tpu.memory_space<hbm>>) dst(%arg10 : memref<40x128xi32, #tpu.memory_space<vmem>>)
        tpu.yield
      }) : () -> ()
      %scan3A_28 = arith.constant 0 : i32
      %scan3A_29 = arith.constant 0 : i32
      %scan3A_30 = arith.constant 40 : i32
      %scan3A_31 = arith.addi %scan3A_29, %scan3A_30 : i32
      %scan3A_32 = arith.constant 1 : i32
      scf.for %scan3A_35 = %scan3A_29 to %scan3A_31 step %scan3A_32  : i32 {
        %dma_start3A = arith.constant 0 : i32
        %dma_start3A_36 = tpu.memref_slice %arg9[%scan3A_35, %dma_start3A] : memref<40x128xi32, #tpu.memory_space<vmem>> -> memref<1x128xi32, #tpu.memory_space<vmem>>
        %dma_start3A_37 = tpu.memref_squeeze %dma_start3A_36 : memref<1x128xi32, #tpu.memory_space<vmem>> -> memref<128xi32, #tpu.memory_space<vmem>>
        %dma_start3A_38 = arith.constant 0 : i32
        %dma_start3A_39 = arith.constant 0 : i32
        %dma_start3A_40 = tpu.memref_slice %arg3[%dma_start3A_38, %dma_start3A_39] : memref<10240x128xf32, #tpu.memory_space<hbm>> -> memref<10240x128xf32, #tpu.memory_space<hbm>>
        tpu.enqueue_indirect_dma source(%dma_start3A_40 : memref<10240x128xf32, #tpu.memory_space<hbm>>) target(%arg11 : memref<128x128xf32, #tpu.memory_space<vmem>>) offsets(%dma_start3A_37 : memref<128xi32, #tpu.memory_space<vmem>>) semaphore(%arg14 : memref<!tpu.dma_semaphore, #tpu.memory_space<semaphore_mem>>)
        %dma_wait3A = arith.constant 0 : i32
        %dma_wait3A_41 = tpu.memref_slice %arg9[%scan3A_35, %dma_wait3A] : memref<40x128xi32, #tpu.memory_space<vmem>> -> memref<1x128xi32, #tpu.memory_space<vmem>>
        %dma_wait3A_42 = tpu.memref_squeeze %dma_wait3A_41 : memref<1x128xi32, #tpu.memory_space<vmem>> -> memref<128xi32, #tpu.memory_space<vmem>>
        %dma_wait3A_43 = arith.constant 0 : i32
        %dma_wait3A_44 = arith.constant 0 : i32
        %dma_wait3A_45 = tpu.memref_slice %arg3[%dma_wait3A_43, %dma_wait3A_44] : memref<10240x128xf32, #tpu.memory_space<hbm>> -> memref<10240x128xf32, #tpu.memory_space<hbm>>
        tpu.wait_indirect_dma semaphore(%arg14 : memref<!tpu.dma_semaphore, #tpu.memory_space<semaphore_mem>>) src(%dma_wait3A_45 : memref<10240x128xf32, #tpu.memory_space<hbm>>) dst(%arg11 : memref<128x128xf32, #tpu.memory_space<vmem>>)
        "tpu.region"() ({
          %run_scoped3A = tpu.sem_alloc : memref<!tpu.dma_semaphore, #tpu.memory_space<semaphore_mem>>
          %dma_start3A_46 = arith.constant 0 : i32
          %dma_start3A_47 = tpu.memref_slice %arg10[%scan3A_35, %dma_start3A_46] : memref<40x128xi32, #tpu.memory_space<vmem>> -> memref<1x128xi32, #tpu.memory_space<vmem>>
          %dma_start3A_48 = tpu.memref_squeeze %dma_start3A_47 : memref<1x128xi32, #tpu.memory_space<vmem>> -> memref<128xi32, #tpu.memory_space<vmem>>
          %dma_start3A_49 = arith.constant 0 : i32
          %dma_start3A_50 = arith.constant 0 : i32
          %dma_start3A_51 = tpu.memref_slice %arg13[%dma_start3A_49, %dma_start3A_50] : memref<10240x128xf32, #tpu.memory_space<vmem_shared>> -> memref<10240x128xf32, #tpu.memory_space<vmem_shared>>
          tpu.enqueue_indirect_dma source(%arg11 : memref<128x128xf32, #tpu.memory_space<vmem>>) target(%dma_start3A_51 : memref<10240x128xf32, #tpu.memory_space<vmem_shared>>) offsets(%dma_start3A_48 : memref<128xi32, #tpu.memory_space<vmem>>) semaphore(%run_scoped3A : memref<!tpu.dma_semaphore, #tpu.memory_space<semaphore_mem>>) {add = true}
          %dma_wait3A_52 = arith.constant 0 : i32
          %dma_wait3A_53 = tpu.memref_slice %arg10[%scan3A_35, %dma_wait3A_52] : memref<40x128xi32, #tpu.memory_space<vmem>> -> memref<1x128xi32, #tpu.memory_space<vmem>>
          %dma_wait3A_54 = tpu.memref_squeeze %dma_wait3A_53 : memref<1x128xi32, #tpu.memory_space<vmem>> -> memref<128xi32, #tpu.memory_space<vmem>>
          %dma_wait3A_55 = arith.constant 0 : i32
          %dma_wait3A_56 = arith.constant 0 : i32
          %dma_wait3A_57 = tpu.memref_slice %arg13[%dma_wait3A_55, %dma_wait3A_56] : memref<10240x128xf32, #tpu.memory_space<vmem_shared>> -> memref<10240x128xf32, #tpu.memory_space<vmem_shared>>
          tpu.wait_indirect_dma semaphore(%run_scoped3A : memref<!tpu.dma_semaphore, #tpu.memory_space<semaphore_mem>>) src(%arg11 : memref<128x128xf32, #tpu.memory_space<vmem>>) dst(%dma_wait3A_57 : memref<10240x128xf32, #tpu.memory_space<vmem_shared>>)
          tpu.yield
        }) : () -> ()
      }
      %scan3A_33 = arith.constant 40 : i32
      %barrier3A_34 = arith.constant 0 : index
      tpu.barrier barrier_id(%barrier3A_34)
      "tpu.region"() ({
        %run_scoped3A = tpu.sem_alloc : memref<!tpu.dma_semaphore, #tpu.memory_space<semaphore_mem>>
        %dma_start3A = arith.constant 0 : i32
        %dma_start3A_35 = tpu.memref_slice %arg8[%mul3A_0, %dma_start3A] : memref<10240x128xf32, #tpu.memory_space<hbm>> -> memref<640x128xf32, #tpu.memory_space<hbm>>
        %dma_start3A_36 = arith.constant 0 : i32
        %dma_start3A_37 = tpu.memref_slice %arg13[%mul3A_0, %dma_start3A_36] : memref<10240x128xf32, #tpu.memory_space<vmem_shared>> -> memref<640x128xf32, #tpu.memory_space<vmem_shared>>
        tpu.enqueue_dma source(%dma_start3A_37 : memref<640x128xf32, #tpu.memory_space<vmem_shared>>) target(%dma_start3A_35 : memref<640x128xf32, #tpu.memory_space<hbm>>) target_semaphore(%run_scoped3A : memref<!tpu.dma_semaphore, #tpu.memory_space<semaphore_mem>>)
        %dma_wait3A = arith.constant 0 : i32
        %dma_wait3A_38 = tpu.memref_slice %arg8[%mul3A_0, %dma_wait3A] : memref<10240x128xf32, #tpu.memory_space<hbm>> -> memref<640x128xf32, #tpu.memory_space<hbm>>
        %dma_wait3A_39 = arith.constant 0 : i32
        %dma_wait3A_40 = tpu.memref_slice %arg13[%mul3A_0, %dma_wait3A_39] : memref<10240x128xf32, #tpu.memory_space<vmem_shared>> -> memref<640x128xf32, #tpu.memory_space<vmem_shared>>
        tpu.wait_dma2 semaphore(%run_scoped3A : memref<!tpu.dma_semaphore, #tpu.memory_space<semaphore_mem>>) src(%dma_wait3A_40 : memref<640x128xf32, #tpu.memory_space<vmem_shared>>) dst(%dma_wait3A_38 : memref<640x128xf32, #tpu.memory_space<hbm>>)
        tpu.yield
      }) : () -> ()
    } else {
    }
    return
  }
}

#map = affine_map<(d0, d1) -> (0, 0)>
module attributes {stable_mosaic.version = 14 : i64} {
  func.func @_segsum_body(%arg0: i32, %arg1: i32, %arg2: memref<10240x128xf32, #tpu.memory_space<hbm>>, %arg3: memref<10240x128xf32, #tpu.memory_space<hbm>>, %arg4: memref<1280x128xi32, #tpu.memory_space<hbm>>, %arg5: memref<1280x128xi32, #tpu.memory_space<hbm>>, %arg6: memref<640x128xf32, #tpu.memory_space<hbm>>, %arg7: memref<10240x128xf32, #tpu.memory_space<hbm>>, %arg8: memref<10240x128xf32, #tpu.memory_space<hbm>>, %arg9: memref<40x128xi32, #tpu.memory_space<vmem>>, %arg10: memref<40x128xi32, #tpu.memory_space<vmem>>, %arg11: memref<128x128xf32, #tpu.memory_space<vmem>>, %arg12: memref<128x128xf32, #tpu.memory_space<vmem>>, %arg13: memref<10240x128xf32, #tpu.memory_space<vmem_shared>>, %arg14: memref<!tpu.dma_semaphore, #tpu.memory_space<semaphore_mem>>, %arg15: memref<!tpu.dma_semaphore, #tpu.memory_space<semaphore_mem>>) attributes {dimension_semantics = [#tpu.dimension_semantics<core_parallel>, #tpu.dimension_semantics<subcore_parallel>], iteration_bounds = array<i64: 2, 16>, scalar_prefetch = 0 : i64, scratch_operands = 7 : i64, tpu.core_type = #tpu.core_type<sc_vector_subcore>, window_params = [{transform_indices = #map}, {transform_indices = #map}, {transform_indices = #map}, {transform_indices = #map}, {transform_indices = #map}, {transform_indices = #map}, {transform_indices = #map}]} {
    %mul3A = arith.constant 640 : i32
    %mul3A_0 = arith.muli %arg1, %mul3A : i32
    "tpu.region"() ({
      %run_scoped3A = tpu.sem_alloc : memref<!tpu.dma_semaphore, #tpu.memory_space<semaphore_mem>>
      %dma_start3A = arith.constant 0 : i32
      %dma_start3A_8 = tpu.memref_slice %arg13[%mul3A_0, %dma_start3A] : memref<10240x128xf32, #tpu.memory_space<vmem_shared>> -> memref<640x128xf32, #tpu.memory_space<vmem_shared>>
      tpu.enqueue_dma source(%arg6 : memref<640x128xf32, #tpu.memory_space<hbm>>) target(%dma_start3A_8 : memref<640x128xf32, #tpu.memory_space<vmem_shared>>) target_semaphore(%run_scoped3A : memref<!tpu.dma_semaphore, #tpu.memory_space<semaphore_mem>>)
      %dma_wait3A = arith.constant 0 : i32
      %dma_wait3A_9 = tpu.memref_slice %arg13[%mul3A_0, %dma_wait3A] : memref<10240x128xf32, #tpu.memory_space<vmem_shared>> -> memref<640x128xf32, #tpu.memory_space<vmem_shared>>
      tpu.wait_dma2 semaphore(%run_scoped3A : memref<!tpu.dma_semaphore, #tpu.memory_space<semaphore_mem>>) src(%arg6 : memref<640x128xf32, #tpu.memory_space<hbm>>) dst(%dma_wait3A_9 : memref<640x128xf32, #tpu.memory_space<vmem_shared>>)
      tpu.yield
    }) : () -> ()
    %barrier3A = arith.constant 0 : index
    tpu.barrier barrier_id(%barrier3A)
    %eq3A = arith.constant 0 : i32
    %eq3A_1 = arith.cmpi eq, %arg0, %eq3A : i32
    %convert_element_type3A = arith.extui %eq3A_1 : i1 to i32
    %cond3A = arith.constant 0 : i32
    %cond3A_2 = arith.cmpi ne, %convert_element_type3A, %cond3A : i32
    scf.if %cond3A_2 {
      %mul3A_8 = arith.constant 80 : i32
      %mul3A_9 = arith.muli %arg1, %mul3A_8 : i32
      %add3A = arith.constant 0 : i32
      %add3A_10 = arith.addi %mul3A_9, %add3A : i32
      "tpu.region"() ({
        %run_scoped3A = tpu.sem_alloc : memref<!tpu.dma_semaphore, #tpu.memory_space<semaphore_mem>>
        %dma_start3A = arith.constant 0 : i32
        %dma_start3A_35 = tpu.memref_slice %arg4[%add3A_10, %dma_start3A] : memref<1280x128xi32, #tpu.memory_space<hbm>> -> memref<40x128xi32, #tpu.memory_space<hbm>>
        %dma_start3A_36 = arith.constant 0 : i32
        %dma_start3A_37 = tpu.memref_slice %arg4[%add3A_10, %dma_start3A_36] : memref<1280x128xi32, #tpu.memory_space<hbm>> -> memref<40x128xi32, #tpu.memory_space<hbm>>
        tpu.enqueue_dma source(%dma_start3A_37 : memref<40x128xi32, #tpu.memory_space<hbm>>) target(%arg9 : memref<40x128xi32, #tpu.memory_space<vmem>>) target_semaphore(%run_scoped3A : memref<!tpu.dma_semaphore, #tpu.memory_space<semaphore_mem>>)
        %dma_wait3A = arith.constant 0 : i32
        %dma_wait3A_38 = tpu.memref_slice %arg4[%add3A_10, %dma_wait3A] : memref<1280x128xi32, #tpu.memory_space<hbm>> -> memref<40x128xi32, #tpu.memory_space<hbm>>
        %dma_wait3A_39 = arith.constant 0 : i32
        %dma_wait3A_40 = tpu.memref_slice %arg4[%add3A_10, %dma_wait3A_39] : memref<1280x128xi32, #tpu.memory_space<hbm>> -> memref<40x128xi32, #tpu.memory_space<hbm>>
        tpu.wait_dma2 semaphore(%run_scoped3A : memref<!tpu.dma_semaphore, #tpu.memory_space<semaphore_mem>>) src(%dma_wait3A_40 : memref<40x128xi32, #tpu.memory_space<hbm>>) dst(%arg9 : memref<40x128xi32, #tpu.memory_space<vmem>>)
        tpu.yield
      }) : () -> ()
      %mul3A_11 = arith.constant 80 : i32
      %mul3A_12 = arith.muli %arg1, %mul3A_11 : i32
      %add3A_13 = arith.constant 0 : i32
      %add3A_14 = arith.addi %mul3A_12, %add3A_13 : i32
      "tpu.region"() ({
        %run_scoped3A = tpu.sem_alloc : memref<!tpu.dma_semaphore, #tpu.memory_space<semaphore_mem>>
        %dma_start3A = arith.constant 0 : i32
        %dma_start3A_35 = tpu.memref_slice %arg5[%add3A_14, %dma_start3A] : memref<1280x128xi32, #tpu.memory_space<hbm>> -> memref<40x128xi32, #tpu.memory_space<hbm>>
        %dma_start3A_36 = arith.constant 0 : i32
        %dma_start3A_37 = tpu.memref_slice %arg5[%add3A_14, %dma_start3A_36] : memref<1280x128xi32, #tpu.memory_space<hbm>> -> memref<40x128xi32, #tpu.memory_space<hbm>>
        tpu.enqueue_dma source(%dma_start3A_37 : memref<40x128xi32, #tpu.memory_space<hbm>>) target(%arg10 : memref<40x128xi32, #tpu.memory_space<vmem>>) target_semaphore(%run_scoped3A : memref<!tpu.dma_semaphore, #tpu.memory_space<semaphore_mem>>)
        %dma_wait3A = arith.constant 0 : i32
        %dma_wait3A_38 = tpu.memref_slice %arg5[%add3A_14, %dma_wait3A] : memref<1280x128xi32, #tpu.memory_space<hbm>> -> memref<40x128xi32, #tpu.memory_space<hbm>>
        %dma_wait3A_39 = arith.constant 0 : i32
        %dma_wait3A_40 = tpu.memref_slice %arg5[%add3A_14, %dma_wait3A_39] : memref<1280x128xi32, #tpu.memory_space<hbm>> -> memref<40x128xi32, #tpu.memory_space<hbm>>
        tpu.wait_dma2 semaphore(%run_scoped3A : memref<!tpu.dma_semaphore, #tpu.memory_space<semaphore_mem>>) src(%dma_wait3A_40 : memref<40x128xi32, #tpu.memory_space<hbm>>) dst(%arg10 : memref<40x128xi32, #tpu.memory_space<vmem>>)
        tpu.yield
      }) : () -> ()
      %scan3A = arith.constant 0 : i32
      %scan3A_15 = arith.constant 0 : i32
      %scan3A_16 = arith.constant 40 : i32
      %scan3A_17 = arith.addi %scan3A_15, %scan3A_16 : i32
      %scan3A_18 = arith.constant 1 : i32
      scf.for %scan3A_35 = %scan3A_15 to %scan3A_17 step %scan3A_18  : i32 {
        %dma_start3A = arith.constant 0 : i32
        %dma_start3A_36 = tpu.memref_slice %arg9[%scan3A_35, %dma_start3A] : memref<40x128xi32, #tpu.memory_space<vmem>> -> memref<1x128xi32, #tpu.memory_space<vmem>>
        %dma_start3A_37 = tpu.memref_squeeze %dma_start3A_36 : memref<1x128xi32, #tpu.memory_space<vmem>> -> memref<128xi32, #tpu.memory_space<vmem>>
        %dma_start3A_38 = arith.constant 0 : i32
        %dma_start3A_39 = arith.constant 0 : i32
        %dma_start3A_40 = tpu.memref_slice %arg2[%dma_start3A_38, %dma_start3A_39] : memref<10240x128xf32, #tpu.memory_space<hbm>> -> memref<10240x128xf32, #tpu.memory_space<hbm>>
        tpu.enqueue_indirect_dma source(%dma_start3A_40 : memref<10240x128xf32, #tpu.memory_space<hbm>>) target(%arg11 : memref<128x128xf32, #tpu.memory_space<vmem>>) offsets(%dma_start3A_37 : memref<128xi32, #tpu.memory_space<vmem>>) semaphore(%arg14 : memref<!tpu.dma_semaphore, #tpu.memory_space<semaphore_mem>>)
        %dma_wait3A = arith.constant 0 : i32
        %dma_wait3A_41 = tpu.memref_slice %arg9[%scan3A_35, %dma_wait3A] : memref<40x128xi32, #tpu.memory_space<vmem>> -> memref<1x128xi32, #tpu.memory_space<vmem>>
        %dma_wait3A_42 = tpu.memref_squeeze %dma_wait3A_41 : memref<1x128xi32, #tpu.memory_space<vmem>> -> memref<128xi32, #tpu.memory_space<vmem>>
        %dma_wait3A_43 = arith.constant 0 : i32
        %dma_wait3A_44 = arith.constant 0 : i32
        %dma_wait3A_45 = tpu.memref_slice %arg2[%dma_wait3A_43, %dma_wait3A_44] : memref<10240x128xf32, #tpu.memory_space<hbm>> -> memref<10240x128xf32, #tpu.memory_space<hbm>>
        tpu.wait_indirect_dma semaphore(%arg14 : memref<!tpu.dma_semaphore, #tpu.memory_space<semaphore_mem>>) src(%dma_wait3A_45 : memref<10240x128xf32, #tpu.memory_space<hbm>>) dst(%arg11 : memref<128x128xf32, #tpu.memory_space<vmem>>)
        "tpu.region"() ({
          %run_scoped3A = tpu.sem_alloc : memref<!tpu.dma_semaphore, #tpu.memory_space<semaphore_mem>>
          %dma_start3A_46 = arith.constant 0 : i32
          %dma_start3A_47 = tpu.memref_slice %arg10[%scan3A_35, %dma_start3A_46] : memref<40x128xi32, #tpu.memory_space<vmem>> -> memref<1x128xi32, #tpu.memory_space<vmem>>
          %dma_start3A_48 = tpu.memref_squeeze %dma_start3A_47 : memref<1x128xi32, #tpu.memory_space<vmem>> -> memref<128xi32, #tpu.memory_space<vmem>>
          %dma_start3A_49 = arith.constant 0 : i32
          %dma_start3A_50 = arith.constant 0 : i32
          %dma_start3A_51 = tpu.memref_slice %arg13[%dma_start3A_49, %dma_start3A_50] : memref<10240x128xf32, #tpu.memory_space<vmem_shared>> -> memref<10240x128xf32, #tpu.memory_space<vmem_shared>>
          tpu.enqueue_indirect_dma source(%arg11 : memref<128x128xf32, #tpu.memory_space<vmem>>) target(%dma_start3A_51 : memref<10240x128xf32, #tpu.memory_space<vmem_shared>>) offsets(%dma_start3A_48 : memref<128xi32, #tpu.memory_space<vmem>>) semaphore(%run_scoped3A : memref<!tpu.dma_semaphore, #tpu.memory_space<semaphore_mem>>) {add = true}
          %dma_wait3A_52 = arith.constant 0 : i32
          %dma_wait3A_53 = tpu.memref_slice %arg10[%scan3A_35, %dma_wait3A_52] : memref<40x128xi32, #tpu.memory_space<vmem>> -> memref<1x128xi32, #tpu.memory_space<vmem>>
          %dma_wait3A_54 = tpu.memref_squeeze %dma_wait3A_53 : memref<1x128xi32, #tpu.memory_space<vmem>> -> memref<128xi32, #tpu.memory_space<vmem>>
          %dma_wait3A_55 = arith.constant 0 : i32
          %dma_wait3A_56 = arith.constant 0 : i32
          %dma_wait3A_57 = tpu.memref_slice %arg13[%dma_wait3A_55, %dma_wait3A_56] : memref<10240x128xf32, #tpu.memory_space<vmem_shared>> -> memref<10240x128xf32, #tpu.memory_space<vmem_shared>>
          tpu.wait_indirect_dma semaphore(%run_scoped3A : memref<!tpu.dma_semaphore, #tpu.memory_space<semaphore_mem>>) src(%arg11 : memref<128x128xf32, #tpu.memory_space<vmem>>) dst(%dma_wait3A_57 : memref<10240x128xf32, #tpu.memory_space<vmem_shared>>)
          tpu.yield
        }) : () -> ()
      }
      %scan3A_19 = arith.constant 40 : i32
      %mul3A_20 = arith.constant 80 : i32
      %mul3A_21 = arith.muli %arg1, %mul3A_20 : i32
      %add3A_22 = arith.constant 40 : i32
      %add3A_23 = arith.addi %mul3A_21, %add3A_22 : i32
      "tpu.region"() ({
        %run_scoped3A = tpu.sem_alloc : memref<!tpu.dma_semaphore, #tpu.memory_space<semaphore_mem>>
        %dma_start3A = arith.constant 0 : i32
        %dma_start3A_35 = tpu.memref_slice %arg4[%add3A_23, %dma_start3A] : memref<1280x128xi32, #tpu.memory_space<hbm>> -> memref<40x128xi32, #tpu.memory_space<hbm>>
        %dma_start3A_36 = arith.constant 0 : i32
        %dma_start3A_37 = tpu.memref_slice %arg4[%add3A_23, %dma_start3A_36] : memref<1280x128xi32, #tpu.memory_space<hbm>> -> memref<40x128xi32, #tpu.memory_space<hbm>>
        tpu.enqueue_dma source(%dma_start3A_37 : memref<40x128xi32, #tpu.memory_space<hbm>>) target(%arg9 : memref<40x128xi32, #tpu.memory_space<vmem>>) target_semaphore(%run_scoped3A : memref<!tpu.dma_semaphore, #tpu.memory_space<semaphore_mem>>)
        %dma_wait3A = arith.constant 0 : i32
        %dma_wait3A_38 = tpu.memref_slice %arg4[%add3A_23, %dma_wait3A] : memref<1280x128xi32, #tpu.memory_space<hbm>> -> memref<40x128xi32, #tpu.memory_space<hbm>>
        %dma_wait3A_39 = arith.constant 0 : i32
        %dma_wait3A_40 = tpu.memref_slice %arg4[%add3A_23, %dma_wait3A_39] : memref<1280x128xi32, #tpu.memory_space<hbm>> -> memref<40x128xi32, #tpu.memory_space<hbm>>
        tpu.wait_dma2 semaphore(%run_scoped3A : memref<!tpu.dma_semaphore, #tpu.memory_space<semaphore_mem>>) src(%dma_wait3A_40 : memref<40x128xi32, #tpu.memory_space<hbm>>) dst(%arg9 : memref<40x128xi32, #tpu.memory_space<vmem>>)
        tpu.yield
      }) : () -> ()
      %mul3A_24 = arith.constant 80 : i32
      %mul3A_25 = arith.muli %arg1, %mul3A_24 : i32
      %add3A_26 = arith.constant 40 : i32
      %add3A_27 = arith.addi %mul3A_25, %add3A_26 : i32
      "tpu.region"() ({
        %run_scoped3A = tpu.sem_alloc : memref<!tpu.dma_semaphore, #tpu.memory_space<semaphore_mem>>
        %dma_start3A = arith.constant 0 : i32
        %dma_start3A_35 = tpu.memref_slice %arg5[%add3A_27, %dma_start3A] : memref<1280x128xi32, #tpu.memory_space<hbm>> -> memref<40x128xi32, #tpu.memory_space<hbm>>
        %dma_start3A_36 = arith.constant 0 : i32
        %dma_start3A_37 = tpu.memref_slice %arg5[%add3A_27, %dma_start3A_36] : memref<1280x128xi32, #tpu.memory_space<hbm>> -> memref<40x128xi32, #tpu.memory_space<hbm>>
        tpu.enqueue_dma source(%dma_start3A_37 : memref<40x128xi32, #tpu.memory_space<hbm>>) target(%arg10 : memref<40x128xi32, #tpu.memory_space<vmem>>) target_semaphore(%run_scoped3A : memref<!tpu.dma_semaphore, #tpu.memory_space<semaphore_mem>>)
        %dma_wait3A = arith.constant 0 : i32
        %dma_wait3A_38 = tpu.memref_slice %arg5[%add3A_27, %dma_wait3A] : memref<1280x128xi32, #tpu.memory_space<hbm>> -> memref<40x128xi32, #tpu.memory_space<hbm>>
        %dma_wait3A_39 = arith.constant 0 : i32
        %dma_wait3A_40 = tpu.memref_slice %arg5[%add3A_27, %dma_wait3A_39] : memref<1280x128xi32, #tpu.memory_space<hbm>> -> memref<40x128xi32, #tpu.memory_space<hbm>>
        tpu.wait_dma2 semaphore(%run_scoped3A : memref<!tpu.dma_semaphore, #tpu.memory_space<semaphore_mem>>) src(%dma_wait3A_40 : memref<40x128xi32, #tpu.memory_space<hbm>>) dst(%arg10 : memref<40x128xi32, #tpu.memory_space<vmem>>)
        tpu.yield
      }) : () -> ()
      %scan3A_28 = arith.constant 0 : i32
      %scan3A_29 = arith.constant 0 : i32
      %scan3A_30 = arith.constant 40 : i32
      %scan3A_31 = arith.addi %scan3A_29, %scan3A_30 : i32
      %scan3A_32 = arith.constant 1 : i32
      scf.for %scan3A_35 = %scan3A_29 to %scan3A_31 step %scan3A_32  : i32 {
        %dma_start3A = arith.constant 0 : i32
        %dma_start3A_36 = tpu.memref_slice %arg9[%scan3A_35, %dma_start3A] : memref<40x128xi32, #tpu.memory_space<vmem>> -> memref<1x128xi32, #tpu.memory_space<vmem>>
        %dma_start3A_37 = tpu.memref_squeeze %dma_start3A_36 : memref<1x128xi32, #tpu.memory_space<vmem>> -> memref<128xi32, #tpu.memory_space<vmem>>
        %dma_start3A_38 = arith.constant 0 : i32
        %dma_start3A_39 = arith.constant 0 : i32
        %dma_start3A_40 = tpu.memref_slice %arg2[%dma_start3A_38, %dma_start3A_39] : memref<10240x128xf32, #tpu.memory_space<hbm>> -> memref<10240x128xf32, #tpu.memory_space<hbm>>
        tpu.enqueue_indirect_dma source(%dma_start3A_40 : memref<10240x128xf32, #tpu.memory_space<hbm>>) target(%arg11 : memref<128x128xf32, #tpu.memory_space<vmem>>) offsets(%dma_start3A_37 : memref<128xi32, #tpu.memory_space<vmem>>) semaphore(%arg14 : memref<!tpu.dma_semaphore, #tpu.memory_space<semaphore_mem>>)
        %dma_wait3A = arith.constant 0 : i32
        %dma_wait3A_41 = tpu.memref_slice %arg9[%scan3A_35, %dma_wait3A] : memref<40x128xi32, #tpu.memory_space<vmem>> -> memref<1x128xi32, #tpu.memory_space<vmem>>
        %dma_wait3A_42 = tpu.memref_squeeze %dma_wait3A_41 : memref<1x128xi32, #tpu.memory_space<vmem>> -> memref<128xi32, #tpu.memory_space<vmem>>
        %dma_wait3A_43 = arith.constant 0 : i32
        %dma_wait3A_44 = arith.constant 0 : i32
        %dma_wait3A_45 = tpu.memref_slice %arg2[%dma_wait3A_43, %dma_wait3A_44] : memref<10240x128xf32, #tpu.memory_space<hbm>> -> memref<10240x128xf32, #tpu.memory_space<hbm>>
        tpu.wait_indirect_dma semaphore(%arg14 : memref<!tpu.dma_semaphore, #tpu.memory_space<semaphore_mem>>) src(%dma_wait3A_45 : memref<10240x128xf32, #tpu.memory_space<hbm>>) dst(%arg11 : memref<128x128xf32, #tpu.memory_space<vmem>>)
        "tpu.region"() ({
          %run_scoped3A = tpu.sem_alloc : memref<!tpu.dma_semaphore, #tpu.memory_space<semaphore_mem>>
          %dma_start3A_46 = arith.constant 0 : i32
          %dma_start3A_47 = tpu.memref_slice %arg10[%scan3A_35, %dma_start3A_46] : memref<40x128xi32, #tpu.memory_space<vmem>> -> memref<1x128xi32, #tpu.memory_space<vmem>>
          %dma_start3A_48 = tpu.memref_squeeze %dma_start3A_47 : memref<1x128xi32, #tpu.memory_space<vmem>> -> memref<128xi32, #tpu.memory_space<vmem>>
          %dma_start3A_49 = arith.constant 0 : i32
          %dma_start3A_50 = arith.constant 0 : i32
          %dma_start3A_51 = tpu.memref_slice %arg13[%dma_start3A_49, %dma_start3A_50] : memref<10240x128xf32, #tpu.memory_space<vmem_shared>> -> memref<10240x128xf32, #tpu.memory_space<vmem_shared>>
          tpu.enqueue_indirect_dma source(%arg11 : memref<128x128xf32, #tpu.memory_space<vmem>>) target(%dma_start3A_51 : memref<10240x128xf32, #tpu.memory_space<vmem_shared>>) offsets(%dma_start3A_48 : memref<128xi32, #tpu.memory_space<vmem>>) semaphore(%run_scoped3A : memref<!tpu.dma_semaphore, #tpu.memory_space<semaphore_mem>>) {add = true}
          %dma_wait3A_52 = arith.constant 0 : i32
          %dma_wait3A_53 = tpu.memref_slice %arg10[%scan3A_35, %dma_wait3A_52] : memref<40x128xi32, #tpu.memory_space<vmem>> -> memref<1x128xi32, #tpu.memory_space<vmem>>
          %dma_wait3A_54 = tpu.memref_squeeze %dma_wait3A_53 : memref<1x128xi32, #tpu.memory_space<vmem>> -> memref<128xi32, #tpu.memory_space<vmem>>
          %dma_wait3A_55 = arith.constant 0 : i32
          %dma_wait3A_56 = arith.constant 0 : i32
          %dma_wait3A_57 = tpu.memref_slice %arg13[%dma_wait3A_55, %dma_wait3A_56] : memref<10240x128xf32, #tpu.memory_space<vmem_shared>> -> memref<10240x128xf32, #tpu.memory_space<vmem_shared>>
          tpu.wait_indirect_dma semaphore(%run_scoped3A : memref<!tpu.dma_semaphore, #tpu.memory_space<semaphore_mem>>) src(%arg11 : memref<128x128xf32, #tpu.memory_space<vmem>>) dst(%dma_wait3A_57 : memref<10240x128xf32, #tpu.memory_space<vmem_shared>>)
          tpu.yield
        }) : () -> ()
      }
      %scan3A_33 = arith.constant 40 : i32
      %barrier3A_34 = arith.constant 0 : index
      tpu.barrier barrier_id(%barrier3A_34)
      "tpu.region"() ({
        %run_scoped3A = tpu.sem_alloc : memref<!tpu.dma_semaphore, #tpu.memory_space<semaphore_mem>>
        %dma_start3A = arith.constant 0 : i32
        %dma_start3A_35 = tpu.memref_slice %arg7[%mul3A_0, %dma_start3A] : memref<10240x128xf32, #tpu.memory_space<hbm>> -> memref<640x128xf32, #tpu.memory_space<hbm>>
        %dma_start3A_36 = arith.constant 0 : i32
        %dma_start3A_37 = tpu.memref_slice %arg13[%mul3A_0, %dma_start3A_36] : memref<10240x128xf32, #tpu.memory_space<vmem_shared>> -> memref<640x128xf32, #tpu.memory_space<vmem_shared>>
        tpu.enqueue_dma source(%dma_start3A_37 : memref<640x128xf32, #tpu.memory_space<vmem_shared>>) target(%dma_start3A_35 : memref<640x128xf32, #tpu.memory_space<hbm>>) target_semaphore(%run_scoped3A : memref<!tpu.dma_semaphore, #tpu.memory_space<semaphore_mem>>)
        %dma_wait3A = arith.constant 0 : i32
        %dma_wait3A_38 = tpu.memref_slice %arg7[%mul3A_0, %dma_wait3A] : memref<10240x128xf32, #tpu.memory_space<hbm>> -> memref<640x128xf32, #tpu.memory_space<hbm>>
        %dma_wait3A_39 = arith.constant 0 : i32
        %dma_wait3A_40 = tpu.memref_slice %arg13[%mul3A_0, %dma_wait3A_39] : memref<10240x128xf32, #tpu.memory_space<vmem_shared>> -> memref<640x128xf32, #tpu.memory_space<vmem_shared>>
        tpu.wait_dma2 semaphore(%run_scoped3A : memref<!tpu.dma_semaphore, #tpu.memory_space<semaphore_mem>>) src(%dma_wait3A_40 : memref<640x128xf32, #tpu.memory_space<vmem_shared>>) dst(%dma_wait3A_38 : memref<640x128xf32, #tpu.memory_space<hbm>>)
        tpu.yield
      }) : () -> ()
    } else {
    }
    %eq3A_3 = arith.constant 1 : i32
    %eq3A_4 = arith.cmpi eq, %arg0, %eq3A_3 : i32
    %convert_element_type3A_5 = arith.extui %eq3A_4 : i1 to i32
    %cond3A_6 = arith.constant 0 : i32
    %cond3A_7 = arith.cmpi ne, %convert_element_type3A_5, %cond3A_6 : i32
    scf.if %cond3A_7 {
      %mul3A_8 = arith.constant 80 : i32
      %mul3A_9 = arith.muli %arg1, %mul3A_8 : i32
      %add3A = arith.constant 0 : i32
      %add3A_10 = arith.addi %mul3A_9, %add3A : i32
      "tpu.region"() ({
        %run_scoped3A = tpu.sem_alloc : memref<!tpu.dma_semaphore, #tpu.memory_space<semaphore_mem>>
        %dma_start3A = arith.constant 0 : i32
        %dma_start3A_35 = tpu.memref_slice %arg4[%add3A_10, %dma_start3A] : memref<1280x128xi32, #tpu.memory_space<hbm>> -> memref<40x128xi32, #tpu.memory_space<hbm>>
        %dma_start3A_36 = arith.constant 0 : i32
        %dma_start3A_37 = tpu.memref_slice %arg4[%add3A_10, %dma_start3A_36] : memref<1280x128xi32, #tpu.memory_space<hbm>> -> memref<40x128xi32, #tpu.memory_space<hbm>>
        tpu.enqueue_dma source(%dma_start3A_37 : memref<40x128xi32, #tpu.memory_space<hbm>>) target(%arg9 : memref<40x128xi32, #tpu.memory_space<vmem>>) target_semaphore(%run_scoped3A : memref<!tpu.dma_semaphore, #tpu.memory_space<semaphore_mem>>)
        %dma_wait3A = arith.constant 0 : i32
        %dma_wait3A_38 = tpu.memref_slice %arg4[%add3A_10, %dma_wait3A] : memref<1280x128xi32, #tpu.memory_space<hbm>> -> memref<40x128xi32, #tpu.memory_space<hbm>>
        %dma_wait3A_39 = arith.constant 0 : i32
        %dma_wait3A_40 = tpu.memref_slice %arg4[%add3A_10, %dma_wait3A_39] : memref<1280x128xi32, #tpu.memory_space<hbm>> -> memref<40x128xi32, #tpu.memory_space<hbm>>
        tpu.wait_dma2 semaphore(%run_scoped3A : memref<!tpu.dma_semaphore, #tpu.memory_space<semaphore_mem>>) src(%dma_wait3A_40 : memref<40x128xi32, #tpu.memory_space<hbm>>) dst(%arg9 : memref<40x128xi32, #tpu.memory_space<vmem>>)
        tpu.yield
      }) : () -> ()
      %mul3A_11 = arith.constant 80 : i32
      %mul3A_12 = arith.muli %arg1, %mul3A_11 : i32
      %add3A_13 = arith.constant 0 : i32
      %add3A_14 = arith.addi %mul3A_12, %add3A_13 : i32
      "tpu.region"() ({
        %run_scoped3A = tpu.sem_alloc : memref<!tpu.dma_semaphore, #tpu.memory_space<semaphore_mem>>
        %dma_start3A = arith.constant 0 : i32
        %dma_start3A_35 = tpu.memref_slice %arg5[%add3A_14, %dma_start3A] : memref<1280x128xi32, #tpu.memory_space<hbm>> -> memref<40x128xi32, #tpu.memory_space<hbm>>
        %dma_start3A_36 = arith.constant 0 : i32
        %dma_start3A_37 = tpu.memref_slice %arg5[%add3A_14, %dma_start3A_36] : memref<1280x128xi32, #tpu.memory_space<hbm>> -> memref<40x128xi32, #tpu.memory_space<hbm>>
        tpu.enqueue_dma source(%dma_start3A_37 : memref<40x128xi32, #tpu.memory_space<hbm>>) target(%arg10 : memref<40x128xi32, #tpu.memory_space<vmem>>) target_semaphore(%run_scoped3A : memref<!tpu.dma_semaphore, #tpu.memory_space<semaphore_mem>>)
        %dma_wait3A = arith.constant 0 : i32
        %dma_wait3A_38 = tpu.memref_slice %arg5[%add3A_14, %dma_wait3A] : memref<1280x128xi32, #tpu.memory_space<hbm>> -> memref<40x128xi32, #tpu.memory_space<hbm>>
        %dma_wait3A_39 = arith.constant 0 : i32
        %dma_wait3A_40 = tpu.memref_slice %arg5[%add3A_14, %dma_wait3A_39] : memref<1280x128xi32, #tpu.memory_space<hbm>> -> memref<40x128xi32, #tpu.memory_space<hbm>>
        tpu.wait_dma2 semaphore(%run_scoped3A : memref<!tpu.dma_semaphore, #tpu.memory_space<semaphore_mem>>) src(%dma_wait3A_40 : memref<40x128xi32, #tpu.memory_space<hbm>>) dst(%arg10 : memref<40x128xi32, #tpu.memory_space<vmem>>)
        tpu.yield
      }) : () -> ()
      %scan3A = arith.constant 0 : i32
      %scan3A_15 = arith.constant 0 : i32
      %scan3A_16 = arith.constant 40 : i32
      %scan3A_17 = arith.addi %scan3A_15, %scan3A_16 : i32
      %scan3A_18 = arith.constant 1 : i32
      scf.for %scan3A_35 = %scan3A_15 to %scan3A_17 step %scan3A_18  : i32 {
        %dma_start3A = arith.constant 0 : i32
        %dma_start3A_36 = tpu.memref_slice %arg9[%scan3A_35, %dma_start3A] : memref<40x128xi32, #tpu.memory_space<vmem>> -> memref<1x128xi32, #tpu.memory_space<vmem>>
        %dma_start3A_37 = tpu.memref_squeeze %dma_start3A_36 : memref<1x128xi32, #tpu.memory_space<vmem>> -> memref<128xi32, #tpu.memory_space<vmem>>
        %dma_start3A_38 = arith.constant 0 : i32
        %dma_start3A_39 = arith.constant 0 : i32
        %dma_start3A_40 = tpu.memref_slice %arg3[%dma_start3A_38, %dma_start3A_39] : memref<10240x128xf32, #tpu.memory_space<hbm>> -> memref<10240x128xf32, #tpu.memory_space<hbm>>
        tpu.enqueue_indirect_dma source(%dma_start3A_40 : memref<10240x128xf32, #tpu.memory_space<hbm>>) target(%arg11 : memref<128x128xf32, #tpu.memory_space<vmem>>) offsets(%dma_start3A_37 : memref<128xi32, #tpu.memory_space<vmem>>) semaphore(%arg14 : memref<!tpu.dma_semaphore, #tpu.memory_space<semaphore_mem>>)
        %dma_wait3A = arith.constant 0 : i32
        %dma_wait3A_41 = tpu.memref_slice %arg9[%scan3A_35, %dma_wait3A] : memref<40x128xi32, #tpu.memory_space<vmem>> -> memref<1x128xi32, #tpu.memory_space<vmem>>
        %dma_wait3A_42 = tpu.memref_squeeze %dma_wait3A_41 : memref<1x128xi32, #tpu.memory_space<vmem>> -> memref<128xi32, #tpu.memory_space<vmem>>
        %dma_wait3A_43 = arith.constant 0 : i32
        %dma_wait3A_44 = arith.constant 0 : i32
        %dma_wait3A_45 = tpu.memref_slice %arg3[%dma_wait3A_43, %dma_wait3A_44] : memref<10240x128xf32, #tpu.memory_space<hbm>> -> memref<10240x128xf32, #tpu.memory_space<hbm>>
        tpu.wait_indirect_dma semaphore(%arg14 : memref<!tpu.dma_semaphore, #tpu.memory_space<semaphore_mem>>) src(%dma_wait3A_45 : memref<10240x128xf32, #tpu.memory_space<hbm>>) dst(%arg11 : memref<128x128xf32, #tpu.memory_space<vmem>>)
        "tpu.region"() ({
          %run_scoped3A = tpu.sem_alloc : memref<!tpu.dma_semaphore, #tpu.memory_space<semaphore_mem>>
          %dma_start3A_46 = arith.constant 0 : i32
          %dma_start3A_47 = tpu.memref_slice %arg10[%scan3A_35, %dma_start3A_46] : memref<40x128xi32, #tpu.memory_space<vmem>> -> memref<1x128xi32, #tpu.memory_space<vmem>>
          %dma_start3A_48 = tpu.memref_squeeze %dma_start3A_47 : memref<1x128xi32, #tpu.memory_space<vmem>> -> memref<128xi32, #tpu.memory_space<vmem>>
          %dma_start3A_49 = arith.constant 0 : i32
          %dma_start3A_50 = arith.constant 0 : i32
          %dma_start3A_51 = tpu.memref_slice %arg13[%dma_start3A_49, %dma_start3A_50] : memref<10240x128xf32, #tpu.memory_space<vmem_shared>> -> memref<10240x128xf32, #tpu.memory_space<vmem_shared>>
          tpu.enqueue_indirect_dma source(%arg11 : memref<128x128xf32, #tpu.memory_space<vmem>>) target(%dma_start3A_51 : memref<10240x128xf32, #tpu.memory_space<vmem_shared>>) offsets(%dma_start3A_48 : memref<128xi32, #tpu.memory_space<vmem>>) semaphore(%run_scoped3A : memref<!tpu.dma_semaphore, #tpu.memory_space<semaphore_mem>>) {add = true}
          %dma_wait3A_52 = arith.constant 0 : i32
          %dma_wait3A_53 = tpu.memref_slice %arg10[%scan3A_35, %dma_wait3A_52] : memref<40x128xi32, #tpu.memory_space<vmem>> -> memref<1x128xi32, #tpu.memory_space<vmem>>
          %dma_wait3A_54 = tpu.memref_squeeze %dma_wait3A_53 : memref<1x128xi32, #tpu.memory_space<vmem>> -> memref<128xi32, #tpu.memory_space<vmem>>
          %dma_wait3A_55 = arith.constant 0 : i32
          %dma_wait3A_56 = arith.constant 0 : i32
          %dma_wait3A_57 = tpu.memref_slice %arg13[%dma_wait3A_55, %dma_wait3A_56] : memref<10240x128xf32, #tpu.memory_space<vmem_shared>> -> memref<10240x128xf32, #tpu.memory_space<vmem_shared>>
          tpu.wait_indirect_dma semaphore(%run_scoped3A : memref<!tpu.dma_semaphore, #tpu.memory_space<semaphore_mem>>) src(%arg11 : memref<128x128xf32, #tpu.memory_space<vmem>>) dst(%dma_wait3A_57 : memref<10240x128xf32, #tpu.memory_space<vmem_shared>>)
          tpu.yield
        }) : () -> ()
      }
      %scan3A_19 = arith.constant 40 : i32
      %mul3A_20 = arith.constant 80 : i32
      %mul3A_21 = arith.muli %arg1, %mul3A_20 : i32
      %add3A_22 = arith.constant 40 : i32
      %add3A_23 = arith.addi %mul3A_21, %add3A_22 : i32
      "tpu.region"() ({
        %run_scoped3A = tpu.sem_alloc : memref<!tpu.dma_semaphore, #tpu.memory_space<semaphore_mem>>
        %dma_start3A = arith.constant 0 : i32
        %dma_start3A_35 = tpu.memref_slice %arg4[%add3A_23, %dma_start3A] : memref<1280x128xi32, #tpu.memory_space<hbm>> -> memref<40x128xi32, #tpu.memory_space<hbm>>
        %dma_start3A_36 = arith.constant 0 : i32
        %dma_start3A_37 = tpu.memref_slice %arg4[%add3A_23, %dma_start3A_36] : memref<1280x128xi32, #tpu.memory_space<hbm>> -> memref<40x128xi32, #tpu.memory_space<hbm>>
        tpu.enqueue_dma source(%dma_start3A_37 : memref<40x128xi32, #tpu.memory_space<hbm>>) target(%arg9 : memref<40x128xi32, #tpu.memory_space<vmem>>) target_semaphore(%run_scoped3A : memref<!tpu.dma_semaphore, #tpu.memory_space<semaphore_mem>>)
        %dma_wait3A = arith.constant 0 : i32
        %dma_wait3A_38 = tpu.memref_slice %arg4[%add3A_23, %dma_wait3A] : memref<1280x128xi32, #tpu.memory_space<hbm>> -> memref<40x128xi32, #tpu.memory_space<hbm>>
        %dma_wait3A_39 = arith.constant 0 : i32
        %dma_wait3A_40 = tpu.memref_slice %arg4[%add3A_23, %dma_wait3A_39] : memref<1280x128xi32, #tpu.memory_space<hbm>> -> memref<40x128xi32, #tpu.memory_space<hbm>>
        tpu.wait_dma2 semaphore(%run_scoped3A : memref<!tpu.dma_semaphore, #tpu.memory_space<semaphore_mem>>) src(%dma_wait3A_40 : memref<40x128xi32, #tpu.memory_space<hbm>>) dst(%arg9 : memref<40x128xi32, #tpu.memory_space<vmem>>)
        tpu.yield
      }) : () -> ()
      %mul3A_24 = arith.constant 80 : i32
      %mul3A_25 = arith.muli %arg1, %mul3A_24 : i32
      %add3A_26 = arith.constant 40 : i32
      %add3A_27 = arith.addi %mul3A_25, %add3A_26 : i32
      "tpu.region"() ({
        %run_scoped3A = tpu.sem_alloc : memref<!tpu.dma_semaphore, #tpu.memory_space<semaphore_mem>>
        %dma_start3A = arith.constant 0 : i32
        %dma_start3A_35 = tpu.memref_slice %arg5[%add3A_27, %dma_start3A] : memref<1280x128xi32, #tpu.memory_space<hbm>> -> memref<40x128xi32, #tpu.memory_space<hbm>>
        %dma_start3A_36 = arith.constant 0 : i32
        %dma_start3A_37 = tpu.memref_slice %arg5[%add3A_27, %dma_start3A_36] : memref<1280x128xi32, #tpu.memory_space<hbm>> -> memref<40x128xi32, #tpu.memory_space<hbm>>
        tpu.enqueue_dma source(%dma_start3A_37 : memref<40x128xi32, #tpu.memory_space<hbm>>) target(%arg10 : memref<40x128xi32, #tpu.memory_space<vmem>>) target_semaphore(%run_scoped3A : memref<!tpu.dma_semaphore, #tpu.memory_space<semaphore_mem>>)
        %dma_wait3A = arith.constant 0 : i32
        %dma_wait3A_38 = tpu.memref_slice %arg5[%add3A_27, %dma_wait3A] : memref<1280x128xi32, #tpu.memory_space<hbm>> -> memref<40x128xi32, #tpu.memory_space<hbm>>
        %dma_wait3A_39 = arith.constant 0 : i32
        %dma_wait3A_40 = tpu.memref_slice %arg5[%add3A_27, %dma_wait3A_39] : memref<1280x128xi32, #tpu.memory_space<hbm>> -> memref<40x128xi32, #tpu.memory_space<hbm>>
        tpu.wait_dma2 semaphore(%run_scoped3A : memref<!tpu.dma_semaphore, #tpu.memory_space<semaphore_mem>>) src(%dma_wait3A_40 : memref<40x128xi32, #tpu.memory_space<hbm>>) dst(%arg10 : memref<40x128xi32, #tpu.memory_space<vmem>>)
        tpu.yield
      }) : () -> ()
      %scan3A_28 = arith.constant 0 : i32
      %scan3A_29 = arith.constant 0 : i32
      %scan3A_30 = arith.constant 40 : i32
      %scan3A_31 = arith.addi %scan3A_29, %scan3A_30 : i32
      %scan3A_32 = arith.constant 1 : i32
      scf.for %scan3A_35 = %scan3A_29 to %scan3A_31 step %scan3A_32  : i32 {
        %dma_start3A = arith.constant 0 : i32
        %dma_start3A_36 = tpu.memref_slice %arg9[%scan3A_35, %dma_start3A] : memref<40x128xi32, #tpu.memory_space<vmem>> -> memref<1x128xi32, #tpu.memory_space<vmem>>
        %dma_start3A_37 = tpu.memref_squeeze %dma_start3A_36 : memref<1x128xi32, #tpu.memory_space<vmem>> -> memref<128xi32, #tpu.memory_space<vmem>>
        %dma_start3A_38 = arith.constant 0 : i32
        %dma_start3A_39 = arith.constant 0 : i32
        %dma_start3A_40 = tpu.memref_slice %arg3[%dma_start3A_38, %dma_start3A_39] : memref<10240x128xf32, #tpu.memory_space<hbm>> -> memref<10240x128xf32, #tpu.memory_space<hbm>>
        tpu.enqueue_indirect_dma source(%dma_start3A_40 : memref<10240x128xf32, #tpu.memory_space<hbm>>) target(%arg11 : memref<128x128xf32, #tpu.memory_space<vmem>>) offsets(%dma_start3A_37 : memref<128xi32, #tpu.memory_space<vmem>>) semaphore(%arg14 : memref<!tpu.dma_semaphore, #tpu.memory_space<semaphore_mem>>)
        %dma_wait3A = arith.constant 0 : i32
        %dma_wait3A_41 = tpu.memref_slice %arg9[%scan3A_35, %dma_wait3A] : memref<40x128xi32, #tpu.memory_space<vmem>> -> memref<1x128xi32, #tpu.memory_space<vmem>>
        %dma_wait3A_42 = tpu.memref_squeeze %dma_wait3A_41 : memref<1x128xi32, #tpu.memory_space<vmem>> -> memref<128xi32, #tpu.memory_space<vmem>>
        %dma_wait3A_43 = arith.constant 0 : i32
        %dma_wait3A_44 = arith.constant 0 : i32
        %dma_wait3A_45 = tpu.memref_slice %arg3[%dma_wait3A_43, %dma_wait3A_44] : memref<10240x128xf32, #tpu.memory_space<hbm>> -> memref<10240x128xf32, #tpu.memory_space<hbm>>
        tpu.wait_indirect_dma semaphore(%arg14 : memref<!tpu.dma_semaphore, #tpu.memory_space<semaphore_mem>>) src(%dma_wait3A_45 : memref<10240x128xf32, #tpu.memory_space<hbm>>) dst(%arg11 : memref<128x128xf32, #tpu.memory_space<vmem>>)
        "tpu.region"() ({
          %run_scoped3A = tpu.sem_alloc : memref<!tpu.dma_semaphore, #tpu.memory_space<semaphore_mem>>
          %dma_start3A_46 = arith.constant 0 : i32
          %dma_start3A_47 = tpu.memref_slice %arg10[%scan3A_35, %dma_start3A_46] : memref<40x128xi32, #tpu.memory_space<vmem>> -> memref<1x128xi32, #tpu.memory_space<vmem>>
          %dma_start3A_48 = tpu.memref_squeeze %dma_start3A_47 : memref<1x128xi32, #tpu.memory_space<vmem>> -> memref<128xi32, #tpu.memory_space<vmem>>
          %dma_start3A_49 = arith.constant 0 : i32
          %dma_start3A_50 = arith.constant 0 : i32
          %dma_start3A_51 = tpu.memref_slice %arg13[%dma_start3A_49, %dma_start3A_50] : memref<10240x128xf32, #tpu.memory_space<vmem_shared>> -> memref<10240x128xf32, #tpu.memory_space<vmem_shared>>
          tpu.enqueue_indirect_dma source(%arg11 : memref<128x128xf32, #tpu.memory_space<vmem>>) target(%dma_start3A_51 : memref<10240x128xf32, #tpu.memory_space<vmem_shared>>) offsets(%dma_start3A_48 : memref<128xi32, #tpu.memory_space<vmem>>) semaphore(%run_scoped3A : memref<!tpu.dma_semaphore, #tpu.memory_space<semaphore_mem>>) {add = true}
          %dma_wait3A_52 = arith.constant 0 : i32
          %dma_wait3A_53 = tpu.memref_slice %arg10[%scan3A_35, %dma_wait3A_52] : memref<40x128xi32, #tpu.memory_space<vmem>> -> memref<1x128xi32, #tpu.memory_space<vmem>>
          %dma_wait3A_54 = tpu.memref_squeeze %dma_wait3A_53 : memref<1x128xi32, #tpu.memory_space<vmem>> -> memref<128xi32, #tpu.memory_space<vmem>>
          %dma_wait3A_55 = arith.constant 0 : i32
          %dma_wait3A_56 = arith.constant 0 : i32
          %dma_wait3A_57 = tpu.memref_slice %arg13[%dma_wait3A_55, %dma_wait3A_56] : memref<10240x128xf32, #tpu.memory_space<vmem_shared>> -> memref<10240x128xf32, #tpu.memory_space<vmem_shared>>
          tpu.wait_indirect_dma semaphore(%run_scoped3A : memref<!tpu.dma_semaphore, #tpu.memory_space<semaphore_mem>>) src(%arg11 : memref<128x128xf32, #tpu.memory_space<vmem>>) dst(%dma_wait3A_57 : memref<10240x128xf32, #tpu.memory_space<vmem_shared>>)
          tpu.yield
        }) : () -> ()
      }
      %scan3A_33 = arith.constant 40 : i32
      %barrier3A_34 = arith.constant 0 : index
      tpu.barrier barrier_id(%barrier3A_34)
      "tpu.region"() ({
        %run_scoped3A = tpu.sem_alloc : memref<!tpu.dma_semaphore, #tpu.memory_space<semaphore_mem>>
        %dma_start3A = arith.constant 0 : i32
        %dma_start3A_35 = tpu.memref_slice %arg8[%mul3A_0, %dma_start3A] : memref<10240x128xf32, #tpu.memory_space<hbm>> -> memref<640x128xf32, #tpu.memory_space<hbm>>
        %dma_start3A_36 = arith.constant 0 : i32
        %dma_start3A_37 = tpu.memref_slice %arg13[%mul3A_0, %dma_start3A_36] : memref<10240x128xf32, #tpu.memory_space<vmem_shared>> -> memref<640x128xf32, #tpu.memory_space<vmem_shared>>
        tpu.enqueue_dma source(%dma_start3A_37 : memref<640x128xf32, #tpu.memory_space<vmem_shared>>) target(%dma_start3A_35 : memref<640x128xf32, #tpu.memory_space<hbm>>) target_semaphore(%run_scoped3A : memref<!tpu.dma_semaphore, #tpu.memory_space<semaphore_mem>>)
        %dma_wait3A = arith.constant 0 : i32
        %dma_wait3A_38 = tpu.memref_slice %arg8[%mul3A_0, %dma_wait3A] : memref<10240x128xf32, #tpu.memory_space<hbm>> -> memref<640x128xf32, #tpu.memory_space<hbm>>
        %dma_wait3A_39 = arith.constant 0 : i32
        %dma_wait3A_40 = tpu.memref_slice %arg13[%mul3A_0, %dma_wait3A_39] : memref<10240x128xf32, #tpu.memory_space<vmem_shared>> -> memref<640x128xf32, #tpu.memory_space<vmem_shared>>
        tpu.wait_dma2 semaphore(%run_scoped3A : memref<!tpu.dma_semaphore, #tpu.memory_space<semaphore_mem>>) src(%dma_wait3A_40 : memref<640x128xf32, #tpu.memory_space<vmem_shared>>) dst(%dma_wait3A_38 : memref<640x128xf32, #tpu.memory_space<hbm>>)
        tpu.yield
      }) : () -> ()
    } else {
    }
    return
  }
}

#map = affine_map<(d0, d1) -> (0, 0)>
module attributes {stable_mosaic.version = 14 : i64} {
  func.func @_segsum_body(%arg0: i32, %arg1: i32, %arg2: memref<10240x128xf32, #tpu.memory_space<hbm>>, %arg3: memref<10240x128xf32, #tpu.memory_space<hbm>>, %arg4: memref<1280x128xi32, #tpu.memory_space<hbm>>, %arg5: memref<1280x128xi32, #tpu.memory_space<hbm>>, %arg6: memref<640x128xf32, #tpu.memory_space<hbm>>, %arg7: memref<10240x128xf32, #tpu.memory_space<hbm>>, %arg8: memref<10240x128xf32, #tpu.memory_space<hbm>>, %arg9: memref<40x128xi32, #tpu.memory_space<vmem>>, %arg10: memref<40x128xi32, #tpu.memory_space<vmem>>, %arg11: memref<128x128xf32, #tpu.memory_space<vmem>>, %arg12: memref<128x128xf32, #tpu.memory_space<vmem>>, %arg13: memref<10240x128xf32, #tpu.memory_space<vmem_shared>>, %arg14: memref<!tpu.dma_semaphore, #tpu.memory_space<semaphore_mem>>, %arg15: memref<!tpu.dma_semaphore, #tpu.memory_space<semaphore_mem>>) attributes {dimension_semantics = [#tpu.dimension_semantics<core_parallel>, #tpu.dimension_semantics<subcore_parallel>], iteration_bounds = array<i64: 2, 16>, scalar_prefetch = 0 : i64, scratch_operands = 7 : i64, tpu.core_type = #tpu.core_type<sc_vector_subcore>, window_params = [{transform_indices = #map}, {transform_indices = #map}, {transform_indices = #map}, {transform_indices = #map}, {transform_indices = #map}, {transform_indices = #map}, {transform_indices = #map}]} {
    %mul3A = arith.constant 640 : i32
    %mul3A_0 = arith.muli %arg1, %mul3A : i32
    "tpu.region"() ({
      %run_scoped3A = tpu.sem_alloc : memref<!tpu.dma_semaphore, #tpu.memory_space<semaphore_mem>>
      %dma_start3A = arith.constant 0 : i32
      %dma_start3A_8 = tpu.memref_slice %arg13[%mul3A_0, %dma_start3A] : memref<10240x128xf32, #tpu.memory_space<vmem_shared>> -> memref<640x128xf32, #tpu.memory_space<vmem_shared>>
      tpu.enqueue_dma source(%arg6 : memref<640x128xf32, #tpu.memory_space<hbm>>) target(%dma_start3A_8 : memref<640x128xf32, #tpu.memory_space<vmem_shared>>) target_semaphore(%run_scoped3A : memref<!tpu.dma_semaphore, #tpu.memory_space<semaphore_mem>>)
      %dma_wait3A = arith.constant 0 : i32
      %dma_wait3A_9 = tpu.memref_slice %arg13[%mul3A_0, %dma_wait3A] : memref<10240x128xf32, #tpu.memory_space<vmem_shared>> -> memref<640x128xf32, #tpu.memory_space<vmem_shared>>
      tpu.wait_dma2 semaphore(%run_scoped3A : memref<!tpu.dma_semaphore, #tpu.memory_space<semaphore_mem>>) src(%arg6 : memref<640x128xf32, #tpu.memory_space<hbm>>) dst(%dma_wait3A_9 : memref<640x128xf32, #tpu.memory_space<vmem_shared>>)
      tpu.yield
    }) : () -> ()
    %barrier3A = arith.constant 0 : index
    tpu.barrier barrier_id(%barrier3A)
    %eq3A = arith.constant 0 : i32
    %eq3A_1 = arith.cmpi eq, %arg0, %eq3A : i32
    %convert_element_type3A = arith.extui %eq3A_1 : i1 to i32
    %cond3A = arith.constant 0 : i32
    %cond3A_2 = arith.cmpi ne, %convert_element_type3A, %cond3A : i32
    scf.if %cond3A_2 {
      %mul3A_8 = arith.constant 80 : i32
      %mul3A_9 = arith.muli %arg1, %mul3A_8 : i32
      %add3A = arith.constant 0 : i32
      %add3A_10 = arith.addi %mul3A_9, %add3A : i32
      "tpu.region"() ({
        %run_scoped3A = tpu.sem_alloc : memref<!tpu.dma_semaphore, #tpu.memory_space<semaphore_mem>>
        %dma_start3A = arith.constant 0 : i32
        %dma_start3A_35 = tpu.memref_slice %arg4[%add3A_10, %dma_start3A] : memref<1280x128xi32, #tpu.memory_space<hbm>> -> memref<40x128xi32, #tpu.memory_space<hbm>>
        %dma_start3A_36 = arith.constant 0 : i32
        %dma_start3A_37 = tpu.memref_slice %arg4[%add3A_10, %dma_start3A_36] : memref<1280x128xi32, #tpu.memory_space<hbm>> -> memref<40x128xi32, #tpu.memory_space<hbm>>
        tpu.enqueue_dma source(%dma_start3A_37 : memref<40x128xi32, #tpu.memory_space<hbm>>) target(%arg9 : memref<40x128xi32, #tpu.memory_space<vmem>>) target_semaphore(%run_scoped3A : memref<!tpu.dma_semaphore, #tpu.memory_space<semaphore_mem>>)
        %dma_wait3A = arith.constant 0 : i32
        %dma_wait3A_38 = tpu.memref_slice %arg4[%add3A_10, %dma_wait3A] : memref<1280x128xi32, #tpu.memory_space<hbm>> -> memref<40x128xi32, #tpu.memory_space<hbm>>
        %dma_wait3A_39 = arith.constant 0 : i32
        %dma_wait3A_40 = tpu.memref_slice %arg4[%add3A_10, %dma_wait3A_39] : memref<1280x128xi32, #tpu.memory_space<hbm>> -> memref<40x128xi32, #tpu.memory_space<hbm>>
        tpu.wait_dma2 semaphore(%run_scoped3A : memref<!tpu.dma_semaphore, #tpu.memory_space<semaphore_mem>>) src(%dma_wait3A_40 : memref<40x128xi32, #tpu.memory_space<hbm>>) dst(%arg9 : memref<40x128xi32, #tpu.memory_space<vmem>>)
        tpu.yield
      }) : () -> ()
      %mul3A_11 = arith.constant 80 : i32
      %mul3A_12 = arith.muli %arg1, %mul3A_11 : i32
      %add3A_13 = arith.constant 0 : i32
      %add3A_14 = arith.addi %mul3A_12, %add3A_13 : i32
      "tpu.region"() ({
        %run_scoped3A = tpu.sem_alloc : memref<!tpu.dma_semaphore, #tpu.memory_space<semaphore_mem>>
        %dma_start3A = arith.constant 0 : i32
        %dma_start3A_35 = tpu.memref_slice %arg5[%add3A_14, %dma_start3A] : memref<1280x128xi32, #tpu.memory_space<hbm>> -> memref<40x128xi32, #tpu.memory_space<hbm>>
        %dma_start3A_36 = arith.constant 0 : i32
        %dma_start3A_37 = tpu.memref_slice %arg5[%add3A_14, %dma_start3A_36] : memref<1280x128xi32, #tpu.memory_space<hbm>> -> memref<40x128xi32, #tpu.memory_space<hbm>>
        tpu.enqueue_dma source(%dma_start3A_37 : memref<40x128xi32, #tpu.memory_space<hbm>>) target(%arg10 : memref<40x128xi32, #tpu.memory_space<vmem>>) target_semaphore(%run_scoped3A : memref<!tpu.dma_semaphore, #tpu.memory_space<semaphore_mem>>)
        %dma_wait3A = arith.constant 0 : i32
        %dma_wait3A_38 = tpu.memref_slice %arg5[%add3A_14, %dma_wait3A] : memref<1280x128xi32, #tpu.memory_space<hbm>> -> memref<40x128xi32, #tpu.memory_space<hbm>>
        %dma_wait3A_39 = arith.constant 0 : i32
        %dma_wait3A_40 = tpu.memref_slice %arg5[%add3A_14, %dma_wait3A_39] : memref<1280x128xi32, #tpu.memory_space<hbm>> -> memref<40x128xi32, #tpu.memory_space<hbm>>
        tpu.wait_dma2 semaphore(%run_scoped3A : memref<!tpu.dma_semaphore, #tpu.memory_space<semaphore_mem>>) src(%dma_wait3A_40 : memref<40x128xi32, #tpu.memory_space<hbm>>) dst(%arg10 : memref<40x128xi32, #tpu.memory_space<vmem>>)
        tpu.yield
      }) : () -> ()
      %scan3A = arith.constant 0 : i32
      %scan3A_15 = arith.constant 0 : i32
      %scan3A_16 = arith.constant 40 : i32
      %scan3A_17 = arith.addi %scan3A_15, %scan3A_16 : i32
      %scan3A_18 = arith.constant 1 : i32
      scf.for %scan3A_35 = %scan3A_15 to %scan3A_17 step %scan3A_18  : i32 {
        %dma_start3A = arith.constant 0 : i32
        %dma_start3A_36 = tpu.memref_slice %arg9[%scan3A_35, %dma_start3A] : memref<40x128xi32, #tpu.memory_space<vmem>> -> memref<1x128xi32, #tpu.memory_space<vmem>>
        %dma_start3A_37 = tpu.memref_squeeze %dma_start3A_36 : memref<1x128xi32, #tpu.memory_space<vmem>> -> memref<128xi32, #tpu.memory_space<vmem>>
        %dma_start3A_38 = arith.constant 0 : i32
        %dma_start3A_39 = arith.constant 0 : i32
        %dma_start3A_40 = tpu.memref_slice %arg2[%dma_start3A_38, %dma_start3A_39] : memref<10240x128xf32, #tpu.memory_space<hbm>> -> memref<10240x128xf32, #tpu.memory_space<hbm>>
        tpu.enqueue_indirect_dma source(%dma_start3A_40 : memref<10240x128xf32, #tpu.memory_space<hbm>>) target(%arg11 : memref<128x128xf32, #tpu.memory_space<vmem>>) offsets(%dma_start3A_37 : memref<128xi32, #tpu.memory_space<vmem>>) semaphore(%arg14 : memref<!tpu.dma_semaphore, #tpu.memory_space<semaphore_mem>>)
        %dma_wait3A = arith.constant 0 : i32
        %dma_wait3A_41 = tpu.memref_slice %arg9[%scan3A_35, %dma_wait3A] : memref<40x128xi32, #tpu.memory_space<vmem>> -> memref<1x128xi32, #tpu.memory_space<vmem>>
        %dma_wait3A_42 = tpu.memref_squeeze %dma_wait3A_41 : memref<1x128xi32, #tpu.memory_space<vmem>> -> memref<128xi32, #tpu.memory_space<vmem>>
        %dma_wait3A_43 = arith.constant 0 : i32
        %dma_wait3A_44 = arith.constant 0 : i32
        %dma_wait3A_45 = tpu.memref_slice %arg2[%dma_wait3A_43, %dma_wait3A_44] : memref<10240x128xf32, #tpu.memory_space<hbm>> -> memref<10240x128xf32, #tpu.memory_space<hbm>>
        tpu.wait_indirect_dma semaphore(%arg14 : memref<!tpu.dma_semaphore, #tpu.memory_space<semaphore_mem>>) src(%dma_wait3A_45 : memref<10240x128xf32, #tpu.memory_space<hbm>>) dst(%arg11 : memref<128x128xf32, #tpu.memory_space<vmem>>)
        "tpu.region"() ({
          %run_scoped3A = tpu.sem_alloc : memref<!tpu.dma_semaphore, #tpu.memory_space<semaphore_mem>>
          %dma_start3A_46 = arith.constant 0 : i32
          %dma_start3A_47 = tpu.memref_slice %arg10[%scan3A_35, %dma_start3A_46] : memref<40x128xi32, #tpu.memory_space<vmem>> -> memref<1x128xi32, #tpu.memory_space<vmem>>
          %dma_start3A_48 = tpu.memref_squeeze %dma_start3A_47 : memref<1x128xi32, #tpu.memory_space<vmem>> -> memref<128xi32, #tpu.memory_space<vmem>>
          %dma_start3A_49 = arith.constant 0 : i32
          %dma_start3A_50 = arith.constant 0 : i32
          %dma_start3A_51 = tpu.memref_slice %arg13[%dma_start3A_49, %dma_start3A_50] : memref<10240x128xf32, #tpu.memory_space<vmem_shared>> -> memref<10240x128xf32, #tpu.memory_space<vmem_shared>>
          tpu.enqueue_indirect_dma source(%arg11 : memref<128x128xf32, #tpu.memory_space<vmem>>) target(%dma_start3A_51 : memref<10240x128xf32, #tpu.memory_space<vmem_shared>>) offsets(%dma_start3A_48 : memref<128xi32, #tpu.memory_space<vmem>>) semaphore(%run_scoped3A : memref<!tpu.dma_semaphore, #tpu.memory_space<semaphore_mem>>) {add = true}
          %dma_wait3A_52 = arith.constant 0 : i32
          %dma_wait3A_53 = tpu.memref_slice %arg10[%scan3A_35, %dma_wait3A_52] : memref<40x128xi32, #tpu.memory_space<vmem>> -> memref<1x128xi32, #tpu.memory_space<vmem>>
          %dma_wait3A_54 = tpu.memref_squeeze %dma_wait3A_53 : memref<1x128xi32, #tpu.memory_space<vmem>> -> memref<128xi32, #tpu.memory_space<vmem>>
          %dma_wait3A_55 = arith.constant 0 : i32
          %dma_wait3A_56 = arith.constant 0 : i32
          %dma_wait3A_57 = tpu.memref_slice %arg13[%dma_wait3A_55, %dma_wait3A_56] : memref<10240x128xf32, #tpu.memory_space<vmem_shared>> -> memref<10240x128xf32, #tpu.memory_space<vmem_shared>>
          tpu.wait_indirect_dma semaphore(%run_scoped3A : memref<!tpu.dma_semaphore, #tpu.memory_space<semaphore_mem>>) src(%arg11 : memref<128x128xf32, #tpu.memory_space<vmem>>) dst(%dma_wait3A_57 : memref<10240x128xf32, #tpu.memory_space<vmem_shared>>)
          tpu.yield
        }) : () -> ()
      }
      %scan3A_19 = arith.constant 40 : i32
      %mul3A_20 = arith.constant 80 : i32
      %mul3A_21 = arith.muli %arg1, %mul3A_20 : i32
      %add3A_22 = arith.constant 40 : i32
      %add3A_23 = arith.addi %mul3A_21, %add3A_22 : i32
      "tpu.region"() ({
        %run_scoped3A = tpu.sem_alloc : memref<!tpu.dma_semaphore, #tpu.memory_space<semaphore_mem>>
        %dma_start3A = arith.constant 0 : i32
        %dma_start3A_35 = tpu.memref_slice %arg4[%add3A_23, %dma_start3A] : memref<1280x128xi32, #tpu.memory_space<hbm>> -> memref<40x128xi32, #tpu.memory_space<hbm>>
        %dma_start3A_36 = arith.constant 0 : i32
        %dma_start3A_37 = tpu.memref_slice %arg4[%add3A_23, %dma_start3A_36] : memref<1280x128xi32, #tpu.memory_space<hbm>> -> memref<40x128xi32, #tpu.memory_space<hbm>>
        tpu.enqueue_dma source(%dma_start3A_37 : memref<40x128xi32, #tpu.memory_space<hbm>>) target(%arg9 : memref<40x128xi32, #tpu.memory_space<vmem>>) target_semaphore(%run_scoped3A : memref<!tpu.dma_semaphore, #tpu.memory_space<semaphore_mem>>)
        %dma_wait3A = arith.constant 0 : i32
        %dma_wait3A_38 = tpu.memref_slice %arg4[%add3A_23, %dma_wait3A] : memref<1280x128xi32, #tpu.memory_space<hbm>> -> memref<40x128xi32, #tpu.memory_space<hbm>>
        %dma_wait3A_39 = arith.constant 0 : i32
        %dma_wait3A_40 = tpu.memref_slice %arg4[%add3A_23, %dma_wait3A_39] : memref<1280x128xi32, #tpu.memory_space<hbm>> -> memref<40x128xi32, #tpu.memory_space<hbm>>
        tpu.wait_dma2 semaphore(%run_scoped3A : memref<!tpu.dma_semaphore, #tpu.memory_space<semaphore_mem>>) src(%dma_wait3A_40 : memref<40x128xi32, #tpu.memory_space<hbm>>) dst(%arg9 : memref<40x128xi32, #tpu.memory_space<vmem>>)
        tpu.yield
      }) : () -> ()
      %mul3A_24 = arith.constant 80 : i32
      %mul3A_25 = arith.muli %arg1, %mul3A_24 : i32
      %add3A_26 = arith.constant 40 : i32
      %add3A_27 = arith.addi %mul3A_25, %add3A_26 : i32
      "tpu.region"() ({
        %run_scoped3A = tpu.sem_alloc : memref<!tpu.dma_semaphore, #tpu.memory_space<semaphore_mem>>
        %dma_start3A = arith.constant 0 : i32
        %dma_start3A_35 = tpu.memref_slice %arg5[%add3A_27, %dma_start3A] : memref<1280x128xi32, #tpu.memory_space<hbm>> -> memref<40x128xi32, #tpu.memory_space<hbm>>
        %dma_start3A_36 = arith.constant 0 : i32
        %dma_start3A_37 = tpu.memref_slice %arg5[%add3A_27, %dma_start3A_36] : memref<1280x128xi32, #tpu.memory_space<hbm>> -> memref<40x128xi32, #tpu.memory_space<hbm>>
        tpu.enqueue_dma source(%dma_start3A_37 : memref<40x128xi32, #tpu.memory_space<hbm>>) target(%arg10 : memref<40x128xi32, #tpu.memory_space<vmem>>) target_semaphore(%run_scoped3A : memref<!tpu.dma_semaphore, #tpu.memory_space<semaphore_mem>>)
        %dma_wait3A = arith.constant 0 : i32
        %dma_wait3A_38 = tpu.memref_slice %arg5[%add3A_27, %dma_wait3A] : memref<1280x128xi32, #tpu.memory_space<hbm>> -> memref<40x128xi32, #tpu.memory_space<hbm>>
        %dma_wait3A_39 = arith.constant 0 : i32
        %dma_wait3A_40 = tpu.memref_slice %arg5[%add3A_27, %dma_wait3A_39] : memref<1280x128xi32, #tpu.memory_space<hbm>> -> memref<40x128xi32, #tpu.memory_space<hbm>>
        tpu.wait_dma2 semaphore(%run_scoped3A : memref<!tpu.dma_semaphore, #tpu.memory_space<semaphore_mem>>) src(%dma_wait3A_40 : memref<40x128xi32, #tpu.memory_space<hbm>>) dst(%arg10 : memref<40x128xi32, #tpu.memory_space<vmem>>)
        tpu.yield
      }) : () -> ()
      %scan3A_28 = arith.constant 0 : i32
      %scan3A_29 = arith.constant 0 : i32
      %scan3A_30 = arith.constant 40 : i32
      %scan3A_31 = arith.addi %scan3A_29, %scan3A_30 : i32
      %scan3A_32 = arith.constant 1 : i32
      scf.for %scan3A_35 = %scan3A_29 to %scan3A_31 step %scan3A_32  : i32 {
        %dma_start3A = arith.constant 0 : i32
        %dma_start3A_36 = tpu.memref_slice %arg9[%scan3A_35, %dma_start3A] : memref<40x128xi32, #tpu.memory_space<vmem>> -> memref<1x128xi32, #tpu.memory_space<vmem>>
        %dma_start3A_37 = tpu.memref_squeeze %dma_start3A_36 : memref<1x128xi32, #tpu.memory_space<vmem>> -> memref<128xi32, #tpu.memory_space<vmem>>
        %dma_start3A_38 = arith.constant 0 : i32
        %dma_start3A_39 = arith.constant 0 : i32
        %dma_start3A_40 = tpu.memref_slice %arg2[%dma_start3A_38, %dma_start3A_39] : memref<10240x128xf32, #tpu.memory_space<hbm>> -> memref<10240x128xf32, #tpu.memory_space<hbm>>
        tpu.enqueue_indirect_dma source(%dma_start3A_40 : memref<10240x128xf32, #tpu.memory_space<hbm>>) target(%arg11 : memref<128x128xf32, #tpu.memory_space<vmem>>) offsets(%dma_start3A_37 : memref<128xi32, #tpu.memory_space<vmem>>) semaphore(%arg14 : memref<!tpu.dma_semaphore, #tpu.memory_space<semaphore_mem>>)
        %dma_wait3A = arith.constant 0 : i32
        %dma_wait3A_41 = tpu.memref_slice %arg9[%scan3A_35, %dma_wait3A] : memref<40x128xi32, #tpu.memory_space<vmem>> -> memref<1x128xi32, #tpu.memory_space<vmem>>
        %dma_wait3A_42 = tpu.memref_squeeze %dma_wait3A_41 : memref<1x128xi32, #tpu.memory_space<vmem>> -> memref<128xi32, #tpu.memory_space<vmem>>
        %dma_wait3A_43 = arith.constant 0 : i32
        %dma_wait3A_44 = arith.constant 0 : i32
        %dma_wait3A_45 = tpu.memref_slice %arg2[%dma_wait3A_43, %dma_wait3A_44] : memref<10240x128xf32, #tpu.memory_space<hbm>> -> memref<10240x128xf32, #tpu.memory_space<hbm>>
        tpu.wait_indirect_dma semaphore(%arg14 : memref<!tpu.dma_semaphore, #tpu.memory_space<semaphore_mem>>) src(%dma_wait3A_45 : memref<10240x128xf32, #tpu.memory_space<hbm>>) dst(%arg11 : memref<128x128xf32, #tpu.memory_space<vmem>>)
        "tpu.region"() ({
          %run_scoped3A = tpu.sem_alloc : memref<!tpu.dma_semaphore, #tpu.memory_space<semaphore_mem>>
          %dma_start3A_46 = arith.constant 0 : i32
          %dma_start3A_47 = tpu.memref_slice %arg10[%scan3A_35, %dma_start3A_46] : memref<40x128xi32, #tpu.memory_space<vmem>> -> memref<1x128xi32, #tpu.memory_space<vmem>>
          %dma_start3A_48 = tpu.memref_squeeze %dma_start3A_47 : memref<1x128xi32, #tpu.memory_space<vmem>> -> memref<128xi32, #tpu.memory_space<vmem>>
          %dma_start3A_49 = arith.constant 0 : i32
          %dma_start3A_50 = arith.constant 0 : i32
          %dma_start3A_51 = tpu.memref_slice %arg13[%dma_start3A_49, %dma_start3A_50] : memref<10240x128xf32, #tpu.memory_space<vmem_shared>> -> memref<10240x128xf32, #tpu.memory_space<vmem_shared>>
          tpu.enqueue_indirect_dma source(%arg11 : memref<128x128xf32, #tpu.memory_space<vmem>>) target(%dma_start3A_51 : memref<10240x128xf32, #tpu.memory_space<vmem_shared>>) offsets(%dma_start3A_48 : memref<128xi32, #tpu.memory_space<vmem>>) semaphore(%run_scoped3A : memref<!tpu.dma_semaphore, #tpu.memory_space<semaphore_mem>>) {add = true}
          %dma_wait3A_52 = arith.constant 0 : i32
          %dma_wait3A_53 = tpu.memref_slice %arg10[%scan3A_35, %dma_wait3A_52] : memref<40x128xi32, #tpu.memory_space<vmem>> -> memref<1x128xi32, #tpu.memory_space<vmem>>
          %dma_wait3A_54 = tpu.memref_squeeze %dma_wait3A_53 : memref<1x128xi32, #tpu.memory_space<vmem>> -> memref<128xi32, #tpu.memory_space<vmem>>
          %dma_wait3A_55 = arith.constant 0 : i32
          %dma_wait3A_56 = arith.constant 0 : i32
          %dma_wait3A_57 = tpu.memref_slice %arg13[%dma_wait3A_55, %dma_wait3A_56] : memref<10240x128xf32, #tpu.memory_space<vmem_shared>> -> memref<10240x128xf32, #tpu.memory_space<vmem_shared>>
          tpu.wait_indirect_dma semaphore(%run_scoped3A : memref<!tpu.dma_semaphore, #tpu.memory_space<semaphore_mem>>) src(%arg11 : memref<128x128xf32, #tpu.memory_space<vmem>>) dst(%dma_wait3A_57 : memref<10240x128xf32, #tpu.memory_space<vmem_shared>>)
          tpu.yield
        }) : () -> ()
      }
      %scan3A_33 = arith.constant 40 : i32
      %barrier3A_34 = arith.constant 0 : index
      tpu.barrier barrier_id(%barrier3A_34)
      "tpu.region"() ({
        %run_scoped3A = tpu.sem_alloc : memref<!tpu.dma_semaphore, #tpu.memory_space<semaphore_mem>>
        %dma_start3A = arith.constant 0 : i32
        %dma_start3A_35 = tpu.memref_slice %arg7[%mul3A_0, %dma_start3A] : memref<10240x128xf32, #tpu.memory_space<hbm>> -> memref<640x128xf32, #tpu.memory_space<hbm>>
        %dma_start3A_36 = arith.constant 0 : i32
        %dma_start3A_37 = tpu.memref_slice %arg13[%mul3A_0, %dma_start3A_36] : memref<10240x128xf32, #tpu.memory_space<vmem_shared>> -> memref<640x128xf32, #tpu.memory_space<vmem_shared>>
        tpu.enqueue_dma source(%dma_start3A_37 : memref<640x128xf32, #tpu.memory_space<vmem_shared>>) target(%dma_start3A_35 : memref<640x128xf32, #tpu.memory_space<hbm>>) target_semaphore(%run_scoped3A : memref<!tpu.dma_semaphore, #tpu.memory_space<semaphore_mem>>)
        %dma_wait3A = arith.constant 0 : i32
        %dma_wait3A_38 = tpu.memref_slice %arg7[%mul3A_0, %dma_wait3A] : memref<10240x128xf32, #tpu.memory_space<hbm>> -> memref<640x128xf32, #tpu.memory_space<hbm>>
        %dma_wait3A_39 = arith.constant 0 : i32
        %dma_wait3A_40 = tpu.memref_slice %arg13[%mul3A_0, %dma_wait3A_39] : memref<10240x128xf32, #tpu.memory_space<vmem_shared>> -> memref<640x128xf32, #tpu.memory_space<vmem_shared>>
        tpu.wait_dma2 semaphore(%run_scoped3A : memref<!tpu.dma_semaphore, #tpu.memory_space<semaphore_mem>>) src(%dma_wait3A_40 : memref<640x128xf32, #tpu.memory_space<vmem_shared>>) dst(%dma_wait3A_38 : memref<640x128xf32, #tpu.memory_space<hbm>>)
        tpu.yield
      }) : () -> ()
    } else {
    }
    %eq3A_3 = arith.constant 1 : i32
    %eq3A_4 = arith.cmpi eq, %arg0, %eq3A_3 : i32
    %convert_element_type3A_5 = arith.extui %eq3A_4 : i1 to i32
    %cond3A_6 = arith.constant 0 : i32
    %cond3A_7 = arith.cmpi ne, %convert_element_type3A_5, %cond3A_6 : i32
    scf.if %cond3A_7 {
      %mul3A_8 = arith.constant 80 : i32
      %mul3A_9 = arith.muli %arg1, %mul3A_8 : i32
      %add3A = arith.constant 0 : i32
      %add3A_10 = arith.addi %mul3A_9, %add3A : i32
      "tpu.region"() ({
        %run_scoped3A = tpu.sem_alloc : memref<!tpu.dma_semaphore, #tpu.memory_space<semaphore_mem>>
        %dma_start3A = arith.constant 0 : i32
        %dma_start3A_35 = tpu.memref_slice %arg4[%add3A_10, %dma_start3A] : memref<1280x128xi32, #tpu.memory_space<hbm>> -> memref<40x128xi32, #tpu.memory_space<hbm>>
        %dma_start3A_36 = arith.constant 0 : i32
        %dma_start3A_37 = tpu.memref_slice %arg4[%add3A_10, %dma_start3A_36] : memref<1280x128xi32, #tpu.memory_space<hbm>> -> memref<40x128xi32, #tpu.memory_space<hbm>>
        tpu.enqueue_dma source(%dma_start3A_37 : memref<40x128xi32, #tpu.memory_space<hbm>>) target(%arg9 : memref<40x128xi32, #tpu.memory_space<vmem>>) target_semaphore(%run_scoped3A : memref<!tpu.dma_semaphore, #tpu.memory_space<semaphore_mem>>)
        %dma_wait3A = arith.constant 0 : i32
        %dma_wait3A_38 = tpu.memref_slice %arg4[%add3A_10, %dma_wait3A] : memref<1280x128xi32, #tpu.memory_space<hbm>> -> memref<40x128xi32, #tpu.memory_space<hbm>>
        %dma_wait3A_39 = arith.constant 0 : i32
        %dma_wait3A_40 = tpu.memref_slice %arg4[%add3A_10, %dma_wait3A_39] : memref<1280x128xi32, #tpu.memory_space<hbm>> -> memref<40x128xi32, #tpu.memory_space<hbm>>
        tpu.wait_dma2 semaphore(%run_scoped3A : memref<!tpu.dma_semaphore, #tpu.memory_space<semaphore_mem>>) src(%dma_wait3A_40 : memref<40x128xi32, #tpu.memory_space<hbm>>) dst(%arg9 : memref<40x128xi32, #tpu.memory_space<vmem>>)
        tpu.yield
      }) : () -> ()
      %mul3A_11 = arith.constant 80 : i32
      %mul3A_12 = arith.muli %arg1, %mul3A_11 : i32
      %add3A_13 = arith.constant 0 : i32
      %add3A_14 = arith.addi %mul3A_12, %add3A_13 : i32
      "tpu.region"() ({
        %run_scoped3A = tpu.sem_alloc : memref<!tpu.dma_semaphore, #tpu.memory_space<semaphore_mem>>
        %dma_start3A = arith.constant 0 : i32
        %dma_start3A_35 = tpu.memref_slice %arg5[%add3A_14, %dma_start3A] : memref<1280x128xi32, #tpu.memory_space<hbm>> -> memref<40x128xi32, #tpu.memory_space<hbm>>
        %dma_start3A_36 = arith.constant 0 : i32
        %dma_start3A_37 = tpu.memref_slice %arg5[%add3A_14, %dma_start3A_36] : memref<1280x128xi32, #tpu.memory_space<hbm>> -> memref<40x128xi32, #tpu.memory_space<hbm>>
        tpu.enqueue_dma source(%dma_start3A_37 : memref<40x128xi32, #tpu.memory_space<hbm>>) target(%arg10 : memref<40x128xi32, #tpu.memory_space<vmem>>) target_semaphore(%run_scoped3A : memref<!tpu.dma_semaphore, #tpu.memory_space<semaphore_mem>>)
        %dma_wait3A = arith.constant 0 : i32
        %dma_wait3A_38 = tpu.memref_slice %arg5[%add3A_14, %dma_wait3A] : memref<1280x128xi32, #tpu.memory_space<hbm>> -> memref<40x128xi32, #tpu.memory_space<hbm>>
        %dma_wait3A_39 = arith.constant 0 : i32
        %dma_wait3A_40 = tpu.memref_slice %arg5[%add3A_14, %dma_wait3A_39] : memref<1280x128xi32, #tpu.memory_space<hbm>> -> memref<40x128xi32, #tpu.memory_space<hbm>>
        tpu.wait_dma2 semaphore(%run_scoped3A : memref<!tpu.dma_semaphore, #tpu.memory_space<semaphore_mem>>) src(%dma_wait3A_40 : memref<40x128xi32, #tpu.memory_space<hbm>>) dst(%arg10 : memref<40x128xi32, #tpu.memory_space<vmem>>)
        tpu.yield
      }) : () -> ()
      %scan3A = arith.constant 0 : i32
      %scan3A_15 = arith.constant 0 : i32
      %scan3A_16 = arith.constant 40 : i32
      %scan3A_17 = arith.addi %scan3A_15, %scan3A_16 : i32
      %scan3A_18 = arith.constant 1 : i32
      scf.for %scan3A_35 = %scan3A_15 to %scan3A_17 step %scan3A_18  : i32 {
        %dma_start3A = arith.constant 0 : i32
        %dma_start3A_36 = tpu.memref_slice %arg9[%scan3A_35, %dma_start3A] : memref<40x128xi32, #tpu.memory_space<vmem>> -> memref<1x128xi32, #tpu.memory_space<vmem>>
        %dma_start3A_37 = tpu.memref_squeeze %dma_start3A_36 : memref<1x128xi32, #tpu.memory_space<vmem>> -> memref<128xi32, #tpu.memory_space<vmem>>
        %dma_start3A_38 = arith.constant 0 : i32
        %dma_start3A_39 = arith.constant 0 : i32
        %dma_start3A_40 = tpu.memref_slice %arg3[%dma_start3A_38, %dma_start3A_39] : memref<10240x128xf32, #tpu.memory_space<hbm>> -> memref<10240x128xf32, #tpu.memory_space<hbm>>
        tpu.enqueue_indirect_dma source(%dma_start3A_40 : memref<10240x128xf32, #tpu.memory_space<hbm>>) target(%arg11 : memref<128x128xf32, #tpu.memory_space<vmem>>) offsets(%dma_start3A_37 : memref<128xi32, #tpu.memory_space<vmem>>) semaphore(%arg14 : memref<!tpu.dma_semaphore, #tpu.memory_space<semaphore_mem>>)
        %dma_wait3A = arith.constant 0 : i32
        %dma_wait3A_41 = tpu.memref_slice %arg9[%scan3A_35, %dma_wait3A] : memref<40x128xi32, #tpu.memory_space<vmem>> -> memref<1x128xi32, #tpu.memory_space<vmem>>
        %dma_wait3A_42 = tpu.memref_squeeze %dma_wait3A_41 : memref<1x128xi32, #tpu.memory_space<vmem>> -> memref<128xi32, #tpu.memory_space<vmem>>
        %dma_wait3A_43 = arith.constant 0 : i32
        %dma_wait3A_44 = arith.constant 0 : i32
        %dma_wait3A_45 = tpu.memref_slice %arg3[%dma_wait3A_43, %dma_wait3A_44] : memref<10240x128xf32, #tpu.memory_space<hbm>> -> memref<10240x128xf32, #tpu.memory_space<hbm>>
        tpu.wait_indirect_dma semaphore(%arg14 : memref<!tpu.dma_semaphore, #tpu.memory_space<semaphore_mem>>) src(%dma_wait3A_45 : memref<10240x128xf32, #tpu.memory_space<hbm>>) dst(%arg11 : memref<128x128xf32, #tpu.memory_space<vmem>>)
        "tpu.region"() ({
          %run_scoped3A = tpu.sem_alloc : memref<!tpu.dma_semaphore, #tpu.memory_space<semaphore_mem>>
          %dma_start3A_46 = arith.constant 0 : i32
          %dma_start3A_47 = tpu.memref_slice %arg10[%scan3A_35, %dma_start3A_46] : memref<40x128xi32, #tpu.memory_space<vmem>> -> memref<1x128xi32, #tpu.memory_space<vmem>>
          %dma_start3A_48 = tpu.memref_squeeze %dma_start3A_47 : memref<1x128xi32, #tpu.memory_space<vmem>> -> memref<128xi32, #tpu.memory_space<vmem>>
          %dma_start3A_49 = arith.constant 0 : i32
          %dma_start3A_50 = arith.constant 0 : i32
          %dma_start3A_51 = tpu.memref_slice %arg13[%dma_start3A_49, %dma_start3A_50] : memref<10240x128xf32, #tpu.memory_space<vmem_shared>> -> memref<10240x128xf32, #tpu.memory_space<vmem_shared>>
          tpu.enqueue_indirect_dma source(%arg11 : memref<128x128xf32, #tpu.memory_space<vmem>>) target(%dma_start3A_51 : memref<10240x128xf32, #tpu.memory_space<vmem_shared>>) offsets(%dma_start3A_48 : memref<128xi32, #tpu.memory_space<vmem>>) semaphore(%run_scoped3A : memref<!tpu.dma_semaphore, #tpu.memory_space<semaphore_mem>>) {add = true}
          %dma_wait3A_52 = arith.constant 0 : i32
          %dma_wait3A_53 = tpu.memref_slice %arg10[%scan3A_35, %dma_wait3A_52] : memref<40x128xi32, #tpu.memory_space<vmem>> -> memref<1x128xi32, #tpu.memory_space<vmem>>
          %dma_wait3A_54 = tpu.memref_squeeze %dma_wait3A_53 : memref<1x128xi32, #tpu.memory_space<vmem>> -> memref<128xi32, #tpu.memory_space<vmem>>
          %dma_wait3A_55 = arith.constant 0 : i32
          %dma_wait3A_56 = arith.constant 0 : i32
          %dma_wait3A_57 = tpu.memref_slice %arg13[%dma_wait3A_55, %dma_wait3A_56] : memref<10240x128xf32, #tpu.memory_space<vmem_shared>> -> memref<10240x128xf32, #tpu.memory_space<vmem_shared>>
          tpu.wait_indirect_dma semaphore(%run_scoped3A : memref<!tpu.dma_semaphore, #tpu.memory_space<semaphore_mem>>) src(%arg11 : memref<128x128xf32, #tpu.memory_space<vmem>>) dst(%dma_wait3A_57 : memref<10240x128xf32, #tpu.memory_space<vmem_shared>>)
          tpu.yield
        }) : () -> ()
      }
      %scan3A_19 = arith.constant 40 : i32
      %mul3A_20 = arith.constant 80 : i32
      %mul3A_21 = arith.muli %arg1, %mul3A_20 : i32
      %add3A_22 = arith.constant 40 : i32
      %add3A_23 = arith.addi %mul3A_21, %add3A_22 : i32
      "tpu.region"() ({
        %run_scoped3A = tpu.sem_alloc : memref<!tpu.dma_semaphore, #tpu.memory_space<semaphore_mem>>
        %dma_start3A = arith.constant 0 : i32
        %dma_start3A_35 = tpu.memref_slice %arg4[%add3A_23, %dma_start3A] : memref<1280x128xi32, #tpu.memory_space<hbm>> -> memref<40x128xi32, #tpu.memory_space<hbm>>
        %dma_start3A_36 = arith.constant 0 : i32
        %dma_start3A_37 = tpu.memref_slice %arg4[%add3A_23, %dma_start3A_36] : memref<1280x128xi32, #tpu.memory_space<hbm>> -> memref<40x128xi32, #tpu.memory_space<hbm>>
        tpu.enqueue_dma source(%dma_start3A_37 : memref<40x128xi32, #tpu.memory_space<hbm>>) target(%arg9 : memref<40x128xi32, #tpu.memory_space<vmem>>) target_semaphore(%run_scoped3A : memref<!tpu.dma_semaphore, #tpu.memory_space<semaphore_mem>>)
        %dma_wait3A = arith.constant 0 : i32
        %dma_wait3A_38 = tpu.memref_slice %arg4[%add3A_23, %dma_wait3A] : memref<1280x128xi32, #tpu.memory_space<hbm>> -> memref<40x128xi32, #tpu.memory_space<hbm>>
        %dma_wait3A_39 = arith.constant 0 : i32
        %dma_wait3A_40 = tpu.memref_slice %arg4[%add3A_23, %dma_wait3A_39] : memref<1280x128xi32, #tpu.memory_space<hbm>> -> memref<40x128xi32, #tpu.memory_space<hbm>>
        tpu.wait_dma2 semaphore(%run_scoped3A : memref<!tpu.dma_semaphore, #tpu.memory_space<semaphore_mem>>) src(%dma_wait3A_40 : memref<40x128xi32, #tpu.memory_space<hbm>>) dst(%arg9 : memref<40x128xi32, #tpu.memory_space<vmem>>)
        tpu.yield
      }) : () -> ()
      %mul3A_24 = arith.constant 80 : i32
      %mul3A_25 = arith.muli %arg1, %mul3A_24 : i32
      %add3A_26 = arith.constant 40 : i32
      %add3A_27 = arith.addi %mul3A_25, %add3A_26 : i32
      "tpu.region"() ({
        %run_scoped3A = tpu.sem_alloc : memref<!tpu.dma_semaphore, #tpu.memory_space<semaphore_mem>>
        %dma_start3A = arith.constant 0 : i32
        %dma_start3A_35 = tpu.memref_slice %arg5[%add3A_27, %dma_start3A] : memref<1280x128xi32, #tpu.memory_space<hbm>> -> memref<40x128xi32, #tpu.memory_space<hbm>>
        %dma_start3A_36 = arith.constant 0 : i32
        %dma_start3A_37 = tpu.memref_slice %arg5[%add3A_27, %dma_start3A_36] : memref<1280x128xi32, #tpu.memory_space<hbm>> -> memref<40x128xi32, #tpu.memory_space<hbm>>
        tpu.enqueue_dma source(%dma_start3A_37 : memref<40x128xi32, #tpu.memory_space<hbm>>) target(%arg10 : memref<40x128xi32, #tpu.memory_space<vmem>>) target_semaphore(%run_scoped3A : memref<!tpu.dma_semaphore, #tpu.memory_space<semaphore_mem>>)
        %dma_wait3A = arith.constant 0 : i32
        %dma_wait3A_38 = tpu.memref_slice %arg5[%add3A_27, %dma_wait3A] : memref<1280x128xi32, #tpu.memory_space<hbm>> -> memref<40x128xi32, #tpu.memory_space<hbm>>
        %dma_wait3A_39 = arith.constant 0 : i32
        %dma_wait3A_40 = tpu.memref_slice %arg5[%add3A_27, %dma_wait3A_39] : memref<1280x128xi32, #tpu.memory_space<hbm>> -> memref<40x128xi32, #tpu.memory_space<hbm>>
        tpu.wait_dma2 semaphore(%run_scoped3A : memref<!tpu.dma_semaphore, #tpu.memory_space<semaphore_mem>>) src(%dma_wait3A_40 : memref<40x128xi32, #tpu.memory_space<hbm>>) dst(%arg10 : memref<40x128xi32, #tpu.memory_space<vmem>>)
        tpu.yield
      }) : () -> ()
      %scan3A_28 = arith.constant 0 : i32
      %scan3A_29 = arith.constant 0 : i32
      %scan3A_30 = arith.constant 40 : i32
      %scan3A_31 = arith.addi %scan3A_29, %scan3A_30 : i32
      %scan3A_32 = arith.constant 1 : i32
      scf.for %scan3A_35 = %scan3A_29 to %scan3A_31 step %scan3A_32  : i32 {
        %dma_start3A = arith.constant 0 : i32
        %dma_start3A_36 = tpu.memref_slice %arg9[%scan3A_35, %dma_start3A] : memref<40x128xi32, #tpu.memory_space<vmem>> -> memref<1x128xi32, #tpu.memory_space<vmem>>
        %dma_start3A_37 = tpu.memref_squeeze %dma_start3A_36 : memref<1x128xi32, #tpu.memory_space<vmem>> -> memref<128xi32, #tpu.memory_space<vmem>>
        %dma_start3A_38 = arith.constant 0 : i32
        %dma_start3A_39 = arith.constant 0 : i32
        %dma_start3A_40 = tpu.memref_slice %arg3[%dma_start3A_38, %dma_start3A_39] : memref<10240x128xf32, #tpu.memory_space<hbm>> -> memref<10240x128xf32, #tpu.memory_space<hbm>>
        tpu.enqueue_indirect_dma source(%dma_start3A_40 : memref<10240x128xf32, #tpu.memory_space<hbm>>) target(%arg11 : memref<128x128xf32, #tpu.memory_space<vmem>>) offsets(%dma_start3A_37 : memref<128xi32, #tpu.memory_space<vmem>>) semaphore(%arg14 : memref<!tpu.dma_semaphore, #tpu.memory_space<semaphore_mem>>)
        %dma_wait3A = arith.constant 0 : i32
        %dma_wait3A_41 = tpu.memref_slice %arg9[%scan3A_35, %dma_wait3A] : memref<40x128xi32, #tpu.memory_space<vmem>> -> memref<1x128xi32, #tpu.memory_space<vmem>>
        %dma_wait3A_42 = tpu.memref_squeeze %dma_wait3A_41 : memref<1x128xi32, #tpu.memory_space<vmem>> -> memref<128xi32, #tpu.memory_space<vmem>>
        %dma_wait3A_43 = arith.constant 0 : i32
        %dma_wait3A_44 = arith.constant 0 : i32
        %dma_wait3A_45 = tpu.memref_slice %arg3[%dma_wait3A_43, %dma_wait3A_44] : memref<10240x128xf32, #tpu.memory_space<hbm>> -> memref<10240x128xf32, #tpu.memory_space<hbm>>
        tpu.wait_indirect_dma semaphore(%arg14 : memref<!tpu.dma_semaphore, #tpu.memory_space<semaphore_mem>>) src(%dma_wait3A_45 : memref<10240x128xf32, #tpu.memory_space<hbm>>) dst(%arg11 : memref<128x128xf32, #tpu.memory_space<vmem>>)
        "tpu.region"() ({
          %run_scoped3A = tpu.sem_alloc : memref<!tpu.dma_semaphore, #tpu.memory_space<semaphore_mem>>
          %dma_start3A_46 = arith.constant 0 : i32
          %dma_start3A_47 = tpu.memref_slice %arg10[%scan3A_35, %dma_start3A_46] : memref<40x128xi32, #tpu.memory_space<vmem>> -> memref<1x128xi32, #tpu.memory_space<vmem>>
          %dma_start3A_48 = tpu.memref_squeeze %dma_start3A_47 : memref<1x128xi32, #tpu.memory_space<vmem>> -> memref<128xi32, #tpu.memory_space<vmem>>
          %dma_start3A_49 = arith.constant 0 : i32
          %dma_start3A_50 = arith.constant 0 : i32
          %dma_start3A_51 = tpu.memref_slice %arg13[%dma_start3A_49, %dma_start3A_50] : memref<10240x128xf32, #tpu.memory_space<vmem_shared>> -> memref<10240x128xf32, #tpu.memory_space<vmem_shared>>
          tpu.enqueue_indirect_dma source(%arg11 : memref<128x128xf32, #tpu.memory_space<vmem>>) target(%dma_start3A_51 : memref<10240x128xf32, #tpu.memory_space<vmem_shared>>) offsets(%dma_start3A_48 : memref<128xi32, #tpu.memory_space<vmem>>) semaphore(%run_scoped3A : memref<!tpu.dma_semaphore, #tpu.memory_space<semaphore_mem>>) {add = true}
          %dma_wait3A_52 = arith.constant 0 : i32
          %dma_wait3A_53 = tpu.memref_slice %arg10[%scan3A_35, %dma_wait3A_52] : memref<40x128xi32, #tpu.memory_space<vmem>> -> memref<1x128xi32, #tpu.memory_space<vmem>>
          %dma_wait3A_54 = tpu.memref_squeeze %dma_wait3A_53 : memref<1x128xi32, #tpu.memory_space<vmem>> -> memref<128xi32, #tpu.memory_space<vmem>>
          %dma_wait3A_55 = arith.constant 0 : i32
          %dma_wait3A_56 = arith.constant 0 : i32
          %dma_wait3A_57 = tpu.memref_slice %arg13[%dma_wait3A_55, %dma_wait3A_56] : memref<10240x128xf32, #tpu.memory_space<vmem_shared>> -> memref<10240x128xf32, #tpu.memory_space<vmem_shared>>
          tpu.wait_indirect_dma semaphore(%run_scoped3A : memref<!tpu.dma_semaphore, #tpu.memory_space<semaphore_mem>>) src(%arg11 : memref<128x128xf32, #tpu.memory_space<vmem>>) dst(%dma_wait3A_57 : memref<10240x128xf32, #tpu.memory_space<vmem_shared>>)
          tpu.yield
        }) : () -> ()
      }
      %scan3A_33 = arith.constant 40 : i32
      %barrier3A_34 = arith.constant 0 : index
      tpu.barrier barrier_id(%barrier3A_34)
      "tpu.region"() ({
        %run_scoped3A = tpu.sem_alloc : memref<!tpu.dma_semaphore, #tpu.memory_space<semaphore_mem>>
        %dma_start3A = arith.constant 0 : i32
        %dma_start3A_35 = tpu.memref_slice %arg8[%mul3A_0, %dma_start3A] : memref<10240x128xf32, #tpu.memory_space<hbm>> -> memref<640x128xf32, #tpu.memory_space<hbm>>
        %dma_start3A_36 = arith.constant 0 : i32
        %dma_start3A_37 = tpu.memref_slice %arg13[%mul3A_0, %dma_start3A_36] : memref<10240x128xf32, #tpu.memory_space<vmem_shared>> -> memref<640x128xf32, #tpu.memory_space<vmem_shared>>
        tpu.enqueue_dma source(%dma_start3A_37 : memref<640x128xf32, #tpu.memory_space<vmem_shared>>) target(%dma_start3A_35 : memref<640x128xf32, #tpu.memory_space<hbm>>) target_semaphore(%run_scoped3A : memref<!tpu.dma_semaphore, #tpu.memory_space<semaphore_mem>>)
        %dma_wait3A = arith.constant 0 : i32
        %dma_wait3A_38 = tpu.memref_slice %arg8[%mul3A_0, %dma_wait3A] : memref<10240x128xf32, #tpu.memory_space<hbm>> -> memref<640x128xf32, #tpu.memory_space<hbm>>
        %dma_wait3A_39 = arith.constant 0 : i32
        %dma_wait3A_40 = tpu.memref_slice %arg13[%mul3A_0, %dma_wait3A_39] : memref<10240x128xf32, #tpu.memory_space<vmem_shared>> -> memref<640x128xf32, #tpu.memory_space<vmem_shared>>
        tpu.wait_dma2 semaphore(%run_scoped3A : memref<!tpu.dma_semaphore, #tpu.memory_space<semaphore_mem>>) src(%dma_wait3A_40 : memref<640x128xf32, #tpu.memory_space<vmem_shared>>) dst(%dma_wait3A_38 : memref<640x128xf32, #tpu.memory_space<hbm>>)
        tpu.yield
      }) : () -> ()
    } else {
    }
    return
  }
}

module attributes {stable_mosaic.version = 14 : i64} {
  func.func @_embed_body(%arg0: i32, %arg1: memref<512x128xf32, #tpu.memory_space<vmem>>, %arg2: memref<44x128xf32, #tpu.memory_space<vmem>>, %arg3: memref<162x256xf32, #tpu.memory_space<vmem>>, %arg4: memref<1x256xf32, #tpu.memory_space<vmem>>, %arg5: memref<512x128xf32, #tpu.memory_space<vmem>>, %arg6: memref<512x128xf32, #tpu.memory_space<vmem>>) attributes {dimension_semantics = [#tpu.dimension_semantics<arbitrary>], iteration_bounds = array<i64: 20>, scalar_prefetch = 0 : i64, scratch_operands = 0 : i64, tpu.core_type = #tpu.core_type<tc>, window_params = [{transform_indices = @transform_0, window_bounds = array<i64: 512, 128>}, {pipeline_mode = #tpu.pipeline_mode<synchronous>, transform_indices = @transform_1, window_bounds = array<i64: 44, 128>}, {pipeline_mode = #tpu.pipeline_mode<synchronous>, transform_indices = @transform_2, window_bounds = array<i64: 162, 256>}, {pipeline_mode = #tpu.pipeline_mode<synchronous>, transform_indices = @transform_3, window_bounds = array<i64: 1, 256>}, {transform_indices = @transform_4, window_bounds = array<i64: 512, 128>}, {transform_indices = @transform_5, window_bounds = array<i64: 512, 128>}]} {
    %get3A = arith.constant 0 : index
    %get3A_0 = arith.constant 0 : index
    %get3A_1 = vector.load %arg1[%get3A, %get3A_0] : memref<512x128xf32, #tpu.memory_space<vmem>>, vector<512x128xf32>
    %slice3A = vector.extract_strided_slice %get3A_1 {offsets = [0, 0], sizes = [512, 44], strides = [1, 1]} : vector<512x128xf32> to vector<512x44xf32>
    %reduce_max3A = arith.constant dense<0xFF800000> : vector<512xf32>
    %reduce_max3A_2 = vector.multi_reduction <maximumf>, %slice3A, %reduce_max3A [1] : vector<512x44xf32> to vector<512xf32>
    %broadcast_in_dim3A = vector.shape_cast %reduce_max3A_2 : vector<512xf32> to vector<512x1xf32>
    %iota3A = tpu.iota {dimensions = array<i32: 1>} : vector<512x44xi32>
    %ge3A = vector.broadcast %broadcast_in_dim3A : vector<512x1xf32> to vector<512x44xf32>
    %ge3A_3 = arith.cmpf oge, %slice3A, %ge3A : vector<512x44xf32>
    %jit3A = arith.constant 44 : i32
    %broadcast_in_dim3A_4 = vector.broadcast %jit3A : i32 to vector<512x44xi32>
    %select_n3A = arith.select %ge3A_3, %iota3A, %broadcast_in_dim3A_4 : vector<512x44xi1>, vector<512x44xi32>
    %reduce_min3A = arith.constant dense<2147483647> : vector<512xi32>
    %reduce_min3A_5 = vector.multi_reduction <minsi>, %select_n3A, %reduce_min3A [1] : vector<512x44xi32> to vector<512xi32>
    %broadcast_in_dim3A_6 = vector.shape_cast %reduce_min3A_5 : vector<512xi32> to vector<512x1xi32>
    %eq3A = vector.broadcast %broadcast_in_dim3A_6 : vector<512x1xi32> to vector<512x44xi32>
    %eq3A_7 = arith.cmpi eq, %iota3A, %eq3A : vector<512x44xi32>
    %convert_element_type3A = arith.extui %eq3A_7 : vector<512x44xi1> to vector<512x44xi32>
    %convert_element_type3A_8 = arith.sitofp %convert_element_type3A : vector<512x44xi32> to vector<512x44xf32>
    %get3A_9 = arith.constant 0 : index
    %get3A_10 = arith.constant 0 : index
    %get3A_11 = vector.load %arg2[%get3A_9, %get3A_10] : memref<44x128xf32, #tpu.memory_space<vmem>>, vector<44x128xf32>
    %dot_general3A = arith.constant dense<0.000000e+00> : vector<512x128xf32>
    %dot_general3A_12 = tpu.matmul %convert_element_type3A_8, %get3A_11, %dot_general3A {dimension_numbers = #tpu.dot_dimension_numbers<[1], [0], [0], [1], [0, 0, 1, 1], [], []>, precision = #tpu.contract_precision<fp32>, transpose_lhs_hint = false} : vector<512x44xf32>, vector<44x128xf32>, vector<512x128xf32> -> vector<512x128xf32>
    %slice3A_13 = vector.extract_strided_slice %get3A_1 {offsets = [0, 44], sizes = [512, 34], strides = [1, 1]} : vector<512x128xf32> to vector<512x34xf32>
    %concatenate3A = tpu.concatenate %dot_general3A_12, %slice3A_13 in 1 : vector<512x128xf32>, vector<512x34xf32> -> vector<512x162xf32>
    %get3A_14 = arith.constant 0 : index
    %get3A_15 = arith.constant 0 : index
    %get3A_16 = vector.load %arg3[%get3A_14, %get3A_15] : memref<162x256xf32, #tpu.memory_space<vmem>>, vector<162x256xf32>
    %dot_general3A_17 = arith.constant dense<0.000000e+00> : vector<512x256xf32>
    %dot_general3A_18 = tpu.matmul %concatenate3A, %get3A_16, %dot_general3A_17 {dimension_numbers = #tpu.dot_dimension_numbers<[1], [0], [0], [1], [0, 0, 1, 1], [], []>, transpose_lhs_hint = false} : vector<512x162xf32>, vector<162x256xf32>, vector<512x256xf32> -> vector<512x256xf32>
    %get3A_19 = arith.constant 0 : index
    %get3A_20 = arith.constant 0 : index
    %get3A_21 = vector.load %arg4[%get3A_19, %get3A_20] : memref<1x256xf32, #tpu.memory_space<vmem>>, vector<1x256xf32>
    %add3A = vector.broadcast %get3A_21 : vector<1x256xf32> to vector<512x256xf32>
    %add3A_22 = arith.addf %dot_general3A_18, %add3A : vector<512x256xf32>
    %max3A = arith.constant 0.000000e+00 : f32
    %max3A_23 = vector.broadcast %max3A : f32 to vector<512x256xf32>
    %max3A_24 = arith.maximumf %add3A_22, %max3A_23 : vector<512x256xf32>
    %slice3A_25 = vector.extract_strided_slice %max3A_24 {offsets = [0, 0], sizes = [512, 128], strides = [1, 1]} : vector<512x256xf32> to vector<512x128xf32>
    %swap3A = arith.constant 0 : index
    %swap3A_26 = arith.constant 0 : index
    %swap3A_27 = vector.load %arg5[%swap3A, %swap3A_26] : memref<512x128xf32, #tpu.memory_space<vmem>>, vector<512x128xf32>
    tpu.vector_store %arg5[%swap3A, %swap3A_26], %slice3A_25 {strides = array<i32>} : memref<512x128xf32, #tpu.memory_space<vmem>>, vector<512x128xf32>,
    %slice3A_28 = vector.extract_strided_slice %max3A_24 {offsets = [0, 128], sizes = [512, 128], strides = [1, 1]} : vector<512x256xf32> to vector<512x128xf32>
    %swap3A_29 = arith.constant 0 : index
    %swap3A_30 = arith.constant 0 : index
    %swap3A_31 = vector.load %arg6[%swap3A_29, %swap3A_30] : memref<512x128xf32, #tpu.memory_space<vmem>>, vector<512x128xf32>
    tpu.vector_store %arg6[%swap3A_29, %swap3A_30], %slice3A_28 {strides = array<i32>} : memref<512x128xf32, #tpu.memory_space<vmem>>, vector<512x128xf32>,
    return
  }
  func.func @transform_0(%arg0: i32) -> (i32, i32) {
    %c0_i32 = arith.constant 0 : i32
    %c0_i32_0 = arith.constant 0 : i32
    return %arg0, %c0_i32 : i32, i32
  }
  func.func @transform_1(%arg0: i32) -> (i32, i32) {
    %c0_i32 = arith.constant 0 : i32
    %c0_i32_0 = arith.constant 0 : i32
    %c0_i32_1 = arith.constant 0 : i32
    return %c0_i32, %c0_i32_0 : i32, i32
  }
  func.func @transform_2(%arg0: i32) -> (i32, i32) {
    %c0_i32 = arith.constant 0 : i32
    %c0_i32_0 = arith.constant 0 : i32
    %c0_i32_1 = arith.constant 0 : i32
    return %c0_i32, %c0_i32_0 : i32, i32
  }
  func.func @transform_3(%arg0: i32) -> (i32, i32) {
    %c0_i32 = arith.constant 0 : i32
    %c0_i32_0 = arith.constant 0 : i32
    %c0_i32_1 = arith.constant 0 : i32
    return %c0_i32, %c0_i32_0 : i32, i32
  }
  func.func @transform_4(%arg0: i32) -> (i32, i32) {
    %c0_i32 = arith.constant 0 : i32
    %c0_i32_0 = arith.constant 0 : i32
    return %arg0, %c0_i32 : i32, i32
  }
  func.func @transform_5(%arg0: i32) -> (i32, i32) {
    %c0_i32 = arith.constant 0 : i32
    %c0_i32_0 = arith.constant 0 : i32
    return %arg0, %c0_i32 : i32, i32
  }
}

module attributes {stable_mosaic.version = 14 : i64} {
  func.func @_mm_scale_body(%arg0: i32, %arg1: memref<512x128xf32, #tpu.memory_space<vmem>>, %arg2: memref<512x128xf32, #tpu.memory_space<vmem>>, %arg3: memref<256x256xf32, #tpu.memory_space<vmem>>, %arg4: memref<512x128xf32, #tpu.memory_space<vmem>>, %arg5: memref<512x128xf32, #tpu.memory_space<vmem>>, %arg6: memref<512x128xf32, #tpu.memory_space<vmem>>, %arg7: memref<512x128xf32, #tpu.memory_space<vmem>>) attributes {dimension_semantics = [#tpu.dimension_semantics<arbitrary>], iteration_bounds = array<i64: 20>, scalar_prefetch = 0 : i64, scratch_operands = 0 : i64, tpu.core_type = #tpu.core_type<tc>, window_params = [{transform_indices = @transform_0, window_bounds = array<i64: 512, 128>}, {transform_indices = @transform_1, window_bounds = array<i64: 512, 128>}, {pipeline_mode = #tpu.pipeline_mode<synchronous>, transform_indices = @transform_2, window_bounds = array<i64: 256, 256>}, {transform_indices = @transform_3, window_bounds = array<i64: 512, 128>}, {transform_indices = @transform_4, window_bounds = array<i64: 512, 128>}, {transform_indices = @transform_5, window_bounds = array<i64: 512, 128>}, {transform_indices = @transform_6, window_bounds = array<i64: 512, 128>}]} {
    %get3A = arith.constant 0 : index
    %get3A_0 = arith.constant 0 : index
    %get3A_1 = vector.load %arg1[%get3A, %get3A_0] : memref<512x128xf32, #tpu.memory_space<vmem>>, vector<512x128xf32>
    %get3A_2 = arith.constant 0 : index
    %get3A_3 = arith.constant 0 : index
    %get3A_4 = vector.load %arg2[%get3A_2, %get3A_3] : memref<512x128xf32, #tpu.memory_space<vmem>>, vector<512x128xf32>
    %concatenate3A = tpu.concatenate %get3A_1, %get3A_4 in 1 : vector<512x128xf32>, vector<512x128xf32> -> vector<512x256xf32>
    %get3A_5 = arith.constant 0 : index
    %get3A_6 = arith.constant 0 : index
    %get3A_7 = vector.load %arg3[%get3A_5, %get3A_6] : memref<256x256xf32, #tpu.memory_space<vmem>>, vector<256x256xf32>
    %dot_general3A = arith.constant dense<0.000000e+00> : vector<512x256xf32>
    %dot_general3A_8 = tpu.matmul %concatenate3A, %get3A_7, %dot_general3A {dimension_numbers = #tpu.dot_dimension_numbers<[1], [0], [0], [1], [0, 0, 1, 1], [], []>, transpose_lhs_hint = false} : vector<512x256xf32>, vector<256x256xf32>, vector<512x256xf32> -> vector<512x256xf32>
    %get3A_9 = arith.constant 0 : index
    %get3A_10 = arith.constant 0 : index
    %get3A_11 = vector.load %arg4[%get3A_9, %get3A_10] : memref<512x128xf32, #tpu.memory_space<vmem>>, vector<512x128xf32>
    %slice3A = vector.extract_strided_slice %get3A_11 {offsets = [0, 0], sizes = [512, 1], strides = [1, 1]} : vector<512x128xf32> to vector<512x1xf32>
    %get3A_12 = arith.constant 0 : index
    %get3A_13 = arith.constant 0 : index
    %get3A_14 = vector.load %arg5[%get3A_12, %get3A_13] : memref<512x128xf32, #tpu.memory_space<vmem>>, vector<512x128xf32>
    %slice3A_15 = vector.extract_strided_slice %get3A_14 {offsets = [0, 0], sizes = [512, 1], strides = [1, 1]} : vector<512x128xf32> to vector<512x1xf32>
    %add3A = arith.addf %slice3A, %slice3A_15 : vector<512x1xf32>
    %add3A_16 = arith.constant 1.000000e+00 : f32
    %add3A_17 = vector.broadcast %add3A_16 : f32 to vector<512x1xf32>
    %add3A_18 = arith.addf %add3A, %add3A_17 : vector<512x1xf32>
    %rsqrt3A = math.rsqrt %add3A_18 : vector<512x1xf32>
    %mul3A = vector.broadcast %rsqrt3A : vector<512x1xf32> to vector<512x256xf32>
    %mul3A_19 = arith.mulf %dot_general3A_8, %mul3A : vector<512x256xf32>
    %slice3A_20 = vector.extract_strided_slice %mul3A_19 {offsets = [0, 0], sizes = [512, 128], strides = [1, 1]} : vector<512x256xf32> to vector<512x128xf32>
    %swap3A = arith.constant 0 : index
    %swap3A_21 = arith.constant 0 : index
    %swap3A_22 = vector.load %arg6[%swap3A, %swap3A_21] : memref<512x128xf32, #tpu.memory_space<vmem>>, vector<512x128xf32>
    tpu.vector_store %arg6[%swap3A, %swap3A_21], %slice3A_20 {strides = array<i32>} : memref<512x128xf32, #tpu.memory_space<vmem>>, vector<512x128xf32>,
    %slice3A_23 = vector.extract_strided_slice %mul3A_19 {offsets = [0, 128], sizes = [512, 128], strides = [1, 1]} : vector<512x256xf32> to vector<512x128xf32>
    %swap3A_24 = arith.constant 0 : index
    %swap3A_25 = arith.constant 0 : index
    %swap3A_26 = vector.load %arg7[%swap3A_24, %swap3A_25] : memref<512x128xf32, #tpu.memory_space<vmem>>, vector<512x128xf32>
    tpu.vector_store %arg7[%swap3A_24, %swap3A_25], %slice3A_23 {strides = array<i32>} : memref<512x128xf32, #tpu.memory_space<vmem>>, vector<512x128xf32>,
    return
  }
  func.func @transform_0(%arg0: i32) -> (i32, i32) {
    %c0_i32 = arith.constant 0 : i32
    %c0_i32_0 = arith.constant 0 : i32
    return %arg0, %c0_i32 : i32, i32
  }
  func.func @transform_1(%arg0: i32) -> (i32, i32) {
    %c0_i32 = arith.constant 0 : i32
    %c0_i32_0 = arith.constant 0 : i32
    return %arg0, %c0_i32 : i32, i32
  }
  func.func @transform_2(%arg0: i32) -> (i32, i32) {
    %c0_i32 = arith.constant 0 : i32
    %c0_i32_0 = arith.constant 0 : i32
    %c0_i32_1 = arith.constant 0 : i32
    return %c0_i32, %c0_i32_0 : i32, i32
  }
  func.func @transform_3(%arg0: i32) -> (i32, i32) {
    %c0_i32 = arith.constant 0 : i32
    %c0_i32_0 = arith.constant 0 : i32
    return %arg0, %c0_i32 : i32, i32
  }
  func.func @transform_4(%arg0: i32) -> (i32, i32) {
    %c0_i32 = arith.constant 0 : i32
    %c0_i32_0 = arith.constant 0 : i32
    return %arg0, %c0_i32 : i32, i32
  }
  func.func @transform_5(%arg0: i32) -> (i32, i32) {
    %c0_i32 = arith.constant 0 : i32
    %c0_i32_0 = arith.constant 0 : i32
    return %arg0, %c0_i32 : i32, i32
  }
  func.func @transform_6(%arg0: i32) -> (i32, i32) {
    %c0_i32 = arith.constant 0 : i32
    %c0_i32_0 = arith.constant 0 : i32
    return %arg0, %c0_i32 : i32, i32
  }
}

module attributes {stable_mosaic.version = 14 : i64} {
  func.func @_gcn_post_body(%arg0: i32, %arg1: memref<512x128xf32, #tpu.memory_space<vmem>>, %arg2: memref<512x128xf32, #tpu.memory_space<vmem>>, %arg3: memref<512x128xf32, #tpu.memory_space<vmem>>, %arg4: memref<512x128xf32, #tpu.memory_space<vmem>>, %arg5: memref<512x128xf32, #tpu.memory_space<vmem>>, %arg6: memref<512x128xf32, #tpu.memory_space<vmem>>, %arg7: memref<1x256xf32, #tpu.memory_space<vmem>>, %arg8: memref<512x128xf32, #tpu.memory_space<vmem>>, %arg9: memref<512x128xf32, #tpu.memory_space<vmem>>) attributes {dimension_semantics = [#tpu.dimension_semantics<arbitrary>], iteration_bounds = array<i64: 20>, scalar_prefetch = 0 : i64, scratch_operands = 0 : i64, tpu.core_type = #tpu.core_type<tc>, window_params = [{transform_indices = @transform_0, window_bounds = array<i64: 512, 128>}, {transform_indices = @transform_1, window_bounds = array<i64: 512, 128>}, {transform_indices = @transform_2, window_bounds = array<i64: 512, 128>}, {transform_indices = @transform_3, window_bounds = array<i64: 512, 128>}, {transform_indices = @transform_4, window_bounds = array<i64: 512, 128>}, {transform_indices = @transform_5, window_bounds = array<i64: 512, 128>}, {pipeline_mode = #tpu.pipeline_mode<synchronous>, transform_indices = @transform_6, window_bounds = array<i64: 1, 256>}, {transform_indices = @transform_7, window_bounds = array<i64: 512, 128>}, {transform_indices = @transform_8, window_bounds = array<i64: 512, 128>}]} {
    %get3A = arith.constant 0 : index
    %get3A_0 = arith.constant 0 : index
    %get3A_1 = vector.load %arg1[%get3A, %get3A_0] : memref<512x128xf32, #tpu.memory_space<vmem>>, vector<512x128xf32>
    %get3A_2 = arith.constant 0 : index
    %get3A_3 = arith.constant 0 : index
    %get3A_4 = vector.load %arg2[%get3A_2, %get3A_3] : memref<512x128xf32, #tpu.memory_space<vmem>>, vector<512x128xf32>
    %concatenate3A = tpu.concatenate %get3A_1, %get3A_4 in 1 : vector<512x128xf32>, vector<512x128xf32> -> vector<512x256xf32>
    %get3A_5 = arith.constant 0 : index
    %get3A_6 = arith.constant 0 : index
    %get3A_7 = vector.load %arg3[%get3A_5, %get3A_6] : memref<512x128xf32, #tpu.memory_space<vmem>>, vector<512x128xf32>
    %get3A_8 = arith.constant 0 : index
    %get3A_9 = arith.constant 0 : index
    %get3A_10 = vector.load %arg4[%get3A_8, %get3A_9] : memref<512x128xf32, #tpu.memory_space<vmem>>, vector<512x128xf32>
    %concatenate3A_11 = tpu.concatenate %get3A_7, %get3A_10 in 1 : vector<512x128xf32>, vector<512x128xf32> -> vector<512x256xf32>
    %add3A = arith.addf %concatenate3A, %concatenate3A_11 : vector<512x256xf32>
    %get3A_12 = arith.constant 0 : index
    %get3A_13 = arith.constant 0 : index
    %get3A_14 = vector.load %arg5[%get3A_12, %get3A_13] : memref<512x128xf32, #tpu.memory_space<vmem>>, vector<512x128xf32>
    %slice3A = vector.extract_strided_slice %get3A_14 {offsets = [0, 0], sizes = [512, 1], strides = [1, 1]} : vector<512x128xf32> to vector<512x1xf32>
    %get3A_15 = arith.constant 0 : index
    %get3A_16 = arith.constant 0 : index
    %get3A_17 = vector.load %arg6[%get3A_15, %get3A_16] : memref<512x128xf32, #tpu.memory_space<vmem>>, vector<512x128xf32>
    %slice3A_18 = vector.extract_strided_slice %get3A_17 {offsets = [0, 0], sizes = [512, 1], strides = [1, 1]} : vector<512x128xf32> to vector<512x1xf32>
    %add3A_19 = arith.addf %slice3A, %slice3A_18 : vector<512x1xf32>
    %add3A_20 = arith.constant 1.000000e+00 : f32
    %add3A_21 = vector.broadcast %add3A_20 : f32 to vector<512x1xf32>
    %add3A_22 = arith.addf %add3A_19, %add3A_21 : vector<512x1xf32>
    %rsqrt3A = math.rsqrt %add3A_22 : vector<512x1xf32>
    %mul3A = vector.broadcast %rsqrt3A : vector<512x1xf32> to vector<512x256xf32>
    %mul3A_23 = arith.mulf %add3A, %mul3A : vector<512x256xf32>
    %get3A_24 = arith.constant 0 : index
    %get3A_25 = arith.constant 0 : index
    %get3A_26 = vector.load %arg7[%get3A_24, %get3A_25] : memref<1x256xf32, #tpu.memory_space<vmem>>, vector<1x256xf32>
    %add3A_27 = vector.broadcast %get3A_26 : vector<1x256xf32> to vector<512x256xf32>
    %add3A_28 = arith.addf %mul3A_23, %add3A_27 : vector<512x256xf32>
    %max3A = arith.constant 0.000000e+00 : f32
    %max3A_29 = vector.broadcast %max3A : f32 to vector<512x256xf32>
    %max3A_30 = arith.maximumf %add3A_28, %max3A_29 : vector<512x256xf32>
    %slice3A_31 = vector.extract_strided_slice %max3A_30 {offsets = [0, 0], sizes = [512, 128], strides = [1, 1]} : vector<512x256xf32> to vector<512x128xf32>
    %swap3A = arith.constant 0 : index
    %swap3A_32 = arith.constant 0 : index
    %swap3A_33 = vector.load %arg8[%swap3A, %swap3A_32] : memref<512x128xf32, #tpu.memory_space<vmem>>, vector<512x128xf32>
    tpu.vector_store %arg8[%swap3A, %swap3A_32], %slice3A_31 {strides = array<i32>} : memref<512x128xf32, #tpu.memory_space<vmem>>, vector<512x128xf32>,
    %slice3A_34 = vector.extract_strided_slice %max3A_30 {offsets = [0, 128], sizes = [512, 128], strides = [1, 1]} : vector<512x256xf32> to vector<512x128xf32>
    %swap3A_35 = arith.constant 0 : index
    %swap3A_36 = arith.constant 0 : index
    %swap3A_37 = vector.load %arg9[%swap3A_35, %swap3A_36] : memref<512x128xf32, #tpu.memory_space<vmem>>, vector<512x128xf32>
    tpu.vector_store %arg9[%swap3A_35, %swap3A_36], %slice3A_34 {strides = array<i32>} : memref<512x128xf32, #tpu.memory_space<vmem>>, vector<512x128xf32>,
    return
  }
  func.func @transform_0(%arg0: i32) -> (i32, i32) {
    %c0_i32 = arith.constant 0 : i32
    %c0_i32_0 = arith.constant 0 : i32
    return %arg0, %c0_i32 : i32, i32
  }
  func.func @transform_1(%arg0: i32) -> (i32, i32) {
    %c0_i32 = arith.constant 0 : i32
    %c0_i32_0 = arith.constant 0 : i32
    return %arg0, %c0_i32 : i32, i32
  }
  func.func @transform_2(%arg0: i32) -> (i32, i32) {
    %c0_i32 = arith.constant 0 : i32
    %c0_i32_0 = arith.constant 0 : i32
    return %arg0, %c0_i32 : i32, i32
  }
  func.func @transform_3(%arg0: i32) -> (i32, i32) {
    %c0_i32 = arith.constant 0 : i32
    %c0_i32_0 = arith.constant 0 : i32
    return %arg0, %c0_i32 : i32, i32
  }
  func.func @transform_4(%arg0: i32) -> (i32, i32) {
    %c0_i32 = arith.constant 0 : i32
    %c0_i32_0 = arith.constant 0 : i32
    return %arg0, %c0_i32 : i32, i32
  }
  func.func @transform_5(%arg0: i32) -> (i32, i32) {
    %c0_i32 = arith.constant 0 : i32
    %c0_i32_0 = arith.constant 0 : i32
    return %arg0, %c0_i32 : i32, i32
  }
  func.func @transform_6(%arg0: i32) -> (i32, i32) {
    %c0_i32 = arith.constant 0 : i32
    %c0_i32_0 = arith.constant 0 : i32
    %c0_i32_1 = arith.constant 0 : i32
    return %c0_i32, %c0_i32_0 : i32, i32
  }
  func.func @transform_7(%arg0: i32) -> (i32, i32) {
    %c0_i32 = arith.constant 0 : i32
    %c0_i32_0 = arith.constant 0 : i32
    return %arg0, %c0_i32 : i32, i32
  }
  func.func @transform_8(%arg0: i32) -> (i32, i32) {
    %c0_i32 = arith.constant 0 : i32
    %c0_i32_0 = arith.constant 0 : i32
    return %arg0, %c0_i32 : i32, i32
  }
}

module attributes {stable_mosaic.version = 14 : i64} {
  func.func @_layer_body(%arg0: i32, %arg1: memref<512x128xf32, #tpu.memory_space<vmem>>, %arg2: memref<512x128xf32, #tpu.memory_space<vmem>>, %arg3: memref<512x128xf32, #tpu.memory_space<vmem>>, %arg4: memref<512x128xf32, #tpu.memory_space<vmem>>, %arg5: memref<256x256xf32, #tpu.memory_space<vmem>>, %arg6: memref<1x256xf32, #tpu.memory_space<vmem>>, %arg7: memref<256x256xf32, #tpu.memory_space<vmem>>, %arg8: memref<1x256xf32, #tpu.memory_space<vmem>>, %arg9: memref<1x256xf32, #tpu.memory_space<vmem>>, %arg10: memref<1x256xf32, #tpu.memory_space<vmem>>, %arg11: memref<256x768xf32, #tpu.memory_space<vmem>>, %arg12: memref<1x768xf32, #tpu.memory_space<vmem>>, %arg13: memref<256x768xf32, #tpu.memory_space<vmem>>, %arg14: memref<1x768xf32, #tpu.memory_space<vmem>>, %arg15: memref<1x256xf32, #tpu.memory_space<vmem>>, %arg16: memref<1x256xf32, #tpu.memory_space<vmem>>, %arg17: memref<512x128xf32, #tpu.memory_space<vmem>>, %arg18: memref<512x128xf32, #tpu.memory_space<vmem>>, %arg19: memref<512x128xf32, #tpu.memory_space<vmem>>, %arg20: memref<512x128xf32, #tpu.memory_space<vmem>>, %arg21: memref<512x128xf32, #tpu.memory_space<vmem>>, %arg22: memref<512x128xf32, #tpu.memory_space<vmem>>, %arg23: memref<512x128xf32, #tpu.memory_space<vmem>>, %arg24: memref<512x128xf32, #tpu.memory_space<vmem>>, %arg25: memref<512x128xf32, #tpu.memory_space<vmem>>, %arg26: memref<512x128xf32, #tpu.memory_space<vmem>>) attributes {dimension_semantics = [#tpu.dimension_semantics<arbitrary>], iteration_bounds = array<i64: 20>, scalar_prefetch = 0 : i64, scratch_operands = 0 : i64, tpu.core_type = #tpu.core_type<tc>, window_params = [{transform_indices = @transform_0, window_bounds = array<i64: 512, 128>}, {transform_indices = @transform_1, window_bounds = array<i64: 512, 128>}, {transform_indices = @transform_2, window_bounds = array<i64: 512, 128>}, {transform_indices = @transform_3, window_bounds = array<i64: 512, 128>}, {pipeline_mode = #tpu.pipeline_mode<synchronous>, transform_indices = @transform_4, window_bounds = array<i64: 256, 256>}, {pipeline_mode = #tpu.pipeline_mode<synchronous>, transform_indices = @transform_5, window_bounds = array<i64: 1, 256>}, {pipeline_mode = #tpu.pipeline_mode<synchronous>, transform_indices = @transform_6, window_bounds = array<i64: 256, 256>}, {pipeline_mode = #tpu.pipeline_mode<synchronous>, transform_indices = @transform_7, window_bounds = array<i64: 1, 256>}, {pipeline_mode = #tpu.pipeline_mode<synchronous>, transform_indices = @transform_8, window_bounds = array<i64: 1, 256>}, {pipeline_mode = #tpu.pipeline_mode<synchronous>, transform_indices = @transform_9, window_bounds = array<i64: 1, 256>}, {pipeline_mode = #tpu.pipeline_mode<synchronous>, transform_indices = @transform_10, window_bounds = array<i64: 256, 768>}, {pipeline_mode = #tpu.pipeline_mode<synchronous>, transform_indices = @transform_11, window_bounds = array<i64: 1, 768>}, {pipeline_mode = #tpu.pipeline_mode<synchronous>, transform_indices = @transform_12, window_bounds = array<i64: 256, 768>}, {pipeline_mode = #tpu.pipeline_mode<synchronous>, transform_indices = @transform_13, window_bounds = array<i64: 1, 768>}, {pipeline_mode = #tpu.pipeline_mode<synchronous>, transform_indices = @transform_14, window_bounds = array<i64: 1, 256>}, {pipeline_mode = #tpu.pipeline_mode<synchronous>, transform_indices = @transform_15, window_bounds = array<i64: 1, 256>}, {transform_indices = @transform_16, window_bounds = array<i64: 512, 128>}, {transform_indices = @transform_17, window_bounds = array<i64: 512, 128>}, {transform_indices = @transform_18, window_bounds = array<i64: 512, 128>}, {transform_indices = @transform_19, window_bounds = array<i64: 512, 128>}, {transform_indices = @transform_20, window_bounds = array<i64: 512, 128>}, {transform_indices = @transform_21, window_bounds = array<i64: 512, 128>}, {transform_indices = @transform_22, window_bounds = array<i64: 512, 128>}, {transform_indices = @transform_23, window_bounds = array<i64: 512, 128>}, {transform_indices = @transform_24, window_bounds = array<i64: 512, 128>}, {transform_indices = @transform_25, window_bounds = array<i64: 512, 128>}]} {
    %get3A = arith.constant 0 : index
    %get3A_0 = arith.constant 0 : index
    %get3A_1 = vector.load %arg1[%get3A, %get3A_0] : memref<512x128xf32, #tpu.memory_space<vmem>>, vector<512x128xf32>
    %get3A_2 = arith.constant 0 : index
    %get3A_3 = arith.constant 0 : index
    %get3A_4 = vector.load %arg2[%get3A_2, %get3A_3] : memref<512x128xf32, #tpu.memory_space<vmem>>, vector<512x128xf32>
    %concatenate3A = tpu.concatenate %get3A_1, %get3A_4 in 1 : vector<512x128xf32>, vector<512x128xf32> -> vector<512x256xf32>
    %get3A_5 = arith.constant 0 : index
    %get3A_6 = arith.constant 0 : index
    %get3A_7 = vector.load %arg3[%get3A_5, %get3A_6] : memref<512x128xf32, #tpu.memory_space<vmem>>, vector<512x128xf32>
    %get3A_8 = arith.constant 0 : index
    %get3A_9 = arith.constant 0 : index
    %get3A_10 = vector.load %arg4[%get3A_8, %get3A_9] : memref<512x128xf32, #tpu.memory_space<vmem>>, vector<512x128xf32>
    %concatenate3A_11 = tpu.concatenate %get3A_7, %get3A_10 in 1 : vector<512x128xf32>, vector<512x128xf32> -> vector<512x256xf32>
    %add3A = arith.addf %concatenate3A, %concatenate3A_11 : vector<512x256xf32>
    %get3A_12 = arith.constant 0 : index
    %get3A_13 = arith.constant 0 : index
    %get3A_14 = vector.load %arg5[%get3A_12, %get3A_13] : memref<256x256xf32, #tpu.memory_space<vmem>>, vector<256x256xf32>
    %dot_general3A = arith.constant dense<0.000000e+00> : vector<512x256xf32>
    %dot_general3A_15 = tpu.matmul %add3A, %get3A_14, %dot_general3A {dimension_numbers = #tpu.dot_dimension_numbers<[1], [0], [0], [1], [0, 0, 1, 1], [], []>, transpose_lhs_hint = false} : vector<512x256xf32>, vector<256x256xf32>, vector<512x256xf32> -> vector<512x256xf32>
    %get3A_16 = arith.constant 0 : index
    %get3A_17 = arith.constant 0 : index
    %get3A_18 = vector.load %arg6[%get3A_16, %get3A_17] : memref<1x256xf32, #tpu.memory_space<vmem>>, vector<1x256xf32>
    %add3A_19 = vector.broadcast %get3A_18 : vector<1x256xf32> to vector<512x256xf32>
    %add3A_20 = arith.addf %dot_general3A_15, %add3A_19 : vector<512x256xf32>
    %max3A = arith.constant 0.000000e+00 : f32
    %max3A_21 = vector.broadcast %max3A : f32 to vector<512x256xf32>
    %max3A_22 = arith.maximumf %add3A_20, %max3A_21 : vector<512x256xf32>
    %get3A_23 = arith.constant 0 : index
    %get3A_24 = arith.constant 0 : index
    %get3A_25 = vector.load %arg7[%get3A_23, %get3A_24] : memref<256x256xf32, #tpu.memory_space<vmem>>, vector<256x256xf32>
    %dot_general3A_26 = arith.constant dense<0.000000e+00> : vector<512x256xf32>
    %dot_general3A_27 = tpu.matmul %max3A_22, %get3A_25, %dot_general3A_26 {dimension_numbers = #tpu.dot_dimension_numbers<[1], [0], [0], [1], [0, 0, 1, 1], [], []>, transpose_lhs_hint = false} : vector<512x256xf32>, vector<256x256xf32>, vector<512x256xf32> -> vector<512x256xf32>
    %get3A_28 = arith.constant 0 : index
    %get3A_29 = arith.constant 0 : index
    %get3A_30 = vector.load %arg8[%get3A_28, %get3A_29] : memref<1x256xf32, #tpu.memory_space<vmem>>, vector<1x256xf32>
    %add3A_31 = vector.broadcast %get3A_30 : vector<1x256xf32> to vector<512x256xf32>
    %add3A_32 = arith.addf %dot_general3A_27, %add3A_31 : vector<512x256xf32>
    %max3A_33 = arith.constant 0.000000e+00 : f32
    %max3A_34 = vector.broadcast %max3A_33 : f32 to vector<512x256xf32>
    %max3A_35 = arith.maximumf %add3A_32, %max3A_34 : vector<512x256xf32>
    %get3A_36 = arith.constant 0 : index
    %get3A_37 = arith.constant 0 : index
    %get3A_38 = vector.load %arg9[%get3A_36, %get3A_37] : memref<1x256xf32, #tpu.memory_space<vmem>>, vector<1x256xf32>
    %mul3A = vector.broadcast %get3A_38 : vector<1x256xf32> to vector<512x256xf32>
    %mul3A_39 = arith.mulf %max3A_35, %mul3A : vector<512x256xf32>
    %get3A_40 = arith.constant 0 : index
    %get3A_41 = arith.constant 0 : index
    %get3A_42 = vector.load %arg10[%get3A_40, %get3A_41] : memref<1x256xf32, #tpu.memory_space<vmem>>, vector<1x256xf32>
    %add3A_43 = vector.broadcast %get3A_42 : vector<1x256xf32> to vector<512x256xf32>
    %add3A_44 = arith.addf %mul3A_39, %add3A_43 : vector<512x256xf32>
    %get3A_45 = arith.constant 0 : index
    %get3A_46 = arith.constant 0 : index
    %get3A_47 = vector.load %arg11[%get3A_45, %get3A_46] : memref<256x768xf32, #tpu.memory_space<vmem>>, vector<256x768xf32>
    %dot_general3A_48 = arith.constant dense<0.000000e+00> : vector<512x768xf32>
    %dot_general3A_49 = tpu.matmul %add3A_44, %get3A_47, %dot_general3A_48 {dimension_numbers = #tpu.dot_dimension_numbers<[1], [0], [0], [1], [0, 0, 1, 1], [], []>, transpose_lhs_hint = false} : vector<512x256xf32>, vector<256x768xf32>, vector<512x768xf32> -> vector<512x768xf32>
    %get3A_50 = arith.constant 0 : index
    %get3A_51 = arith.constant 0 : index
    %get3A_52 = vector.load %arg12[%get3A_50, %get3A_51] : memref<1x768xf32, #tpu.memory_space<vmem>>, vector<1x768xf32>
    %add3A_53 = vector.broadcast %get3A_52 : vector<1x768xf32> to vector<512x768xf32>
    %add3A_54 = arith.addf %dot_general3A_49, %add3A_53 : vector<512x768xf32>
    %get3A_55 = arith.constant 0 : index
    %get3A_56 = arith.constant 0 : index
    %get3A_57 = vector.load %arg13[%get3A_55, %get3A_56] : memref<256x768xf32, #tpu.memory_space<vmem>>, vector<256x768xf32>
    %dot_general3A_58 = arith.constant dense<0.000000e+00> : vector<512x768xf32>
    %dot_general3A_59 = tpu.matmul %concatenate3A, %get3A_57, %dot_general3A_58 {dimension_numbers = #tpu.dot_dimension_numbers<[1], [0], [0], [1], [0, 0, 1, 1], [], []>, transpose_lhs_hint = false} : vector<512x256xf32>, vector<256x768xf32>, vector<512x768xf32> -> vector<512x768xf32>
    %get3A_60 = arith.constant 0 : index
    %get3A_61 = arith.constant 0 : index
    %get3A_62 = vector.load %arg14[%get3A_60, %get3A_61] : memref<1x768xf32, #tpu.memory_space<vmem>>, vector<1x768xf32>
    %add3A_63 = vector.broadcast %get3A_62 : vector<1x768xf32> to vector<512x768xf32>
    %add3A_64 = arith.addf %dot_general3A_59, %add3A_63 : vector<512x768xf32>
    %slice3A = vector.extract_strided_slice %add3A_54 {offsets = [0, 0], sizes = [512, 256], strides = [1, 1]} : vector<512x768xf32> to vector<512x256xf32>
    %slice3A_65 = vector.extract_strided_slice %add3A_64 {offsets = [0, 0], sizes = [512, 256], strides = [1, 1]} : vector<512x768xf32> to vector<512x256xf32>
    %add3A_66 = arith.addf %slice3A, %slice3A_65 : vector<512x256xf32>
    %logistic3A = arith.negf %add3A_66 : vector<512x256xf32>
    %logistic3A_67 = math.exp %logistic3A : vector<512x256xf32>
    %logistic3A_68 = arith.constant 1.000000e+00 : f32
    %logistic3A_69 = vector.broadcast %logistic3A_68 : f32 to vector<512x256xf32>
    %logistic3A_70 = arith.addf %logistic3A_69, %logistic3A_67 : vector<512x256xf32>
    %logistic3A_71 = arith.divf %logistic3A_69, %logistic3A_70 : vector<512x256xf32>
    %slice3A_72 = vector.extract_strided_slice %add3A_54 {offsets = [0, 256], sizes = [512, 256], strides = [1, 1]} : vector<512x768xf32> to vector<512x256xf32>
    %slice3A_73 = vector.extract_strided_slice %add3A_64 {offsets = [0, 256], sizes = [512, 256], strides = [1, 1]} : vector<512x768xf32> to vector<512x256xf32>
    %add3A_74 = arith.addf %slice3A_72, %slice3A_73 : vector<512x256xf32>
    %logistic3A_75 = arith.negf %add3A_74 : vector<512x256xf32>
    %logistic3A_76 = math.exp %logistic3A_75 : vector<512x256xf32>
    %logistic3A_77 = arith.constant 1.000000e+00 : f32
    %logistic3A_78 = vector.broadcast %logistic3A_77 : f32 to vector<512x256xf32>
    %logistic3A_79 = arith.addf %logistic3A_78, %logistic3A_76 : vector<512x256xf32>
    %logistic3A_80 = arith.divf %logistic3A_78, %logistic3A_79 : vector<512x256xf32>
    %slice3A_81 = vector.extract_strided_slice %add3A_54 {offsets = [0, 512], sizes = [512, 256], strides = [1, 1]} : vector<512x768xf32> to vector<512x256xf32>
    %slice3A_82 = vector.extract_strided_slice %add3A_64 {offsets = [0, 512], sizes = [512, 256], strides = [1, 1]} : vector<512x768xf32> to vector<512x256xf32>
    %mul3A_83 = arith.mulf %logistic3A_71, %slice3A_82 : vector<512x256xf32>
    %add3A_84 = arith.addf %slice3A_81, %mul3A_83 : vector<512x256xf32>
    %tanh3A = math.tanh %add3A_84 : vector<512x256xf32>
    %sub3A = arith.constant 1.000000e+00 : f32
    %sub3A_85 = vector.broadcast %sub3A : f32 to vector<512x256xf32>
    %sub3A_86 = arith.subf %sub3A_85, %logistic3A_80 : vector<512x256xf32>
    %mul3A_87 = arith.mulf %sub3A_86, %tanh3A : vector<512x256xf32>
    %mul3A_88 = arith.mulf %logistic3A_80, %concatenate3A : vector<512x256xf32>
    %add3A_89 = arith.addf %mul3A_87, %mul3A_88 : vector<512x256xf32>
    %reduce_sum3A = arith.constant dense<0.000000e+00> : vector<512xf32>
    %reduce_sum3A_90 = vector.multi_reduction <add>, %add3A_89, %reduce_sum3A [1] : vector<512x256xf32> to vector<512xf32>
    %broadcast_in_dim3A = vector.shape_cast %reduce_sum3A_90 : vector<512xf32> to vector<512x1xf32>
    %div3A = arith.constant 2.560000e+02 : f32
    %div3A_91 = vector.broadcast %div3A : f32 to vector<512x1xf32>
    %div3A_92 = arith.divf %broadcast_in_dim3A, %div3A_91 : vector<512x1xf32>
    %sub3A_93 = vector.broadcast %div3A_92 : vector<512x1xf32> to vector<512x256xf32>
    %sub3A_94 = arith.subf %add3A_89, %sub3A_93 : vector<512x256xf32>
    %integer_pow3A = arith.mulf %sub3A_94, %sub3A_94 : vector<512x256xf32>
    %reduce_sum3A_95 = arith.constant dense<0.000000e+00> : vector<512xf32>
    %reduce_sum3A_96 = vector.multi_reduction <add>, %integer_pow3A, %reduce_sum3A_95 [1] : vector<512x256xf32> to vector<512xf32>
    %broadcast_in_dim3A_97 = vector.shape_cast %reduce_sum3A_96 : vector<512xf32> to vector<512x1xf32>
    %div3A_98 = arith.constant 2.560000e+02 : f32
    %div3A_99 = vector.broadcast %div3A_98 : f32 to vector<512x1xf32>
    %div3A_100 = arith.divf %broadcast_in_dim3A_97, %div3A_99 : vector<512x1xf32>
    %sub3A_101 = vector.broadcast %div3A_92 : vector<512x1xf32> to vector<512x256xf32>
    %sub3A_102 = arith.subf %add3A_89, %sub3A_101 : vector<512x256xf32>
    %add3A_103 = arith.constant 9.99999974E-6 : f32
    %add3A_104 = vector.broadcast %add3A_103 : f32 to vector<512x1xf32>
    %add3A_105 = arith.addf %div3A_100, %add3A_104 : vector<512x1xf32>
    %sqrt3A = math.sqrt %add3A_105 : vector<512x1xf32>
    %div3A_106 = vector.broadcast %sqrt3A : vector<512x1xf32> to vector<512x256xf32>
    %div3A_107 = arith.divf %sub3A_102, %div3A_106 : vector<512x256xf32>
    %get3A_108 = arith.constant 0 : index
    %get3A_109 = arith.constant 0 : index
    %get3A_110 = vector.load %arg15[%get3A_108, %get3A_109] : memref<1x256xf32, #tpu.memory_space<vmem>>, vector<1x256xf32>
    %mul3A_111 = vector.broadcast %get3A_110 : vector<1x256xf32> to vector<512x256xf32>
    %mul3A_112 = arith.mulf %div3A_107, %mul3A_111 : vector<512x256xf32>
    %get3A_113 = arith.constant 0 : index
    %get3A_114 = arith.constant 0 : index
    %get3A_115 = vector.load %arg16[%get3A_113, %get3A_114] : memref<1x256xf32, #tpu.memory_space<vmem>>, vector<1x256xf32>
    %add3A_116 = vector.broadcast %get3A_115 : vector<1x256xf32> to vector<512x256xf32>
    %add3A_117 = arith.addf %mul3A_112, %add3A_116 : vector<512x256xf32>
    %get3A_118 = arith.constant 0 : index
    %get3A_119 = arith.constant 0 : index
    %get3A_120 = vector.load %arg17[%get3A_118, %get3A_119] : memref<512x128xf32, #tpu.memory_space<vmem>>, vector<512x128xf32>
    %get3A_121 = arith.constant 0 : index
    %get3A_122 = arith.constant 0 : index
    %get3A_123 = vector.load %arg18[%get3A_121, %get3A_122] : memref<512x128xf32, #tpu.memory_space<vmem>>, vector<512x128xf32>
    %concatenate3A_124 = tpu.concatenate %get3A_120, %get3A_123 in 1 : vector<512x128xf32>, vector<512x128xf32> -> vector<512x256xf32>
    %mul3A_125 = arith.mulf %concatenate3A_124, %add3A_117 : vector<512x256xf32>
    %get3A_126 = arith.constant 0 : index
    %get3A_127 = arith.constant 0 : index
    %get3A_128 = vector.load %arg19[%get3A_126, %get3A_127] : memref<512x128xf32, #tpu.memory_space<vmem>>, vector<512x128xf32>
    %get3A_129 = arith.constant 0 : index
    %get3A_130 = arith.constant 0 : index
    %get3A_131 = vector.load %arg20[%get3A_129, %get3A_130] : memref<512x128xf32, #tpu.memory_space<vmem>>, vector<512x128xf32>
    %concatenate3A_132 = tpu.concatenate %get3A_128, %get3A_131 in 1 : vector<512x128xf32>, vector<512x128xf32> -> vector<512x256xf32>
    %add3A_133 = arith.addf %concatenate3A_132, %add3A_117 : vector<512x256xf32>
    %slice3A_134 = vector.extract_strided_slice %add3A_117 {offsets = [0, 0], sizes = [512, 128], strides = [1, 1]} : vector<512x256xf32> to vector<512x128xf32>
    %swap3A = arith.constant 0 : index
    %swap3A_135 = arith.constant 0 : index
    %swap3A_136 = vector.load %arg21[%swap3A, %swap3A_135] : memref<512x128xf32, #tpu.memory_space<vmem>>, vector<512x128xf32>
    tpu.vector_store %arg21[%swap3A, %swap3A_135], %slice3A_134 {strides = array<i32>} : memref<512x128xf32, #tpu.memory_space<vmem>>, vector<512x128xf32>,
    %slice3A_137 = vector.extract_strided_slice %add3A_117 {offsets = [0, 128], sizes = [512, 128], strides = [1, 1]} : vector<512x256xf32> to vector<512x128xf32>
    %swap3A_138 = arith.constant 0 : index
    %swap3A_139 = arith.constant 0 : index
    %swap3A_140 = vector.load %arg22[%swap3A_138, %swap3A_139] : memref<512x128xf32, #tpu.memory_space<vmem>>, vector<512x128xf32>
    tpu.vector_store %arg22[%swap3A_138, %swap3A_139], %slice3A_137 {strides = array<i32>} : memref<512x128xf32, #tpu.memory_space<vmem>>, vector<512x128xf32>,
    %slice3A_141 = vector.extract_strided_slice %mul3A_125 {offsets = [0, 0], sizes = [512, 128], strides = [1, 1]} : vector<512x256xf32> to vector<512x128xf32>
    %swap3A_142 = arith.constant 0 : index
    %swap3A_143 = arith.constant 0 : index
    %swap3A_144 = vector.load %arg23[%swap3A_142, %swap3A_143] : memref<512x128xf32, #tpu.memory_space<vmem>>, vector<512x128xf32>
    tpu.vector_store %arg23[%swap3A_142, %swap3A_143], %slice3A_141 {strides = array<i32>} : memref<512x128xf32, #tpu.memory_space<vmem>>, vector<512x128xf32>,
    %slice3A_145 = vector.extract_strided_slice %mul3A_125 {offsets = [0, 128], sizes = [512, 128], strides = [1, 1]} : vector<512x256xf32> to vector<512x128xf32>
    %swap3A_146 = arith.constant 0 : index
    %swap3A_147 = arith.constant 0 : index
    %swap3A_148 = vector.load %arg24[%swap3A_146, %swap3A_147] : memref<512x128xf32, #tpu.memory_space<vmem>>, vector<512x128xf32>
    tpu.vector_store %arg24[%swap3A_146, %swap3A_147], %slice3A_145 {strides = array<i32>} : memref<512x128xf32, #tpu.memory_space<vmem>>, vector<512x128xf32>,
    %slice3A_149 = vector.extract_strided_slice %add3A_133 {offsets = [0, 0], sizes = [512, 128], strides = [1, 1]} : vector<512x256xf32> to vector<512x128xf32>
    %swap3A_150 = arith.constant 0 : index
    %swap3A_151 = arith.constant 0 : index
    %swap3A_152 = vector.load %arg25[%swap3A_150, %swap3A_151] : memref<512x128xf32, #tpu.memory_space<vmem>>, vector<512x128xf32>
    tpu.vector_store %arg25[%swap3A_150, %swap3A_151], %slice3A_149 {strides = array<i32>} : memref<512x128xf32, #tpu.memory_space<vmem>>, vector<512x128xf32>,
    %slice3A_153 = vector.extract_strided_slice %add3A_133 {offsets = [0, 128], sizes = [512, 128], strides = [1, 1]} : vector<512x256xf32> to vector<512x128xf32>
    %swap3A_154 = arith.constant 0 : index
    %swap3A_155 = arith.constant 0 : index
    %swap3A_156 = vector.load %arg26[%swap3A_154, %swap3A_155] : memref<512x128xf32, #tpu.memory_space<vmem>>, vector<512x128xf32>
    tpu.vector_store %arg26[%swap3A_154, %swap3A_155], %slice3A_153 {strides = array<i32>} : memref<512x128xf32, #tpu.memory_space<vmem>>, vector<512x128xf32>,
    return
  }
  func.func @transform_0(%arg0: i32) -> (i32, i32) {
    %c0_i32 = arith.constant 0 : i32
    %c0_i32_0 = arith.constant 0 : i32
    return %arg0, %c0_i32 : i32, i32
  }
  func.func @transform_1(%arg0: i32) -> (i32, i32) {
    %c0_i32 = arith.constant 0 : i32
    %c0_i32_0 = arith.constant 0 : i32
    return %arg0, %c0_i32 : i32, i32
  }
  func.func @transform_2(%arg0: i32) -> (i32, i32) {
    %c0_i32 = arith.constant 0 : i32
    %c0_i32_0 = arith.constant 0 : i32
    return %arg0, %c0_i32 : i32, i32
  }
  func.func @transform_3(%arg0: i32) -> (i32, i32) {
    %c0_i32 = arith.constant 0 : i32
    %c0_i32_0 = arith.constant 0 : i32
    return %arg0, %c0_i32 : i32, i32
  }
  func.func @transform_4(%arg0: i32) -> (i32, i32) {
    %c0_i32 = arith.constant 0 : i32
    %c0_i32_0 = arith.constant 0 : i32
    %c0_i32_1 = arith.constant 0 : i32
    return %c0_i32, %c0_i32_0 : i32, i32
  }
  func.func @transform_5(%arg0: i32) -> (i32, i32) {
    %c0_i32 = arith.constant 0 : i32
    %c0_i32_0 = arith.constant 0 : i32
    %c0_i32_1 = arith.constant 0 : i32
    return %c0_i32, %c0_i32_0 : i32, i32
  }
  func.func @transform_6(%arg0: i32) -> (i32, i32) {
    %c0_i32 = arith.constant 0 : i32
    %c0_i32_0 = arith.constant 0 : i32
    %c0_i32_1 = arith.constant 0 : i32
    return %c0_i32, %c0_i32_0 : i32, i32
  }
  func.func @transform_7(%arg0: i32) -> (i32, i32) {
    %c0_i32 = arith.constant 0 : i32
    %c0_i32_0 = arith.constant 0 : i32
    %c0_i32_1 = arith.constant 0 : i32
    return %c0_i32, %c0_i32_0 : i32, i32
  }
  func.func @transform_8(%arg0: i32) -> (i32, i32) {
    %c0_i32 = arith.constant 0 : i32
    %c0_i32_0 = arith.constant 0 : i32
    %c0_i32_1 = arith.constant 0 : i32
    return %c0_i32, %c0_i32_0 : i32, i32
  }
  func.func @transform_9(%arg0: i32) -> (i32, i32) {
    %c0_i32 = arith.constant 0 : i32
    %c0_i32_0 = arith.constant 0 : i32
    %c0_i32_1 = arith.constant 0 : i32
    return %c0_i32, %c0_i32_0 : i32, i32
  }
  func.func @transform_10(%arg0: i32) -> (i32, i32) {
    %c0_i32 = arith.constant 0 : i32
    %c0_i32_0 = arith.constant 0 : i32
    %c0_i32_1 = arith.constant 0 : i32
    return %c0_i32, %c0_i32_0 : i32, i32
  }
  func.func @transform_11(%arg0: i32) -> (i32, i32) {
    %c0_i32 = arith.constant 0 : i32
    %c0_i32_0 = arith.constant 0 : i32
    %c0_i32_1 = arith.constant 0 : i32
    return %c0_i32, %c0_i32_0 : i32, i32
  }
  func.func @transform_12(%arg0: i32) -> (i32, i32) {
    %c0_i32 = arith.constant 0 : i32
    %c0_i32_0 = arith.constant 0 : i32
    %c0_i32_1 = arith.constant 0 : i32
    return %c0_i32, %c0_i32_0 : i32, i32
  }
  func.func @transform_13(%arg0: i32) -> (i32, i32) {
    %c0_i32 = arith.constant 0 : i32
    %c0_i32_0 = arith.constant 0 : i32
    %c0_i32_1 = arith.constant 0 : i32
    return %c0_i32, %c0_i32_0 : i32, i32
  }
  func.func @transform_14(%arg0: i32) -> (i32, i32) {
    %c0_i32 = arith.constant 0 : i32
    %c0_i32_0 = arith.constant 0 : i32
    %c0_i32_1 = arith.constant 0 : i32
    return %c0_i32, %c0_i32_0 : i32, i32
  }
  func.func @transform_15(%arg0: i32) -> (i32, i32) {
    %c0_i32 = arith.constant 0 : i32
    %c0_i32_0 = arith.constant 0 : i32
    %c0_i32_1 = arith.constant 0 : i32
    return %c0_i32, %c0_i32_0 : i32, i32
  }
  func.func @transform_16(%arg0: i32) -> (i32, i32) {
    %c0_i32 = arith.constant 0 : i32
    %c0_i32_0 = arith.constant 0 : i32
    return %arg0, %c0_i32 : i32, i32
  }
  func.func @transform_17(%arg0: i32) -> (i32, i32) {
    %c0_i32 = arith.constant 0 : i32
    %c0_i32_0 = arith.constant 0 : i32
    return %arg0, %c0_i32 : i32, i32
  }
  func.func @transform_18(%arg0: i32) -> (i32, i32) {
    %c0_i32 = arith.constant 0 : i32
    %c0_i32_0 = arith.constant 0 : i32
    return %arg0, %c0_i32 : i32, i32
  }
  func.func @transform_19(%arg0: i32) -> (i32, i32) {
    %c0_i32 = arith.constant 0 : i32
    %c0_i32_0 = arith.constant 0 : i32
    return %arg0, %c0_i32 : i32, i32
  }
  func.func @transform_20(%arg0: i32) -> (i32, i32) {
    %c0_i32 = arith.constant 0 : i32
    %c0_i32_0 = arith.constant 0 : i32
    return %arg0, %c0_i32 : i32, i32
  }
  func.func @transform_21(%arg0: i32) -> (i32, i32) {
    %c0_i32 = arith.constant 0 : i32
    %c0_i32_0 = arith.constant 0 : i32
    return %arg0, %c0_i32 : i32, i32
  }
  func.func @transform_22(%arg0: i32) -> (i32, i32) {
    %c0_i32 = arith.constant 0 : i32
    %c0_i32_0 = arith.constant 0 : i32
    return %arg0, %c0_i32 : i32, i32
  }
  func.func @transform_23(%arg0: i32) -> (i32, i32) {
    %c0_i32 = arith.constant 0 : i32
    %c0_i32_0 = arith.constant 0 : i32
    return %arg0, %c0_i32 : i32, i32
  }
  func.func @transform_24(%arg0: i32) -> (i32, i32) {
    %c0_i32 = arith.constant 0 : i32
    %c0_i32_0 = arith.constant 0 : i32
    return %arg0, %c0_i32 : i32, i32
  }
  func.func @transform_25(%arg0: i32) -> (i32, i32) {
    %c0_i32 = arith.constant 0 : i32
    %c0_i32_0 = arith.constant 0 : i32
    return %arg0, %c0_i32 : i32, i32
  }
}

</mosaic_0001>

<sc_bundles>
// kernel: kernel.16.cloned.1.call-start
scs
__scs_entry_jumppad:
0x0: {  	(pc) =	sbr.rel $0x88, $3  }
0x1: {  	(tag) =	ssettag $0x0;
	lr =	simm.s32 $0x1  }
0x2: {  	[smem:$0x3F77] =	sst lr;
	_ =	strace $0xD0000000  }
0x3: {  	_ = 	snop  }
0x4: {  	_ = 	snop  }
0x5: {  	_ = 	snop  }
0x6: {  	_ = 	snop  }
0x7: {  	_ = 	snop  }
__scs_overlays_trampoline_lowered:
0x8: {  	[smem:$0x3F86] =	sst s0  }
0x9: {  	[smem:$0x3F87] =	sst s1  }
0xa: {  	[smem:$0x3F88] =	sst s2  }
0xb: {  	[smem:$0x3F89] =	sst s3  }
0xc: {  	[smem:$0x3F8A] =	sst s4  }
0xd: {  	[smem:$0x3F8B] =	sst s5  }
0xe: {  	[smem:$0x3F8C] =	sst s6  }
0xf: {  	[smem:$0x3F8D] =	sst s7  }
0x10: {  	[smem:$0x3F8E] =	sst s8  }
0x11: {  	[smem:$0x3F8F] =	sst s9;
	s0 =	simm.s32 @!p0 $0x0  }
0x12: {  	s1 =	sld [smem:$0x3F75];
	s0 =	simm.s32 @p0 $0x1  }
0x13: {  	[smem:$0x3F90] =	sst s0;
	s0 =	simm.s32 @!p1 $0x0  }
0x14: {  	s2 =	sld [smem:$0x3F74];
	s0 =	simm.s32 @p1 $0x1  }
0x15: {  	[smem:$0x3F91] =	sst s0;
	s0 =	simm.s32 @!p2 $0x0  }
0x16: {  	s3 =	sld [smem:$0x3FDB];
	s0 =	simm.s32 @p2 $0x1  }
0x17: {  	s4 =	simm.s32 $0x1BF5;
	[smem:$0x3F93] =	sst s0  }
0x18: {  	s0 =	sld [smem:$0x3F76];
	_ =	swait.ge [sflag:s4], $0x0  }
0x19: {  	s7 =	sld [smem:$0x3F77]  }
0x1a: {  	s8 =	sadd.s32 $0xFFFFE003, lr  }
0x1b: {  	s9 =	sadd.s32 $0xFFFFFEF7, lr;
	s5 =	simm.s32 $0xFFFFFFFF;
	p2 =	slt.u32 s8, $0xFFFFF086  }
0x1c: {  	p1 =	slt.u32 s9, $0xF7A;
	s5 =	simm.s32 @!p2 $0x0  }
0x1d: {  	s5 =	simm.s32 @p1 $0x1;
	p0 =	seq.s32 s7, s2  }
0x1e: {  	s7 =	smul.u32 @!p0 $0xF7A, s2;
	p2 =	seq.s32 @!p0 s5, $0x0  }
0x1f: {  	s9 =	smul.u32 $0xF7A, s1;
	s8 =	simm.s32 @!p0 $0x1BF5;
	p2 =	por !p2, p0  }
0x20: {  	[sflag:s8] =	ssyncset.s32 @!p0 $0xFFFFF086;
	s6 =	sadd.s32 @!p0 s3, s7;
	s7 =	simm.s32 @!p0 $0x108  }
0x21: {  	s3 =	sadd.s32 s3, s9;
	s6 =	sadd.s32 @!p0 $0x88, s6;
	s7 =	simm.s32 @p2 $0x1082  }
0x22: {  	[simem:s7], [sflag:s8] =	dma.local @!p0 [hbm:s6], $0xF7A  }
0x23: {  	s9 =	sor.u32 $0xD0000000, s2;
	s6 =	simm.s32 $0x108;
	_ =	swait.ge @!p0 [sflag:s8], $0x0  }
0x24: {  	s3 =	sadd.s32 $0x88, s3;
	s6 =	simm.s32 @!p1 $0x1082;
	[sflag:s4] =	ssyncset.s32 $0xFFFFF086  }
0x25: {  	[simem:s6], [sflag:s4] =	dma.local [hbm:s3], $0xF7A  }
0x26: {  	[smem:$0x3F77] =	sst s1;
	(tag) =	ssettag s2;
	_ =	strace s9  }
0x27: {  	s1 =	sld [smem:$0x3F87]  }
0x28: {  	s2 =	sld [smem:$0x3F88]  }
0x29: {  	s4 =	sld [smem:$0x3F8A]  }
0x2a: {  	p0 =	seq.s32 s5, $0x0;
	s5 =	sld [smem:$0x3F8B]  }
0x2b: {  	s6 =	sld [smem:$0x3F8C]  }
0x2c: {  	s7 =	sld [smem:$0x3F8D]  }
0x2d: {  	s3 =	simm.s32 $0x108;
	s8 =	sld [smem:$0x3F8E]  }
0x2e: {  	s3 =	simm.s32 @!p0 $0x1082;
	s9 =	sld [smem:$0x3F8F]  }
0x2f: {  	lr =	sadd.s32 s0, s3;
	s0 =	sld [smem:$0x3F86]  }
0x30: {  	s3 =	sld [smem:$0x3F89]  }
0x31: {  	[smem:$0x3F92] =	sst s10  }
0x32: {  	s10 =	sld [smem:$0x3F90];
	_ =	sdelay $0x3  }
0x33: {  	p0 =	seq.s32 s10, $0x1;
	s10 =	sld [smem:$0x3F92];
	_ =	sdelay $0x3  }
0x34: {  	[smem:$0x3F92] =	sst s10  }
0x35: {  	s10 =	sld [smem:$0x3F91];
	_ =	sdelay $0x3  }
0x36: {  	p1 =	seq.s32 s10, $0x1;
	s10 =	sld [smem:$0x3F92];
	_ =	sdelay $0x3  }
0x37: {  	[smem:$0x3F92] =	sst s10  }
0x38: {  	s10 =	sld [smem:$0x3F93]  }
0x39: {  	_ = 	snop;
	(pc) =	sbr.ind lr, $3  }
0x3a: {  	_ = 	snop  }
0x3b: {  	_ = 	snop  }
0x3c: {  	p2 =	seq.s32 s10, $0x1;
	s10 =	sld [smem:$0x3F92]  }
0x3d: {  	_ =	shalt  }
0x3e: {  	_ =	shalt  }
0x3f: {  	_ =	shalt  }
0x40: {  	_ =	shalt  }
0x41: {  	_ =	shalt  }
0x42: {  	_ =	shalt  }
0x43: {  	_ =	shalt  }
0x44: {  	_ =	shalt  }
0x45: {  	_ =	shalt  }
0x46: {  	_ =	shalt  }
0x47: {  	_ =	shalt  }
0x48: {  	_ =	shalt  }
0x49: {  	_ =	shalt  }
0x4a: {  	_ =	shalt  }
0x4b: {  	_ =	shalt  }
0x4c: {  	_ =	shalt  }
0x4d: {  	_ =	shalt  }
0x4e: {  	_ =	shalt  }
0x4f: {  	_ =	shalt  }
0x50: {  	_ =	shalt  }
0x51: {  	_ =	shalt  }
0x52: {  	_ =	shalt  }
0x53: {  	_ =	shalt  }
0x54: {  	_ =	shalt  }
0x55: {  	_ =	shalt  }
0x56: {  	_ =	shalt  }
0x57: {  	_ =	shalt  }
0x58: {  	_ =	shalt  }
0x59: {  	_ =	shalt  }
0x5a: {  	_ =	shalt  }
0x5b: {  	_ =	shalt  }
0x5c: {  	_ =	shalt  }
0x5d: {  	_ =	shalt  }
0x5e: {  	_ =	shalt  }
0x5f: {  	_ =	shalt  }
0x60: {  	_ =	shalt  }
0x61: {  	_ =	shalt  }
0x62: {  	_ =	shalt  }
0x63: {  	_ =	shalt  }
0x64: {  	_ =	shalt  }
0x65: {  	_ =	shalt  }
0x66: {  	_ =	shalt  }
0x67: {  	_ =	shalt  }
0x68: {  	_ =	shalt  }
0x69: {  	_ =	shalt  }
0x6a: {  	_ =	shalt  }
0x6b: {  	_ =	shalt  }
0x6c: {  	_ =	shalt  }
0x6d: {  	_ =	shalt  }
0x6e: {  	_ =	shalt  }
0x6f: {  	_ =	shalt  }
0x70: {  	_ =	shalt  }
0x71: {  	_ =	shalt  }
0x72: {  	_ =	shalt  }
0x73: {  	_ =	shalt  }
0x74: {  	_ =	shalt  }
0x75: {  	_ =	shalt  }
0x76: {  	_ =	shalt  }
0x77: {  	_ =	shalt  }
0x78: {  	_ =	shalt  }
0x79: {  	_ =	shalt  }
0x7a: {  	_ =	shalt  }
0x7b: {  	_ =	shalt  }
0x7c: {  	_ =	shalt  }
0x7d: {  	_ =	shalt  }
0x7e: {  	_ =	shalt  }
0x7f: {  	_ =	shalt  }
0x80: {  	_ =	shalt  }
0x81: {  	_ =	shalt  }
0x82: {  	_ =	shalt  }
0x83: {  	_ =	shalt  }
0x84: {  	_ =	shalt  }
0x85: {  	_ =	shalt  }
0x86: {  	_ =	shalt  }
0x87: {  	_ =	shalt  }
.Lfunc_end0:
.L_simem_size_0:
called_computation_lowered:
.L_overlay_start_0:
0x88: {  	s2 =	sld [smem:$0x3FD9]  }
0x89: {  	s3 =	sld [smem:$0x3FFE];
	_ =	sdelay $0x1  }
0x8a: {  	s1 =	srdreg.scid  }
0x8b: {  	s0 =	sand.u32 $0x1, s1  }
0x8c: {  	s16 =	sshll.u32 s0, $0xA;
	s2 =	sadd.s32 s3, s2  }
0x8d: {  	s2 =	sadd.s32 s2, s16  }
0x8e: {  	[smem:$0x3F9E] =	sst s2  }
0x8f: {  	_ = 	snop  }
0x90: {  	(tm) =	ssettm $0x1  }
0x91: {  	s17 =	sld [smem:$0x3FFB];
	_ =	sdelay $0x3  }
0x92: {  	_ =	strace s17  }
0x93: {  	s2 =	sld [smem:$0x3FFC];
	_ =	sdelay $0x3  }
0x94: {  	_ =	strace s2  }
0x95: {  	s2 =	sld [smem:$0x3FFD];
	_ =	sdelay $0x3  }
0x96: {  	_ =	strace s2  }
0x97: {  	_ =	strace $0x8FFFFFFF  }
0x98: {  	s18 =	sld [smem:$0x3FDB];
	_ =	sdelay $0x1  }
0x99: {  	s19 =	simm.s32 $_scs_section_size  }
0x9a: {  	s4 =	simm.s32 $_size__tile_overlayer_lowered;
	s5 =	simm.s32 $_tile_overlayer_lowered  }
0x9b: {  	s22 =	simm.s32 $0x1BFF;
	s21 =	sshll.u32 s5, $0x1;
	s2 =	sadd.s32 s19, s18  }
0x9c: {  	s6 =	simm.s32 $0x0;
	s20 =	sshll.u32 s4, $0x1;
	s4 =	sadd.s32 s21, s2  }
0x9d: {  	[timem:s6], [sflag:s22] =	dma.local [hbm:s4], s20  }
0x9e: {  	_ =	swait.ge [sflag:s22], s20  }
0x9f: {  	s3 =	ssub.s32 $0x0, s20;
	[sflag:s22] =	ssyncset.done $0x0  }
0xa0: {  	[sflag:s22] =	ssyncadd.s32 s3;
	_ =	sdelay $0x1  }
0xa1: {  	s23 =	simm.s32 $0x1B8B  }
0xa2: {  	_ =	swait.ge [sflag:s23], $0x1  }
0xa3: {  	[sflag:s23] =	ssyncset.done $0x0  }
0xa4: {  	s25 =	simm.s32 $0x1B8E;
	s24 =	sld [smem:$0x3FFE];
	[sflag:s23] =	ssyncadd.s32 $0xFFFFFFFF  }
0xa5: {  	s26 =	simm.s32 $execute0_lowered;
	[smem:$0x3FD2] =	sst s25  }
0xa6: {  	s4 =	sshll.u32 s26, $0x1;
	_ =	strace $0x80000046;
	[dreg:$0x1] =	wrdreg $0xFFFFFFFF  }
0xa7: {  	s28 =	simm.s32 $_size_execute0_lowered;
	s2 =	sadd.s32 s2, s4;
	[dreg:$0x0] =	wrdreg $0x0  }
0xa8: {  	s4 =	sshll.u32 s28, $0x1;
	[dreg:$0x2] =	wrdreg s2  }
0xa9: {  	[dreg:$0x3] =	wrdreg s4  }
0xaa: {  	[dreg:$0x4] =	wrdreg $0xC0  }
0xab: {  	_ =	task [dreg:s6], $0x5FFFF  }
0xac: {  	[dreg:$0x1] =	wrdreg $0xFFFFFFFF  }
0xad: {  	[dreg:$0x0] =	wrdreg $0x60  }
0xae: {  	[dreg:$0x2] =	wrdreg s24  }
0xaf: {  	[dreg:$0x3] =	wrdreg $0x54000  }
0xb0: {  	[dreg:$0x4] =	wrdreg $0x9  }
0xb1: {  	_ =	task.clear_ibuf [dreg:s6], $0x5FFFF;
	_ =	strace $0x90000046  }
0xb2: {  	s29 =	simm.s32 $0x9;
	_ =	strace $0x80000048  }
0xb3: {  	_ =	swait.ge [sflag:s29], $0x1  }
0xb4: {  	[sflag:s29] =	ssyncadd.s32 $0xFFFFFFFF  }
0xb5: {  	_ =	strace $0x90000048  }
0xb6: {  	_ =	sfence  }
0xb7: {  	s30 =	sld [smem:$0x0];
	_ =	sdelay $0x2  }
0xb8: {  	s31 =	sshll.u32 s1, $0xD;
	s1 =	sshrl.u32 s1, $0x2  }
0xb9: {  	s3 =	sand.u32 $0x4000, s31;
	s1 =	sadd.s32 s1, s30  }
0xba: {  	s0 =	sor.u32 s3, s0;
	s1 =	sshll.u32 s1, $0x11  }
0xbb: {  	s0 =	sor.u32 s1, s0  }
0xbc: {  	s0 =	sadd.s32 $0x8F2B, s0  }
0xbd: {  	[sflag:s0] =	ssyncadd.remote.s32 $0x1  }
0xbe: {  	_ =	sfence.sel $0xFFFF  }
0xbf: {  	[dreg:$0x0] =	wrdreg $0xFFFFFFFF;
	(pc) =	sbr.abs _section_cstart, $3  }
0xc0: {  	[dreg:$0x1] =	wrdreg $0xFFFFFFFF  }
0xc1: {  	_ =	task.clear_ibuf [dreg:s6], $0x2FFFF;
	_ =	strace $0x9FFFFFFF  }
0xc2: {  	(tm) =	ssettm $0x7FFFFFFF  }
0xc3: {  	_ =	shalt  }
tec
execute0_lowered:
.L_overlay_start_1:
0x0: {  	(tag) =	ssettag $0x1  }
0x1: {  	s8 =	rddreg [dreg:$0x0]  }
0x2: {  	s1 =	rddreg [dreg:$0x1]  }
0x3: {  	s0 =	rddreg [dreg:$0x2]  }
0x4: {  	s2 =	simm.s32 $0x0;
	s5 =	srdreg.scid;
	s3 =	stileid.u32  }
0x5: {  	s17 =	simm.s32 $0x0;
	[smem:$0x7FF] =	sst s2;
	s10 =	sadd.s32 $0xDC00, s8  }
0x6: {  	s4 =	sadd.s32 $0x12C00, s8;
	s11 =	sand.u32 $0x1, s5;
	s12 =	smul.u32 $0x50000, s3  }
0x7: {  	s5 =	sadd.s32 $0x13400, s8;
	s6 =	sadd.s32 $0x15C00, s8;
	s7 =	smul.u32 $0x2800, s3  }
0x8: {  	s8 =	sadd.s32 $0x3DC00, s8;
	s30 =	sshll.u32 s3, $0x6;
	s14 =	smul.u32 $0x500, s3  }
0x9: {  	_ =	strace $0x80000047;
	s9 =	ssub.s32 $0x2, s11;
	p0 =	seq.s32 s11, $0x1  }
.Ltmp0:
0xa: {  	s13 =	sshrl.u32 s9, $0x1;
	s29 =	sshrl.u32 s12, $0x2;
	(pc) =	sbr.rel .LBB2_1-.Ltmp0, $4  }
0xb: {  	s15 =	sshrl.u32 s7, $0x3;
	s13 =	ssub.s32 s9, s13;
	s16 =	sadd.s32 s29, s1  }
0xc: {  	s9 =	sor.u32 $0x1C01, s30;
	s31 =	sadd.s32 s10, s15;
	s10 =	sadd.s32 s10, s14  }
0xd: {  	s14 =	simm.s32 $0x1;
	s15 =	simm.s32 $0x1400;
	s11 =	sadd.s32 $0x280, s31  }
0xe: {  	s12 =	smax.u32 s13, $0x1;
	s13 =	sshrl.u32 s16, $0x3;
	s16 =	simm.s32 $0x80  }
.LBB2_7:
0xf: {  	[sflag:s14] =	ssyncadd.s32 $0xFFFFC000;
	s18 =	smov.u32 s8  }
.LBB2_8:
0x10: {  	s17 =	sadd.s32 $0x1, s17  }
0x11: {  	p1 =	sne.s32 s17, s12  }
.Ltmp1:
0x12: {  	s18 =	sadd.s32 s18, s7;
	[bflag:$0x0] =	sbarrier.arrive $0xFFFF;
	(pc) =	sbr.rel @!p1 .LBB2_9-.Ltmp1, $4  }
0x13: {  	[hbm:s18], [sflag:s9] =	dma.local [spmem:s13], $0x2800  }
0x14: {  	_ =	swait.ge [sflag:s14], $0x2800  }
0x15: {  	[sflag:s14] =	ssyncset.done $0x0  }
0x16: {  	[sflag:s14] =	ssyncadd.s32 $0xFFFFD800  }
.LBB2_1:
0x17: {  	[spmem:s13], [sflag:s9] =	dma.local [hbm:s5], $0x2800  }
0x18: {  	_ =	swait.ge [sflag:s14], $0x2800  }
0x19: {  	[sflag:s14] =	ssyncset.done $0x0  }
0x1a: {  	[sflag:s14] =	ssyncadd.s32 $0xFFFFD800  }
0x1b: {  	[tilespmem:s15], [sflag:$0x1] =	stream.linear.gather [hbm4b:s4+s2], $0x4000, $0x38;
	[tilespmem:$0x19400] =	vst v63  }
.Ltmp2:
0x1c: {  	_ =	swait.ge [sflag:s14], $0x4000;
	(pc) =	sbr.rel @!p0 .LBB2_2-.Ltmp2, $4  }
0x1d: {  	[sflag:s14] =	ssyncset.done $0x0  }
0x1e: {  	[sflag:s14] =	ssyncadd.s32 $0xFFFFC000  }
0x1f: {  	[bflag:$0x0] =	sbarrier.arrive $0xFFFF  }
0x20: {  	s18 =	simm.s32 $0x0  }
0x21: {  	[tilespmem:s18], [sflag:$0x1] =	stream.linear.gather [hbm4b:s11+s18], $0x1400, $0x38;
	[tilespmem:$0x19400] =	vst v63  }
0x22: {  	_ =	swait.ge [sflag:s14], $0x1400  }
0x23: {  	[sflag:s14] =	ssyncset.done $0x0  }
0x24: {  	s31 =	simm.s32 $0x0;
	[sflag:s14] =	ssyncadd.s32 $0xFFFFEC00  }
0x25: {  	[spmem:s1] =	stream.indirect.scatter.add.f32 [tilespmem:s15], [sflag:$0x1], $0x80, s31, s16, $0xb8;
	[tilespmem:$0x19400] =	vst v63  }
0x26: {  	_ =	swait.ge [sflag:s14], $0x4000  }
0x27: {  	s18 =	simm.s32 $0x200;
	[sflag:s14] =	ssyncset.done $0x0  }
.LBB2_6:
0x28: {  	s19 =	sshra.s32 s18, $0x2;
	[sflag:s14] =	ssyncadd.s32 $0xFFFFC000;
	p1 =	sne.s32 s18, $0x4E00  }
0x29: {  	[spmem:s1] =	stream.indirect.scatter.add.f32 [tilespmem:s15], [sflag:$0x1], $0x80, s19, s16, $0xb8;
	[tilespmem:$0x19400] =	vst v63  }
.Ltmp3:
0x2a: {  	_ = 	snop;
	(pc) =	sbr.rel @p1 .LBB2_6-.Ltmp3, $4  }
0x2b: {  	_ = 	snop  }
0x2c: {  	s18 =	sadd.s32 $0x200, s18  }
0x2d: {  	_ =	swait.ge [sflag:s14], $0x4000  }
0x2e: {  	[sflag:s14] =	ssyncset.done $0x0  }
.Ltmp4:
0x2f: {  	_ = 	snop;
	(pc) =	sbr.rel .LBB2_7-.Ltmp4, $1  }
0x30: {  	_ =	sdelay $0x3  }
.LBB2_2:
0x31: {  	[tilespmem:s18], [sflag:$0x1] =	stream.linear.gather [hbm4b:s10+s18], $0x1400, $0x38;
	[tilespmem:$0x19400] =	vst v63  }
0x32: {  	_ =	swait.ge [sflag:s14], $0x1400  }
0x33: {  	[sflag:s14] =	ssyncset.done $0x0  }
0x34: {  	s31 =	simm.s32 $0x0;
	[sflag:s14] =	ssyncadd.s32 $0xFFFFEC00  }
0x35: {  	[spmem:s1] =	stream.indirect.scatter.add.f32 [tilespmem:s15], [sflag:$0x1], $0x80, s31, s16, $0xb8;
	[tilespmem:$0x19400] =	vst v63  }
0x36: {  	_ =	swait.ge [sflag:s14], $0x4000  }
0x37: {  	s18 =	simm.s32 $0x200;
	[sflag:s14] =	ssyncset.done $0x0  }
.LBB2_3:
0x38: {  	s19 =	sshra.s32 s18, $0x2;
	[sflag:s14] =	ssyncadd.s32 $0xFFFFC000;
	p1 =	seq.s32 s18, $0x4E00  }
0x39: {  	[spmem:s1] =	stream.indirect.scatter.add.f32 [tilespmem:s15], [sflag:$0x1], $0x80, s19, s16, $0xb8;
	[tilespmem:$0x19400] =	vst v63  }
.Ltmp5:
0x3a: {  	_ = 	snop;
	(pc) =	sbr.rel @!p1 .LBB2_3-.Ltmp5, $4  }
0x3b: {  	_ = 	snop  }
0x3c: {  	s18 =	sadd.s32 $0x200, s18  }
0x3d: {  	_ =	swait.ge [sflag:s14], $0x4000  }
0x3e: {  	[sflag:s14] =	ssyncset.done $0x0  }
.Ltmp6:
0x3f: {  	(pc) =	sbr.rel .LBB2_8-.Ltmp6, $2  }
0x40: {  	_ =	sdelay $0x2  }
0x41: {  	[sflag:s14] =	ssyncadd.s32 $0xFFFFC000;
	s18 =	smov.u32 s6  }
.LBB2_9:
0x42: {  	_ =	sfence.sel $0x180000  }
0x43: {  	[bflag:$0x0] =	sbarrier.arrive $0xFFFF  }
0x44: {  	p0 =	sne.s32 s3, $0x0;
	_ =	strace $0x90000047  }
0x45: {  	s0 =	sadd.s32 @!p0 $0x100000, s0;
	[bflag:$0x2] =	sbarrier.arrive $0xFFFF  }
0x46: {  	[sflag:s0] =	ssyncadd.tile.s32 @!p0 $0x1;
	_ =	shalt  }
.Lfunc_end2:
_tile_overlayer_lowered:
.L_overlay_start_2:
0x47: {  	(tag) =	ssettag $0x2  }
0x48: {  	s0 =	rddreg [dreg:$0x0];
	s2 =	stileid.u32  }
0x49: {  	s1 =	rddreg [dreg:$0x1];
	p0 =	sne.s32 s2, $0x0  }
0x4a: {  	s3 =	rddreg [dreg:$0x2];
	[bflag:$0x3] =	sbarrier.arrive $0xFFFF;
	s2 =	simm.s32 @!p0 $0x1C01  }
0x4b: {  	[timem:s3], [sflag:s2] =	dma.local @!p0 [hbm:s0], s1  }
0x4c: {  	s0 =	simm.s32 @!p0 $0x1  }
0x4d: {  	_ =	swait.ge @!p0 [sflag:s0], s1  }
0x4e: {  	s1 =	ssub.s32 @!p0 $0x0, s1;
	[sflag:s0] =	ssyncset.done @!p0 $0x0  }
0x4f: {  	[sflag:s0] =	ssyncadd.s32 @!p0 s1  }
0x50: {  	[bflag:$0x3] =	sbarrier.arrive $0xFFFF  }
0x51: {  	_ =	shalt  }

// kernel: kernel.19.cloned.1.call-start
scs
__scs_entry_jumppad:
0x0: {  	(pc) =	sbr.rel $0x88, $3  }
0x1: {  	(tag) =	ssettag $0x0;
	lr =	simm.s32 $0x1  }
0x2: {  	[smem:$0x3F77] =	sst lr;
	_ =	strace $0xD0000000  }
0x3: {  	_ = 	snop  }
0x4: {  	_ = 	snop  }
0x5: {  	_ = 	snop  }
0x6: {  	_ = 	snop  }
0x7: {  	_ = 	snop  }
__scs_overlays_trampoline_lowered:
0x8: {  	[smem:$0x3F86] =	sst s0  }
0x9: {  	[smem:$0x3F87] =	sst s1  }
0xa: {  	[smem:$0x3F88] =	sst s2  }
0xb: {  	[smem:$0x3F89] =	sst s3  }
0xc: {  	[smem:$0x3F8A] =	sst s4  }
0xd: {  	[smem:$0x3F8B] =	sst s5  }
0xe: {  	[smem:$0x3F8C] =	sst s6  }
0xf: {  	[smem:$0x3F8D] =	sst s7  }
0x10: {  	[smem:$0x3F8E] =	sst s8  }
0x11: {  	[smem:$0x3F8F] =	sst s9;
	s0 =	simm.s32 @!p0 $0x0  }
0x12: {  	s1 =	sld [smem:$0x3F75];
	s0 =	simm.s32 @p0 $0x1  }
0x13: {  	[smem:$0x3F90] =	sst s0;
	s0 =	simm.s32 @!p1 $0x0  }
0x14: {  	s2 =	sld [smem:$0x3F74];
	s0 =	simm.s32 @p1 $0x1  }
0x15: {  	[smem:$0x3F91] =	sst s0;
	s0 =	simm.s32 @!p2 $0x0  }
0x16: {  	s3 =	sld [smem:$0x3FDB];
	s0 =	simm.s32 @p2 $0x1  }
0x17: {  	s4 =	simm.s32 $0x1BF5;
	[smem:$0x3F93] =	sst s0  }
0x18: {  	s0 =	sld [smem:$0x3F76];
	_ =	swait.ge [sflag:s4], $0x0  }
0x19: {  	s7 =	sld [smem:$0x3F77]  }
0x1a: {  	s8 =	sadd.s32 $0xFFFFE003, lr  }
0x1b: {  	s9 =	sadd.s32 $0xFFFFFEF7, lr;
	s5 =	simm.s32 $0xFFFFFFFF;
	p2 =	slt.u32 s8, $0xFFFFF086  }
0x1c: {  	p1 =	slt.u32 s9, $0xF7A;
	s5 =	simm.s32 @!p2 $0x0  }
0x1d: {  	s5 =	simm.s32 @p1 $0x1;
	p0 =	seq.s32 s7, s2  }
0x1e: {  	s7 =	smul.u32 @!p0 $0xF7A, s2;
	p2 =	seq.s32 @!p0 s5, $0x0  }
0x1f: {  	s9 =	smul.u32 $0xF7A, s1;
	s8 =	simm.s32 @!p0 $0x1BF5;
	p2 =	por !p2, p0  }
0x20: {  	[sflag:s8] =	ssyncset.s32 @!p0 $0xFFFFF086;
	s6 =	sadd.s32 @!p0 s3, s7;
	s7 =	simm.s32 @!p0 $0x108  }
0x21: {  	s3 =	sadd.s32 s3, s9;
	s6 =	sadd.s32 @!p0 $0x88, s6;
	s7 =	simm.s32 @p2 $0x1082  }
0x22: {  	[simem:s7], [sflag:s8] =	dma.local @!p0 [hbm:s6], $0xF7A  }
0x23: {  	s9 =	sor.u32 $0xD0000000, s2;
	s6 =	simm.s32 $0x108;
	_ =	swait.ge @!p0 [sflag:s8], $0x0  }
0x24: {  	s3 =	sadd.s32 $0x88, s3;
	s6 =	simm.s32 @!p1 $0x1082;
	[sflag:s4] =	ssyncset.s32 $0xFFFFF086  }
0x25: {  	[simem:s6], [sflag:s4] =	dma.local [hbm:s3], $0xF7A  }
0x26: {  	[smem:$0x3F77] =	sst s1;
	(tag) =	ssettag s2;
	_ =	strace s9  }
0x27: {  	s1 =	sld [smem:$0x3F87]  }
0x28: {  	s2 =	sld [smem:$0x3F88]  }
0x29: {  	s4 =	sld [smem:$0x3F8A]  }
0x2a: {  	p0 =	seq.s32 s5, $0x0;
	s5 =	sld [smem:$0x3F8B]  }
0x2b: {  	s6 =	sld [smem:$0x3F8C]  }
0x2c: {  	s7 =	sld [smem:$0x3F8D]  }
0x2d: {  	s3 =	simm.s32 $0x108;
	s8 =	sld [smem:$0x3F8E]  }
0x2e: {  	s3 =	simm.s32 @!p0 $0x1082;
	s9 =	sld [smem:$0x3F8F]  }
0x2f: {  	lr =	sadd.s32 s0, s3;
	s0 =	sld [smem:$0x3F86]  }
0x30: {  	s3 =	sld [smem:$0x3F89]  }
0x31: {  	[smem:$0x3F92] =	sst s10  }
0x32: {  	s10 =	sld [smem:$0x3F90];
	_ =	sdelay $0x3  }
0x33: {  	p0 =	seq.s32 s10, $0x1;
	s10 =	sld [smem:$0x3F92];
	_ =	sdelay $0x3  }
0x34: {  	[smem:$0x3F92] =	sst s10  }
0x35: {  	s10 =	sld [smem:$0x3F91];
	_ =	sdelay $0x3  }
0x36: {  	p1 =	seq.s32 s10, $0x1;
	s10 =	sld [smem:$0x3F92];
	_ =	sdelay $0x3  }
0x37: {  	[smem:$0x3F92] =	sst s10  }
0x38: {  	s10 =	sld [smem:$0x3F93]  }
0x39: {  	_ = 	snop;
	(pc) =	sbr.ind lr, $3  }
0x3a: {  	_ = 	snop  }
0x3b: {  	_ = 	snop  }
0x3c: {  	p2 =	seq.s32 s10, $0x1;
	s10 =	sld [smem:$0x3F92]  }
0x3d: {  	_ =	shalt  }
0x3e: {  	_ =	shalt  }
0x3f: {  	_ =	shalt  }
0x40: {  	_ =	shalt  }
0x41: {  	_ =	shalt  }
0x42: {  	_ =	shalt  }
0x43: {  	_ =	shalt  }
0x44: {  	_ =	shalt  }
0x45: {  	_ =	shalt  }
0x46: {  	_ =	shalt  }
0x47: {  	_ =	shalt  }
0x48: {  	_ =	shalt  }
0x49: {  	_ =	shalt  }
0x4a: {  	_ =	shalt  }
0x4b: {  	_ =	shalt  }
0x4c: {  	_ =	shalt  }
0x4d: {  	_ =	shalt  }
0x4e: {  	_ =	shalt  }
0x4f: {  	_ =	shalt  }
0x50: {  	_ =	shalt  }
0x51: {  	_ =	shalt  }
0x52: {  	_ =	shalt  }
0x53: {  	_ =	shalt  }
0x54: {  	_ =	shalt  }
0x55: {  	_ =	shalt  }
0x56: {  	_ =	shalt  }
0x57: {  	_ =	shalt  }
0x58: {  	_ =	shalt  }
0x59: {  	_ =	shalt  }
0x5a: {  	_ =	shalt  }
0x5b: {  	_ =	shalt  }
0x5c: {  	_ =	shalt  }
0x5d: {  	_ =	shalt  }
0x5e: {  	_ =	shalt  }
0x5f: {  	_ =	shalt  }
0x60: {  	_ =	shalt  }
0x61: {  	_ =	shalt  }
0x62: {  	_ =	shalt  }
0x63: {  	_ =	shalt  }
0x64: {  	_ =	shalt  }
0x65: {  	_ =	shalt  }
0x66: {  	_ =	shalt  }
0x67: {  	_ =	shalt  }
0x68: {  	_ =	shalt  }
0x69: {  	_ =	shalt  }
0x6a: {  	_ =	shalt  }
0x6b: {  	_ =	shalt  }
0x6c: {  	_ =	shalt  }
0x6d: {  	_ =	shalt  }
0x6e: {  	_ =	shalt  }
0x6f: {  	_ =	shalt  }
0x70: {  	_ =	shalt  }
0x71: {  	_ =	shalt  }
0x72: {  	_ =	shalt  }
0x73: {  	_ =	shalt  }
0x74: {  	_ =	shalt  }
0x75: {  	_ =	shalt  }
0x76: {  	_ =	shalt  }
0x77: {  	_ =	shalt  }
0x78: {  	_ =	shalt  }
0x79: {  	_ =	shalt  }
0x7a: {  	_ =	shalt  }
0x7b: {  	_ =	shalt  }
0x7c: {  	_ =	shalt  }
0x7d: {  	_ =	shalt  }
0x7e: {  	_ =	shalt  }
0x7f: {  	_ =	shalt  }
0x80: {  	_ =	shalt  }
0x81: {  	_ =	shalt  }
0x82: {  	_ =	shalt  }
0x83: {  	_ =	shalt  }
0x84: {  	_ =	shalt  }
0x85: {  	_ =	shalt  }
0x86: {  	_ =	shalt  }
0x87: {  	_ =	shalt  }
.Lfunc_end0:
.L_simem_size_0:
called_computation.1_lowered:
.L_overlay_start_0:
0x88: {  	s2 =	sld [smem:$0x3FD9]  }
0x89: {  	s3 =	sld [smem:$0x3FFE];
	_ =	sdelay $0x1  }
0x8a: {  	s1 =	srdreg.scid  }
0x8b: {  	s0 =	sand.u32 $0x1, s1  }
0x8c: {  	s17 =	sshll.u32 s0, $0xA;
	s2 =	sadd.s32 s3, s2  }
0x8d: {  	s2 =	sadd.s32 s2, s17  }
0x8e: {  	[smem:$0x3F9E] =	sst s2  }
0x8f: {  	_ = 	snop  }
0x90: {  	s2 =	sld [smem:$0x3FD0];
	(tm) =	ssettm $0x1  }
0x91: {  	s18 =	sld [smem:$0x3FFB];
	_ =	sdelay $0x3  }
0x92: {  	_ =	strace s18  }
0x93: {  	s3 =	sld [smem:$0x3FFC];
	_ =	sdelay $0x3  }
0x94: {  	_ =	strace s3  }
0x95: {  	s3 =	sld [smem:$0x3FFD];
	_ =	sdelay $0x3  }
0x96: {  	_ =	strace s3  }
0x97: {  	_ =	strace $0x8FFFFFFF  }
0x98: {  	s19 =	sld [smem:$0x3FDB];
	_ =	sdelay $0x1  }
0x99: {  	s4 =	simm.s32 $_scs_section_size  }
0x9a: {  	s5 =	simm.s32 $_size__tile_overlayer_lowered;
	s6 =	simm.s32 $_tile_overlayer_lowered  }
0x9b: {  	s22 =	simm.s32 $0x1BFF;
	s21 =	sshll.u32 s6, $0x1;
	s3 =	sadd.s32 s4, s19  }
0x9c: {  	s7 =	simm.s32 $0x0;
	s20 =	sshll.u32 s5, $0x1;
	s5 =	sadd.s32 s21, s3  }
0x9d: {  	[timem:s7], [sflag:s22] =	dma.local [hbm:s5], s20  }
0x9e: {  	_ =	swait.ge [sflag:s22], s20  }
0x9f: {  	s4 =	ssub.s32 $0x0, s20;
	[sflag:s22] =	ssyncset.done $0x0  }
0xa0: {  	[sflag:s22] =	ssyncadd.s32 s4;
	_ =	sdelay $0x1  }
0xa1: {  	s23 =	simm.s32 $0x1B8B  }
0xa2: {  	_ =	swait.ge [sflag:s23], $0x1  }
0xa3: {  	[sflag:s23] =	ssyncset.done $0x0  }
0xa4: {  	s25 =	simm.s32 $0x1B8E;
	s24 =	sld [smem:$0x3FFE];
	[sflag:s23] =	ssyncadd.s32 $0xFFFFFFFF  }
0xa5: {  	s26 =	simm.s32 $execute0_lowered;
	[smem:$0x3FD2] =	sst s25  }
0xa6: {  	s5 =	sshll.u32 s26, $0x1;
	_ =	strace $0x80000049;
	[dreg:$0x1] =	wrdreg $0xFFFFFFFF  }
0xa7: {  	s28 =	simm.s32 $_size_execute0_lowered;
	s3 =	sadd.s32 s3, s5;
	[dreg:$0x0] =	wrdreg $0x0  }
0xa8: {  	s5 =	sshll.u32 s28, $0x1;
	[dreg:$0x2] =	wrdreg s3  }
0xa9: {  	[dreg:$0x3] =	wrdreg s5  }
0xaa: {  	[dreg:$0x4] =	wrdreg $0xC0  }
0xab: {  	_ =	task [dreg:s7], $0x5FFFF  }
0xac: {  	[dreg:$0x1] =	wrdreg $0xFFFFFFFF  }
0xad: {  	[dreg:$0x0] =	wrdreg $0x60  }
0xae: {  	[dreg:$0x2] =	wrdreg s24  }
0xaf: {  	[dreg:$0x3] =	wrdreg s2  }
0xb0: {  	[dreg:$0x4] =	wrdreg $0x68000  }
0xb1: {  	[dreg:$0x5] =	wrdreg $0x9  }
0xb2: {  	_ =	task.clear_ibuf [dreg:s7], $0x6FFFF;
	_ =	strace $0x90000049  }
0xb3: {  	s29 =	simm.s32 $0x9;
	_ =	strace $0x8000004B  }
0xb4: {  	_ =	swait.ge [sflag:s29], $0x1  }
0xb5: {  	[sflag:s29] =	ssyncadd.s32 $0xFFFFFFFF  }
0xb6: {  	_ =	strace $0x9000004B  }
0xb7: {  	_ =	sfence  }
0xb8: {  	s30 =	sld [smem:$0x0];
	_ =	sdelay $0x2  }
0xb9: {  	s31 =	sshll.u32 s1, $0xD;
	s1 =	sshrl.u32 s1, $0x2  }
0xba: {  	s3 =	sand.u32 $0x4000, s31;
	s1 =	sadd.s32 s1, s30  }
0xbb: {  	s0 =	sor.u32 s3, s0;
	s1 =	sshll.u32 s1, $0x11  }
0xbc: {  	s0 =	sor.u32 s1, s0  }
0xbd: {  	s0 =	sadd.s32 $0x8F2B, s0  }
0xbe: {  	[sflag:s0] =	ssyncadd.remote.s32 $0x1  }
0xbf: {  	_ =	sfence.sel $0xFFFF  }
0xc0: {  	[dreg:$0x0] =	wrdreg $0xFFFFFFFF;
	(pc) =	sbr.abs _section_cstart, $3  }
0xc1: {  	[dreg:$0x1] =	wrdreg $0xFFFFFFFF  }
0xc2: {  	_ =	task.clear_ibuf [dreg:s7], $0x2FFFF;
	_ =	strace $0x9FFFFFFF  }
0xc3: {  	(tm) =	ssettm $0x7FFFFFFF  }
tec
execute0_lowered:
.L_overlay_start_1:
0x0: {  	(tag) =	ssettag $0x1  }
0x1: {  	s9 =	rddreg [dreg:$0x0]  }
0x2: {  	s13 =	rddreg [dreg:$0x1]  }
0x3: {  	s1 =	rddreg [dreg:$0x2]  }
0x4: {  	s0 =	rddreg [dreg:$0x3];
	s2 =	simm.s32 $0x0;
	s6 =	srdreg.scid  }
0x5: {  	s3 =	stileid.u32;
	s18 =	simm.s32 $0x1400;
	s19 =	simm.s32 $0x80  }
0x6: {  	s20 =	simm.s32 $0x2800;
	s21 =	simm.s32 $0x1;
	s22 =	simm.s32 $0x0  }
0x7: {  	[smem:$0x7FF] =	sst s2;
	s4 =	sadd.s32 $0x65C00, s9;
	s5 =	sadd.s32 $0x8DC00, s9  }
0x8: {  	s14 =	sadd.s32 $0xDC00, s9;
	s11 =	sand.u32 $0x1, s6;
	s8 =	smul.u32 $0x50000, s3  }
0x9: {  	s6 =	sadd.s32 $0x13400, s9;
	s7 =	sadd.s32 $0xB5C00, s9;
	s9 =	sadd.s32 $0xDDC00, s9  }
0xa: {  	s29 =	sshll.u32 s3, $0x6;
	s30 =	smul.u32 $0x500, s3;
	_ =	strace $0x8000004A  }
0xb: {  	s10 =	ssub.s32 $0x2, s11;
	s15 =	sshrl.u32 s8, $0x2;
	s8 =	smul.u32 $0x2800, s3  }
.Ltmp0:
0xc: {  	p0 =	seq.s32 s11, $0x1;
	s12 =	sshrl.u32 s10, $0x1;
	(pc) =	sbr.rel .LBB2_1-.Ltmp0, $4  }
0xd: {  	s11 =	sadd.s32 s13, s30;
	s16 =	ssub.s32 s10, s12;
	s31 =	sshrl.u32 s8, $0x3  }
0xe: {  	s17 =	sadd.s32 s15, s1;
	s10 =	sor.u32 $0x1C02, s29;
	s15 =	sadd.s32 $0x280, s31  }
0xf: {  	s12 =	sadd.s32 s14, s30;
	s13 =	sadd.s32 s13, s15;
	s14 =	sadd.s32 s14, s15  }
0x10: {  	s15 =	smax.u32 s16, $0x1;
	s16 =	sshrl.u32 s17, $0x3;
	s17 =	simm.s32 $0x2  }
.LBB2_11:
0x11: {  	s23 =	sshra.s32 s23, $0x2;
	[sflag:s17] =	ssyncadd.s32 $0xFFFFC000  }
0x12: {  	[tilespmem:s20], [sflag:$0x1] =	stream.indirect.gather [hbm4b:s5+s19], $0x80, s23, s19, $0xb8;
	[tilespmem:$0x1A800] =	vst v63  }
0x13: {  	_ =	swait.ge [sflag:s21], $0x4000  }
0x14: {  	[sflag:s21] =	ssyncset.done $0x0  }
0x15: {  	s23 =	sadd.s32 $0x1400, s23;
	[sflag:s21] =	ssyncadd.s32 $0xFFFFC000  }
0x16: {  	[spmem:s1] =	stream.indirect.scatter.add.f32 [tilespmem:s20], [sflag:$0x2], $0x80, s23, s19, $0xb8;
	[tilespmem:$0x1A800] =	vst v63  }
0x17: {  	_ =	swait.ge [sflag:s17], $0x4000  }
0x18: {  	[sflag:s17] =	ssyncset.done $0x0  }
0x19: {  	s23 =	smov.u32 s9;
	[sflag:s17] =	ssyncadd.s32 $0xFFFFC000  }
.LBB2_12:
0x1a: {  	s22 =	sadd.s32 $0x1, s22  }
0x1b: {  	p1 =	sne.s32 s22, s15  }
.Ltmp1:
0x1c: {  	s23 =	sadd.s32 s23, s8;
	[bflag:$0x0] =	sbarrier.arrive $0xFFFF;
	(pc) =	sbr.rel @!p1 .LBB2_13-.Ltmp1, $4  }
0x1d: {  	[hbm:s23], [sflag:s10] =	dma.local [spmem:s16], $0x2800  }
0x1e: {  	_ =	swait.ge [sflag:s17], $0x2800  }
0x1f: {  	[sflag:s17] =	ssyncset.done $0x0  }
0x20: {  	[sflag:s17] =	ssyncadd.s32 $0xFFFFD800  }
.LBB2_1:
0x21: {  	[spmem:s16], [sflag:s10] =	dma.local [hbm:s6], $0x2800  }
0x22: {  	_ =	swait.ge [sflag:s17], $0x2800  }
0x23: {  	[sflag:s17] =	ssyncset.done $0x0  }
0x24: {  	[sflag:s17] =	ssyncadd.s32 $0xFFFFD800  }
0x25: {  	[bflag:$0x0] =	sbarrier.arrive $0xFFFF  }
0x26: {  	[tilespmem:s2], [sflag:$0x2] =	stream.linear.gather [hbm4b:s11+s2], $0x1400, $0x38;
	[tilespmem:$0x1A800] =	vst v63  }
0x27: {  	_ =	swait.ge [sflag:s17], $0x1400  }
0x28: {  	[sflag:s17] =	ssyncset.done $0x0  }
.Ltmp2:
0x29: {  	[sflag:s17] =	ssyncadd.s32 $0xFFFFEC00;
	(pc) =	sbr.rel @!p0 .LBB2_2-.Ltmp2, $4  }
0x2a: {  	[tilespmem:s18], [sflag:$0x2] =	stream.linear.gather [hbm4b:s12+s2], $0x1400, $0x38;
	[tilespmem:$0x1A800] =	vst v63  }
0x2b: {  	_ =	swait.ge [sflag:s17], $0x1400  }
0x2c: {  	[sflag:s17] =	ssyncset.done $0x0  }
0x2d: {  	s23 =	simm.s32 $0x0;
	[sflag:s17] =	ssyncadd.s32 $0xFFFFEC00  }
0x2e: {  	[tilespmem:s20], [sflag:$0x1] =	stream.indirect.gather [hbm4b:s5+s19], $0x80, s23, s19, $0xb8;
	[tilespmem:$0x1A800] =	vst v63  }
0x2f: {  	_ =	swait.ge [sflag:s21], $0x4000  }
0x30: {  	[sflag:s21] =	ssyncset.done $0x0  }
0x31: {  	s31 =	simm.s32 $0x1400;
	[sflag:s21] =	ssyncadd.s32 $0xFFFFC000  }
0x32: {  	[spmem:s1] =	stream.indirect.scatter.add.f32 [tilespmem:s20], [sflag:$0x2], $0x80, s31, s19, $0xb8;
	[tilespmem:$0x1A800] =	vst v63  }
0x33: {  	_ =	swait.ge [sflag:s17], $0x4000  }
0x34: {  	s23 =	simm.s32 $0x200;
	s24 =	simm.s32 $0x400;
	[sflag:s17] =	ssyncset.done $0x0  }
.LBB2_8:
0x35: {  	s25 =	sshra.s32 s23, $0x2  }
0x36: {  	[sflag:s17] =	ssyncadd.s32 $0xFFFFC000;
	s23 =	smov.u32 s24;
	s26 =	sadd.s32 $0x200, s24  }
0x37: {  	[tilespmem:s20], [sflag:$0x1] =	stream.indirect.gather [hbm4b:s5+s19], $0x80, s25, s19, $0xb8;
	[tilespmem:$0x1A800] =	vst v63  }
0x38: {  	p1 =	sne.s32 s24, $0x4E00;
	_ =	swait.ge [sflag:s21], $0x4000  }
.Ltmp3:
0x39: {  	[sflag:s21] =	ssyncset.done $0x0;
	(pc) =	sbr.rel @p1 .LBB2_8-.Ltmp3, $4  }
0x3a: {  	s24 =	sadd.s32 $0x1400, s25;
	[sflag:s21] =	ssyncadd.s32 $0xFFFFC000  }
0x3b: {  	[spmem:s1] =	stream.indirect.scatter.add.f32 [tilespmem:s20], [sflag:$0x2], $0x80, s24, s19, $0xb8;
	[tilespmem:$0x1A800] =	vst v63  }
0x3c: {  	_ =	swait.ge [sflag:s17], $0x4000  }
0x3d: {  	s24 =	smov.u32 s26;
	[sflag:s17] =	ssyncset.done $0x0  }
0x3e: {  	s23 =	sshra.s32 s23, $0x2;
	[sflag:s17] =	ssyncadd.s32 $0xFFFFC000  }
0x3f: {  	[tilespmem:s20], [sflag:$0x1] =	stream.indirect.gather [hbm4b:s5+s19], $0x80, s23, s19, $0xb8;
	[tilespmem:$0x1A800] =	vst v63  }
0x40: {  	_ =	swait.ge [sflag:s21], $0x4000  }
0x41: {  	[sflag:s21] =	ssyncset.done $0x0  }
0x42: {  	s23 =	sadd.s32 $0x1400, s23;
	[sflag:s21] =	ssyncadd.s32 $0xFFFFC000  }
0x43: {  	[spmem:s1] =	stream.indirect.scatter.add.f32 [tilespmem:s20], [sflag:$0x2], $0x80, s23, s19, $0xb8;
	[tilespmem:$0x1A800] =	vst v63  }
0x44: {  	_ =	swait.ge [sflag:s17], $0x4000  }
0x45: {  	[sflag:s17] =	ssyncset.done $0x0  }
0x46: {  	s29 =	simm.s32 $0x0;
	[sflag:s17] =	ssyncadd.s32 $0xFFFFC000  }
0x47: {  	[tilespmem:s29], [sflag:$0x2] =	stream.linear.gather [hbm4b:s13+s29], $0x1400, $0x38;
	[tilespmem:$0x1A800] =	vst v63  }
0x48: {  	_ =	swait.ge [sflag:s17], $0x1400  }
0x49: {  	[sflag:s17] =	ssyncset.done $0x0  }
0x4a: {  	[sflag:s17] =	ssyncadd.s32 $0xFFFFEC00  }
0x4b: {  	[tilespmem:s18], [sflag:$0x2] =	stream.linear.gather [hbm4b:s14+s29], $0x1400, $0x38;
	[tilespmem:$0x1A800] =	vst v63  }
0x4c: {  	_ =	swait.ge [sflag:s17], $0x1400  }
0x4d: {  	[sflag:s17] =	ssyncset.done $0x0  }
0x4e: {  	s30 =	simm.s32 $0x0;
	[sflag:s17] =	ssyncadd.s32 $0xFFFFEC00  }
0x4f: {  	[tilespmem:s20], [sflag:$0x1] =	stream.indirect.gather [hbm4b:s5+s19], $0x80, s30, s19, $0xb8;
	[tilespmem:$0x1A800] =	vst v63  }
0x50: {  	_ =	swait.ge [sflag:s21], $0x4000  }
0x51: {  	[sflag:s21] =	ssyncset.done $0x0  }
0x52: {  	s31 =	simm.s32 $0x1400;
	[sflag:s21] =	ssyncadd.s32 $0xFFFFC000  }
0x53: {  	[spmem:s1] =	stream.indirect.scatter.add.f32 [tilespmem:s20], [sflag:$0x2], $0x80, s31, s19, $0xb8;
	[tilespmem:$0x1A800] =	vst v63  }
0x54: {  	_ =	swait.ge [sflag:s17], $0x4000  }
0x55: {  	s24 =	simm.s32 $0x400;
	s23 =	simm.s32 $0x200;
	[sflag:s17] =	ssyncset.done $0x0  }
.LBB2_10:
0x56: {  	s25 =	sshra.s32 s23, $0x2  }
0x57: {  	[sflag:s17] =	ssyncadd.s32 $0xFFFFC000;
	s23 =	smov.u32 s24;
	s26 =	sadd.s32 $0x200, s24  }
0x58: {  	[tilespmem:s20], [sflag:$0x1] =	stream.indirect.gather [hbm4b:s5+s19], $0x80, s25, s19, $0xb8;
	[tilespmem:$0x1A800] =	vst v63  }
0x59: {  	p1 =	sne.s32 s24, $0x4E00;
	_ =	swait.ge [sflag:s21], $0x4000  }
.Ltmp4:
0x5a: {  	[sflag:s21] =	ssyncset.done $0x0;
	(pc) =	sbr.rel @p1 .LBB2_10-.Ltmp4, $4  }
0x5b: {  	s24 =	sadd.s32 $0x1400, s25;
	[sflag:s21] =	ssyncadd.s32 $0xFFFFC000  }
0x5c: {  	[spmem:s1] =	stream.indirect.scatter.add.f32 [tilespmem:s20], [sflag:$0x2], $0x80, s24, s19, $0xb8;
	[tilespmem:$0x1A800] =	vst v63  }
0x5d: {  	_ =	swait.ge [sflag:s17], $0x4000  }
0x5e: {  	s24 =	smov.u32 s26;
	[sflag:s17] =	ssyncset.done $0x0  }
.Ltmp5:
0x5f: {  	_ = 	snop;
	(pc) =	sbr.rel .LBB2_11-.Ltmp5, $1  }
0x60: {  	_ =	sdelay $0x3  }
.LBB2_2:
0x61: {  	[tilespmem:s20], [sflag:$0x1] =	stream.indirect.gather [hbm4b:s4+s19], $0x80, s23, s19, $0xb8;
	[tilespmem:$0x1A800] =	vst v63  }
0x62: {  	_ =	swait.ge [sflag:s21], $0x4000  }
0x63: {  	[sflag:s21] =	ssyncset.done $0x0  }
0x64: {  	s31 =	simm.s32 $0x1400;
	[sflag:s21] =	ssyncadd.s32 $0xFFFFC000  }
0x65: {  	[spmem:s1] =	stream.indirect.scatter.add.f32 [tilespmem:s20], [sflag:$0x2], $0x80, s31, s19, $0xb8;
	[tilespmem:$0x1A800] =	vst v63  }
0x66: {  	_ =	swait.ge [sflag:s17], $0x4000  }
0x67: {  	s23 =	simm.s32 $0x200;
	s24 =	simm.s32 $0x400;
	[sflag:s17] =	ssyncset.done $0x0  }
.LBB2_3:
0x68: {  	s25 =	sshra.s32 s23, $0x2  }
0x69: {  	[sflag:s17] =	ssyncadd.s32 $0xFFFFC000;
	s23 =	smov.u32 s24;
	s26 =	sadd.s32 $0x200, s24  }
0x6a: {  	[tilespmem:s20], [sflag:$0x1] =	stream.indirect.gather [hbm4b:s4+s19], $0x80, s25, s19, $0xb8;
	[tilespmem:$0x1A800] =	vst v63  }
0x6b: {  	p1 =	sne.s32 s24, $0x4E00;
	_ =	swait.ge [sflag:s21], $0x4000  }
.Ltmp6:
0x6c: {  	[sflag:s21] =	ssyncset.done $0x0;
	(pc) =	sbr.rel @p1 .LBB2_3-.Ltmp6, $4  }
0x6d: {  	s24 =	sadd.s32 $0x1400, s25;
	[sflag:s21] =	ssyncadd.s32 $0xFFFFC000  }
0x6e: {  	[spmem:s1] =	stream.indirect.scatter.add.f32 [tilespmem:s20], [sflag:$0x2], $0x80, s24, s19, $0xb8;
	[tilespmem:$0x1A800] =	vst v63  }
0x6f: {  	_ =	swait.ge [sflag:s17], $0x4000  }
0x70: {  	s24 =	smov.u32 s26;
	[sflag:s17] =	ssyncset.done $0x0  }
0x71: {  	s23 =	sshra.s32 s23, $0x2;
	[sflag:s17] =	ssyncadd.s32 $0xFFFFC000  }
0x72: {  	[tilespmem:s20], [sflag:$0x1] =	stream.indirect.gather [hbm4b:s4+s19], $0x80, s23, s19, $0xb8;
	[tilespmem:$0x1A800] =	vst v63  }
0x73: {  	_ =	swait.ge [sflag:s21], $0x4000  }
0x74: {  	[sflag:s21] =	ssyncset.done $0x0  }
0x75: {  	s23 =	sadd.s32 $0x1400, s23;
	[sflag:s21] =	ssyncadd.s32 $0xFFFFC000  }
0x76: {  	[spmem:s1] =	stream.indirect.scatter.add.f32 [tilespmem:s20], [sflag:$0x2], $0x80, s23, s19, $0xb8;
	[tilespmem:$0x1A800] =	vst v63  }
0x77: {  	_ =	swait.ge [sflag:s17], $0x4000  }
0x78: {  	[sflag:s17] =	ssyncset.done $0x0  }
0x79: {  	s29 =	simm.s32 $0x0;
	[sflag:s17] =	ssyncadd.s32 $0xFFFFC000  }
0x7a: {  	[tilespmem:s29], [sflag:$0x2] =	stream.linear.gather [hbm4b:s13+s29], $0x1400, $0x38;
	[tilespmem:$0x1A800] =	vst v63  }
0x7b: {  	_ =	swait.ge [sflag:s17], $0x1400  }
0x7c: {  	[sflag:s17] =	ssyncset.done $0x0  }
0x7d: {  	[sflag:s17] =	ssyncadd.s32 $0xFFFFEC00  }
0x7e: {  	[tilespmem:s18], [sflag:$0x2] =	stream.linear.gather [hbm4b:s14+s29], $0x1400, $0x38;
	[tilespmem:$0x1A800] =	vst v63  }
0x7f: {  	_ =	swait.ge [sflag:s17], $0x1400  }
0x80: {  	[sflag:s17] =	ssyncset.done $0x0  }
0x81: {  	s30 =	simm.s32 $0x0;
	[sflag:s17] =	ssyncadd.s32 $0xFFFFEC00  }
0x82: {  	[tilespmem:s20], [sflag:$0x1] =	stream.indirect.gather [hbm4b:s4+s19], $0x80, s30, s19, $0xb8;
	[tilespmem:$0x1A800] =	vst v63  }
0x83: {  	_ =	swait.ge [sflag:s21], $0x4000  }
0x84: {  	[sflag:s21] =	ssyncset.done $0x0  }
0x85: {  	s31 =	simm.s32 $0x1400;
	[sflag:s21] =	ssyncadd.s32 $0xFFFFC000  }
0x86: {  	[spmem:s1] =	stream.indirect.scatter.add.f32 [tilespmem:s20], [sflag:$0x2], $0x80, s31, s19, $0xb8;
	[tilespmem:$0x1A800] =	vst v63  }
0x87: {  	_ =	swait.ge [sflag:s17], $0x4000  }
0x88: {  	s24 =	simm.s32 $0x400;
	s23 =	simm.s32 $0x200;
	[sflag:s17] =	ssyncset.done $0x0  }
.LBB2_5:
0x89: {  	s25 =	sshra.s32 s23, $0x2  }
0x8a: {  	[sflag:s17] =	ssyncadd.s32 $0xFFFFC000;
	s23 =	smov.u32 s24;
	s26 =	sadd.s32 $0x200, s24  }
0x8b: {  	[tilespmem:s20], [sflag:$0x1] =	stream.indirect.gather [hbm4b:s4+s19], $0x80, s25, s19, $0xb8;
	[tilespmem:$0x1A800] =	vst v63  }
0x8c: {  	p1 =	seq.s32 s24, $0x4E00;
	_ =	swait.ge [sflag:s21], $0x4000  }
.Ltmp7:
0x8d: {  	[sflag:s21] =	ssyncset.done $0x0;
	(pc) =	sbr.rel @!p1 .LBB2_5-.Ltmp7, $4  }
0x8e: {  	s24 =	sadd.s32 $0x1400, s25;
	[sflag:s21] =	ssyncadd.s32 $0xFFFFC000  }
0x8f: {  	[spmem:s1] =	stream.indirect.scatter.add.f32 [tilespmem:s20], [sflag:$0x2], $0x80, s24, s19, $0xb8;
	[tilespmem:$0x1A800] =	vst v63  }
0x90: {  	_ =	swait.ge [sflag:s17], $0x4000  }
0x91: {  	s24 =	smov.u32 s26;
	[sflag:s17] =	ssyncset.done $0x0  }
0x92: {  	s23 =	sshra.s32 s23, $0x2;
	[sflag:s17] =	ssyncadd.s32 $0xFFFFC000  }
0x93: {  	[tilespmem:s20], [sflag:$0x1] =	stream.indirect.gather [hbm4b:s4+s19], $0x80, s23, s19, $0xb8;
	[tilespmem:$0x1A800] =	vst v63  }
0x94: {  	_ =	swait.ge [sflag:s21], $0x4000  }
0x95: {  	[sflag:s21] =	ssyncset.done $0x0  }
.Ltmp8:
0x96: {  	s23 =	sadd.s32 $0x1400, s23;
	[sflag:s21] =	ssyncadd.s32 $0xFFFFC000;
	(pc) =	sbr.rel .LBB2_12-.Ltmp8, $4  }
0x97: {  	[spmem:s1] =	stream.indirect.scatter.add.f32 [tilespmem:s20], [sflag:$0x2], $0x80, s23, s19, $0xb8;
	[tilespmem:$0x1A800] =	vst v63  }
0x98: {  	_ =	swait.ge [sflag:s17], $0x4000  }
0x99: {  	[sflag:s17] =	ssyncset.done $0x0  }
0x9a: {  	s23 =	smov.u32 s7;
	[sflag:s17] =	ssyncadd.s32 $0xFFFFC000  }
.LBB2_13:
0x9b: {  	_ =	sfence.sel $0x180000  }
0x9c: {  	[bflag:$0x0] =	sbarrier.arrive $0xFFFF  }
0x9d: {  	p0 =	sne.s32 s3, $0x0;
	_ =	strace $0x9000004A  }
0x9e: {  	s0 =	sadd.s32 @!p0 $0x100000, s0;
	[bflag:$0x2] =	sbarrier.arrive $0xFFFF  }
0x9f: {  	[sflag:s0] =	ssyncadd.tile.s32 @!p0 $0x1;
	_ =	shalt  }
.Lfunc_end2:
_tile_overlayer_lowered:
.L_overlay_start_2:
0xa0: {  	(tag) =	ssettag $0x2  }
0xa1: {  	s0 =	rddreg [dreg:$0x0];
	s2 =	stileid.u32  }
0xa2: {  	s1 =	rddreg [dreg:$0x1];
	p0 =	sne.s32 s2, $0x0  }
0xa3: {  	s3 =	rddreg [dreg:$0x2];
	[bflag:$0x3] =	sbarrier.arrive $0xFFFF;
	s2 =	simm.s32 @!p0 $0x1C02  }
0xa4: {  	[timem:s3], [sflag:s2] =	dma.local @!p0 [hbm:s0], s1  }
0xa5: {  	s0 =	simm.s32 @!p0 $0x2  }
0xa6: {  	_ =	swait.ge @!p0 [sflag:s0], s1  }
0xa7: {  	s1 =	ssub.s32 @!p0 $0x0, s1;
	[sflag:s0] =	ssyncset.done @!p0 $0x0  }
0xa8: {  	[sflag:s0] =	ssyncadd.s32 @!p0 s1  }
0xa9: {  	[bflag:$0x3] =	sbarrier.arrive $0xFFFF  }
0xaa: {  	_ =	shalt  }

// kernel: kernel.22.cloned.1.call-start
scs
__scs_entry_jumppad:
0x0: {  	(pc) =	sbr.rel $0x88, $3  }
0x1: {  	(tag) =	ssettag $0x0;
	lr =	simm.s32 $0x1  }
0x2: {  	[smem:$0x3F77] =	sst lr;
	_ =	strace $0xD0000000  }
0x3: {  	_ = 	snop  }
0x4: {  	_ = 	snop  }
0x5: {  	_ = 	snop  }
0x6: {  	_ = 	snop  }
0x7: {  	_ = 	snop  }
__scs_overlays_trampoline_lowered:
0x8: {  	[smem:$0x3F86] =	sst s0  }
0x9: {  	[smem:$0x3F87] =	sst s1  }
0xa: {  	[smem:$0x3F88] =	sst s2  }
0xb: {  	[smem:$0x3F89] =	sst s3  }
0xc: {  	[smem:$0x3F8A] =	sst s4  }
0xd: {  	[smem:$0x3F8B] =	sst s5  }
0xe: {  	[smem:$0x3F8C] =	sst s6  }
0xf: {  	[smem:$0x3F8D] =	sst s7  }
0x10: {  	[smem:$0x3F8E] =	sst s8  }
0x11: {  	[smem:$0x3F8F] =	sst s9;
	s0 =	simm.s32 @!p0 $0x0  }
0x12: {  	s1 =	sld [smem:$0x3F75];
	s0 =	simm.s32 @p0 $0x1  }
0x13: {  	[smem:$0x3F90] =	sst s0;
	s0 =	simm.s32 @!p1 $0x0  }
0x14: {  	s2 =	sld [smem:$0x3F74];
	s0 =	simm.s32 @p1 $0x1  }
0x15: {  	[smem:$0x3F91] =	sst s0;
	s0 =	simm.s32 @!p2 $0x0  }
0x16: {  	s3 =	sld [smem:$0x3FDB];
	s0 =	simm.s32 @p2 $0x1  }
0x17: {  	s4 =	simm.s32 $0x1BF5;
	[smem:$0x3F93] =	sst s0  }
0x18: {  	s0 =	sld [smem:$0x3F76];
	_ =	swait.ge [sflag:s4], $0x0  }
0x19: {  	s7 =	sld [smem:$0x3F77]  }
0x1a: {  	s8 =	sadd.s32 $0xFFFFE003, lr  }
0x1b: {  	s9 =	sadd.s32 $0xFFFFFEF7, lr;
	s5 =	simm.s32 $0xFFFFFFFF;
	p2 =	slt.u32 s8, $0xFFFFF086  }
0x1c: {  	p1 =	slt.u32 s9, $0xF7A;
	s5 =	simm.s32 @!p2 $0x0  }
0x1d: {  	s5 =	simm.s32 @p1 $0x1;
	p0 =	seq.s32 s7, s2  }
0x1e: {  	s7 =	smul.u32 @!p0 $0xF7A, s2;
	p2 =	seq.s32 @!p0 s5, $0x0  }
0x1f: {  	s9 =	smul.u32 $0xF7A, s1;
	s8 =	simm.s32 @!p0 $0x1BF5;
	p2 =	por !p2, p0  }
0x20: {  	[sflag:s8] =	ssyncset.s32 @!p0 $0xFFFFF086;
	s6 =	sadd.s32 @!p0 s3, s7;
	s7 =	simm.s32 @!p0 $0x108  }
0x21: {  	s3 =	sadd.s32 s3, s9;
	s6 =	sadd.s32 @!p0 $0x88, s6;
	s7 =	simm.s32 @p2 $0x1082  }
0x22: {  	[simem:s7], [sflag:s8] =	dma.local @!p0 [hbm:s6], $0xF7A  }
0x23: {  	s9 =	sor.u32 $0xD0000000, s2;
	s6 =	simm.s32 $0x108;
	_ =	swait.ge @!p0 [sflag:s8], $0x0  }
0x24: {  	s3 =	sadd.s32 $0x88, s3;
	s6 =	simm.s32 @!p1 $0x1082;
	[sflag:s4] =	ssyncset.s32 $0xFFFFF086  }
0x25: {  	[simem:s6], [sflag:s4] =	dma.local [hbm:s3], $0xF7A  }
0x26: {  	[smem:$0x3F77] =	sst s1;
	(tag) =	ssettag s2;
	_ =	strace s9  }
0x27: {  	s1 =	sld [smem:$0x3F87]  }
0x28: {  	s2 =	sld [smem:$0x3F88]  }
0x29: {  	s4 =	sld [smem:$0x3F8A]  }
0x2a: {  	p0 =	seq.s32 s5, $0x0;
	s5 =	sld [smem:$0x3F8B]  }
0x2b: {  	s6 =	sld [smem:$0x3F8C]  }
0x2c: {  	s7 =	sld [smem:$0x3F8D]  }
0x2d: {  	s3 =	simm.s32 $0x108;
	s8 =	sld [smem:$0x3F8E]  }
0x2e: {  	s3 =	simm.s32 @!p0 $0x1082;
	s9 =	sld [smem:$0x3F8F]  }
0x2f: {  	lr =	sadd.s32 s0, s3;
	s0 =	sld [smem:$0x3F86]  }
0x30: {  	s3 =	sld [smem:$0x3F89]  }
0x31: {  	[smem:$0x3F92] =	sst s10  }
0x32: {  	s10 =	sld [smem:$0x3F90];
	_ =	sdelay $0x3  }
0x33: {  	p0 =	seq.s32 s10, $0x1;
	s10 =	sld [smem:$0x3F92];
	_ =	sdelay $0x3  }
0x34: {  	[smem:$0x3F92] =	sst s10  }
0x35: {  	s10 =	sld [smem:$0x3F91];
	_ =	sdelay $0x3  }
0x36: {  	p1 =	seq.s32 s10, $0x1;
	s10 =	sld [smem:$0x3F92];
	_ =	sdelay $0x3  }
0x37: {  	[smem:$0x3F92] =	sst s10  }
0x38: {  	s10 =	sld [smem:$0x3F93]  }
0x39: {  	_ = 	snop;
	(pc) =	sbr.ind lr, $3  }
0x3a: {  	_ = 	snop  }
0x3b: {  	_ = 	snop  }
0x3c: {  	p2 =	seq.s32 s10, $0x1;
	s10 =	sld [smem:$0x3F92]  }
0x3d: {  	_ =	shalt  }
0x3e: {  	_ =	shalt  }
0x3f: {  	_ =	shalt  }
0x40: {  	_ =	shalt  }
0x41: {  	_ =	shalt  }
0x42: {  	_ =	shalt  }
0x43: {  	_ =	shalt  }
0x44: {  	_ =	shalt  }
0x45: {  	_ =	shalt  }
0x46: {  	_ =	shalt  }
0x47: {  	_ =	shalt  }
0x48: {  	_ =	shalt  }
0x49: {  	_ =	shalt  }
0x4a: {  	_ =	shalt  }
0x4b: {  	_ =	shalt  }
0x4c: {  	_ =	shalt  }
0x4d: {  	_ =	shalt  }
0x4e: {  	_ =	shalt  }
0x4f: {  	_ =	shalt  }
0x50: {  	_ =	shalt  }
0x51: {  	_ =	shalt  }
0x52: {  	_ =	shalt  }
0x53: {  	_ =	shalt  }
0x54: {  	_ =	shalt  }
0x55: {  	_ =	shalt  }
0x56: {  	_ =	shalt  }
0x57: {  	_ =	shalt  }
0x58: {  	_ =	shalt  }
0x59: {  	_ =	shalt  }
0x5a: {  	_ =	shalt  }
0x5b: {  	_ =	shalt  }
0x5c: {  	_ =	shalt  }
0x5d: {  	_ =	shalt  }
0x5e: {  	_ =	shalt  }
0x5f: {  	_ =	shalt  }
0x60: {  	_ =	shalt  }
0x61: {  	_ =	shalt  }
0x62: {  	_ =	shalt  }
0x63: {  	_ =	shalt  }
0x64: {  	_ =	shalt  }
0x65: {  	_ =	shalt  }
0x66: {  	_ =	shalt  }
0x67: {  	_ =	shalt  }
0x68: {  	_ =	shalt  }
0x69: {  	_ =	shalt  }
0x6a: {  	_ =	shalt  }
0x6b: {  	_ =	shalt  }
0x6c: {  	_ =	shalt  }
0x6d: {  	_ =	shalt  }
0x6e: {  	_ =	shalt  }
0x6f: {  	_ =	shalt  }
0x70: {  	_ =	shalt  }
0x71: {  	_ =	shalt  }
0x72: {  	_ =	shalt  }
0x73: {  	_ =	shalt  }
0x74: {  	_ =	shalt  }
0x75: {  	_ =	shalt  }
0x76: {  	_ =	shalt  }
0x77: {  	_ =	shalt  }
0x78: {  	_ =	shalt  }
0x79: {  	_ =	shalt  }
0x7a: {  	_ =	shalt  }
0x7b: {  	_ =	shalt  }
0x7c: {  	_ =	shalt  }
0x7d: {  	_ =	shalt  }
0x7e: {  	_ =	shalt  }
0x7f: {  	_ =	shalt  }
0x80: {  	_ =	shalt  }
0x81: {  	_ =	shalt  }
0x82: {  	_ =	shalt  }
0x83: {  	_ =	shalt  }
0x84: {  	_ =	shalt  }
0x85: {  	_ =	shalt  }
0x86: {  	_ =	shalt  }
0x87: {  	_ =	shalt  }
.Lfunc_end0:
.L_simem_size_0:
called_computation.2_lowered:
.L_overlay_start_0:
0x88: {  	s2 =	sld [smem:$0x3FD9]  }
0x89: {  	s3 =	sld [smem:$0x3FFE];
	_ =	sdelay $0x1  }
0x8a: {  	s1 =	srdreg.scid  }
0x8b: {  	s0 =	sand.u32 $0x1, s1  }
0x8c: {  	s17 =	sshll.u32 s0, $0xA;
	s2 =	sadd.s32 s3, s2  }
0x8d: {  	s2 =	sadd.s32 s2, s17  }
0x8e: {  	[smem:$0x3F9E] =	sst s2  }
0x8f: {  	_ = 	snop  }
0x90: {  	s2 =	sld [smem:$0x3FD0];
	(tm) =	ssettm $0x1  }
0x91: {  	s18 =	sld [smem:$0x3FFB];
	_ =	sdelay $0x3  }
0x92: {  	_ =	strace s18  }
0x93: {  	s3 =	sld [smem:$0x3FFC];
	_ =	sdelay $0x3  }
0x94: {  	_ =	strace s3  }
0x95: {  	s3 =	sld [smem:$0x3FFD];
	_ =	sdelay $0x3  }
0x96: {  	_ =	strace s3  }
0x97: {  	_ =	strace $0x8FFFFFFF  }
0x98: {  	s19 =	sld [smem:$0x3FDB];
	_ =	sdelay $0x1  }
0x99: {  	s4 =	simm.s32 $_scs_section_size  }
0x9a: {  	s5 =	simm.s32 $_size__tile_overlayer_lowered;
	s6 =	simm.s32 $_tile_overlayer_lowered  }
0x9b: {  	s22 =	simm.s32 $0x1BFF;
	s21 =	sshll.u32 s6, $0x1;
	s3 =	sadd.s32 s4, s19  }
0x9c: {  	s7 =	simm.s32 $0x0;
	s20 =	sshll.u32 s5, $0x1;
	s5 =	sadd.s32 s21, s3  }
0x9d: {  	[timem:s7], [sflag:s22] =	dma.local [hbm:s5], s20  }
0x9e: {  	_ =	swait.ge [sflag:s22], s20  }
0x9f: {  	s4 =	ssub.s32 $0x0, s20;
	[sflag:s22] =	ssyncset.done $0x0  }
0xa0: {  	[sflag:s22] =	ssyncadd.s32 s4;
	_ =	sdelay $0x1  }
0xa1: {  	s23 =	simm.s32 $0x1B8B  }
0xa2: {  	_ =	swait.ge [sflag:s23], $0x1  }
0xa3: {  	[sflag:s23] =	ssyncset.done $0x0  }
0xa4: {  	s25 =	simm.s32 $0x1B8E;
	s24 =	sld [smem:$0x3FFE];
	[sflag:s23] =	ssyncadd.s32 $0xFFFFFFFF  }
0xa5: {  	s26 =	simm.s32 $execute0_lowered;
	[smem:$0x3FD2] =	sst s25  }
0xa6: {  	s5 =	sshll.u32 s26, $0x1;
	_ =	strace $0x8000004C;
	[dreg:$0x1] =	wrdreg $0xFFFFFFFF  }
0xa7: {  	s28 =	simm.s32 $_size_execute0_lowered;
	s3 =	sadd.s32 s3, s5;
	[dreg:$0x0] =	wrdreg $0x0  }
0xa8: {  	s5 =	sshll.u32 s28, $0x1;
	[dreg:$0x2] =	wrdreg s3  }
0xa9: {  	[dreg:$0x3] =	wrdreg s5  }
0xaa: {  	[dreg:$0x4] =	wrdreg $0xC0  }
0xab: {  	_ =	task [dreg:s7], $0x5FFFF  }
0xac: {  	[dreg:$0x1] =	wrdreg $0xFFFFFFFF  }
0xad: {  	[dreg:$0x0] =	wrdreg $0x60  }
0xae: {  	[dreg:$0x2] =	wrdreg s24  }
0xaf: {  	[dreg:$0x3] =	wrdreg s2  }
0xb0: {  	[dreg:$0x4] =	wrdreg $0x68000  }
0xb1: {  	[dreg:$0x5] =	wrdreg $0x9  }
0xb2: {  	_ =	task.clear_ibuf [dreg:s7], $0x6FFFF;
	_ =	strace $0x9000004C  }
0xb3: {  	s29 =	simm.s32 $0x9;
	_ =	strace $0x8000004E  }
0xb4: {  	_ =	swait.ge [sflag:s29], $0x1  }
0xb5: {  	[sflag:s29] =	ssyncadd.s32 $0xFFFFFFFF  }
0xb6: {  	_ =	strace $0x9000004E  }
0xb7: {  	_ =	sfence  }
0xb8: {  	s30 =	sld [smem:$0x0];
	_ =	sdelay $0x2  }
0xb9: {  	s31 =	sshll.u32 s1, $0xD;
	s1 =	sshrl.u32 s1, $0x2  }
0xba: {  	s3 =	sand.u32 $0x4000, s31;
	s1 =	sadd.s32 s1, s30  }
0xbb: {  	s0 =	sor.u32 s3, s0;
	s1 =	sshll.u32 s1, $0x11  }
0xbc: {  	s0 =	sor.u32 s1, s0  }
0xbd: {  	s0 =	sadd.s32 $0x8F2B, s0  }
0xbe: {  	[sflag:s0] =	ssyncadd.remote.s32 $0x1  }
0xbf: {  	_ =	sfence.sel $0xFFFF  }
0xc0: {  	[dreg:$0x0] =	wrdreg $0xFFFFFFFF;
	(pc) =	sbr.abs _section_cstart, $3  }
0xc1: {  	[dreg:$0x1] =	wrdreg $0xFFFFFFFF  }
0xc2: {  	_ =	task.clear_ibuf [dreg:s7], $0x2FFFF;
	_ =	strace $0x9FFFFFFF  }
0xc3: {  	(tm) =	ssettm $0x7FFFFFFF  }
tec
execute0_lowered:
.L_overlay_start_1:
0x0: {  	(tag) =	ssettag $0x1  }
0x1: {  	s9 =	rddreg [dreg:$0x0]  }
0x2: {  	s13 =	rddreg [dreg:$0x1]  }
0x3: {  	s1 =	rddreg [dreg:$0x2]  }
0x4: {  	s0 =	rddreg [dreg:$0x3];
	s2 =	simm.s32 $0x0;
	s6 =	srdreg.scid  }
0x5: {  	s3 =	stileid.u32;
	s18 =	simm.s32 $0x1400;
	s19 =	simm.s32 $0x80  }
0x6: {  	s20 =	simm.s32 $0x2800;
	s21 =	simm.s32 $0x1;
	s22 =	simm.s32 $0x0  }
0x7: {  	[smem:$0x7FF] =	sst s2;
	s4 =	sadd.s32 $0x65C00, s9;
	s5 =	sadd.s32 $0x8DC00, s9  }
0x8: {  	s14 =	sadd.s32 $0xDC00, s9;
	s11 =	sand.u32 $0x1, s6;
	s8 =	smul.u32 $0x50000, s3  }
0x9: {  	s6 =	sadd.s32 $0x13400, s9;
	s7 =	sadd.s32 $0xB5C00, s9;
	s9 =	sadd.s32 $0xDDC00, s9  }
0xa: {  	s29 =	sshll.u32 s3, $0x6;
	s30 =	smul.u32 $0x500, s3;
	_ =	strace $0x8000004D  }
0xb: {  	s10 =	ssub.s32 $0x2, s11;
	s15 =	sshrl.u32 s8, $0x2;
	s8 =	smul.u32 $0x2800, s3  }
.Ltmp0:
0xc: {  	p0 =	seq.s32 s11, $0x1;
	s12 =	sshrl.u32 s10, $0x1;
	(pc) =	sbr.rel .LBB2_1-.Ltmp0, $4  }
0xd: {  	s11 =	sadd.s32 s13, s30;
	s16 =	ssub.s32 s10, s12;
	s31 =	sshrl.u32 s8, $0x3  }
0xe: {  	s17 =	sadd.s32 s15, s1;
	s10 =	sor.u32 $0x1C02, s29;
	s15 =	sadd.s32 $0x280, s31  }
0xf: {  	s12 =	sadd.s32 s14, s30;
	s13 =	sadd.s32 s13, s15;
	s14 =	sadd.s32 s14, s15  }
0x10: {  	s15 =	smax.u32 s16, $0x1;
	s16 =	sshrl.u32 s17, $0x3;
	s17 =	simm.s32 $0x2  }
.LBB2_11:
0x11: {  	s23 =	sshra.s32 s23, $0x2;
	[sflag:s17] =	ssyncadd.s32 $0xFFFFC000  }
0x12: {  	[tilespmem:s20], [sflag:$0x1] =	stream.indirect.gather [hbm4b:s5+s19], $0x80, s23, s19, $0xb8;
	[tilespmem:$0x1A800] =	vst v63  }
0x13: {  	_ =	swait.ge [sflag:s21], $0x4000  }
0x14: {  	[sflag:s21] =	ssyncset.done $0x0  }
0x15: {  	s23 =	sadd.s32 $0x1400, s23;
	[sflag:s21] =	ssyncadd.s32 $0xFFFFC000  }
0x16: {  	[spmem:s1] =	stream.indirect.scatter.add.f32 [tilespmem:s20], [sflag:$0x2], $0x80, s23, s19, $0xb8;
	[tilespmem:$0x1A800] =	vst v63  }
0x17: {  	_ =	swait.ge [sflag:s17], $0x4000  }
0x18: {  	[sflag:s17] =	ssyncset.done $0x0  }
0x19: {  	s23 =	smov.u32 s9;
	[sflag:s17] =	ssyncadd.s32 $0xFFFFC000  }
.LBB2_12:
0x1a: {  	s22 =	sadd.s32 $0x1, s22  }
0x1b: {  	p1 =	sne.s32 s22, s15  }
.Ltmp1:
0x1c: {  	s23 =	sadd.s32 s23, s8;
	[bflag:$0x0] =	sbarrier.arrive $0xFFFF;
	(pc) =	sbr.rel @!p1 .LBB2_13-.Ltmp1, $4  }
0x1d: {  	[hbm:s23], [sflag:s10] =	dma.local [spmem:s16], $0x2800  }
0x1e: {  	_ =	swait.ge [sflag:s17], $0x2800  }
0x1f: {  	[sflag:s17] =	ssyncset.done $0x0  }
0x20: {  	[sflag:s17] =	ssyncadd.s32 $0xFFFFD800  }
.LBB2_1:
0x21: {  	[spmem:s16], [sflag:s10] =	dma.local [hbm:s6], $0x2800  }
0x22: {  	_ =	swait.ge [sflag:s17], $0x2800  }
0x23: {  	[sflag:s17] =	ssyncset.done $0x0  }
0x24: {  	[sflag:s17] =	ssyncadd.s32 $0xFFFFD800  }
0x25: {  	[bflag:$0x0] =	sbarrier.arrive $0xFFFF  }
0x26: {  	[tilespmem:s2], [sflag:$0x2] =	stream.linear.gather [hbm4b:s11+s2], $0x1400, $0x38;
	[tilespmem:$0x1A800] =	vst v63  }
0x27: {  	_ =	swait.ge [sflag:s17], $0x1400  }
0x28: {  	[sflag:s17] =	ssyncset.done $0x0  }
.Ltmp2:
0x29: {  	[sflag:s17] =	ssyncadd.s32 $0xFFFFEC00;
	(pc) =	sbr.rel @!p0 .LBB2_2-.Ltmp2, $4  }
0x2a: {  	[tilespmem:s18], [sflag:$0x2] =	stream.linear.gather [hbm4b:s12+s2], $0x1400, $0x38;
	[tilespmem:$0x1A800] =	vst v63  }
0x2b: {  	_ =	swait.ge [sflag:s17], $0x1400  }
0x2c: {  	[sflag:s17] =	ssyncset.done $0x0  }
0x2d: {  	s23 =	simm.s32 $0x0;
	[sflag:s17] =	ssyncadd.s32 $0xFFFFEC00  }
0x2e: {  	[tilespmem:s20], [sflag:$0x1] =	stream.indirect.gather [hbm4b:s5+s19], $0x80, s23, s19, $0xb8;
	[tilespmem:$0x1A800] =	vst v63  }
0x2f: {  	_ =	swait.ge [sflag:s21], $0x4000  }
0x30: {  	[sflag:s21] =	ssyncset.done $0x0  }
0x31: {  	s31 =	simm.s32 $0x1400;
	[sflag:s21] =	ssyncadd.s32 $0xFFFFC000  }
0x32: {  	[spmem:s1] =	stream.indirect.scatter.add.f32 [tilespmem:s20], [sflag:$0x2], $0x80, s31, s19, $0xb8;
	[tilespmem:$0x1A800] =	vst v63  }
0x33: {  	_ =	swait.ge [sflag:s17], $0x4000  }
0x34: {  	s23 =	simm.s32 $0x200;
	s24 =	simm.s32 $0x400;
	[sflag:s17] =	ssyncset.done $0x0  }
.LBB2_8:
0x35: {  	s25 =	sshra.s32 s23, $0x2  }
0x36: {  	[sflag:s17] =	ssyncadd.s32 $0xFFFFC000;
	s23 =	smov.u32 s24;
	s26 =	sadd.s32 $0x200, s24  }
0x37: {  	[tilespmem:s20], [sflag:$0x1] =	stream.indirect.gather [hbm4b:s5+s19], $0x80, s25, s19, $0xb8;
	[tilespmem:$0x1A800] =	vst v63  }
0x38: {  	p1 =	sne.s32 s24, $0x4E00;
	_ =	swait.ge [sflag:s21], $0x4000  }
.Ltmp3:
0x39: {  	[sflag:s21] =	ssyncset.done $0x0;
	(pc) =	sbr.rel @p1 .LBB2_8-.Ltmp3, $4  }
0x3a: {  	s24 =	sadd.s32 $0x1400, s25;
	[sflag:s21] =	ssyncadd.s32 $0xFFFFC000  }
0x3b: {  	[spmem:s1] =	stream.indirect.scatter.add.f32 [tilespmem:s20], [sflag:$0x2], $0x80, s24, s19, $0xb8;
	[tilespmem:$0x1A800] =	vst v63  }
0x3c: {  	_ =	swait.ge [sflag:s17], $0x4000  }
0x3d: {  	s24 =	smov.u32 s26;
	[sflag:s17] =	ssyncset.done $0x0  }
0x3e: {  	s23 =	sshra.s32 s23, $0x2;
	[sflag:s17] =	ssyncadd.s32 $0xFFFFC000  }
0x3f: {  	[tilespmem:s20], [sflag:$0x1] =	stream.indirect.gather [hbm4b:s5+s19], $0x80, s23, s19, $0xb8;
	[tilespmem:$0x1A800] =	vst v63  }
0x40: {  	_ =	swait.ge [sflag:s21], $0x4000  }
0x41: {  	[sflag:s21] =	ssyncset.done $0x0  }
0x42: {  	s23 =	sadd.s32 $0x1400, s23;
	[sflag:s21] =	ssyncadd.s32 $0xFFFFC000  }
0x43: {  	[spmem:s1] =	stream.indirect.scatter.add.f32 [tilespmem:s20], [sflag:$0x2], $0x80, s23, s19, $0xb8;
	[tilespmem:$0x1A800] =	vst v63  }
0x44: {  	_ =	swait.ge [sflag:s17], $0x4000  }
0x45: {  	[sflag:s17] =	ssyncset.done $0x0  }
0x46: {  	s29 =	simm.s32 $0x0;
	[sflag:s17] =	ssyncadd.s32 $0xFFFFC000  }
0x47: {  	[tilespmem:s29], [sflag:$0x2] =	stream.linear.gather [hbm4b:s13+s29], $0x1400, $0x38;
	[tilespmem:$0x1A800] =	vst v63  }
0x48: {  	_ =	swait.ge [sflag:s17], $0x1400  }
0x49: {  	[sflag:s17] =	ssyncset.done $0x0  }
0x4a: {  	[sflag:s17] =	ssyncadd.s32 $0xFFFFEC00  }
0x4b: {  	[tilespmem:s18], [sflag:$0x2] =	stream.linear.gather [hbm4b:s14+s29], $0x1400, $0x38;
	[tilespmem:$0x1A800] =	vst v63  }
0x4c: {  	_ =	swait.ge [sflag:s17], $0x1400  }
0x4d: {  	[sflag:s17] =	ssyncset.done $0x0  }
0x4e: {  	s30 =	simm.s32 $0x0;
	[sflag:s17] =	ssyncadd.s32 $0xFFFFEC00  }
0x4f: {  	[tilespmem:s20], [sflag:$0x1] =	stream.indirect.gather [hbm4b:s5+s19], $0x80, s30, s19, $0xb8;
	[tilespmem:$0x1A800] =	vst v63  }
0x50: {  	_ =	swait.ge [sflag:s21], $0x4000  }
0x51: {  	[sflag:s21] =	ssyncset.done $0x0  }
0x52: {  	s31 =	simm.s32 $0x1400;
	[sflag:s21] =	ssyncadd.s32 $0xFFFFC000  }
0x53: {  	[spmem:s1] =	stream.indirect.scatter.add.f32 [tilespmem:s20], [sflag:$0x2], $0x80, s31, s19, $0xb8;
	[tilespmem:$0x1A800] =	vst v63  }
0x54: {  	_ =	swait.ge [sflag:s17], $0x4000  }
0x55: {  	s24 =	simm.s32 $0x400;
	s23 =	simm.s32 $0x200;
	[sflag:s17] =	ssyncset.done $0x0  }
.LBB2_10:
0x56: {  	s25 =	sshra.s32 s23, $0x2  }
0x57: {  	[sflag:s17] =	ssyncadd.s32 $0xFFFFC000;
	s23 =	smov.u32 s24;
	s26 =	sadd.s32 $0x200, s24  }
0x58: {  	[tilespmem:s20], [sflag:$0x1] =	stream.indirect.gather [hbm4b:s5+s19], $0x80, s25, s19, $0xb8;
	[tilespmem:$0x1A800] =	vst v63  }
0x59: {  	p1 =	sne.s32 s24, $0x4E00;
	_ =	swait.ge [sflag:s21], $0x4000  }
.Ltmp4:
0x5a: {  	[sflag:s21] =	ssyncset.done $0x0;
	(pc) =	sbr.rel @p1 .LBB2_10-.Ltmp4, $4  }
0x5b: {  	s24 =	sadd.s32 $0x1400, s25;
	[sflag:s21] =	ssyncadd.s32 $0xFFFFC000  }
0x5c: {  	[spmem:s1] =	stream.indirect.scatter.add.f32 [tilespmem:s20], [sflag:$0x2], $0x80, s24, s19, $0xb8;
	[tilespmem:$0x1A800] =	vst v63  }
0x5d: {  	_ =	swait.ge [sflag:s17], $0x4000  }
0x5e: {  	s24 =	smov.u32 s26;
	[sflag:s17] =	ssyncset.done $0x0  }
.Ltmp5:
0x5f: {  	_ = 	snop;
	(pc) =	sbr.rel .LBB2_11-.Ltmp5, $1  }
0x60: {  	_ =	sdelay $0x3  }
.LBB2_2:
0x61: {  	[tilespmem:s20], [sflag:$0x1] =	stream.indirect.gather [hbm4b:s4+s19], $0x80, s23, s19, $0xb8;
	[tilespmem:$0x1A800] =	vst v63  }
0x62: {  	_ =	swait.ge [sflag:s21], $0x4000  }
0x63: {  	[sflag:s21] =	ssyncset.done $0x0  }
0x64: {  	s31 =	simm.s32 $0x1400;
	[sflag:s21] =	ssyncadd.s32 $0xFFFFC000  }
0x65: {  	[spmem:s1] =	stream.indirect.scatter.add.f32 [tilespmem:s20], [sflag:$0x2], $0x80, s31, s19, $0xb8;
	[tilespmem:$0x1A800] =	vst v63  }
0x66: {  	_ =	swait.ge [sflag:s17], $0x4000  }
0x67: {  	s23 =	simm.s32 $0x200;
	s24 =	simm.s32 $0x400;
	[sflag:s17] =	ssyncset.done $0x0  }
.LBB2_3:
0x68: {  	s25 =	sshra.s32 s23, $0x2  }
0x69: {  	[sflag:s17] =	ssyncadd.s32 $0xFFFFC000;
	s23 =	smov.u32 s24;
	s26 =	sadd.s32 $0x200, s24  }
0x6a: {  	[tilespmem:s20], [sflag:$0x1] =	stream.indirect.gather [hbm4b:s4+s19], $0x80, s25, s19, $0xb8;
	[tilespmem:$0x1A800] =	vst v63  }
0x6b: {  	p1 =	sne.s32 s24, $0x4E00;
	_ =	swait.ge [sflag:s21], $0x4000  }
.Ltmp6:
0x6c: {  	[sflag:s21] =	ssyncset.done $0x0;
	(pc) =	sbr.rel @p1 .LBB2_3-.Ltmp6, $4  }
0x6d: {  	s24 =	sadd.s32 $0x1400, s25;
	[sflag:s21] =	ssyncadd.s32 $0xFFFFC000  }
0x6e: {  	[spmem:s1] =	stream.indirect.scatter.add.f32 [tilespmem:s20], [sflag:$0x2], $0x80, s24, s19, $0xb8;
	[tilespmem:$0x1A800] =	vst v63  }
0x6f: {  	_ =	swait.ge [sflag:s17], $0x4000  }
0x70: {  	s24 =	smov.u32 s26;
	[sflag:s17] =	ssyncset.done $0x0  }
0x71: {  	s23 =	sshra.s32 s23, $0x2;
	[sflag:s17] =	ssyncadd.s32 $0xFFFFC000  }
0x72: {  	[tilespmem:s20], [sflag:$0x1] =	stream.indirect.gather [hbm4b:s4+s19], $0x80, s23, s19, $0xb8;
	[tilespmem:$0x1A800] =	vst v63  }
0x73: {  	_ =	swait.ge [sflag:s21], $0x4000  }
0x74: {  	[sflag:s21] =	ssyncset.done $0x0  }
0x75: {  	s23 =	sadd.s32 $0x1400, s23;
	[sflag:s21] =	ssyncadd.s32 $0xFFFFC000  }
0x76: {  	[spmem:s1] =	stream.indirect.scatter.add.f32 [tilespmem:s20], [sflag:$0x2], $0x80, s23, s19, $0xb8;
	[tilespmem:$0x1A800] =	vst v63  }
0x77: {  	_ =	swait.ge [sflag:s17], $0x4000  }
0x78: {  	[sflag:s17] =	ssyncset.done $0x0  }
0x79: {  	s29 =	simm.s32 $0x0;
	[sflag:s17] =	ssyncadd.s32 $0xFFFFC000  }
0x7a: {  	[tilespmem:s29], [sflag:$0x2] =	stream.linear.gather [hbm4b:s13+s29], $0x1400, $0x38;
	[tilespmem:$0x1A800] =	vst v63  }
0x7b: {  	_ =	swait.ge [sflag:s17], $0x1400  }
0x7c: {  	[sflag:s17] =	ssyncset.done $0x0  }
0x7d: {  	[sflag:s17] =	ssyncadd.s32 $0xFFFFEC00  }
0x7e: {  	[tilespmem:s18], [sflag:$0x2] =	stream.linear.gather [hbm4b:s14+s29], $0x1400, $0x38;
	[tilespmem:$0x1A800] =	vst v63  }
0x7f: {  	_ =	swait.ge [sflag:s17], $0x1400  }
0x80: {  	[sflag:s17] =	ssyncset.done $0x0  }
0x81: {  	s30 =	simm.s32 $0x0;
	[sflag:s17] =	ssyncadd.s32 $0xFFFFEC00  }
0x82: {  	[tilespmem:s20], [sflag:$0x1] =	stream.indirect.gather [hbm4b:s4+s19], $0x80, s30, s19, $0xb8;
	[tilespmem:$0x1A800] =	vst v63  }
0x83: {  	_ =	swait.ge [sflag:s21], $0x4000  }
0x84: {  	[sflag:s21] =	ssyncset.done $0x0  }
0x85: {  	s31 =	simm.s32 $0x1400;
	[sflag:s21] =	ssyncadd.s32 $0xFFFFC000  }
0x86: {  	[spmem:s1] =	stream.indirect.scatter.add.f32 [tilespmem:s20], [sflag:$0x2], $0x80, s31, s19, $0xb8;
	[tilespmem:$0x1A800] =	vst v63  }
0x87: {  	_ =	swait.ge [sflag:s17], $0x4000  }
0x88: {  	s24 =	simm.s32 $0x400;
	s23 =	simm.s32 $0x200;
	[sflag:s17] =	ssyncset.done $0x0  }
.LBB2_5:
0x89: {  	s25 =	sshra.s32 s23, $0x2  }
0x8a: {  	[sflag:s17] =	ssyncadd.s32 $0xFFFFC000;
	s23 =	smov.u32 s24;
	s26 =	sadd.s32 $0x200, s24  }
0x8b: {  	[tilespmem:s20], [sflag:$0x1] =	stream.indirect.gather [hbm4b:s4+s19], $0x80, s25, s19, $0xb8;
	[tilespmem:$0x1A800] =	vst v63  }
0x8c: {  	p1 =	seq.s32 s24, $0x4E00;
	_ =	swait.ge [sflag:s21], $0x4000  }
.Ltmp7:
0x8d: {  	[sflag:s21] =	ssyncset.done $0x0;
	(pc) =	sbr.rel @!p1 .LBB2_5-.Ltmp7, $4  }
0x8e: {  	s24 =	sadd.s32 $0x1400, s25;
	[sflag:s21] =	ssyncadd.s32 $0xFFFFC000  }
0x8f: {  	[spmem:s1] =	stream.indirect.scatter.add.f32 [tilespmem:s20], [sflag:$0x2], $0x80, s24, s19, $0xb8;
	[tilespmem:$0x1A800] =	vst v63  }
0x90: {  	_ =	swait.ge [sflag:s17], $0x4000  }
0x91: {  	s24 =	smov.u32 s26;
	[sflag:s17] =	ssyncset.done $0x0  }
0x92: {  	s23 =	sshra.s32 s23, $0x2;
	[sflag:s17] =	ssyncadd.s32 $0xFFFFC000  }
0x93: {  	[tilespmem:s20], [sflag:$0x1] =	stream.indirect.gather [hbm4b:s4+s19], $0x80, s23, s19, $0xb8;
	[tilespmem:$0x1A800] =	vst v63  }
0x94: {  	_ =	swait.ge [sflag:s21], $0x4000  }
0x95: {  	[sflag:s21] =	ssyncset.done $0x0  }
.Ltmp8:
0x96: {  	s23 =	sadd.s32 $0x1400, s23;
	[sflag:s21] =	ssyncadd.s32 $0xFFFFC000;
	(pc) =	sbr.rel .LBB2_12-.Ltmp8, $4  }
0x97: {  	[spmem:s1] =	stream.indirect.scatter.add.f32 [tilespmem:s20], [sflag:$0x2], $0x80, s23, s19, $0xb8;
	[tilespmem:$0x1A800] =	vst v63  }
0x98: {  	_ =	swait.ge [sflag:s17], $0x4000  }
0x99: {  	[sflag:s17] =	ssyncset.done $0x0  }
0x9a: {  	s23 =	smov.u32 s7;
	[sflag:s17] =	ssyncadd.s32 $0xFFFFC000  }
.LBB2_13:
0x9b: {  	_ =	sfence.sel $0x180000  }
0x9c: {  	[bflag:$0x0] =	sbarrier.arrive $0xFFFF  }
0x9d: {  	p0 =	sne.s32 s3, $0x0;
	_ =	strace $0x9000004D  }
0x9e: {  	s0 =	sadd.s32 @!p0 $0x100000, s0;
	[bflag:$0x2] =	sbarrier.arrive $0xFFFF  }
0x9f: {  	[sflag:s0] =	ssyncadd.tile.s32 @!p0 $0x1;
	_ =	shalt  }
.Lfunc_end2:
_tile_overlayer_lowered:
.L_overlay_start_2:
0xa0: {  	(tag) =	ssettag $0x2  }
0xa1: {  	s0 =	rddreg [dreg:$0x0];
	s2 =	stileid.u32  }
0xa2: {  	s1 =	rddreg [dreg:$0x1];
	p0 =	sne.s32 s2, $0x0  }
0xa3: {  	s3 =	rddreg [dreg:$0x2];
	[bflag:$0x3] =	sbarrier.arrive $0xFFFF;
	s2 =	simm.s32 @!p0 $0x1C02  }
0xa4: {  	[timem:s3], [sflag:s2] =	dma.local @!p0 [hbm:s0], s1  }
0xa5: {  	s0 =	simm.s32 @!p0 $0x2  }
0xa6: {  	_ =	swait.ge @!p0 [sflag:s0], s1  }
0xa7: {  	s1 =	ssub.s32 @!p0 $0x0, s1;
	[sflag:s0] =	ssyncset.done @!p0 $0x0  }
0xa8: {  	[sflag:s0] =	ssyncadd.s32 @!p0 s1  }
0xa9: {  	[bflag:$0x3] =	sbarrier.arrive $0xFFFF  }
0xaa: {  	_ =	shalt  }

// kernel: kernel.25.cloned.1.call-start
scs
__scs_entry_jumppad:
0x0: {  	(pc) =	sbr.rel $0x88, $3  }
0x1: {  	(tag) =	ssettag $0x0;
	lr =	simm.s32 $0x1  }
0x2: {  	[smem:$0x3F77] =	sst lr;
	_ =	strace $0xD0000000  }
0x3: {  	_ = 	snop  }
0x4: {  	_ = 	snop  }
0x5: {  	_ = 	snop  }
0x6: {  	_ = 	snop  }
0x7: {  	_ = 	snop  }
__scs_overlays_trampoline_lowered:
0x8: {  	[smem:$0x3F86] =	sst s0  }
0x9: {  	[smem:$0x3F87] =	sst s1  }
0xa: {  	[smem:$0x3F88] =	sst s2  }
0xb: {  	[smem:$0x3F89] =	sst s3  }
0xc: {  	[smem:$0x3F8A] =	sst s4  }
0xd: {  	[smem:$0x3F8B] =	sst s5  }
0xe: {  	[smem:$0x3F8C] =	sst s6  }
0xf: {  	[smem:$0x3F8D] =	sst s7  }
0x10: {  	[smem:$0x3F8E] =	sst s8  }
0x11: {  	[smem:$0x3F8F] =	sst s9;
	s0 =	simm.s32 @!p0 $0x0  }
0x12: {  	s1 =	sld [smem:$0x3F75];
	s0 =	simm.s32 @p0 $0x1  }
0x13: {  	[smem:$0x3F90] =	sst s0;
	s0 =	simm.s32 @!p1 $0x0  }
0x14: {  	s2 =	sld [smem:$0x3F74];
	s0 =	simm.s32 @p1 $0x1  }
0x15: {  	[smem:$0x3F91] =	sst s0;
	s0 =	simm.s32 @!p2 $0x0  }
0x16: {  	s3 =	sld [smem:$0x3FDB];
	s0 =	simm.s32 @p2 $0x1  }
0x17: {  	s4 =	simm.s32 $0x1BF5;
	[smem:$0x3F93] =	sst s0  }
0x18: {  	s0 =	sld [smem:$0x3F76];
	_ =	swait.ge [sflag:s4], $0x0  }
0x19: {  	s7 =	sld [smem:$0x3F77]  }
0x1a: {  	s8 =	sadd.s32 $0xFFFFE003, lr  }
0x1b: {  	s9 =	sadd.s32 $0xFFFFFEF7, lr;
	s5 =	simm.s32 $0xFFFFFFFF;
	p2 =	slt.u32 s8, $0xFFFFF086  }
0x1c: {  	p1 =	slt.u32 s9, $0xF7A;
	s5 =	simm.s32 @!p2 $0x0  }
0x1d: {  	s5 =	simm.s32 @p1 $0x1;
	p0 =	seq.s32 s7, s2  }
0x1e: {  	s7 =	smul.u32 @!p0 $0xF7A, s2;
	p2 =	seq.s32 @!p0 s5, $0x0  }
0x1f: {  	s9 =	smul.u32 $0xF7A, s1;
	s8 =	simm.s32 @!p0 $0x1BF5;
	p2 =	por !p2, p0  }
0x20: {  	[sflag:s8] =	ssyncset.s32 @!p0 $0xFFFFF086;
	s6 =	sadd.s32 @!p0 s3, s7;
	s7 =	simm.s32 @!p0 $0x108  }
0x21: {  	s3 =	sadd.s32 s3, s9;
	s6 =	sadd.s32 @!p0 $0x88, s6;
	s7 =	simm.s32 @p2 $0x1082  }
0x22: {  	[simem:s7], [sflag:s8] =	dma.local @!p0 [hbm:s6], $0xF7A  }
0x23: {  	s9 =	sor.u32 $0xD0000000, s2;
	s6 =	simm.s32 $0x108;
	_ =	swait.ge @!p0 [sflag:s8], $0x0  }
0x24: {  	s3 =	sadd.s32 $0x88, s3;
	s6 =	simm.s32 @!p1 $0x1082;
	[sflag:s4] =	ssyncset.s32 $0xFFFFF086  }
0x25: {  	[simem:s6], [sflag:s4] =	dma.local [hbm:s3], $0xF7A  }
0x26: {  	[smem:$0x3F77] =	sst s1;
	(tag) =	ssettag s2;
	_ =	strace s9  }
0x27: {  	s1 =	sld [smem:$0x3F87]  }
0x28: {  	s2 =	sld [smem:$0x3F88]  }
0x29: {  	s4 =	sld [smem:$0x3F8A]  }
0x2a: {  	p0 =	seq.s32 s5, $0x0;
	s5 =	sld [smem:$0x3F8B]  }
0x2b: {  	s6 =	sld [smem:$0x3F8C]  }
0x2c: {  	s7 =	sld [smem:$0x3F8D]  }
0x2d: {  	s3 =	simm.s32 $0x108;
	s8 =	sld [smem:$0x3F8E]  }
0x2e: {  	s3 =	simm.s32 @!p0 $0x1082;
	s9 =	sld [smem:$0x3F8F]  }
0x2f: {  	lr =	sadd.s32 s0, s3;
	s0 =	sld [smem:$0x3F86]  }
0x30: {  	s3 =	sld [smem:$0x3F89]  }
0x31: {  	[smem:$0x3F92] =	sst s10  }
0x32: {  	s10 =	sld [smem:$0x3F90];
	_ =	sdelay $0x3  }
0x33: {  	p0 =	seq.s32 s10, $0x1;
	s10 =	sld [smem:$0x3F92];
	_ =	sdelay $0x3  }
0x34: {  	[smem:$0x3F92] =	sst s10  }
0x35: {  	s10 =	sld [smem:$0x3F91];
	_ =	sdelay $0x3  }
0x36: {  	p1 =	seq.s32 s10, $0x1;
	s10 =	sld [smem:$0x3F92];
	_ =	sdelay $0x3  }
0x37: {  	[smem:$0x3F92] =	sst s10  }
0x38: {  	s10 =	sld [smem:$0x3F93]  }
0x39: {  	_ = 	snop;
	(pc) =	sbr.ind lr, $3  }
0x3a: {  	_ = 	snop  }
0x3b: {  	_ = 	snop  }
0x3c: {  	p2 =	seq.s32 s10, $0x1;
	s10 =	sld [smem:$0x3F92]  }
0x3d: {  	_ =	shalt  }
0x3e: {  	_ =	shalt  }
0x3f: {  	_ =	shalt  }
0x40: {  	_ =	shalt  }
0x41: {  	_ =	shalt  }
0x42: {  	_ =	shalt  }
0x43: {  	_ =	shalt  }
0x44: {  	_ =	shalt  }
0x45: {  	_ =	shalt  }
0x46: {  	_ =	shalt  }
0x47: {  	_ =	shalt  }
0x48: {  	_ =	shalt  }
0x49: {  	_ =	shalt  }
0x4a: {  	_ =	shalt  }
0x4b: {  	_ =	shalt  }
0x4c: {  	_ =	shalt  }
0x4d: {  	_ =	shalt  }
0x4e: {  	_ =	shalt  }
0x4f: {  	_ =	shalt  }
0x50: {  	_ =	shalt  }
0x51: {  	_ =	shalt  }
0x52: {  	_ =	shalt  }
0x53: {  	_ =	shalt  }
0x54: {  	_ =	shalt  }
0x55: {  	_ =	shalt  }
0x56: {  	_ =	shalt  }
0x57: {  	_ =	shalt  }
0x58: {  	_ =	shalt  }
0x59: {  	_ =	shalt  }
0x5a: {  	_ =	shalt  }
0x5b: {  	_ =	shalt  }
0x5c: {  	_ =	shalt  }
0x5d: {  	_ =	shalt  }
0x5e: {  	_ =	shalt  }
0x5f: {  	_ =	shalt  }
0x60: {  	_ =	shalt  }
0x61: {  	_ =	shalt  }
0x62: {  	_ =	shalt  }
0x63: {  	_ =	shalt  }
0x64: {  	_ =	shalt  }
0x65: {  	_ =	shalt  }
0x66: {  	_ =	shalt  }
0x67: {  	_ =	shalt  }
0x68: {  	_ =	shalt  }
0x69: {  	_ =	shalt  }
0x6a: {  	_ =	shalt  }
0x6b: {  	_ =	shalt  }
0x6c: {  	_ =	shalt  }
0x6d: {  	_ =	shalt  }
0x6e: {  	_ =	shalt  }
0x6f: {  	_ =	shalt  }
0x70: {  	_ =	shalt  }
0x71: {  	_ =	shalt  }
0x72: {  	_ =	shalt  }
0x73: {  	_ =	shalt  }
0x74: {  	_ =	shalt  }
0x75: {  	_ =	shalt  }
0x76: {  	_ =	shalt  }
0x77: {  	_ =	shalt  }
0x78: {  	_ =	shalt  }
0x79: {  	_ =	shalt  }
0x7a: {  	_ =	shalt  }
0x7b: {  	_ =	shalt  }
0x7c: {  	_ =	shalt  }
0x7d: {  	_ =	shalt  }
0x7e: {  	_ =	shalt  }
0x7f: {  	_ =	shalt  }
0x80: {  	_ =	shalt  }
0x81: {  	_ =	shalt  }
0x82: {  	_ =	shalt  }
0x83: {  	_ =	shalt  }
0x84: {  	_ =	shalt  }
0x85: {  	_ =	shalt  }
0x86: {  	_ =	shalt  }
0x87: {  	_ =	shalt  }
.Lfunc_end0:
.L_simem_size_0:
called_computation.3_lowered:
.L_overlay_start_0:
0x88: {  	s2 =	sld [smem:$0x3FD9]  }
0x89: {  	s3 =	sld [smem:$0x3FFE];
	_ =	sdelay $0x1  }
0x8a: {  	s1 =	srdreg.scid  }
0x8b: {  	s0 =	sand.u32 $0x1, s1  }
0x8c: {  	s17 =	sshll.u32 s0, $0xA;
	s2 =	sadd.s32 s3, s2  }
0x8d: {  	s2 =	sadd.s32 s2, s17  }
0x8e: {  	[smem:$0x3F9E] =	sst s2  }
0x8f: {  	_ = 	snop  }
0x90: {  	s2 =	sld [smem:$0x3FD0];
	(tm) =	ssettm $0x1  }
0x91: {  	s18 =	sld [smem:$0x3FFB];
	_ =	sdelay $0x3  }
0x92: {  	_ =	strace s18  }
0x93: {  	s3 =	sld [smem:$0x3FFC];
	_ =	sdelay $0x3  }
0x94: {  	_ =	strace s3  }
0x95: {  	s3 =	sld [smem:$0x3FFD];
	_ =	sdelay $0x3  }
0x96: {  	_ =	strace s3  }
0x97: {  	_ =	strace $0x8FFFFFFF  }
0x98: {  	s19 =	sld [smem:$0x3FDB];
	_ =	sdelay $0x1  }
0x99: {  	s4 =	simm.s32 $_scs_section_size  }
0x9a: {  	s5 =	simm.s32 $_size__tile_overlayer_lowered;
	s6 =	simm.s32 $_tile_overlayer_lowered  }
0x9b: {  	s22 =	simm.s32 $0x1BFF;
	s21 =	sshll.u32 s6, $0x1;
	s3 =	sadd.s32 s4, s19  }
0x9c: {  	s7 =	simm.s32 $0x0;
	s20 =	sshll.u32 s5, $0x1;
	s5 =	sadd.s32 s21, s3  }
0x9d: {  	[timem:s7], [sflag:s22] =	dma.local [hbm:s5], s20  }
0x9e: {  	_ =	swait.ge [sflag:s22], s20  }
0x9f: {  	s4 =	ssub.s32 $0x0, s20;
	[sflag:s22] =	ssyncset.done $0x0  }
0xa0: {  	[sflag:s22] =	ssyncadd.s32 s4;
	_ =	sdelay $0x1  }
0xa1: {  	s23 =	simm.s32 $0x1B8B  }
0xa2: {  	_ =	swait.ge [sflag:s23], $0x1  }
0xa3: {  	[sflag:s23] =	ssyncset.done $0x0  }
0xa4: {  	s25 =	simm.s32 $0x1B8E;
	s24 =	sld [smem:$0x3FFE];
	[sflag:s23] =	ssyncadd.s32 $0xFFFFFFFF  }
0xa5: {  	s26 =	simm.s32 $execute0_lowered;
	[smem:$0x3FD2] =	sst s25  }
0xa6: {  	s5 =	sshll.u32 s26, $0x1;
	_ =	strace $0x8000004F;
	[dreg:$0x1] =	wrdreg $0xFFFFFFFF  }
0xa7: {  	s28 =	simm.s32 $_size_execute0_lowered;
	s3 =	sadd.s32 s3, s5;
	[dreg:$0x0] =	wrdreg $0x0  }
0xa8: {  	s5 =	sshll.u32 s28, $0x1;
	[dreg:$0x2] =	wrdreg s3  }
0xa9: {  	[dreg:$0x3] =	wrdreg s5  }
0xaa: {  	[dreg:$0x4] =	wrdreg $0xC0  }
0xab: {  	_ =	task [dreg:s7], $0x5FFFF  }
0xac: {  	[dreg:$0x1] =	wrdreg $0xFFFFFFFF  }
0xad: {  	[dreg:$0x0] =	wrdreg $0x60  }
0xae: {  	[dreg:$0x2] =	wrdreg s24  }
0xaf: {  	[dreg:$0x3] =	wrdreg s2  }
0xb0: {  	[dreg:$0x4] =	wrdreg $0x68000  }
0xb1: {  	[dreg:$0x5] =	wrdreg $0x9  }
0xb2: {  	_ =	task.clear_ibuf [dreg:s7], $0x6FFFF;
	_ =	strace $0x9000004F  }
0xb3: {  	s29 =	simm.s32 $0x9;
	_ =	strace $0x80000051  }
0xb4: {  	_ =	swait.ge [sflag:s29], $0x1  }
0xb5: {  	[sflag:s29] =	ssyncadd.s32 $0xFFFFFFFF  }
0xb6: {  	_ =	strace $0x90000051  }
0xb7: {  	_ =	sfence  }
0xb8: {  	s30 =	sld [smem:$0x0];
	_ =	sdelay $0x2  }
0xb9: {  	s31 =	sshll.u32 s1, $0xD;
	s1 =	sshrl.u32 s1, $0x2  }
0xba: {  	s3 =	sand.u32 $0x4000, s31;
	s1 =	sadd.s32 s1, s30  }
0xbb: {  	s0 =	sor.u32 s3, s0;
	s1 =	sshll.u32 s1, $0x11  }
0xbc: {  	s0 =	sor.u32 s1, s0  }
0xbd: {  	s0 =	sadd.s32 $0x8F2B, s0  }
0xbe: {  	[sflag:s0] =	ssyncadd.remote.s32 $0x1  }
0xbf: {  	_ =	sfence.sel $0xFFFF  }
0xc0: {  	[dreg:$0x0] =	wrdreg $0xFFFFFFFF;
	(pc) =	sbr.abs _section_cstart, $3  }
0xc1: {  	[dreg:$0x1] =	wrdreg $0xFFFFFFFF  }
0xc2: {  	_ =	task.clear_ibuf [dreg:s7], $0x2FFFF;
	_ =	strace $0x9FFFFFFF  }
0xc3: {  	(tm) =	ssettm $0x7FFFFFFF  }
tec
execute0_lowered:
.L_overlay_start_1:
0x0: {  	(tag) =	ssettag $0x1  }
0x1: {  	s9 =	rddreg [dreg:$0x0]  }
0x2: {  	s13 =	rddreg [dreg:$0x1]  }
0x3: {  	s1 =	rddreg [dreg:$0x2]  }
0x4: {  	s0 =	rddreg [dreg:$0x3];
	s2 =	simm.s32 $0x0;
	s6 =	srdreg.scid  }
0x5: {  	s3 =	stileid.u32;
	s18 =	simm.s32 $0x1400;
	s19 =	simm.s32 $0x80  }
0x6: {  	s20 =	simm.s32 $0x2800;
	s21 =	simm.s32 $0x1;
	s22 =	simm.s32 $0x0  }
0x7: {  	[smem:$0x7FF] =	sst s2;
	s4 =	sadd.s32 $0x15C00, s9;
	s5 =	sadd.s32 $0x3DC00, s9  }
0x8: {  	s14 =	sadd.s32 $0xDC00, s9;
	s11 =	sand.u32 $0x1, s6;
	s8 =	smul.u32 $0x50000, s3  }
0x9: {  	s6 =	sadd.s32 $0x13400, s9;
	s7 =	sadd.s32 $0x65C00, s9;
	s9 =	sadd.s32 $0x8DC00, s9  }
0xa: {  	s29 =	sshll.u32 s3, $0x6;
	s30 =	smul.u32 $0x500, s3;
	_ =	strace $0x80000050  }
0xb: {  	s10 =	ssub.s32 $0x2, s11;
	s15 =	sshrl.u32 s8, $0x2;
	s8 =	smul.u32 $0x2800, s3  }
.Ltmp0:
0xc: {  	p0 =	seq.s32 s11, $0x1;
	s12 =	sshrl.u32 s10, $0x1;
	(pc) =	sbr.rel .LBB2_1-.Ltmp0, $4  }
0xd: {  	s11 =	sadd.s32 s13, s30;
	s16 =	ssub.s32 s10, s12;
	s31 =	sshrl.u32 s8, $0x3  }
0xe: {  	s17 =	sadd.s32 s15, s1;
	s10 =	sor.u32 $0x1C02, s29;
	s15 =	sadd.s32 $0x280, s31  }
0xf: {  	s12 =	sadd.s32 s14, s30;
	s13 =	sadd.s32 s13, s15;
	s14 =	sadd.s32 s14, s15  }
0x10: {  	s15 =	smax.u32 s16, $0x1;
	s16 =	sshrl.u32 s17, $0x3;
	s17 =	simm.s32 $0x2  }
.LBB2_11:
0x11: {  	s23 =	sshra.s32 s23, $0x2;
	[sflag:s17] =	ssyncadd.s32 $0xFFFFC000  }
0x12: {  	[tilespmem:s20], [sflag:$0x1] =	stream.indirect.gather [hbm4b:s5+s19], $0x80, s23, s19, $0xb8;
	[tilespmem:$0x1A800] =	vst v63  }
0x13: {  	_ =	swait.ge [sflag:s21], $0x4000  }
0x14: {  	[sflag:s21] =	ssyncset.done $0x0  }
0x15: {  	s23 =	sadd.s32 $0x1400, s23;
	[sflag:s21] =	ssyncadd.s32 $0xFFFFC000  }
0x16: {  	[spmem:s1] =	stream.indirect.scatter.add.f32 [tilespmem:s20], [sflag:$0x2], $0x80, s23, s19, $0xb8;
	[tilespmem:$0x1A800] =	vst v63  }
0x17: {  	_ =	swait.ge [sflag:s17], $0x4000  }
0x18: {  	[sflag:s17] =	ssyncset.done $0x0  }
0x19: {  	s23 =	smov.u32 s9;
	[sflag:s17] =	ssyncadd.s32 $0xFFFFC000  }
.LBB2_12:
0x1a: {  	s22 =	sadd.s32 $0x1, s22  }
0x1b: {  	p1 =	sne.s32 s22, s15  }
.Ltmp1:
0x1c: {  	s23 =	sadd.s32 s23, s8;
	[bflag:$0x0] =	sbarrier.arrive $0xFFFF;
	(pc) =	sbr.rel @!p1 .LBB2_13-.Ltmp1, $4  }
0x1d: {  	[hbm:s23], [sflag:s10] =	dma.local [spmem:s16], $0x2800  }
0x1e: {  	_ =	swait.ge [sflag:s17], $0x2800  }
0x1f: {  	[sflag:s17] =	ssyncset.done $0x0  }
0x20: {  	[sflag:s17] =	ssyncadd.s32 $0xFFFFD800  }
.LBB2_1:
0x21: {  	[spmem:s16], [sflag:s10] =	dma.local [hbm:s6], $0x2800  }
0x22: {  	_ =	swait.ge [sflag:s17], $0x2800  }
0x23: {  	[sflag:s17] =	ssyncset.done $0x0  }
0x24: {  	[sflag:s17] =	ssyncadd.s32 $0xFFFFD800  }
0x25: {  	[bflag:$0x0] =	sbarrier.arrive $0xFFFF  }
0x26: {  	[tilespmem:s2], [sflag:$0x2] =	stream.linear.gather [hbm4b:s11+s2], $0x1400, $0x38;
	[tilespmem:$0x1A800] =	vst v63  }
0x27: {  	_ =	swait.ge [sflag:s17], $0x1400  }
0x28: {  	[sflag:s17] =	ssyncset.done $0x0  }
.Ltmp2:
0x29: {  	[sflag:s17] =	ssyncadd.s32 $0xFFFFEC00;
	(pc) =	sbr.rel @!p0 .LBB2_2-.Ltmp2, $4  }
0x2a: {  	[tilespmem:s18], [sflag:$0x2] =	stream.linear.gather [hbm4b:s12+s2], $0x1400, $0x38;
	[tilespmem:$0x1A800] =	vst v63  }
0x2b: {  	_ =	swait.ge [sflag:s17], $0x1400  }
0x2c: {  	[sflag:s17] =	ssyncset.done $0x0  }
0x2d: {  	s23 =	simm.s32 $0x0;
	[sflag:s17] =	ssyncadd.s32 $0xFFFFEC00  }
0x2e: {  	[tilespmem:s20], [sflag:$0x1] =	stream.indirect.gather [hbm4b:s5+s19], $0x80, s23, s19, $0xb8;
	[tilespmem:$0x1A800] =	vst v63  }
0x2f: {  	_ =	swait.ge [sflag:s21], $0x4000  }
0x30: {  	[sflag:s21] =	ssyncset.done $0x0  }
0x31: {  	s31 =	simm.s32 $0x1400;
	[sflag:s21] =	ssyncadd.s32 $0xFFFFC000  }
0x32: {  	[spmem:s1] =	stream.indirect.scatter.add.f32 [tilespmem:s20], [sflag:$0x2], $0x80, s31, s19, $0xb8;
	[tilespmem:$0x1A800] =	vst v63  }
0x33: {  	_ =	swait.ge [sflag:s17], $0x4000  }
0x34: {  	s23 =	simm.s32 $0x200;
	s24 =	simm.s32 $0x400;
	[sflag:s17] =	ssyncset.done $0x0  }
.LBB2_8:
0x35: {  	s25 =	sshra.s32 s23, $0x2  }
0x36: {  	[sflag:s17] =	ssyncadd.s32 $0xFFFFC000;
	s23 =	smov.u32 s24;
	s26 =	sadd.s32 $0x200, s24  }
0x37: {  	[tilespmem:s20], [sflag:$0x1] =	stream.indirect.gather [hbm4b:s5+s19], $0x80, s25, s19, $0xb8;
	[tilespmem:$0x1A800] =	vst v63  }
0x38: {  	p1 =	sne.s32 s24, $0x4E00;
	_ =	swait.ge [sflag:s21], $0x4000  }
.Ltmp3:
0x39: {  	[sflag:s21] =	ssyncset.done $0x0;
	(pc) =	sbr.rel @p1 .LBB2_8-.Ltmp3, $4  }
0x3a: {  	s24 =	sadd.s32 $0x1400, s25;
	[sflag:s21] =	ssyncadd.s32 $0xFFFFC000  }
0x3b: {  	[spmem:s1] =	stream.indirect.scatter.add.f32 [tilespmem:s20], [sflag:$0x2], $0x80, s24, s19, $0xb8;
	[tilespmem:$0x1A800] =	vst v63  }
0x3c: {  	_ =	swait.ge [sflag:s17], $0x4000  }
0x3d: {  	s24 =	smov.u32 s26;
	[sflag:s17] =	ssyncset.done $0x0  }
0x3e: {  	s23 =	sshra.s32 s23, $0x2;
	[sflag:s17] =	ssyncadd.s32 $0xFFFFC000  }
0x3f: {  	[tilespmem:s20], [sflag:$0x1] =	stream.indirect.gather [hbm4b:s5+s19], $0x80, s23, s19, $0xb8;
	[tilespmem:$0x1A800] =	vst v63  }
0x40: {  	_ =	swait.ge [sflag:s21], $0x4000  }
0x41: {  	[sflag:s21] =	ssyncset.done $0x0  }
0x42: {  	s23 =	sadd.s32 $0x1400, s23;
	[sflag:s21] =	ssyncadd.s32 $0xFFFFC000  }
0x43: {  	[spmem:s1] =	stream.indirect.scatter.add.f32 [tilespmem:s20], [sflag:$0x2], $0x80, s23, s19, $0xb8;
	[tilespmem:$0x1A800] =	vst v63  }
0x44: {  	_ =	swait.ge [sflag:s17], $0x4000  }
0x45: {  	[sflag:s17] =	ssyncset.done $0x0  }
0x46: {  	s29 =	simm.s32 $0x0;
	[sflag:s17] =	ssyncadd.s32 $0xFFFFC000  }
0x47: {  	[tilespmem:s29], [sflag:$0x2] =	stream.linear.gather [hbm4b:s13+s29], $0x1400, $0x38;
	[tilespmem:$0x1A800] =	vst v63  }
0x48: {  	_ =	swait.ge [sflag:s17], $0x1400  }
0x49: {  	[sflag:s17] =	ssyncset.done $0x0  }
0x4a: {  	[sflag:s17] =	ssyncadd.s32 $0xFFFFEC00  }
0x4b: {  	[tilespmem:s18], [sflag:$0x2] =	stream.linear.gather [hbm4b:s14+s29], $0x1400, $0x38;
	[tilespmem:$0x1A800] =	vst v63  }
0x4c: {  	_ =	swait.ge [sflag:s17], $0x1400  }
0x4d: {  	[sflag:s17] =	ssyncset.done $0x0  }
0x4e: {  	s30 =	simm.s32 $0x0;
	[sflag:s17] =	ssyncadd.s32 $0xFFFFEC00  }
0x4f: {  	[tilespmem:s20], [sflag:$0x1] =	stream.indirect.gather [hbm4b:s5+s19], $0x80, s30, s19, $0xb8;
	[tilespmem:$0x1A800] =	vst v63  }
0x50: {  	_ =	swait.ge [sflag:s21], $0x4000  }
0x51: {  	[sflag:s21] =	ssyncset.done $0x0  }
0x52: {  	s31 =	simm.s32 $0x1400;
	[sflag:s21] =	ssyncadd.s32 $0xFFFFC000  }
0x53: {  	[spmem:s1] =	stream.indirect.scatter.add.f32 [tilespmem:s20], [sflag:$0x2], $0x80, s31, s19, $0xb8;
	[tilespmem:$0x1A800] =	vst v63  }
0x54: {  	_ =	swait.ge [sflag:s17], $0x4000  }
0x55: {  	s24 =	simm.s32 $0x400;
	s23 =	simm.s32 $0x200;
	[sflag:s17] =	ssyncset.done $0x0  }
.LBB2_10:
0x56: {  	s25 =	sshra.s32 s23, $0x2  }
0x57: {  	[sflag:s17] =	ssyncadd.s32 $0xFFFFC000;
	s23 =	smov.u32 s24;
	s26 =	sadd.s32 $0x200, s24  }
0x58: {  	[tilespmem:s20], [sflag:$0x1] =	stream.indirect.gather [hbm4b:s5+s19], $0x80, s25, s19, $0xb8;
	[tilespmem:$0x1A800] =	vst v63  }
0x59: {  	p1 =	sne.s32 s24, $0x4E00;
	_ =	swait.ge [sflag:s21], $0x4000  }
.Ltmp4:
0x5a: {  	[sflag:s21] =	ssyncset.done $0x0;
	(pc) =	sbr.rel @p1 .LBB2_10-.Ltmp4, $4  }
0x5b: {  	s24 =	sadd.s32 $0x1400, s25;
	[sflag:s21] =	ssyncadd.s32 $0xFFFFC000  }
0x5c: {  	[spmem:s1] =	stream.indirect.scatter.add.f32 [tilespmem:s20], [sflag:$0x2], $0x80, s24, s19, $0xb8;
	[tilespmem:$0x1A800] =	vst v63  }
0x5d: {  	_ =	swait.ge [sflag:s17], $0x4000  }
0x5e: {  	s24 =	smov.u32 s26;
	[sflag:s17] =	ssyncset.done $0x0  }
.Ltmp5:
0x5f: {  	_ = 	snop;
	(pc) =	sbr.rel .LBB2_11-.Ltmp5, $1  }
0x60: {  	_ =	sdelay $0x3  }
.LBB2_2:
0x61: {  	[tilespmem:s20], [sflag:$0x1] =	stream.indirect.gather [hbm4b:s4+s19], $0x80, s23, s19, $0xb8;
	[tilespmem:$0x1A800] =	vst v63  }
0x62: {  	_ =	swait.ge [sflag:s21], $0x4000  }
0x63: {  	[sflag:s21] =	ssyncset.done $0x0  }
0x64: {  	s31 =	simm.s32 $0x1400;
	[sflag:s21] =	ssyncadd.s32 $0xFFFFC000  }
0x65: {  	[spmem:s1] =	stream.indirect.scatter.add.f32 [tilespmem:s20], [sflag:$0x2], $0x80, s31, s19, $0xb8;
	[tilespmem:$0x1A800] =	vst v63  }
0x66: {  	_ =	swait.ge [sflag:s17], $0x4000  }
0x67: {  	s23 =	simm.s32 $0x200;
	s24 =	simm.s32 $0x400;
	[sflag:s17] =	ssyncset.done $0x0  }
.LBB2_3:
0x68: {  	s25 =	sshra.s32 s23, $0x2  }
0x69: {  	[sflag:s17] =	ssyncadd.s32 $0xFFFFC000;
	s23 =	smov.u32 s24;
	s26 =	sadd.s32 $0x200, s24  }
0x6a: {  	[tilespmem:s20], [sflag:$0x1] =	stream.indirect.gather [hbm4b:s4+s19], $0x80, s25, s19, $0xb8;
	[tilespmem:$0x1A800] =	vst v63  }
0x6b: {  	p1 =	sne.s32 s24, $0x4E00;
	_ =	swait.ge [sflag:s21], $0x4000  }
.Ltmp6:
0x6c: {  	[sflag:s21] =	ssyncset.done $0x0;
	(pc) =	sbr.rel @p1 .LBB2_3-.Ltmp6, $4  }
0x6d: {  	s24 =	sadd.s32 $0x1400, s25;
	[sflag:s21] =	ssyncadd.s32 $0xFFFFC000  }
0x6e: {  	[spmem:s1] =	stream.indirect.scatter.add.f32 [tilespmem:s20], [sflag:$0x2], $0x80, s24, s19, $0xb8;
	[tilespmem:$0x1A800] =	vst v63  }
0x6f: {  	_ =	swait.ge [sflag:s17], $0x4000  }
0x70: {  	s24 =	smov.u32 s26;
	[sflag:s17] =	ssyncset.done $0x0  }
0x71: {  	s23 =	sshra.s32 s23, $0x2;
	[sflag:s17] =	ssyncadd.s32 $0xFFFFC000  }
0x72: {  	[tilespmem:s20], [sflag:$0x1] =	stream.indirect.gather [hbm4b:s4+s19], $0x80, s23, s19, $0xb8;
	[tilespmem:$0x1A800] =	vst v63  }
0x73: {  	_ =	swait.ge [sflag:s21], $0x4000  }
0x74: {  	[sflag:s21] =	ssyncset.done $0x0  }
0x75: {  	s23 =	sadd.s32 $0x1400, s23;
	[sflag:s21] =	ssyncadd.s32 $0xFFFFC000  }
0x76: {  	[spmem:s1] =	stream.indirect.scatter.add.f32 [tilespmem:s20], [sflag:$0x2], $0x80, s23, s19, $0xb8;
	[tilespmem:$0x1A800] =	vst v63  }
0x77: {  	_ =	swait.ge [sflag:s17], $0x4000  }
0x78: {  	[sflag:s17] =	ssyncset.done $0x0  }
0x79: {  	s29 =	simm.s32 $0x0;
	[sflag:s17] =	ssyncadd.s32 $0xFFFFC000  }
0x7a: {  	[tilespmem:s29], [sflag:$0x2] =	stream.linear.gather [hbm4b:s13+s29], $0x1400, $0x38;
	[tilespmem:$0x1A800] =	vst v63  }
0x7b: {  	_ =	swait.ge [sflag:s17], $0x1400  }
0x7c: {  	[sflag:s17] =	ssyncset.done $0x0  }
0x7d: {  	[sflag:s17] =	ssyncadd.s32 $0xFFFFEC00  }
0x7e: {  	[tilespmem:s18], [sflag:$0x2] =	stream.linear.gather [hbm4b:s14+s29], $0x1400, $0x38;
	[tilespmem:$0x1A800] =	vst v63  }
0x7f: {  	_ =	swait.ge [sflag:s17], $0x1400  }
0x80: {  	[sflag:s17] =	ssyncset.done $0x0  }
0x81: {  	s30 =	simm.s32 $0x0;
	[sflag:s17] =	ssyncadd.s32 $0xFFFFEC00  }
0x82: {  	[tilespmem:s20], [sflag:$0x1] =	stream.indirect.gather [hbm4b:s4+s19], $0x80, s30, s19, $0xb8;
	[tilespmem:$0x1A800] =	vst v63  }
0x83: {  	_ =	swait.ge [sflag:s21], $0x4000  }
0x84: {  	[sflag:s21] =	ssyncset.done $0x0  }
0x85: {  	s31 =	simm.s32 $0x1400;
	[sflag:s21] =	ssyncadd.s32 $0xFFFFC000  }
0x86: {  	[spmem:s1] =	stream.indirect.scatter.add.f32 [tilespmem:s20], [sflag:$0x2], $0x80, s31, s19, $0xb8;
	[tilespmem:$0x1A800] =	vst v63  }
0x87: {  	_ =	swait.ge [sflag:s17], $0x4000  }
0x88: {  	s24 =	simm.s32 $0x400;
	s23 =	simm.s32 $0x200;
	[sflag:s17] =	ssyncset.done $0x0  }
.LBB2_5:
0x89: {  	s25 =	sshra.s32 s23, $0x2  }
0x8a: {  	[sflag:s17] =	ssyncadd.s32 $0xFFFFC000;
	s23 =	smov.u32 s24;
	s26 =	sadd.s32 $0x200, s24  }
0x8b: {  	[tilespmem:s20], [sflag:$0x1] =	stream.indirect.gather [hbm4b:s4+s19], $0x80, s25, s19, $0xb8;
	[tilespmem:$0x1A800] =	vst v63  }
0x8c: {  	p1 =	seq.s32 s24, $0x4E00;
	_ =	swait.ge [sflag:s21], $0x4000  }
.Ltmp7:
0x8d: {  	[sflag:s21] =	ssyncset.done $0x0;
	(pc) =	sbr.rel @!p1 .LBB2_5-.Ltmp7, $4  }
0x8e: {  	s24 =	sadd.s32 $0x1400, s25;
	[sflag:s21] =	ssyncadd.s32 $0xFFFFC000  }
0x8f: {  	[spmem:s1] =	stream.indirect.scatter.add.f32 [tilespmem:s20], [sflag:$0x2], $0x80, s24, s19, $0xb8;
	[tilespmem:$0x1A800] =	vst v63  }
0x90: {  	_ =	swait.ge [sflag:s17], $0x4000  }
0x91: {  	s24 =	smov.u32 s26;
	[sflag:s17] =	ssyncset.done $0x0  }
0x92: {  	s23 =	sshra.s32 s23, $0x2;
	[sflag:s17] =	ssyncadd.s32 $0xFFFFC000  }
0x93: {  	[tilespmem:s20], [sflag:$0x1] =	stream.indirect.gather [hbm4b:s4+s19], $0x80, s23, s19, $0xb8;
	[tilespmem:$0x1A800] =	vst v63  }
0x94: {  	_ =	swait.ge [sflag:s21], $0x4000  }
0x95: {  	[sflag:s21] =	ssyncset.done $0x0  }
.Ltmp8:
0x96: {  	s23 =	sadd.s32 $0x1400, s23;
	[sflag:s21] =	ssyncadd.s32 $0xFFFFC000;
	(pc) =	sbr.rel .LBB2_12-.Ltmp8, $4  }
0x97: {  	[spmem:s1] =	stream.indirect.scatter.add.f32 [tilespmem:s20], [sflag:$0x2], $0x80, s23, s19, $0xb8;
	[tilespmem:$0x1A800] =	vst v63  }
0x98: {  	_ =	swait.ge [sflag:s17], $0x4000  }
0x99: {  	[sflag:s17] =	ssyncset.done $0x0  }
0x9a: {  	s23 =	smov.u32 s7;
	[sflag:s17] =	ssyncadd.s32 $0xFFFFC000  }
.LBB2_13:
0x9b: {  	_ =	sfence.sel $0x180000  }
0x9c: {  	[bflag:$0x0] =	sbarrier.arrive $0xFFFF  }
0x9d: {  	p0 =	sne.s32 s3, $0x0;
	_ =	strace $0x90000050  }
0x9e: {  	s0 =	sadd.s32 @!p0 $0x100000, s0;
	[bflag:$0x2] =	sbarrier.arrive $0xFFFF  }
0x9f: {  	[sflag:s0] =	ssyncadd.tile.s32 @!p0 $0x1;
	_ =	shalt  }
.Lfunc_end2:
_tile_overlayer_lowered:
.L_overlay_start_2:
0xa0: {  	(tag) =	ssettag $0x2  }
0xa1: {  	s0 =	rddreg [dreg:$0x0];
	s2 =	stileid.u32  }
0xa2: {  	s1 =	rddreg [dreg:$0x1];
	p0 =	sne.s32 s2, $0x0  }
0xa3: {  	s3 =	rddreg [dreg:$0x2];
	[bflag:$0x3] =	sbarrier.arrive $0xFFFF;
	s2 =	simm.s32 @!p0 $0x1C02  }
0xa4: {  	[timem:s3], [sflag:s2] =	dma.local @!p0 [hbm:s0], s1  }
0xa5: {  	s0 =	simm.s32 @!p0 $0x2  }
0xa6: {  	_ =	swait.ge @!p0 [sflag:s0], s1  }
0xa7: {  	s1 =	ssub.s32 @!p0 $0x0, s1;
	[sflag:s0] =	ssyncset.done @!p0 $0x0  }
0xa8: {  	[sflag:s0] =	ssyncadd.s32 @!p0 s1  }
0xa9: {  	[bflag:$0x3] =	sbarrier.arrive $0xFFFF  }
0xaa: {  	_ =	shalt  }

// kernel: kernel.28.cloned.1.call-start
scs
__scs_entry_jumppad:
0x0: {  	(pc) =	sbr.rel $0x88, $3  }
0x1: {  	(tag) =	ssettag $0x0;
	lr =	simm.s32 $0x1  }
0x2: {  	[smem:$0x3F77] =	sst lr;
	_ =	strace $0xD0000000  }
0x3: {  	_ = 	snop  }
0x4: {  	_ = 	snop  }
0x5: {  	_ = 	snop  }
0x6: {  	_ = 	snop  }
0x7: {  	_ = 	snop  }
__scs_overlays_trampoline_lowered:
0x8: {  	[smem:$0x3F86] =	sst s0  }
0x9: {  	[smem:$0x3F87] =	sst s1  }
0xa: {  	[smem:$0x3F88] =	sst s2  }
0xb: {  	[smem:$0x3F89] =	sst s3  }
0xc: {  	[smem:$0x3F8A] =	sst s4  }
0xd: {  	[smem:$0x3F8B] =	sst s5  }
0xe: {  	[smem:$0x3F8C] =	sst s6  }
0xf: {  	[smem:$0x3F8D] =	sst s7  }
0x10: {  	[smem:$0x3F8E] =	sst s8  }
0x11: {  	[smem:$0x3F8F] =	sst s9;
	s0 =	simm.s32 @!p0 $0x0  }
0x12: {  	s1 =	sld [smem:$0x3F75];
	s0 =	simm.s32 @p0 $0x1  }
0x13: {  	[smem:$0x3F90] =	sst s0;
	s0 =	simm.s32 @!p1 $0x0  }
0x14: {  	s2 =	sld [smem:$0x3F74];
	s0 =	simm.s32 @p1 $0x1  }
0x15: {  	[smem:$0x3F91] =	sst s0;
	s0 =	simm.s32 @!p2 $0x0  }
0x16: {  	s3 =	sld [smem:$0x3FDB];
	s0 =	simm.s32 @p2 $0x1  }
0x17: {  	s4 =	simm.s32 $0x1BF5;
	[smem:$0x3F93] =	sst s0  }
0x18: {  	s0 =	sld [smem:$0x3F76];
	_ =	swait.ge [sflag:s4], $0x0  }
0x19: {  	s7 =	sld [smem:$0x3F77]  }
0x1a: {  	s8 =	sadd.s32 $0xFFFFE003, lr  }
0x1b: {  	s9 =	sadd.s32 $0xFFFFFEF7, lr;
	s5 =	simm.s32 $0xFFFFFFFF;
	p2 =	slt.u32 s8, $0xFFFFF086  }
0x1c: {  	p1 =	slt.u32 s9, $0xF7A;
	s5 =	simm.s32 @!p2 $0x0  }
0x1d: {  	s5 =	simm.s32 @p1 $0x1;
	p0 =	seq.s32 s7, s2  }
0x1e: {  	s7 =	smul.u32 @!p0 $0xF7A, s2;
	p2 =	seq.s32 @!p0 s5, $0x0  }
0x1f: {  	s9 =	smul.u32 $0xF7A, s1;
	s8 =	simm.s32 @!p0 $0x1BF5;
	p2 =	por !p2, p0  }
0x20: {  	[sflag:s8] =	ssyncset.s32 @!p0 $0xFFFFF086;
	s6 =	sadd.s32 @!p0 s3, s7;
	s7 =	simm.s32 @!p0 $0x108  }
0x21: {  	s3 =	sadd.s32 s3, s9;
	s6 =	sadd.s32 @!p0 $0x88, s6;
	s7 =	simm.s32 @p2 $0x1082  }
0x22: {  	[simem:s7], [sflag:s8] =	dma.local @!p0 [hbm:s6], $0xF7A  }
0x23: {  	s9 =	sor.u32 $0xD0000000, s2;
	s6 =	simm.s32 $0x108;
	_ =	swait.ge @!p0 [sflag:s8], $0x0  }
0x24: {  	s3 =	sadd.s32 $0x88, s3;
	s6 =	simm.s32 @!p1 $0x1082;
	[sflag:s4] =	ssyncset.s32 $0xFFFFF086  }
0x25: {  	[simem:s6], [sflag:s4] =	dma.local [hbm:s3], $0xF7A  }
0x26: {  	[smem:$0x3F77] =	sst s1;
	(tag) =	ssettag s2;
	_ =	strace s9  }
0x27: {  	s1 =	sld [smem:$0x3F87]  }
0x28: {  	s2 =	sld [smem:$0x3F88]  }
0x29: {  	s4 =	sld [smem:$0x3F8A]  }
0x2a: {  	p0 =	seq.s32 s5, $0x0;
	s5 =	sld [smem:$0x3F8B]  }
0x2b: {  	s6 =	sld [smem:$0x3F8C]  }
0x2c: {  	s7 =	sld [smem:$0x3F8D]  }
0x2d: {  	s3 =	simm.s32 $0x108;
	s8 =	sld [smem:$0x3F8E]  }
0x2e: {  	s3 =	simm.s32 @!p0 $0x1082;
	s9 =	sld [smem:$0x3F8F]  }
0x2f: {  	lr =	sadd.s32 s0, s3;
	s0 =	sld [smem:$0x3F86]  }
0x30: {  	s3 =	sld [smem:$0x3F89]  }
0x31: {  	[smem:$0x3F92] =	sst s10  }
0x32: {  	s10 =	sld [smem:$0x3F90];
	_ =	sdelay $0x3  }
0x33: {  	p0 =	seq.s32 s10, $0x1;
	s10 =	sld [smem:$0x3F92];
	_ =	sdelay $0x3  }
0x34: {  	[smem:$0x3F92] =	sst s10  }
0x35: {  	s10 =	sld [smem:$0x3F91];
	_ =	sdelay $0x3  }
0x36: {  	p1 =	seq.s32 s10, $0x1;
	s10 =	sld [smem:$0x3F92];
	_ =	sdelay $0x3  }
0x37: {  	[smem:$0x3F92] =	sst s10  }
0x38: {  	s10 =	sld [smem:$0x3F93]  }
0x39: {  	_ = 	snop;
	(pc) =	sbr.ind lr, $3  }
0x3a: {  	_ = 	snop  }
0x3b: {  	_ = 	snop  }
0x3c: {  	p2 =	seq.s32 s10, $0x1;
	s10 =	sld [smem:$0x3F92]  }
0x3d: {  	_ =	shalt  }
0x3e: {  	_ =	shalt  }
0x3f: {  	_ =	shalt  }
0x40: {  	_ =	shalt  }
0x41: {  	_ =	shalt  }
0x42: {  	_ =	shalt  }
0x43: {  	_ =	shalt  }
0x44: {  	_ =	shalt  }
0x45: {  	_ =	shalt  }
0x46: {  	_ =	shalt  }
0x47: {  	_ =	shalt  }
0x48: {  	_ =	shalt  }
0x49: {  	_ =	shalt  }
0x4a: {  	_ =	shalt  }
0x4b: {  	_ =	shalt  }
0x4c: {  	_ =	shalt  }
0x4d: {  	_ =	shalt  }
0x4e: {  	_ =	shalt  }
0x4f: {  	_ =	shalt  }
0x50: {  	_ =	shalt  }
0x51: {  	_ =	shalt  }
0x52: {  	_ =	shalt  }
0x53: {  	_ =	shalt  }
0x54: {  	_ =	shalt  }
0x55: {  	_ =	shalt  }
0x56: {  	_ =	shalt  }
0x57: {  	_ =	shalt  }
0x58: {  	_ =	shalt  }
0x59: {  	_ =	shalt  }
0x5a: {  	_ =	shalt  }
0x5b: {  	_ =	shalt  }
0x5c: {  	_ =	shalt  }
0x5d: {  	_ =	shalt  }
0x5e: {  	_ =	shalt  }
0x5f: {  	_ =	shalt  }
0x60: {  	_ =	shalt  }
0x61: {  	_ =	shalt  }
0x62: {  	_ =	shalt  }
0x63: {  	_ =	shalt  }
0x64: {  	_ =	shalt  }
0x65: {  	_ =	shalt  }
0x66: {  	_ =	shalt  }
0x67: {  	_ =	shalt  }
0x68: {  	_ =	shalt  }
0x69: {  	_ =	shalt  }
0x6a: {  	_ =	shalt  }
0x6b: {  	_ =	shalt  }
0x6c: {  	_ =	shalt  }
0x6d: {  	_ =	shalt  }
0x6e: {  	_ =	shalt  }
0x6f: {  	_ =	shalt  }
0x70: {  	_ =	shalt  }
0x71: {  	_ =	shalt  }
0x72: {  	_ =	shalt  }
0x73: {  	_ =	shalt  }
0x74: {  	_ =	shalt  }
0x75: {  	_ =	shalt  }
0x76: {  	_ =	shalt  }
0x77: {  	_ =	shalt  }
0x78: {  	_ =	shalt  }
0x79: {  	_ =	shalt  }
0x7a: {  	_ =	shalt  }
0x7b: {  	_ =	shalt  }
0x7c: {  	_ =	shalt  }
0x7d: {  	_ =	shalt  }
0x7e: {  	_ =	shalt  }
0x7f: {  	_ =	shalt  }
0x80: {  	_ =	shalt  }
0x81: {  	_ =	shalt  }
0x82: {  	_ =	shalt  }
0x83: {  	_ =	shalt  }
0x84: {  	_ =	shalt  }
0x85: {  	_ =	shalt  }
0x86: {  	_ =	shalt  }
0x87: {  	_ =	shalt  }
.Lfunc_end0:
.L_simem_size_0:
called_computation.4_lowered:
.L_overlay_start_0:
0x88: {  	s2 =	sld [smem:$0x3FD9]  }
0x89: {  	s3 =	sld [smem:$0x3FFE];
	_ =	sdelay $0x1  }
0x8a: {  	s1 =	srdreg.scid  }
0x8b: {  	s0 =	sand.u32 $0x1, s1  }
0x8c: {  	s17 =	sshll.u32 s0, $0xA;
	s2 =	sadd.s32 s3, s2  }
0x8d: {  	s2 =	sadd.s32 s2, s17  }
0x8e: {  	[smem:$0x3F9E] =	sst s2  }
0x8f: {  	_ = 	snop  }
0x90: {  	s2 =	sld [smem:$0x3FD0];
	(tm) =	ssettm $0x1  }
0x91: {  	s18 =	sld [smem:$0x3FFB];
	_ =	sdelay $0x3  }
0x92: {  	_ =	strace s18  }
0x93: {  	s3 =	sld [smem:$0x3FFC];
	_ =	sdelay $0x3  }
0x94: {  	_ =	strace s3  }
0x95: {  	s3 =	sld [smem:$0x3FFD];
	_ =	sdelay $0x3  }
0x96: {  	_ =	strace s3  }
0x97: {  	_ =	strace $0x8FFFFFFF  }
0x98: {  	s19 =	sld [smem:$0x3FDB];
	_ =	sdelay $0x1  }
0x99: {  	s4 =	simm.s32 $_scs_section_size  }
0x9a: {  	s5 =	simm.s32 $_size__tile_overlayer_lowered;
	s6 =	simm.s32 $_tile_overlayer_lowered  }
0x9b: {  	s22 =	simm.s32 $0x1BFF;
	s21 =	sshll.u32 s6, $0x1;
	s3 =	sadd.s32 s4, s19  }
0x9c: {  	s7 =	simm.s32 $0x0;
	s20 =	sshll.u32 s5, $0x1;
	s5 =	sadd.s32 s21, s3  }
0x9d: {  	[timem:s7], [sflag:s22] =	dma.local [hbm:s5], s20  }
0x9e: {  	_ =	swait.ge [sflag:s22], s20  }
0x9f: {  	s4 =	ssub.s32 $0x0, s20;
	[sflag:s22] =	ssyncset.done $0x0  }
0xa0: {  	[sflag:s22] =	ssyncadd.s32 s4;
	_ =	sdelay $0x1  }
0xa1: {  	s23 =	simm.s32 $0x1B8B  }
0xa2: {  	_ =	swait.ge [sflag:s23], $0x1  }
0xa3: {  	[sflag:s23] =	ssyncset.done $0x0  }
0xa4: {  	s25 =	simm.s32 $0x1B8E;
	s24 =	sld [smem:$0x3FFE];
	[sflag:s23] =	ssyncadd.s32 $0xFFFFFFFF  }
0xa5: {  	s26 =	simm.s32 $execute0_lowered;
	[smem:$0x3FD2] =	sst s25  }
0xa6: {  	s5 =	sshll.u32 s26, $0x1;
	_ =	strace $0x80000052;
	[dreg:$0x1] =	wrdreg $0xFFFFFFFF  }
0xa7: {  	s28 =	simm.s32 $_size_execute0_lowered;
	s3 =	sadd.s32 s3, s5;
	[dreg:$0x0] =	wrdreg $0x0  }
0xa8: {  	s5 =	sshll.u32 s28, $0x1;
	[dreg:$0x2] =	wrdreg s3  }
0xa9: {  	[dreg:$0x3] =	wrdreg s5  }
0xaa: {  	[dreg:$0x4] =	wrdreg $0xC0  }
0xab: {  	_ =	task [dreg:s7], $0x5FFFF  }
0xac: {  	[dreg:$0x1] =	wrdreg $0xFFFFFFFF  }
0xad: {  	[dreg:$0x0] =	wrdreg $0x60  }
0xae: {  	[dreg:$0x2] =	wrdreg s24  }
0xaf: {  	[dreg:$0x3] =	wrdreg s2  }
0xb0: {  	[dreg:$0x4] =	wrdreg $0x68000  }
0xb1: {  	[dreg:$0x5] =	wrdreg $0x9  }
0xb2: {  	_ =	task.clear_ibuf [dreg:s7], $0x6FFFF;
	_ =	strace $0x90000052  }
0xb3: {  	s29 =	simm.s32 $0x9;
	_ =	strace $0x80000054  }
0xb4: {  	_ =	swait.ge [sflag:s29], $0x1  }
0xb5: {  	[sflag:s29] =	ssyncadd.s32 $0xFFFFFFFF  }
0xb6: {  	_ =	strace $0x90000054  }
0xb7: {  	_ =	sfence  }
0xb8: {  	s30 =	sld [smem:$0x0];
	_ =	sdelay $0x2  }
0xb9: {  	s31 =	sshll.u32 s1, $0xD;
	s1 =	sshrl.u32 s1, $0x2  }
0xba: {  	s3 =	sand.u32 $0x4000, s31;
	s1 =	sadd.s32 s1, s30  }
0xbb: {  	s0 =	sor.u32 s3, s0;
	s1 =	sshll.u32 s1, $0x11  }
0xbc: {  	s0 =	sor.u32 s1, s0  }
0xbd: {  	s0 =	sadd.s32 $0x8F2B, s0  }
0xbe: {  	[sflag:s0] =	ssyncadd.remote.s32 $0x1  }
0xbf: {  	_ =	sfence.sel $0xFFFF  }
0xc0: {  	[dreg:$0x0] =	wrdreg $0xFFFFFFFF;
	(pc) =	sbr.abs _section_cstart, $3  }
0xc1: {  	[dreg:$0x1] =	wrdreg $0xFFFFFFFF  }
0xc2: {  	_ =	task.clear_ibuf [dreg:s7], $0x2FFFF;
	_ =	strace $0x9FFFFFFF  }
0xc3: {  	(tm) =	ssettm $0x7FFFFFFF  }
tec
execute0_lowered:
.L_overlay_start_1:
0x0: {  	(tag) =	ssettag $0x1  }
0x1: {  	s9 =	rddreg [dreg:$0x0]  }
0x2: {  	s13 =	rddreg [dreg:$0x1]  }
0x3: {  	s1 =	rddreg [dreg:$0x2]  }
0x4: {  	s0 =	rddreg [dreg:$0x3];
	s2 =	simm.s32 $0x0;
	s6 =	srdreg.scid  }
0x5: {  	s3 =	stileid.u32;
	s18 =	simm.s32 $0x1400;
	s19 =	simm.s32 $0x80  }
0x6: {  	s20 =	simm.s32 $0x2800;
	s21 =	simm.s32 $0x1;
	s22 =	simm.s32 $0x0  }
0x7: {  	[smem:$0x7FF] =	sst s2;
	s4 =	sadd.s32 $0x15C00, s9;
	s5 =	sadd.s32 $0x3DC00, s9  }
0x8: {  	s14 =	sadd.s32 $0xDC00, s9;
	s11 =	sand.u32 $0x1, s6;
	s8 =	smul.u32 $0x50000, s3  }
0x9: {  	s6 =	sadd.s32 $0x13400, s9;
	s7 =	sadd.s32 $0x8DC00, s9;
	s9 =	sadd.s32 $0xB5C00, s9  }
0xa: {  	s29 =	sshll.u32 s3, $0x6;
	s30 =	smul.u32 $0x500, s3;
	_ =	strace $0x80000053  }
0xb: {  	s10 =	ssub.s32 $0x2, s11;
	s15 =	sshrl.u32 s8, $0x2;
	s8 =	smul.u32 $0x2800, s3  }
.Ltmp0:
0xc: {  	p0 =	seq.s32 s11, $0x1;
	s12 =	sshrl.u32 s10, $0x1;
	(pc) =	sbr.rel .LBB2_1-.Ltmp0, $4  }
0xd: {  	s11 =	sadd.s32 s13, s30;
	s16 =	ssub.s32 s10, s12;
	s31 =	sshrl.u32 s8, $0x3  }
0xe: {  	s17 =	sadd.s32 s15, s1;
	s10 =	sor.u32 $0x1C02, s29;
	s15 =	sadd.s32 $0x280, s31  }
0xf: {  	s12 =	sadd.s32 s14, s30;
	s13 =	sadd.s32 s13, s15;
	s14 =	sadd.s32 s14, s15  }
0x10: {  	s15 =	smax.u32 s16, $0x1;
	s16 =	sshrl.u32 s17, $0x3;
	s17 =	simm.s32 $0x2  }
.LBB2_11:
0x11: {  	s23 =	sshra.s32 s23, $0x2;
	[sflag:s17] =	ssyncadd.s32 $0xFFFFC000  }
0x12: {  	[tilespmem:s20], [sflag:$0x1] =	stream.indirect.gather [hbm4b:s5+s19], $0x80, s23, s19, $0xb8;
	[tilespmem:$0x1A800] =	vst v63  }
0x13: {  	_ =	swait.ge [sflag:s21], $0x4000  }
0x14: {  	[sflag:s21] =	ssyncset.done $0x0  }
0x15: {  	s23 =	sadd.s32 $0x1400, s23;
	[sflag:s21] =	ssyncadd.s32 $0xFFFFC000  }
0x16: {  	[spmem:s1] =	stream.indirect.scatter.add.f32 [tilespmem:s20], [sflag:$0x2], $0x80, s23, s19, $0xb8;
	[tilespmem:$0x1A800] =	vst v63  }
0x17: {  	_ =	swait.ge [sflag:s17], $0x4000  }
0x18: {  	[sflag:s17] =	ssyncset.done $0x0  }
0x19: {  	s23 =	smov.u32 s9;
	[sflag:s17] =	ssyncadd.s32 $0xFFFFC000  }
.LBB2_12:
0x1a: {  	s22 =	sadd.s32 $0x1, s22  }
0x1b: {  	p1 =	sne.s32 s22, s15  }
.Ltmp1:
0x1c: {  	s23 =	sadd.s32 s23, s8;
	[bflag:$0x0] =	sbarrier.arrive $0xFFFF;
	(pc) =	sbr.rel @!p1 .LBB2_13-.Ltmp1, $4  }
0x1d: {  	[hbm:s23], [sflag:s10] =	dma.local [spmem:s16], $0x2800  }
0x1e: {  	_ =	swait.ge [sflag:s17], $0x2800  }
0x1f: {  	[sflag:s17] =	ssyncset.done $0x0  }
0x20: {  	[sflag:s17] =	ssyncadd.s32 $0xFFFFD800  }
.LBB2_1:
0x21: {  	[spmem:s16], [sflag:s10] =	dma.local [hbm:s6], $0x2800  }
0x22: {  	_ =	swait.ge [sflag:s17], $0x2800  }
0x23: {  	[sflag:s17] =	ssyncset.done $0x0  }
0x24: {  	[sflag:s17] =	ssyncadd.s32 $0xFFFFD800  }
0x25: {  	[bflag:$0x0] =	sbarrier.arrive $0xFFFF  }
0x26: {  	[tilespmem:s2], [sflag:$0x2] =	stream.linear.gather [hbm4b:s11+s2], $0x1400, $0x38;
	[tilespmem:$0x1A800] =	vst v63  }
0x27: {  	_ =	swait.ge [sflag:s17], $0x1400  }
0x28: {  	[sflag:s17] =	ssyncset.done $0x0  }
.Ltmp2:
0x29: {  	[sflag:s17] =	ssyncadd.s32 $0xFFFFEC00;
	(pc) =	sbr.rel @!p0 .LBB2_2-.Ltmp2, $4  }
0x2a: {  	[tilespmem:s18], [sflag:$0x2] =	stream.linear.gather [hbm4b:s12+s2], $0x1400, $0x38;
	[tilespmem:$0x1A800] =	vst v63  }
0x2b: {  	_ =	swait.ge [sflag:s17], $0x1400  }
0x2c: {  	[sflag:s17] =	ssyncset.done $0x0  }
0x2d: {  	s23 =	simm.s32 $0x0;
	[sflag:s17] =	ssyncadd.s32 $0xFFFFEC00  }
0x2e: {  	[tilespmem:s20], [sflag:$0x1] =	stream.indirect.gather [hbm4b:s5+s19], $0x80, s23, s19, $0xb8;
	[tilespmem:$0x1A800] =	vst v63  }
0x2f: {  	_ =	swait.ge [sflag:s21], $0x4000  }
0x30: {  	[sflag:s21] =	ssyncset.done $0x0  }
0x31: {  	s31 =	simm.s32 $0x1400;
	[sflag:s21] =	ssyncadd.s32 $0xFFFFC000  }
0x32: {  	[spmem:s1] =	stream.indirect.scatter.add.f32 [tilespmem:s20], [sflag:$0x2], $0x80, s31, s19, $0xb8;
	[tilespmem:$0x1A800] =	vst v63  }
0x33: {  	_ =	swait.ge [sflag:s17], $0x4000  }
0x34: {  	s23 =	simm.s32 $0x200;
	s24 =	simm.s32 $0x400;
	[sflag:s17] =	ssyncset.done $0x0  }
.LBB2_8:
0x35: {  	s25 =	sshra.s32 s23, $0x2  }
0x36: {  	[sflag:s17] =	ssyncadd.s32 $0xFFFFC000;
	s23 =	smov.u32 s24;
	s26 =	sadd.s32 $0x200, s24  }
0x37: {  	[tilespmem:s20], [sflag:$0x1] =	stream.indirect.gather [hbm4b:s5+s19], $0x80, s25, s19, $0xb8;
	[tilespmem:$0x1A800] =	vst v63  }
0x38: {  	p1 =	sne.s32 s24, $0x4E00;
	_ =	swait.ge [sflag:s21], $0x4000  }
.Ltmp3:
0x39: {  	[sflag:s21] =	ssyncset.done $0x0;
	(pc) =	sbr.rel @p1 .LBB2_8-.Ltmp3, $4  }
0x3a: {  	s24 =	sadd.s32 $0x1400, s25;
	[sflag:s21] =	ssyncadd.s32 $0xFFFFC000  }
0x3b: {  	[spmem:s1] =	stream.indirect.scatter.add.f32 [tilespmem:s20], [sflag:$0x2], $0x80, s24, s19, $0xb8;
	[tilespmem:$0x1A800] =	vst v63  }
0x3c: {  	_ =	swait.ge [sflag:s17], $0x4000  }
0x3d: {  	s24 =	smov.u32 s26;
	[sflag:s17] =	ssyncset.done $0x0  }
0x3e: {  	s23 =	sshra.s32 s23, $0x2;
	[sflag:s17] =	ssyncadd.s32 $0xFFFFC000  }
0x3f: {  	[tilespmem:s20], [sflag:$0x1] =	stream.indirect.gather [hbm4b:s5+s19], $0x80, s23, s19, $0xb8;
	[tilespmem:$0x1A800] =	vst v63  }
0x40: {  	_ =	swait.ge [sflag:s21], $0x4000  }
0x41: {  	[sflag:s21] =	ssyncset.done $0x0  }
0x42: {  	s23 =	sadd.s32 $0x1400, s23;
	[sflag:s21] =	ssyncadd.s32 $0xFFFFC000  }
0x43: {  	[spmem:s1] =	stream.indirect.scatter.add.f32 [tilespmem:s20], [sflag:$0x2], $0x80, s23, s19, $0xb8;
	[tilespmem:$0x1A800] =	vst v63  }
0x44: {  	_ =	swait.ge [sflag:s17], $0x4000  }
0x45: {  	[sflag:s17] =	ssyncset.done $0x0  }
0x46: {  	s29 =	simm.s32 $0x0;
	[sflag:s17] =	ssyncadd.s32 $0xFFFFC000  }
0x47: {  	[tilespmem:s29], [sflag:$0x2] =	stream.linear.gather [hbm4b:s13+s29], $0x1400, $0x38;
	[tilespmem:$0x1A800] =	vst v63  }
0x48: {  	_ =	swait.ge [sflag:s17], $0x1400  }
0x49: {  	[sflag:s17] =	ssyncset.done $0x0  }
0x4a: {  	[sflag:s17] =	ssyncadd.s32 $0xFFFFEC00  }
0x4b: {  	[tilespmem:s18], [sflag:$0x2] =	stream.linear.gather [hbm4b:s14+s29], $0x1400, $0x38;
	[tilespmem:$0x1A800] =	vst v63  }
0x4c: {  	_ =	swait.ge [sflag:s17], $0x1400  }
0x4d: {  	[sflag:s17] =	ssyncset.done $0x0  }
0x4e: {  	s30 =	simm.s32 $0x0;
	[sflag:s17] =	ssyncadd.s32 $0xFFFFEC00  }
0x4f: {  	[tilespmem:s20], [sflag:$0x1] =	stream.indirect.gather [hbm4b:s5+s19], $0x80, s30, s19, $0xb8;
	[tilespmem:$0x1A800] =	vst v63  }
0x50: {  	_ =	swait.ge [sflag:s21], $0x4000  }
0x51: {  	[sflag:s21] =	ssyncset.done $0x0  }
0x52: {  	s31 =	simm.s32 $0x1400;
	[sflag:s21] =	ssyncadd.s32 $0xFFFFC000  }
0x53: {  	[spmem:s1] =	stream.indirect.scatter.add.f32 [tilespmem:s20], [sflag:$0x2], $0x80, s31, s19, $0xb8;
	[tilespmem:$0x1A800] =	vst v63  }
0x54: {  	_ =	swait.ge [sflag:s17], $0x4000  }
0x55: {  	s24 =	simm.s32 $0x400;
	s23 =	simm.s32 $0x200;
	[sflag:s17] =	ssyncset.done $0x0  }
.LBB2_10:
0x56: {  	s25 =	sshra.s32 s23, $0x2  }
0x57: {  	[sflag:s17] =	ssyncadd.s32 $0xFFFFC000;
	s23 =	smov.u32 s24;
	s26 =	sadd.s32 $0x200, s24  }
0x58: {  	[tilespmem:s20], [sflag:$0x1] =	stream.indirect.gather [hbm4b:s5+s19], $0x80, s25, s19, $0xb8;
	[tilespmem:$0x1A800] =	vst v63  }
0x59: {  	p1 =	sne.s32 s24, $0x4E00;
	_ =	swait.ge [sflag:s21], $0x4000  }
.Ltmp4:
0x5a: {  	[sflag:s21] =	ssyncset.done $0x0;
	(pc) =	sbr.rel @p1 .LBB2_10-.Ltmp4, $4  }
0x5b: {  	s24 =	sadd.s32 $0x1400, s25;
	[sflag:s21] =	ssyncadd.s32 $0xFFFFC000  }
0x5c: {  	[spmem:s1] =	stream.indirect.scatter.add.f32 [tilespmem:s20], [sflag:$0x2], $0x80, s24, s19, $0xb8;
	[tilespmem:$0x1A800] =	vst v63  }
0x5d: {  	_ =	swait.ge [sflag:s17], $0x4000  }
0x5e: {  	s24 =	smov.u32 s26;
	[sflag:s17] =	ssyncset.done $0x0  }
.Ltmp5:
0x5f: {  	_ = 	snop;
	(pc) =	sbr.rel .LBB2_11-.Ltmp5, $1  }
0x60: {  	_ =	sdelay $0x3  }
.LBB2_2:
0x61: {  	[tilespmem:s20], [sflag:$0x1] =	stream.indirect.gather [hbm4b:s4+s19], $0x80, s23, s19, $0xb8;
	[tilespmem:$0x1A800] =	vst v63  }
0x62: {  	_ =	swait.ge [sflag:s21], $0x4000  }
0x63: {  	[sflag:s21] =	ssyncset.done $0x0  }
0x64: {  	s31 =	simm.s32 $0x1400;
	[sflag:s21] =	ssyncadd.s32 $0xFFFFC000  }
0x65: {  	[spmem:s1] =	stream.indirect.scatter.add.f32 [tilespmem:s20], [sflag:$0x2], $0x80, s31, s19, $0xb8;
	[tilespmem:$0x1A800] =	vst v63  }
0x66: {  	_ =	swait.ge [sflag:s17], $0x4000  }
0x67: {  	s23 =	simm.s32 $0x200;
	s24 =	simm.s32 $0x400;
	[sflag:s17] =	ssyncset.done $0x0  }
.LBB2_3:
0x68: {  	s25 =	sshra.s32 s23, $0x2  }
0x69: {  	[sflag:s17] =	ssyncadd.s32 $0xFFFFC000;
	s23 =	smov.u32 s24;
	s26 =	sadd.s32 $0x200, s24  }
0x6a: {  	[tilespmem:s20], [sflag:$0x1] =	stream.indirect.gather [hbm4b:s4+s19], $0x80, s25, s19, $0xb8;
	[tilespmem:$0x1A800] =	vst v63  }
0x6b: {  	p1 =	sne.s32 s24, $0x4E00;
	_ =	swait.ge [sflag:s21], $0x4000  }
.Ltmp6:
0x6c: {  	[sflag:s21] =	ssyncset.done $0x0;
	(pc) =	sbr.rel @p1 .LBB2_3-.Ltmp6, $4  }
0x6d: {  	s24 =	sadd.s32 $0x1400, s25;
	[sflag:s21] =	ssyncadd.s32 $0xFFFFC000  }
0x6e: {  	[spmem:s1] =	stream.indirect.scatter.add.f32 [tilespmem:s20], [sflag:$0x2], $0x80, s24, s19, $0xb8;
	[tilespmem:$0x1A800] =	vst v63  }
0x6f: {  	_ =	swait.ge [sflag:s17], $0x4000  }
0x70: {  	s24 =	smov.u32 s26;
	[sflag:s17] =	ssyncset.done $0x0  }
0x71: {  	s23 =	sshra.s32 s23, $0x2;
	[sflag:s17] =	ssyncadd.s32 $0xFFFFC000  }
0x72: {  	[tilespmem:s20], [sflag:$0x1] =	stream.indirect.gather [hbm4b:s4+s19], $0x80, s23, s19, $0xb8;
	[tilespmem:$0x1A800] =	vst v63  }
0x73: {  	_ =	swait.ge [sflag:s21], $0x4000  }
0x74: {  	[sflag:s21] =	ssyncset.done $0x0  }
0x75: {  	s23 =	sadd.s32 $0x1400, s23;
	[sflag:s21] =	ssyncadd.s32 $0xFFFFC000  }
0x76: {  	[spmem:s1] =	stream.indirect.scatter.add.f32 [tilespmem:s20], [sflag:$0x2], $0x80, s23, s19, $0xb8;
	[tilespmem:$0x1A800] =	vst v63  }
0x77: {  	_ =	swait.ge [sflag:s17], $0x4000  }
0x78: {  	[sflag:s17] =	ssyncset.done $0x0  }
0x79: {  	s29 =	simm.s32 $0x0;
	[sflag:s17] =	ssyncadd.s32 $0xFFFFC000  }
0x7a: {  	[tilespmem:s29], [sflag:$0x2] =	stream.linear.gather [hbm4b:s13+s29], $0x1400, $0x38;
	[tilespmem:$0x1A800] =	vst v63  }
0x7b: {  	_ =	swait.ge [sflag:s17], $0x1400  }
0x7c: {  	[sflag:s17] =	ssyncset.done $0x0  }
0x7d: {  	[sflag:s17] =	ssyncadd.s32 $0xFFFFEC00  }
0x7e: {  	[tilespmem:s18], [sflag:$0x2] =	stream.linear.gather [hbm4b:s14+s29], $0x1400, $0x38;
	[tilespmem:$0x1A800] =	vst v63  }
0x7f: {  	_ =	swait.ge [sflag:s17], $0x1400  }
0x80: {  	[sflag:s17] =	ssyncset.done $0x0  }
0x81: {  	s30 =	simm.s32 $0x0;
	[sflag:s17] =	ssyncadd.s32 $0xFFFFEC00  }
0x82: {  	[tilespmem:s20], [sflag:$0x1] =	stream.indirect.gather [hbm4b:s4+s19], $0x80, s30, s19, $0xb8;
	[tilespmem:$0x1A800] =	vst v63  }
0x83: {  	_ =	swait.ge [sflag:s21], $0x4000  }
0x84: {  	[sflag:s21] =	ssyncset.done $0x0  }
0x85: {  	s31 =	simm.s32 $0x1400;
	[sflag:s21] =	ssyncadd.s32 $0xFFFFC000  }
0x86: {  	[spmem:s1] =	stream.indirect.scatter.add.f32 [tilespmem:s20], [sflag:$0x2], $0x80, s31, s19, $0xb8;
	[tilespmem:$0x1A800] =	vst v63  }
0x87: {  	_ =	swait.ge [sflag:s17], $0x4000  }
0x88: {  	s24 =	simm.s32 $0x400;
	s23 =	simm.s32 $0x200;
	[sflag:s17] =	ssyncset.done $0x0  }
.LBB2_5:
0x89: {  	s25 =	sshra.s32 s23, $0x2  }
0x8a: {  	[sflag:s17] =	ssyncadd.s32 $0xFFFFC000;
	s23 =	smov.u32 s24;
	s26 =	sadd.s32 $0x200, s24  }
0x8b: {  	[tilespmem:s20], [sflag:$0x1] =	stream.indirect.gather [hbm4b:s4+s19], $0x80, s25, s19, $0xb8;
	[tilespmem:$0x1A800] =	vst v63  }
0x8c: {  	p1 =	seq.s32 s24, $0x4E00;
	_ =	swait.ge [sflag:s21], $0x4000  }
.Ltmp7:
0x8d: {  	[sflag:s21] =	ssyncset.done $0x0;
	(pc) =	sbr.rel @!p1 .LBB2_5-.Ltmp7, $4  }
0x8e: {  	s24 =	sadd.s32 $0x1400, s25;
	[sflag:s21] =	ssyncadd.s32 $0xFFFFC000  }
0x8f: {  	[spmem:s1] =	stream.indirect.scatter.add.f32 [tilespmem:s20], [sflag:$0x2], $0x80, s24, s19, $0xb8;
	[tilespmem:$0x1A800] =	vst v63  }
0x90: {  	_ =	swait.ge [sflag:s17], $0x4000  }
0x91: {  	s24 =	smov.u32 s26;
	[sflag:s17] =	ssyncset.done $0x0  }
0x92: {  	s23 =	sshra.s32 s23, $0x2;
	[sflag:s17] =	ssyncadd.s32 $0xFFFFC000  }
0x93: {  	[tilespmem:s20], [sflag:$0x1] =	stream.indirect.gather [hbm4b:s4+s19], $0x80, s23, s19, $0xb8;
	[tilespmem:$0x1A800] =	vst v63  }
0x94: {  	_ =	swait.ge [sflag:s21], $0x4000  }
0x95: {  	[sflag:s21] =	ssyncset.done $0x0  }
.Ltmp8:
0x96: {  	s23 =	sadd.s32 $0x1400, s23;
	[sflag:s21] =	ssyncadd.s32 $0xFFFFC000;
	(pc) =	sbr.rel .LBB2_12-.Ltmp8, $4  }
0x97: {  	[spmem:s1] =	stream.indirect.scatter.add.f32 [tilespmem:s20], [sflag:$0x2], $0x80, s23, s19, $0xb8;
	[tilespmem:$0x1A800] =	vst v63  }
0x98: {  	_ =	swait.ge [sflag:s17], $0x4000  }
0x99: {  	[sflag:s17] =	ssyncset.done $0x0  }
0x9a: {  	s23 =	smov.u32 s7;
	[sflag:s17] =	ssyncadd.s32 $0xFFFFC000  }
.LBB2_13:
0x9b: {  	_ =	sfence.sel $0x180000  }
0x9c: {  	[bflag:$0x0] =	sbarrier.arrive $0xFFFF  }
0x9d: {  	p0 =	sne.s32 s3, $0x0;
	_ =	strace $0x90000053  }
0x9e: {  	s0 =	sadd.s32 @!p0 $0x100000, s0;
	[bflag:$0x2] =	sbarrier.arrive $0xFFFF  }
0x9f: {  	[sflag:s0] =	ssyncadd.tile.s32 @!p0 $0x1;
	_ =	shalt  }
.Lfunc_end2:
_tile_overlayer_lowered:
.L_overlay_start_2:
0xa0: {  	(tag) =	ssettag $0x2  }
0xa1: {  	s0 =	rddreg [dreg:$0x0];
	s2 =	stileid.u32  }
0xa2: {  	s1 =	rddreg [dreg:$0x1];
	p0 =	sne.s32 s2, $0x0  }
0xa3: {  	s3 =	rddreg [dreg:$0x2];
	[bflag:$0x3] =	sbarrier.arrive $0xFFFF;
	s2 =	simm.s32 @!p0 $0x1C02  }
0xa4: {  	[timem:s3], [sflag:s2] =	dma.local @!p0 [hbm:s0], s1  }
0xa5: {  	s0 =	simm.s32 @!p0 $0x2  }
0xa6: {  	_ =	swait.ge @!p0 [sflag:s0], s1  }
0xa7: {  	s1 =	ssub.s32 @!p0 $0x0, s1;
	[sflag:s0] =	ssyncset.done @!p0 $0x0  }
0xa8: {  	[sflag:s0] =	ssyncadd.s32 @!p0 s1  }
0xa9: {  	[bflag:$0x3] =	sbarrier.arrive $0xFFFF  }
0xaa: {  	_ =	shalt  }

// kernel: kernel.31.cloned.1.call-start
scs
__scs_entry_jumppad:
0x0: {  	(pc) =	sbr.rel $0x88, $3  }
0x1: {  	(tag) =	ssettag $0x0;
	lr =	simm.s32 $0x1  }
0x2: {  	[smem:$0x3F77] =	sst lr;
	_ =	strace $0xD0000000  }
0x3: {  	_ = 	snop  }
0x4: {  	_ = 	snop  }
0x5: {  	_ = 	snop  }
0x6: {  	_ = 	snop  }
0x7: {  	_ = 	snop  }
__scs_overlays_trampoline_lowered:
0x8: {  	[smem:$0x3F86] =	sst s0  }
0x9: {  	[smem:$0x3F87] =	sst s1  }
0xa: {  	[smem:$0x3F88] =	sst s2  }
0xb: {  	[smem:$0x3F89] =	sst s3  }
0xc: {  	[smem:$0x3F8A] =	sst s4  }
0xd: {  	[smem:$0x3F8B] =	sst s5  }
0xe: {  	[smem:$0x3F8C] =	sst s6  }
0xf: {  	[smem:$0x3F8D] =	sst s7  }
0x10: {  	[smem:$0x3F8E] =	sst s8  }
0x11: {  	[smem:$0x3F8F] =	sst s9;
	s0 =	simm.s32 @!p0 $0x0  }
0x12: {  	s1 =	sld [smem:$0x3F75];
	s0 =	simm.s32 @p0 $0x1  }
0x13: {  	[smem:$0x3F90] =	sst s0;
	s0 =	simm.s32 @!p1 $0x0  }
0x14: {  	s2 =	sld [smem:$0x3F74];
	s0 =	simm.s32 @p1 $0x1  }
0x15: {  	[smem:$0x3F91] =	sst s0;
	s0 =	simm.s32 @!p2 $0x0  }
0x16: {  	s3 =	sld [smem:$0x3FDB];
	s0 =	simm.s32 @p2 $0x1  }
0x17: {  	s4 =	simm.s32 $0x1BF5;
	[smem:$0x3F93] =	sst s0  }
0x18: {  	s0 =	sld [smem:$0x3F76];
	_ =	swait.ge [sflag:s4], $0x0  }
0x19: {  	s7 =	sld [smem:$0x3F77]  }
0x1a: {  	s8 =	sadd.s32 $0xFFFFE003, lr  }
0x1b: {  	s9 =	sadd.s32 $0xFFFFFEF7, lr;
	s5 =	simm.s32 $0xFFFFFFFF;
	p2 =	slt.u32 s8, $0xFFFFF086  }
0x1c: {  	p1 =	slt.u32 s9, $0xF7A;
	s5 =	simm.s32 @!p2 $0x0  }
0x1d: {  	s5 =	simm.s32 @p1 $0x1;
	p0 =	seq.s32 s7, s2  }
0x1e: {  	s7 =	smul.u32 @!p0 $0xF7A, s2;
	p2 =	seq.s32 @!p0 s5, $0x0  }
0x1f: {  	s9 =	smul.u32 $0xF7A, s1;
	s8 =	simm.s32 @!p0 $0x1BF5;
	p2 =	por !p2, p0  }
0x20: {  	[sflag:s8] =	ssyncset.s32 @!p0 $0xFFFFF086;
	s6 =	sadd.s32 @!p0 s3, s7;
	s7 =	simm.s32 @!p0 $0x108  }
0x21: {  	s3 =	sadd.s32 s3, s9;
	s6 =	sadd.s32 @!p0 $0x88, s6;
	s7 =	simm.s32 @p2 $0x1082  }
0x22: {  	[simem:s7], [sflag:s8] =	dma.local @!p0 [hbm:s6], $0xF7A  }
0x23: {  	s9 =	sor.u32 $0xD0000000, s2;
	s6 =	simm.s32 $0x108;
	_ =	swait.ge @!p0 [sflag:s8], $0x0  }
0x24: {  	s3 =	sadd.s32 $0x88, s3;
	s6 =	simm.s32 @!p1 $0x1082;
	[sflag:s4] =	ssyncset.s32 $0xFFFFF086  }
0x25: {  	[simem:s6], [sflag:s4] =	dma.local [hbm:s3], $0xF7A  }
0x26: {  	[smem:$0x3F77] =	sst s1;
	(tag) =	ssettag s2;
	_ =	strace s9  }
0x27: {  	s1 =	sld [smem:$0x3F87]  }
0x28: {  	s2 =	sld [smem:$0x3F88]  }
0x29: {  	s4 =	sld [smem:$0x3F8A]  }
0x2a: {  	p0 =	seq.s32 s5, $0x0;
	s5 =	sld [smem:$0x3F8B]  }
0x2b: {  	s6 =	sld [smem:$0x3F8C]  }
0x2c: {  	s7 =	sld [smem:$0x3F8D]  }
0x2d: {  	s3 =	simm.s32 $0x108;
	s8 =	sld [smem:$0x3F8E]  }
0x2e: {  	s3 =	simm.s32 @!p0 $0x1082;
	s9 =	sld [smem:$0x3F8F]  }
0x2f: {  	lr =	sadd.s32 s0, s3;
	s0 =	sld [smem:$0x3F86]  }
0x30: {  	s3 =	sld [smem:$0x3F89]  }
0x31: {  	[smem:$0x3F92] =	sst s10  }
0x32: {  	s10 =	sld [smem:$0x3F90];
	_ =	sdelay $0x3  }
0x33: {  	p0 =	seq.s32 s10, $0x1;
	s10 =	sld [smem:$0x3F92];
	_ =	sdelay $0x3  }
0x34: {  	[smem:$0x3F92] =	sst s10  }
0x35: {  	s10 =	sld [smem:$0x3F91];
	_ =	sdelay $0x3  }
0x36: {  	p1 =	seq.s32 s10, $0x1;
	s10 =	sld [smem:$0x3F92];
	_ =	sdelay $0x3  }
0x37: {  	[smem:$0x3F92] =	sst s10  }
0x38: {  	s10 =	sld [smem:$0x3F93]  }
0x39: {  	_ = 	snop;
	(pc) =	sbr.ind lr, $3  }
0x3a: {  	_ = 	snop  }
0x3b: {  	_ = 	snop  }
0x3c: {  	p2 =	seq.s32 s10, $0x1;
	s10 =	sld [smem:$0x3F92]  }
0x3d: {  	_ =	shalt  }
0x3e: {  	_ =	shalt  }
0x3f: {  	_ =	shalt  }
0x40: {  	_ =	shalt  }
0x41: {  	_ =	shalt  }
0x42: {  	_ =	shalt  }
0x43: {  	_ =	shalt  }
0x44: {  	_ =	shalt  }
0x45: {  	_ =	shalt  }
0x46: {  	_ =	shalt  }
0x47: {  	_ =	shalt  }
0x48: {  	_ =	shalt  }
0x49: {  	_ =	shalt  }
0x4a: {  	_ =	shalt  }
0x4b: {  	_ =	shalt  }
0x4c: {  	_ =	shalt  }
0x4d: {  	_ =	shalt  }
0x4e: {  	_ =	shalt  }
0x4f: {  	_ =	shalt  }
0x50: {  	_ =	shalt  }
0x51: {  	_ =	shalt  }
0x52: {  	_ =	shalt  }
0x53: {  	_ =	shalt  }
0x54: {  	_ =	shalt  }
0x55: {  	_ =	shalt  }
0x56: {  	_ =	shalt  }
0x57: {  	_ =	shalt  }
0x58: {  	_ =	shalt  }
0x59: {  	_ =	shalt  }
0x5a: {  	_ =	shalt  }
0x5b: {  	_ =	shalt  }
0x5c: {  	_ =	shalt  }
0x5d: {  	_ =	shalt  }
0x5e: {  	_ =	shalt  }
0x5f: {  	_ =	shalt  }
0x60: {  	_ =	shalt  }
0x61: {  	_ =	shalt  }
0x62: {  	_ =	shalt  }
0x63: {  	_ =	shalt  }
0x64: {  	_ =	shalt  }
0x65: {  	_ =	shalt  }
0x66: {  	_ =	shalt  }
0x67: {  	_ =	shalt  }
0x68: {  	_ =	shalt  }
0x69: {  	_ =	shalt  }
0x6a: {  	_ =	shalt  }
0x6b: {  	_ =	shalt  }
0x6c: {  	_ =	shalt  }
0x6d: {  	_ =	shalt  }
0x6e: {  	_ =	shalt  }
0x6f: {  	_ =	shalt  }
0x70: {  	_ =	shalt  }
0x71: {  	_ =	shalt  }
0x72: {  	_ =	shalt  }
0x73: {  	_ =	shalt  }
0x74: {  	_ =	shalt  }
0x75: {  	_ =	shalt  }
0x76: {  	_ =	shalt  }
0x77: {  	_ =	shalt  }
0x78: {  	_ =	shalt  }
0x79: {  	_ =	shalt  }
0x7a: {  	_ =	shalt  }
0x7b: {  	_ =	shalt  }
0x7c: {  	_ =	shalt  }
0x7d: {  	_ =	shalt  }
0x7e: {  	_ =	shalt  }
0x7f: {  	_ =	shalt  }
0x80: {  	_ =	shalt  }
0x81: {  	_ =	shalt  }
0x82: {  	_ =	shalt  }
0x83: {  	_ =	shalt  }
0x84: {  	_ =	shalt  }
0x85: {  	_ =	shalt  }
0x86: {  	_ =	shalt  }
0x87: {  	_ =	shalt  }
.Lfunc_end0:
.L_simem_size_0:
called_computation.5_lowered:
.L_overlay_start_0:
0x88: {  	s2 =	sld [smem:$0x3FD9]  }
0x89: {  	s3 =	sld [smem:$0x3FFE];
	_ =	sdelay $0x1  }
0x8a: {  	s1 =	srdreg.scid  }
0x8b: {  	s0 =	sand.u32 $0x1, s1  }
0x8c: {  	s17 =	sshll.u32 s0, $0xA;
	s2 =	sadd.s32 s3, s2  }
0x8d: {  	s2 =	sadd.s32 s2, s17  }
0x8e: {  	[smem:$0x3F9E] =	sst s2  }
0x8f: {  	_ = 	snop  }
0x90: {  	s2 =	sld [smem:$0x3FD0];
	(tm) =	ssettm $0x1  }
0x91: {  	s18 =	sld [smem:$0x3FFB];
	_ =	sdelay $0x3  }
0x92: {  	_ =	strace s18  }
0x93: {  	s3 =	sld [smem:$0x3FFC];
	_ =	sdelay $0x3  }
0x94: {  	_ =	strace s3  }
0x95: {  	s3 =	sld [smem:$0x3FFD];
	_ =	sdelay $0x3  }
0x96: {  	_ =	strace s3  }
0x97: {  	_ =	strace $0x8FFFFFFF  }
0x98: {  	s19 =	sld [smem:$0x3FDB];
	_ =	sdelay $0x1  }
0x99: {  	s4 =	simm.s32 $_scs_section_size  }
0x9a: {  	s5 =	simm.s32 $_size__tile_overlayer_lowered;
	s6 =	simm.s32 $_tile_overlayer_lowered  }
0x9b: {  	s22 =	simm.s32 $0x1BFF;
	s21 =	sshll.u32 s6, $0x1;
	s3 =	sadd.s32 s4, s19  }
0x9c: {  	s7 =	simm.s32 $0x0;
	s20 =	sshll.u32 s5, $0x1;
	s5 =	sadd.s32 s21, s3  }
0x9d: {  	[timem:s7], [sflag:s22] =	dma.local [hbm:s5], s20  }
0x9e: {  	_ =	swait.ge [sflag:s22], s20  }
0x9f: {  	s4 =	ssub.s32 $0x0, s20;
	[sflag:s22] =	ssyncset.done $0x0  }
0xa0: {  	[sflag:s22] =	ssyncadd.s32 s4;
	_ =	sdelay $0x1  }
0xa1: {  	s23 =	simm.s32 $0x1B8B  }
0xa2: {  	_ =	swait.ge [sflag:s23], $0x1  }
0xa3: {  	[sflag:s23] =	ssyncset.done $0x0  }
0xa4: {  	s25 =	simm.s32 $0x1B8E;
	s24 =	sld [smem:$0x3FFE];
	[sflag:s23] =	ssyncadd.s32 $0xFFFFFFFF  }
0xa5: {  	s26 =	simm.s32 $execute0_lowered;
	[smem:$0x3FD2] =	sst s25  }
0xa6: {  	s5 =	sshll.u32 s26, $0x1;
	_ =	strace $0x80000055;
	[dreg:$0x1] =	wrdreg $0xFFFFFFFF  }
0xa7: {  	s28 =	simm.s32 $_size_execute0_lowered;
	s3 =	sadd.s32 s3, s5;
	[dreg:$0x0] =	wrdreg $0x0  }
0xa8: {  	s5 =	sshll.u32 s28, $0x1;
	[dreg:$0x2] =	wrdreg s3  }
0xa9: {  	[dreg:$0x3] =	wrdreg s5  }
0xaa: {  	[dreg:$0x4] =	wrdreg $0xC0  }
0xab: {  	_ =	task [dreg:s7], $0x5FFFF  }
0xac: {  	[dreg:$0x1] =	wrdreg $0xFFFFFFFF  }
0xad: {  	[dreg:$0x0] =	wrdreg $0x60  }
0xae: {  	[dreg:$0x2] =	wrdreg s24  }
0xaf: {  	[dreg:$0x3] =	wrdreg s2  }
0xb0: {  	[dreg:$0x4] =	wrdreg $0x68000  }
0xb1: {  	[dreg:$0x5] =	wrdreg $0x9  }
0xb2: {  	_ =	task.clear_ibuf [dreg:s7], $0x6FFFF;
	_ =	strace $0x90000055  }
0xb3: {  	s29 =	simm.s32 $0x9;
	_ =	strace $0x80000057  }
0xb4: {  	_ =	swait.ge [sflag:s29], $0x1  }
0xb5: {  	[sflag:s29] =	ssyncadd.s32 $0xFFFFFFFF  }
0xb6: {  	_ =	strace $0x90000057  }
0xb7: {  	_ =	sfence  }
0xb8: {  	s30 =	sld [smem:$0x0];
	_ =	sdelay $0x2  }
0xb9: {  	s31 =	sshll.u32 s1, $0xD;
	s1 =	sshrl.u32 s1, $0x2  }
0xba: {  	s3 =	sand.u32 $0x4000, s31;
	s1 =	sadd.s32 s1, s30  }
0xbb: {  	s0 =	sor.u32 s3, s0;
	s1 =	sshll.u32 s1, $0x11  }
0xbc: {  	s0 =	sor.u32 s1, s0  }
0xbd: {  	s0 =	sadd.s32 $0x8F2B, s0  }
0xbe: {  	[sflag:s0] =	ssyncadd.remote.s32 $0x1  }
0xbf: {  	_ =	sfence.sel $0xFFFF  }
0xc0: {  	[dreg:$0x0] =	wrdreg $0xFFFFFFFF;
	(pc) =	sbr.abs _section_cstart, $3  }
0xc1: {  	[dreg:$0x1] =	wrdreg $0xFFFFFFFF  }
0xc2: {  	_ =	task.clear_ibuf [dreg:s7], $0x2FFFF;
	_ =	strace $0x9FFFFFFF  }
0xc3: {  	(tm) =	ssettm $0x7FFFFFFF  }
tec
execute0_lowered:
.L_overlay_start_1:
0x0: {  	(tag) =	ssettag $0x1  }
0x1: {  	s9 =	rddreg [dreg:$0x0]  }
0x2: {  	s13 =	rddreg [dreg:$0x1]  }
0x3: {  	s1 =	rddreg [dreg:$0x2]  }
0x4: {  	s0 =	rddreg [dreg:$0x3];
	s2 =	simm.s32 $0x0;
	s6 =	srdreg.scid  }
0x5: {  	s3 =	stileid.u32;
	s18 =	simm.s32 $0x1400;
	s19 =	simm.s32 $0x80  }
0x6: {  	s20 =	simm.s32 $0x2800;
	s21 =	simm.s32 $0x1;
	s22 =	simm.s32 $0x0  }
0x7: {  	[smem:$0x7FF] =	sst s2;
	s4 =	sadd.s32 $0x65C00, s9;
	s5 =	sadd.s32 $0x8DC00, s9  }
0x8: {  	s11 =	sand.u32 $0x1, s6;
	s8 =	smul.u32 $0x50000, s3;
	s6 =	sadd.s32 $0x13400, s9  }
0x9: {  	s14 =	sadd.s32 $0xDC00, s9;
	s7 =	sadd.s32 $0x105C00, s9;
	s9 =	sadd.s32 $0x12DC00, s9  }
0xa: {  	s29 =	sshll.u32 s3, $0x6;
	s30 =	smul.u32 $0x500, s3;
	_ =	strace $0x80000056  }
0xb: {  	s10 =	ssub.s32 $0x2, s11;
	s15 =	sshrl.u32 s8, $0x2;
	s8 =	smul.u32 $0x2800, s3  }
.Ltmp0:
0xc: {  	p0 =	seq.s32 s11, $0x1;
	s12 =	sshrl.u32 s10, $0x1;
	(pc) =	sbr.rel .LBB2_1-.Ltmp0, $4  }
0xd: {  	s11 =	sadd.s32 s13, s30;
	s16 =	ssub.s32 s10, s12;
	s31 =	sshrl.u32 s8, $0x3  }
0xe: {  	s17 =	sadd.s32 s15, s1;
	s10 =	sor.u32 $0x1C02, s29;
	s15 =	sadd.s32 $0x280, s31  }
0xf: {  	s12 =	sadd.s32 s14, s30;
	s13 =	sadd.s32 s13, s15;
	s14 =	sadd.s32 s14, s15  }
0x10: {  	s15 =	smax.u32 s16, $0x1;
	s16 =	sshrl.u32 s17, $0x3;
	s17 =	simm.s32 $0x2  }
.LBB2_11:
0x11: {  	s23 =	sshra.s32 s23, $0x2;
	[sflag:s17] =	ssyncadd.s32 $0xFFFFC000  }
0x12: {  	[tilespmem:s20], [sflag:$0x1] =	stream.indirect.gather [hbm4b:s5+s19], $0x80, s23, s19, $0xb8;
	[tilespmem:$0x1A800] =	vst v63  }
0x13: {  	_ =	swait.ge [sflag:s21], $0x4000  }
0x14: {  	[sflag:s21] =	ssyncset.done $0x0  }
0x15: {  	s23 =	sadd.s32 $0x1400, s23;
	[sflag:s21] =	ssyncadd.s32 $0xFFFFC000  }
0x16: {  	[spmem:s1] =	stream.indirect.scatter.add.f32 [tilespmem:s20], [sflag:$0x2], $0x80, s23, s19, $0xb8;
	[tilespmem:$0x1A800] =	vst v63  }
0x17: {  	_ =	swait.ge [sflag:s17], $0x4000  }
0x18: {  	[sflag:s17] =	ssyncset.done $0x0  }
0x19: {  	s23 =	smov.u32 s9;
	[sflag:s17] =	ssyncadd.s32 $0xFFFFC000  }
.LBB2_12:
0x1a: {  	s22 =	sadd.s32 $0x1, s22  }
0x1b: {  	p1 =	sne.s32 s22, s15  }
.Ltmp1:
0x1c: {  	s23 =	sadd.s32 s23, s8;
	[bflag:$0x0] =	sbarrier.arrive $0xFFFF;
	(pc) =	sbr.rel @!p1 .LBB2_13-.Ltmp1, $4  }
0x1d: {  	[hbm:s23], [sflag:s10] =	dma.local [spmem:s16], $0x2800  }
0x1e: {  	_ =	swait.ge [sflag:s17], $0x2800  }
0x1f: {  	[sflag:s17] =	ssyncset.done $0x0  }
0x20: {  	[sflag:s17] =	ssyncadd.s32 $0xFFFFD800  }
.LBB2_1:
0x21: {  	[spmem:s16], [sflag:s10] =	dma.local [hbm:s6], $0x2800  }
0x22: {  	_ =	swait.ge [sflag:s17], $0x2800  }
0x23: {  	[sflag:s17] =	ssyncset.done $0x0  }
0x24: {  	[sflag:s17] =	ssyncadd.s32 $0xFFFFD800  }
0x25: {  	[bflag:$0x0] =	sbarrier.arrive $0xFFFF  }
0x26: {  	[tilespmem:s2], [sflag:$0x2] =	stream.linear.gather [hbm4b:s11+s2], $0x1400, $0x38;
	[tilespmem:$0x1A800] =	vst v63  }
0x27: {  	_ =	swait.ge [sflag:s17], $0x1400  }
0x28: {  	[sflag:s17] =	ssyncset.done $0x0  }
.Ltmp2:
0x29: {  	[sflag:s17] =	ssyncadd.s32 $0xFFFFEC00;
	(pc) =	sbr.rel @!p0 .LBB2_2-.Ltmp2, $4  }
0x2a: {  	[tilespmem:s18], [sflag:$0x2] =	stream.linear.gather [hbm4b:s12+s2], $0x1400, $0x38;
	[tilespmem:$0x1A800] =	vst v63  }
0x2b: {  	_ =	swait.ge [sflag:s17], $0x1400  }
0x2c: {  	[sflag:s17] =	ssyncset.done $0x0  }
0x2d: {  	s23 =	simm.s32 $0x0;
	[sflag:s17] =	ssyncadd.s32 $0xFFFFEC00  }
0x2e: {  	[tilespmem:s20], [sflag:$0x1] =	stream.indirect.gather [hbm4b:s5+s19], $0x80, s23, s19, $0xb8;
	[tilespmem:$0x1A800] =	vst v63  }
0x2f: {  	_ =	swait.ge [sflag:s21], $0x4000  }
0x30: {  	[sflag:s21] =	ssyncset.done $0x0  }
0x31: {  	s31 =	simm.s32 $0x1400;
	[sflag:s21] =	ssyncadd.s32 $0xFFFFC000  }
0x32: {  	[spmem:s1] =	stream.indirect.scatter.add.f32 [tilespmem:s20], [sflag:$0x2], $0x80, s31, s19, $0xb8;
	[tilespmem:$0x1A800] =	vst v63  }
0x33: {  	_ =	swait.ge [sflag:s17], $0x4000  }
0x34: {  	s23 =	simm.s32 $0x200;
	s24 =	simm.s32 $0x400;
	[sflag:s17] =	ssyncset.done $0x0  }
.LBB2_8:
0x35: {  	s25 =	sshra.s32 s23, $0x2  }
0x36: {  	[sflag:s17] =	ssyncadd.s32 $0xFFFFC000;
	s23 =	smov.u32 s24;
	s26 =	sadd.s32 $0x200, s24  }
0x37: {  	[tilespmem:s20], [sflag:$0x1] =	stream.indirect.gather [hbm4b:s5+s19], $0x80, s25, s19, $0xb8;
	[tilespmem:$0x1A800] =	vst v63  }
0x38: {  	p1 =	sne.s32 s24, $0x4E00;
	_ =	swait.ge [sflag:s21], $0x4000  }
.Ltmp3:
0x39: {  	[sflag:s21] =	ssyncset.done $0x0;
	(pc) =	sbr.rel @p1 .LBB2_8-.Ltmp3, $4  }
0x3a: {  	s24 =	sadd.s32 $0x1400, s25;
	[sflag:s21] =	ssyncadd.s32 $0xFFFFC000  }
0x3b: {  	[spmem:s1] =	stream.indirect.scatter.add.f32 [tilespmem:s20], [sflag:$0x2], $0x80, s24, s19, $0xb8;
	[tilespmem:$0x1A800] =	vst v63  }
0x3c: {  	_ =	swait.ge [sflag:s17], $0x4000  }
0x3d: {  	s24 =	smov.u32 s26;
	[sflag:s17] =	ssyncset.done $0x0  }
0x3e: {  	s23 =	sshra.s32 s23, $0x2;
	[sflag:s17] =	ssyncadd.s32 $0xFFFFC000  }
0x3f: {  	[tilespmem:s20], [sflag:$0x1] =	stream.indirect.gather [hbm4b:s5+s19], $0x80, s23, s19, $0xb8;
	[tilespmem:$0x1A800] =	vst v63  }
0x40: {  	_ =	swait.ge [sflag:s21], $0x4000  }
0x41: {  	[sflag:s21] =	ssyncset.done $0x0  }
0x42: {  	s23 =	sadd.s32 $0x1400, s23;
	[sflag:s21] =	ssyncadd.s32 $0xFFFFC000  }
0x43: {  	[spmem:s1] =	stream.indirect.scatter.add.f32 [tilespmem:s20], [sflag:$0x2], $0x80, s23, s19, $0xb8;
	[tilespmem:$0x1A800] =	vst v63  }
0x44: {  	_ =	swait.ge [sflag:s17], $0x4000  }
0x45: {  	[sflag:s17] =	ssyncset.done $0x0  }
0x46: {  	s29 =	simm.s32 $0x0;
	[sflag:s17] =	ssyncadd.s32 $0xFFFFC000  }
0x47: {  	[tilespmem:s29], [sflag:$0x2] =	stream.linear.gather [hbm4b:s13+s29], $0x1400, $0x38;
	[tilespmem:$0x1A800] =	vst v63  }
0x48: {  	_ =	swait.ge [sflag:s17], $0x1400  }
0x49: {  	[sflag:s17] =	ssyncset.done $0x0  }
0x4a: {  	[sflag:s17] =	ssyncadd.s32 $0xFFFFEC00  }
0x4b: {  	[tilespmem:s18], [sflag:$0x2] =	stream.linear.gather [hbm4b:s14+s29], $0x1400, $0x38;
	[tilespmem:$0x1A800] =	vst v63  }
0x4c: {  	_ =	swait.ge [sflag:s17], $0x1400  }
0x4d: {  	[sflag:s17] =	ssyncset.done $0x0  }
0x4e: {  	s30 =	simm.s32 $0x0;
	[sflag:s17] =	ssyncadd.s32 $0xFFFFEC00  }
0x4f: {  	[tilespmem:s20], [sflag:$0x1] =	stream.indirect.gather [hbm4b:s5+s19], $0x80, s30, s19, $0xb8;
	[tilespmem:$0x1A800] =	vst v63  }
0x50: {  	_ =	swait.ge [sflag:s21], $0x4000  }
0x51: {  	[sflag:s21] =	ssyncset.done $0x0  }
0x52: {  	s31 =	simm.s32 $0x1400;
	[sflag:s21] =	ssyncadd.s32 $0xFFFFC000  }
0x53: {  	[spmem:s1] =	stream.indirect.scatter.add.f32 [tilespmem:s20], [sflag:$0x2], $0x80, s31, s19, $0xb8;
	[tilespmem:$0x1A800] =	vst v63  }
0x54: {  	_ =	swait.ge [sflag:s17], $0x4000  }
0x55: {  	s24 =	simm.s32 $0x400;
	s23 =	simm.s32 $0x200;
	[sflag:s17] =	ssyncset.done $0x0  }
.LBB2_10:
0x56: {  	s25 =	sshra.s32 s23, $0x2  }
0x57: {  	[sflag:s17] =	ssyncadd.s32 $0xFFFFC000;
	s23 =	smov.u32 s24;
	s26 =	sadd.s32 $0x200, s24  }
0x58: {  	[tilespmem:s20], [sflag:$0x1] =	stream.indirect.gather [hbm4b:s5+s19], $0x80, s25, s19, $0xb8;
	[tilespmem:$0x1A800] =	vst v63  }
0x59: {  	p1 =	sne.s32 s24, $0x4E00;
	_ =	swait.ge [sflag:s21], $0x4000  }
.Ltmp4:
0x5a: {  	[sflag:s21] =	ssyncset.done $0x0;
	(pc) =	sbr.rel @p1 .LBB2_10-.Ltmp4, $4  }
0x5b: {  	s24 =	sadd.s32 $0x1400, s25;
	[sflag:s21] =	ssyncadd.s32 $0xFFFFC000  }
0x5c: {  	[spmem:s1] =	stream.indirect.scatter.add.f32 [tilespmem:s20], [sflag:$0x2], $0x80, s24, s19, $0xb8;
	[tilespmem:$0x1A800] =	vst v63  }
0x5d: {  	_ =	swait.ge [sflag:s17], $0x4000  }
0x5e: {  	s24 =	smov.u32 s26;
	[sflag:s17] =	ssyncset.done $0x0  }
.Ltmp5:
0x5f: {  	_ = 	snop;
	(pc) =	sbr.rel .LBB2_11-.Ltmp5, $1  }
0x60: {  	_ =	sdelay $0x3  }
.LBB2_2:
0x61: {  	[tilespmem:s20], [sflag:$0x1] =	stream.indirect.gather [hbm4b:s4+s19], $0x80, s23, s19, $0xb8;
	[tilespmem:$0x1A800] =	vst v63  }
0x62: {  	_ =	swait.ge [sflag:s21], $0x4000  }
0x63: {  	[sflag:s21] =	ssyncset.done $0x0  }
0x64: {  	s31 =	simm.s32 $0x1400;
	[sflag:s21] =	ssyncadd.s32 $0xFFFFC000  }
0x65: {  	[spmem:s1] =	stream.indirect.scatter.add.f32 [tilespmem:s20], [sflag:$0x2], $0x80, s31, s19, $0xb8;
	[tilespmem:$0x1A800] =	vst v63  }
0x66: {  	_ =	swait.ge [sflag:s17], $0x4000  }
0x67: {  	s23 =	simm.s32 $0x200;
	s24 =	simm.s32 $0x400;
	[sflag:s17] =	ssyncset.done $0x0  }
.LBB2_3:
0x68: {  	s25 =	sshra.s32 s23, $0x2  }
0x69: {  	[sflag:s17] =	ssyncadd.s32 $0xFFFFC000;
	s23 =	smov.u32 s24;
	s26 =	sadd.s32 $0x200, s24  }
0x6a: {  	[tilespmem:s20], [sflag:$0x1] =	stream.indirect.gather [hbm4b:s4+s19], $0x80, s25, s19, $0xb8;
	[tilespmem:$0x1A800] =	vst v63  }
0x6b: {  	p1 =	sne.s32 s24, $0x4E00;
	_ =	swait.ge [sflag:s21], $0x4000  }
.Ltmp6:
0x6c: {  	[sflag:s21] =	ssyncset.done $0x0;
	(pc) =	sbr.rel @p1 .LBB2_3-.Ltmp6, $4  }
0x6d: {  	s24 =	sadd.s32 $0x1400, s25;
	[sflag:s21] =	ssyncadd.s32 $0xFFFFC000  }
0x6e: {  	[spmem:s1] =	stream.indirect.scatter.add.f32 [tilespmem:s20], [sflag:$0x2], $0x80, s24, s19, $0xb8;
	[tilespmem:$0x1A800] =	vst v63  }
0x6f: {  	_ =	swait.ge [sflag:s17], $0x4000  }
0x70: {  	s24 =	smov.u32 s26;
	[sflag:s17] =	ssyncset.done $0x0  }
0x71: {  	s23 =	sshra.s32 s23, $0x2;
	[sflag:s17] =	ssyncadd.s32 $0xFFFFC000  }
0x72: {  	[tilespmem:s20], [sflag:$0x1] =	stream.indirect.gather [hbm4b:s4+s19], $0x80, s23, s19, $0xb8;
	[tilespmem:$0x1A800] =	vst v63  }
0x73: {  	_ =	swait.ge [sflag:s21], $0x4000  }
0x74: {  	[sflag:s21] =	ssyncset.done $0x0  }
0x75: {  	s23 =	sadd.s32 $0x1400, s23;
	[sflag:s21] =	ssyncadd.s32 $0xFFFFC000  }
0x76: {  	[spmem:s1] =	stream.indirect.scatter.add.f32 [tilespmem:s20], [sflag:$0x2], $0x80, s23, s19, $0xb8;
	[tilespmem:$0x1A800] =	vst v63  }
0x77: {  	_ =	swait.ge [sflag:s17], $0x4000  }
0x78: {  	[sflag:s17] =	ssyncset.done $0x0  }
0x79: {  	s29 =	simm.s32 $0x0;
	[sflag:s17] =	ssyncadd.s32 $0xFFFFC000  }
0x7a: {  	[tilespmem:s29], [sflag:$0x2] =	stream.linear.gather [hbm4b:s13+s29], $0x1400, $0x38;
	[tilespmem:$0x1A800] =	vst v63  }
0x7b: {  	_ =	swait.ge [sflag:s17], $0x1400  }
0x7c: {  	[sflag:s17] =	ssyncset.done $0x0  }
0x7d: {  	[sflag:s17] =	ssyncadd.s32 $0xFFFFEC00  }
0x7e: {  	[tilespmem:s18], [sflag:$0x2] =	stream.linear.gather [hbm4b:s14+s29], $0x1400, $0x38;
	[tilespmem:$0x1A800] =	vst v63  }
0x7f: {  	_ =	swait.ge [sflag:s17], $0x1400  }
0x80: {  	[sflag:s17] =	ssyncset.done $0x0  }
0x81: {  	s30 =	simm.s32 $0x0;
	[sflag:s17] =	ssyncadd.s32 $0xFFFFEC00  }
0x82: {  	[tilespmem:s20], [sflag:$0x1] =	stream.indirect.gather [hbm4b:s4+s19], $0x80, s30, s19, $0xb8;
	[tilespmem:$0x1A800] =	vst v63  }
0x83: {  	_ =	swait.ge [sflag:s21], $0x4000  }
0x84: {  	[sflag:s21] =	ssyncset.done $0x0  }
0x85: {  	s31 =	simm.s32 $0x1400;
	[sflag:s21] =	ssyncadd.s32 $0xFFFFC000  }
0x86: {  	[spmem:s1] =	stream.indirect.scatter.add.f32 [tilespmem:s20], [sflag:$0x2], $0x80, s31, s19, $0xb8;
	[tilespmem:$0x1A800] =	vst v63  }
0x87: {  	_ =	swait.ge [sflag:s17], $0x4000  }
0x88: {  	s24 =	simm.s32 $0x400;
	s23 =	simm.s32 $0x200;
	[sflag:s17] =	ssyncset.done $0x0  }
.LBB2_5:
0x89: {  	s25 =	sshra.s32 s23, $0x2  }
0x8a: {  	[sflag:s17] =	ssyncadd.s32 $0xFFFFC000;
	s23 =	smov.u32 s24;
	s26 =	sadd.s32 $0x200, s24  }
0x8b: {  	[tilespmem:s20], [sflag:$0x1] =	stream.indirect.gather [hbm4b:s4+s19], $0x80, s25, s19, $0xb8;
	[tilespmem:$0x1A800] =	vst v63  }
0x8c: {  	p1 =	seq.s32 s24, $0x4E00;
	_ =	swait.ge [sflag:s21], $0x4000  }
.Ltmp7:
0x8d: {  	[sflag:s21] =	ssyncset.done $0x0;
	(pc) =	sbr.rel @!p1 .LBB2_5-.Ltmp7, $4  }
0x8e: {  	s24 =	sadd.s32 $0x1400, s25;
	[sflag:s21] =	ssyncadd.s32 $0xFFFFC000  }
0x8f: {  	[spmem:s1] =	stream.indirect.scatter.add.f32 [tilespmem:s20], [sflag:$0x2], $0x80, s24, s19, $0xb8;
	[tilespmem:$0x1A800] =	vst v63  }
0x90: {  	_ =	swait.ge [sflag:s17], $0x4000  }
0x91: {  	s24 =	smov.u32 s26;
	[sflag:s17] =	ssyncset.done $0x0  }
0x92: {  	s23 =	sshra.s32 s23, $0x2;
	[sflag:s17] =	ssyncadd.s32 $0xFFFFC000  }
0x93: {  	[tilespmem:s20], [sflag:$0x1] =	stream.indirect.gather [hbm4b:s4+s19], $0x80, s23, s19, $0xb8;
	[tilespmem:$0x1A800] =	vst v63  }
0x94: {  	_ =	swait.ge [sflag:s21], $0x4000  }
0x95: {  	[sflag:s21] =	ssyncset.done $0x0  }
.Ltmp8:
0x96: {  	s23 =	sadd.s32 $0x1400, s23;
	[sflag:s21] =	ssyncadd.s32 $0xFFFFC000;
	(pc) =	sbr.rel .LBB2_12-.Ltmp8, $4  }
0x97: {  	[spmem:s1] =	stream.indirect.scatter.add.f32 [tilespmem:s20], [sflag:$0x2], $0x80, s23, s19, $0xb8;
	[tilespmem:$0x1A800] =	vst v63  }
0x98: {  	_ =	swait.ge [sflag:s17], $0x4000  }
0x99: {  	[sflag:s17] =	ssyncset.done $0x0  }
0x9a: {  	s23 =	smov.u32 s7;
	[sflag:s17] =	ssyncadd.s32 $0xFFFFC000  }
.LBB2_13:
0x9b: {  	_ =	sfence.sel $0x180000  }
0x9c: {  	[bflag:$0x0] =	sbarrier.arrive $0xFFFF  }
0x9d: {  	p0 =	sne.s32 s3, $0x0;
	_ =	strace $0x90000056  }
0x9e: {  	s0 =	sadd.s32 @!p0 $0x100000, s0;
	[bflag:$0x2] =	sbarrier.arrive $0xFFFF  }
0x9f: {  	[sflag:s0] =	ssyncadd.tile.s32 @!p0 $0x1;
	_ =	shalt  }
.Lfunc_end2:
_tile_overlayer_lowered:
.L_overlay_start_2:
0xa0: {  	(tag) =	ssettag $0x2  }
0xa1: {  	s0 =	rddreg [dreg:$0x0];
	s2 =	stileid.u32  }
0xa2: {  	s1 =	rddreg [dreg:$0x1];
	p0 =	sne.s32 s2, $0x0  }
0xa3: {  	s3 =	rddreg [dreg:$0x2];
	[bflag:$0x3] =	sbarrier.arrive $0xFFFF;
	s2 =	simm.s32 @!p0 $0x1C02  }
0xa4: {  	[timem:s3], [sflag:s2] =	dma.local @!p0 [hbm:s0], s1  }
0xa5: {  	s0 =	simm.s32 @!p0 $0x2  }
0xa6: {  	_ =	swait.ge @!p0 [sflag:s0], s1  }
0xa7: {  	s1 =	ssub.s32 @!p0 $0x0, s1;
	[sflag:s0] =	ssyncset.done @!p0 $0x0  }
0xa8: {  	[sflag:s0] =	ssyncadd.s32 @!p0 s1  }
0xa9: {  	[bflag:$0x3] =	sbarrier.arrive $0xFFFF  }
0xaa: {  	_ =	shalt  }

</sc_bundles>
